<compile_context>
chip_gen: v7x
topology: tpu7x:2x2x1
jax: 0.10.2.dev20260603
libtpu: 0.0.44.dev20260713+nightly
codegen_flags: <defaults>
</compile_context>

<pallas_src>
import functools

import jax
import jax.numpy as jnp
from jax import lax
from jax.experimental import pallas as pl
from jax.experimental.pallas import tpu as pltpu
from jax.experimental.pallas import tpu_sc as plsc

N = 10000
NP = 10240
E = 320000
INDIM = 128
EDGE_DIM = 16

CH = 128
NCHUNK = E // CH
NC = 2
NS = 16
NW = NC * NS
JMAX = 80
NCHUNK_PAD = NW * JMAX
RPT = NP // NS

EB = 2560
NB = 1280


def _ln(x, g, b, eps=1e-6):
    mu = jnp.mean(x, axis=-1, keepdims=True)
    var = jnp.mean((x - mu) ** 2, axis=-1, keepdims=True)
    return (x - mu) / jnp.sqrt(var + eps) * g + b


def _full(a):
    return pl.BlockSpec(a.shape, lambda i: (0,) * a.ndim)


def _blk(shape):
    nd = len(shape)
    return pl.BlockSpec(shape, lambda i: (i,) + (0,) * (nd - 1))



def _bf(v):
    return v.astype(jnp.bfloat16)


def _mm(a, w):
    return jax.lax.dot_general(_bf(a), _bf(w), (((1,), (0,)), ((), ())),
                               preferred_element_type=jnp.float32)


def _edge_enc_body(ea, cmat, w1g, b1p, w2, b2, w3, b3, cw1, cb1, cw2, cb2,
                   out, out_bf):
    eav = ea[...]
    c = eav @ cmat[...]
    s2 = (c * c) @ jnp.full((EDGE_DIM, 1), 1.0 / EDGE_DIM, jnp.float32)
    rs = jax.lax.rsqrt(s2 + 1e-6)
    e = jax.nn.relu(_mm(c, w1g[...]) * rs + b1p[...])
    e = jax.nn.relu(_mm(e, w2[...]) + b2[...])
    e = _mm(e, w3[...]) + b3[...]
    h = jax.nn.relu(eav @ cw1[...] + cb1[...])
    ew = jax.nn.sigmoid(h @ cw2[...] + cb2[...])
    ee = e * ew
    out[...] = ee
    out_bf[...] = ee.astype(jnp.bfloat16)


def _edge_enc(e_attr, p):
    cmat = jnp.eye(EDGE_DIM, dtype=jnp.float32) - 1.0 / EDGE_DIM
    w1g = p['ee_ln_g'][:, None] * p['ee_W1']
    b1p = p['ee_ln_b'] @ p['ee_W1'] + p['ee_b1']
    ins = (cmat, w1g, b1p, p['ee_W2'],
           p['ee_b2'], p['ee_W3'], p['ee_b3'], p['ec_W1'], p['ec_b1'],
           p['ec_W2'], p['ec_b2'])
    return pl.pallas_call(
        _edge_enc_body,
        grid=(E // EB,),
        in_specs=[_blk((EB, EDGE_DIM))] + [_full(a) for a in ins],
        out_specs=[_blk((EB, 128)), _blk((EB, 128))],
        out_shape=[jax.ShapeDtypeStruct((E, 128), jnp.float32),
                   jax.ShapeDtypeStruct((E, 128), jnp.bfloat16)],
    )(e_attr, *ins)


def _node_prep_body(xin, dummy, g, b, w1ds, x_out, p1_out):
    xv = xin[...]
    inv = xv[:, :1] == -999.0
    xv = jnp.where(inv, dummy[...][None, :], xv)
    xv = _ln(xv, g[...], b[...])
    x_out[...] = xv
    p1_out[...] = xv @ w1ds[...]


def _node_prep(x_pad, p):
    w1ds = jnp.concatenate([p['c1_W1'][:INDIM], p['c1_W1'][INDIM:2 * INDIM]],
                           axis=1)
    ins = (p['dummy'], p['bn0_g'], p['bn0_b'], w1ds)
    return pl.pallas_call(
        _node_prep_body,
        grid=(NP // NB,),
        in_specs=[_blk((NB, INDIM))] + [_full(a) for a in ins],
        out_specs=[_blk((NB, INDIM)), _blk((NB, 128))],
        out_shape=[jax.ShapeDtypeStruct((NP, INDIM), jnp.float32),
                   jax.ShapeDtypeStruct((NP, 128), jnp.float32)],
    )(x_pad, *ins)


def _conv_mlp(pre, e_enc, pre_cols, w1e, b1, w2, b2, w3, b3):

    def body(pre_r, e_r, w1e_r, b1_r, w2_r, b2_r, w3_r, b3_r, out):
        ev = e_r[...].astype(jnp.float32)
        h = jax.nn.relu(pre_r[...][:, :pre_cols] + ev @ w1e_r[...]
                        + b1_r[...])
        h = jax.nn.relu(h @ w2_r[...] + b2_r[...])
        out[...] = h @ w3_r[...] + b3_r[...]

    ins = (w1e, b1, w2, b2, w3, b3)
    return pl.pallas_call(
        body,
        grid=(E // EB,),
        in_specs=[_blk((EB, 128)), _blk((EB, 128))] + [_full(a) for a in ins],
        out_specs=_blk((EB, 128)),
        out_shape=jax.ShapeDtypeStruct((E, 128), jnp.float32),
    )(pre, e_enc, *ins)


def _node_mid_body(sp, g, b, w2d, w2s, pd_out, ps_out, cnt_out):
    spv = sp[...]
    cnt = spv[0, :, 64] + spv[1, :, 64]
    sv = spv[:, :, :64]
    s = sv[0] + sv[1]
    x1 = s / jnp.maximum(cnt, 1.0)[:, None]
    x1 = _ln(x1, g[...], b[...])
    x1 = jnp.where(x1 >= 0, x1, 0.01 * x1)
    pd_out[...] = x1 @ w2d[...]
    ps_out[...] = x1 @ w2s[...]
    cnt_out[...] = cnt[:, None]


def _node_mid(s_parts, p):
    w2d = p['c2_W1'][:64]
    w2s = p['c2_W1'][64:128]
    ins = (p['bn1_g'], p['bn1_b'], w2d, w2s)
    return pl.pallas_call(
        _node_mid_body,
        grid=(NP // NB,),
        in_specs=[pl.BlockSpec((NC, NB, 128), lambda i: (0, i, 0))]
                 + [_full(a) for a in ins],
        out_specs=[_blk((NB, 128)), _blk((NB, 128)), _blk((NB, 1))],
        out_shape=[jax.ShapeDtypeStruct((NP, 128), jnp.float32),
                   jax.ShapeDtypeStruct((NP, 128), jnp.float32),
                   jax.ShapeDtypeStruct((NP, 1), jnp.float32)],
    )(s_parts, *ins)


def _node_final_body(s2p, cnt, esump, x, pw, pb, gw, gb, g2, b2,
                     nw1, nb1, nw2, nb2, nw3, nb3, xc_out, np_out):
    c = jnp.maximum(cnt[...], 1.0)
    s2 = s2p[0] + s2p[1]
    x2 = jax.nn.relu(_ln(s2 / c, g2[...], b2[...]))
    xv = x[...]
    skip = xv @ pw[...] + pb[...]
    gate = jax.nn.sigmoid(skip @ gw[...] + gb[...])
    xf = gate * skip + (1.0 - gate) * x2
    esum = esump[0] + esump[1]
    efm = esum / c
    xc = jnp.concatenate([xf, efm], axis=1)

    def _elu(v):
        return jnp.where(v > 0, v, jnp.exp(jnp.minimum(v, 0.0)) - 1.0)

    h2 = _elu(xc @ nw1[...] + nb1[...])
    h2 = _elu(h2 @ nw2[...] + nb2[...])
    np_out[...] = h2 @ nw3[...] + nb3[...]
    xc_out[...] = xc


def _node_final(s2_parts, cnt, esum_parts, x, p):
    ins = (p['proj_W'], p['proj_b'], p['gate_W'], p['gate_b'],
           p['bn2_g'], p['bn2_b'], p['np_W1'], p['np_b1'],
           p['np_W2'], p['np_b2'], p['np_W3'], p['np_b3'])
    return pl.pallas_call(
        _node_final_body,
        grid=(NP // NB,),
        in_specs=[pl.BlockSpec((NC, NB, 128), lambda i: (0, i, 0)),
                  _blk((NB, 1)),
                  pl.BlockSpec((NC, NB, 128), lambda i: (0, i, 0)),
                  _blk((NB, 128))] + [_full(a) for a in ins],
        out_specs=[_blk((NB, 256)), _blk((NB, 1))],
        out_shape=[jax.ShapeDtypeStruct((NP, 256), jnp.float32),
                   jax.ShapeDtypeStruct((NP, 1), jnp.float32)],
    )(s2_parts, cnt, esum_parts, x, *ins)



def _sc_gather_add(pd, ps, dst_c, src_c, split):
    d_out = 64 if split else 128
    mesh = plsc.VectorSubcoreMesh(core_axis_name="c", subcore_axis_name="s")

    @functools.partial(
        pl.kernel, mesh=mesh,
        out_type=jax.ShapeDtypeStruct((NCHUNK, CH, 128), jnp.float32),
        scratch_types=[
            pltpu.VMEM((JMAX, CH), jnp.int32),
            pltpu.VMEM((JMAX, CH), jnp.int32),
            pltpu.VMEM((2, CH, 128), jnp.float32),
            pltpu.VMEM((2, CH, 128), jnp.float32),
            pltpu.SemaphoreType.DMA,
            pltpu.SemaphoreType.DMA,
            pltpu.SemaphoreType.DMA,
            pltpu.SemaphoreType.DMA,
            pltpu.SemaphoreType.DMA,
            pltpu.SemaphoreType.DMA,
        ])
    def k(pd_hbm, ps_hbm, dst_hbm, src_hbm, out_hbm,
          idxd, idxs, rowsd, rowss, sd0, sd1, ss0, ss1, st0, st1):
        sid = lax.axis_index("s")
        wid = sid * NC + lax.axis_index("c")
        base = wid * JMAX
        nvalid = jnp.minimum(JMAX, NCHUNK - base)
        pltpu.sync_copy(dst_hbm.at[pl.ds(base, JMAX)], idxd)
        pltpu.sync_copy(src_hbm.at[pl.ds(base, JMAX)], idxs)
        sd = (sd0, sd1)
        ss = (ss0, ss1)
        st = (st0, st1)
        srcd = pd_hbm
        srcs = ps_hbm

        def fire(j, b):
            @pl.when(j < nvalid)
            def _():
                pltpu.async_copy(srcd.at[idxd.at[j]], rowsd.at[b], sd[b])
                pltpu.async_copy(srcs.at[idxs.at[j]], rowss.at[b], ss[b])

        def wait_gather(j, b):
            pltpu.make_async_copy(srcd.at[idxd.at[j]], rowsd.at[b],
                                  sd[b]).wait()
            pltpu.make_async_copy(srcs.at[idxs.at[j]], rowss.at[b],
                                  ss[b]).wait()

        def wait_store(b):
            pltpu.make_async_copy(rowsd.at[b], out_hbm.at[base],
                                  st[b]).wait()

        fire(0, 0)

        def step(t, carry):
            for b in range(2):
                j = 2 * t + b
                b1 = 1 - b

                @pl.when(j < nvalid)
                def _():
                    wait_gather(j, b)
                    @pl.when(j >= 1)
                    def _():
                        wait_store(b1)

                    fire(j + 1, b1)

                    def addrow(r, c2):
                        for kk in range(d_out // 16):
                            sl = pl.ds(kk * 16, 16)
                            if split:
                                sr = pl.ds(64 + kk * 16, 16)
                                rowsd[b, r, sl] = (rowsd[b, r, sl]
                                                   + rowss[b, r, sr])
                            else:
                                rowsd[b, r, sl] = (rowsd[b, r, sl]
                                                   + rowss[b, r, sl])
                        return c2

                    lax.fori_loop(0, CH, addrow, 0)
                    pltpu.async_copy(rowsd.at[b], out_hbm.at[base + j],
                                     st[b])

            return carry

        lax.fori_loop(0, (JMAX + 1) // 2, step, 0)
        par = lax.rem(nvalid - 1, 2)
        for b in range(2):
            @pl.when(par == b)
            def _():
                wait_store(b)

    out = k(pd, ps, dst_c, src_c)
    return out.reshape(E, 128)


def _sc_scatter_add(vals, dst_c):
    mesh = plsc.VectorSubcoreMesh(core_axis_name="c", subcore_axis_name="s")

    @functools.partial(
        pl.kernel, mesh=mesh,
        out_type=jax.ShapeDtypeStruct((NC, NP, 128), jnp.float32),
        scratch_types=[
            pltpu.VMEM((JMAX, CH), jnp.int32),
            pltpu.VMEM((2, CH, 128), jnp.float32),
            pltpu.VMEM_SHARED((NP, 128), jnp.float32),
            pltpu.SemaphoreType.DMA,
            pltpu.SemaphoreType.DMA,
        ])
    def k(vals_hbm, dst_hbm, out_hbm, idx, vbuf, acc, sl0, sl1):
        cid = lax.axis_index("c")
        sid = lax.axis_index("s")
        wid = sid * NC + cid
        base = wid * JMAX
        nvalid = jnp.minimum(JMAX, NCHUNK - base)
        slm = (sl0, sl1)

        def zrow(r, c2):
            for kk in range(8):
                vbuf[0, r, pl.ds(kk * 16, 16)] = jnp.zeros((16,), jnp.float32)
            return c2

        lax.fori_loop(0, CH, zrow, 0)
        for t in range(RPT // CH):
            pltpu.sync_copy(vbuf.at[0], acc.at[pl.ds(sid * RPT + t * CH, CH)])
        pltpu.sync_copy(dst_hbm.at[pl.ds(base, JMAX)], idx)
        plsc.subcore_barrier()

        def fire(j, b):
            @pl.when(j < nvalid)
            def _():
                pltpu.async_copy(vals_hbm.at[base + j], vbuf.at[b], slm[b])

        fire(0, 0)

        def step(t, carry):
            for b in range(2):
                j = 2 * t + b

                @pl.when(j < nvalid)
                def _():
                    pltpu.make_async_copy(vals_hbm.at[base + j], vbuf.at[b],
                                          slm[b]).wait()
                    fire(j + 1, 1 - b)
                    pltpu.sync_copy(vbuf.at[b], acc.at[idx.at[j]], add=True)

            return carry

        lax.fori_loop(0, (JMAX + 1) // 2, step, 0)
        plsc.subcore_barrier()

        sl = pl.ds(sid * RPT, RPT)
        pltpu.sync_copy(acc.at[sl], out_hbm.at[cid, sl])

    return k(vals.reshape(NCHUNK, CH, 128), dst_c)



def kernel(x_in, edge_attr, params, edge_index):
    p = params
    x0 = x_in[0]
    ea = edge_attr[0]
    src = edge_index[0, 0]
    dst = edge_index[0, 1]
    pad_rows = ((0, NCHUNK_PAD - NCHUNK), (0, 0))
    dst_c = jnp.pad(dst.reshape(NCHUNK, CH), pad_rows)
    src_c = jnp.pad(src.reshape(NCHUNK, CH), pad_rows)
    x_pad = jnp.pad(x0, ((0, NP - N), (0, 0)))

    x, p1 = _node_prep(x_pad, p)
    e_enc, e_bf = _edge_enc(ea, p)
    esum_parts = _sc_scatter_add(e_enc, dst_c)

    pre1 = _sc_gather_add(p1, p1, dst_c, src_c, split=True)
    w3p = jnp.pad(p['c1_W3'], ((0, 0), (0, 64)))
    b3p = jnp.pad(p['c1_b3'], (0, 64), constant_values=1.0)
    m1 = _conv_mlp(pre1, e_bf, 64, p['c1_W1'][2 * INDIM:], p['c1_b1'],
                   p['c1_W2'], p['c1_b2'], w3p, b3p)
    s1_parts = _sc_scatter_add(m1, dst_c)

    p2d, p2s, cnt = _node_mid(s1_parts, p)
    pre2 = _sc_gather_add(p2d, p2s, dst_c, src_c, split=False)
    m2 = _conv_mlp(pre2, e_bf, 128, p['c2_W1'][128:], p['c2_b1'],
                   p['c2_W2'], p['c2_b2'], p['c2_W3'], p['c2_b3'])
    s2_parts = _sc_scatter_add(m2, dst_c)

    xc, node_probs = _node_final(s2_parts, cnt, esum_parts, x, p)
    return (xc[:N][None], node_probs[:N][None])

# --- scband reference (transcript-rebuilt; emitter-appended) ---
"""Pipeline reference for scband-gnnmodel-32487132627634 (READ-ONLY COPY).

The authoritative reference and input builder live on the scoring server;
editing this copy changes nothing except your own understanding.
"""

import jax, jax.numpy as jnp
import numpy as np

N = 10000
E = 320000
INDIM = 128
OUTDIM = 128
EDGE_DIM = 16


def _ln(x, g, b, eps=1e-6):
    mu = jnp.mean(x, axis=-1, keepdims=True)
    var = jnp.mean((x - mu) ** 2, axis=-1, keepdims=True)
    return (x - mu) / jnp.sqrt(var + eps) * g + b


def _mlpconv(x, src, dst, e_attr, W1, b1, W2, b2, W3, b3, n):
    m = jnp.concatenate([x[dst], x[src], e_attr], axis=1)
    m = jax.nn.relu(m @ W1 + b1)
    m = jax.nn.relu(m @ W2 + b2)
    m = m @ W3 + b3
    s = jax.ops.segment_sum(m, dst, num_segments=n)
    cnt = jax.ops.segment_sum(jnp.ones((m.shape[0],), m.dtype), dst, num_segments=n)
    return s / jnp.clip(cnt, 1.0)[:, None]


def _forward(x_in, edge_attr, params, edge_index):
    p = params
    x = x_in[0]
    e_idx = edge_index[0]
    e_attr = edge_attr[0]
    src = e_idx[0]
    dst = e_idx[1]
    invalid = x[:, 0] == -999.0
    x = jnp.where(invalid[:, None], p['dummy'][None, :], x)
    x = _ln(x, p['bn0_g'], p['bn0_b'])
    e = _ln(e_attr, p['ee_ln_g'], p['ee_ln_b'])
    e = jax.nn.relu(e @ p['ee_W1'] + p['ee_b1'])
    e = jax.nn.relu(e @ p['ee_W2'] + p['ee_b2'])
    e_enc = e @ p['ee_W3'] + p['ee_b3']
    h = jax.nn.relu(e_attr @ p['ec_W1'] + p['ec_b1'])
    ew = jax.nn.sigmoid(h @ p['ec_W2'] + p['ec_b2']).reshape(-1, 1)
    e_enc = e_enc * ew
    x1 = _mlpconv(x, src, dst, e_enc, p['c1_W1'], p['c1_b1'], p['c1_W2'], p['c1_b2'], p['c1_W3'], p['c1_b3'], N)
    x1 = jax.nn.leaky_relu(_ln(x1, p['bn1_g'], p['bn1_b']), 0.01)
    x2 = _mlpconv(x1, src, dst, e_enc, p['c2_W1'], p['c2_b1'], p['c2_W2'], p['c2_b2'], p['c2_W3'], p['c2_b3'], N)
    x2 = jax.nn.relu(_ln(x2, p['bn2_g'], p['bn2_b']))
    skip = x @ p['proj_W'] + p['proj_b']
    gate = jax.nn.sigmoid(skip @ p['gate_W'] + p['gate_b'])
    xf = gate * skip + (1.0 - gate) * x2
    deg = jnp.clip(jax.ops.segment_sum(jnp.ones((dst.shape[0],), x.dtype), dst, num_segments=N), 1.0)[:, None]
    efm = jax.ops.segment_sum(e_enc, dst, num_segments=N) / deg
    xc = jnp.concatenate([xf, efm], axis=1)
    h2 = jax.nn.elu(xc @ p['np_W1'] + p['np_b1'])
    h2 = jax.nn.elu(h2 @ p['np_W2'] + p['np_b2'])
    node_probs = h2 @ p['np_W3'] + p['np_b3']
    return (xc[None], node_probs[None])


def setup_inputs(seed: int = 0):
    key = jax.random.key(seed)
    ks = jax.random.split(key, 32)
    idx = iter(range(32))

    def w(shape, scale=0.02):
        return jax.random.normal(ks[next(idx)], shape, dtype=jnp.float32) * scale

    params = {
        'bn0_g': jnp.ones((INDIM,), jnp.float32), 'bn0_b': jnp.zeros((INDIM,), jnp.float32),
        'dummy': w((INDIM,), 1.0),
        'proj_W': w((INDIM, OUTDIM)), 'proj_b': jnp.zeros((OUTDIM,), jnp.float32),
        'ee_ln_g': jnp.ones((EDGE_DIM,), jnp.float32), 'ee_ln_b': jnp.zeros((EDGE_DIM,), jnp.float32),
        'ee_W1': w((EDGE_DIM, OUTDIM)), 'ee_b1': jnp.zeros((OUTDIM,), jnp.float32),
        'ee_W2': w((OUTDIM, 2 * OUTDIM)), 'ee_b2': jnp.zeros((2 * OUTDIM,), jnp.float32),
        'ee_W3': w((2 * OUTDIM, OUTDIM)), 'ee_b3': jnp.zeros((OUTDIM,), jnp.float32),
        'ec_W1': w((EDGE_DIM, EDGE_DIM)), 'ec_b1': jnp.zeros((EDGE_DIM,), jnp.float32),
        'ec_W2': w((EDGE_DIM, 1)), 'ec_b2': jnp.zeros((1,), jnp.float32),
        'c1_W1': w((2 * INDIM + OUTDIM, OUTDIM // 2)), 'c1_b1': jnp.zeros((OUTDIM // 2,), jnp.float32),
        'c1_W2': w((OUTDIM // 2, OUTDIM // 2)), 'c1_b2': jnp.zeros((OUTDIM // 2,), jnp.float32),
        'c1_W3': w((OUTDIM // 2, OUTDIM // 2)), 'c1_b3': jnp.zeros((OUTDIM // 2,), jnp.float32),
        'bn1_g': jnp.ones((OUTDIM // 2,), jnp.float32), 'bn1_b': jnp.zeros((OUTDIM // 2,), jnp.float32),
        'c2_W1': w((2 * (OUTDIM // 2) + OUTDIM, OUTDIM)), 'c2_b1': jnp.zeros((OUTDIM,), jnp.float32),
        'c2_W2': w((OUTDIM, OUTDIM)), 'c2_b2': jnp.zeros((OUTDIM,), jnp.float32),
        'c2_W3': w((OUTDIM, OUTDIM)), 'c2_b3': jnp.zeros((OUTDIM,), jnp.float32),
        'bn2_g': jnp.ones((OUTDIM,), jnp.float32), 'bn2_b': jnp.zeros((OUTDIM,), jnp.float32),
        'gate_W': w((OUTDIM, OUTDIM)), 'gate_b': jnp.zeros((OUTDIM,), jnp.float32),
        'np_W1': w((2 * OUTDIM, OUTDIM)), 'np_b1': jnp.zeros((OUTDIM,), jnp.float32),
        'np_W2': w((OUTDIM, OUTDIM // 2)), 'np_b2': jnp.zeros((OUTDIM // 2,), jnp.float32),
        'np_W3': w((OUTDIM // 2, 1)), 'np_b3': jnp.zeros((1,), jnp.float32),
    }
    x_in = jax.random.normal(ks[next(idx)], (1, N, INDIM), dtype=jnp.float32)
    edge_attr = jax.random.normal(ks[next(idx)], (1, E, EDGE_DIM), dtype=jnp.float32)
    edge_index = jax.random.randint(ks[next(idx)], (1, 2, E), 0, N, dtype=jnp.int32)
    return {'x_in': x_in, 'edge_attr': edge_attr, 'params': params, 'edge_index': edge_index}


def reference(x_in, edge_attr, params, edge_index):
    return _forward(x_in, edge_attr, params, edge_index)

if __name__ == "__main__":
    import jax
    _d = setup_inputs()
    print(jax.jit(kernel)(*tuple(_d.values())))

</pallas_src>

<mosaic_0001>
#map = affine_map<(d0, d1) -> (0, 0)>
#map1 = affine_map<(d0, d1) -> (0, 0, 0)>
module attributes {stable_mosaic.version = 14 : i64} {
  func.func @k(%arg0: i32, %arg1: i32, %arg2: memref<10240x128xf32, #tpu.memory_space<hbm>>, %arg3: memref<10240x128xf32, #tpu.memory_space<hbm>>, %arg4: memref<2560x128xi32, #tpu.memory_space<hbm>>, %arg5: memref<2560x128xi32, #tpu.memory_space<hbm>>, %arg6: memref<2500x128x128xf32, #tpu.memory_space<hbm>>, %arg7: memref<80x128xi32, #tpu.memory_space<vmem>>, %arg8: memref<80x128xi32, #tpu.memory_space<vmem>>, %arg9: memref<2x128x128xf32, #tpu.memory_space<vmem>>, %arg10: memref<2x128x128xf32, #tpu.memory_space<vmem>>, %arg11: memref<!tpu.dma_semaphore, #tpu.memory_space<semaphore_mem>>, %arg12: memref<!tpu.dma_semaphore, #tpu.memory_space<semaphore_mem>>, %arg13: memref<!tpu.dma_semaphore, #tpu.memory_space<semaphore_mem>>, %arg14: memref<!tpu.dma_semaphore, #tpu.memory_space<semaphore_mem>>, %arg15: memref<!tpu.dma_semaphore, #tpu.memory_space<semaphore_mem>>, %arg16: memref<!tpu.dma_semaphore, #tpu.memory_space<semaphore_mem>>) attributes {dimension_semantics = [#tpu.dimension_semantics<core_parallel>, #tpu.dimension_semantics<subcore_parallel>], iteration_bounds = array<i64: 2, 16>, scalar_prefetch = 0 : i64, scratch_operands = 10 : i64, tpu.core_type = #tpu.core_type<sc_vector_subcore>, window_params = [{transform_indices = #map}, {transform_indices = #map}, {transform_indices = #map}, {transform_indices = #map}, {transform_indices = #map1}]} {
    %mul3A = arith.constant 2 : i32
    %mul3A_0 = arith.muli %arg1, %mul3A : i32
    %add3A = arith.addi %mul3A_0, %arg0 : i32
    %mul3A_1 = arith.constant 80 : i32
    %mul3A_2 = arith.muli %add3A, %mul3A_1 : i32
    %sub3A = arith.constant 2500 : i32
    %sub3A_3 = arith.subi %sub3A, %mul3A_2 : i32
    %min3A = arith.constant 80 : i32
    %min3A_4 = arith.minsi %min3A, %sub3A_3 : i32
    "tpu.region"() ({
      %run_scoped3A = tpu.sem_alloc : memref<!tpu.dma_semaphore, #tpu.memory_space<semaphore_mem>>
      %dma_start3A = arith.constant 0 : i32
      %dma_start3A_24 = tpu.memref_slice %arg4[%mul3A_2, %dma_start3A] : memref<2560x128xi32, #tpu.memory_space<hbm>> -> memref<80x128xi32, #tpu.memory_space<hbm>>
      %dma_start3A_25 = arith.constant 0 : i32
      %dma_start3A_26 = tpu.memref_slice %arg4[%mul3A_2, %dma_start3A_25] : memref<2560x128xi32, #tpu.memory_space<hbm>> -> memref<80x128xi32, #tpu.memory_space<hbm>>
      tpu.enqueue_dma source(%dma_start3A_26 : memref<80x128xi32, #tpu.memory_space<hbm>>) target(%arg7 : memref<80x128xi32, #tpu.memory_space<vmem>>) target_semaphore(%run_scoped3A : memref<!tpu.dma_semaphore, #tpu.memory_space<semaphore_mem>>)
      %dma_wait3A = arith.constant 0 : i32
      %dma_wait3A_27 = tpu.memref_slice %arg4[%mul3A_2, %dma_wait3A] : memref<2560x128xi32, #tpu.memory_space<hbm>> -> memref<80x128xi32, #tpu.memory_space<hbm>>
      %dma_wait3A_28 = arith.constant 0 : i32
      %dma_wait3A_29 = tpu.memref_slice %arg4[%mul3A_2, %dma_wait3A_28] : memref<2560x128xi32, #tpu.memory_space<hbm>> -> memref<80x128xi32, #tpu.memory_space<hbm>>
      tpu.wait_dma2 semaphore(%run_scoped3A : memref<!tpu.dma_semaphore, #tpu.memory_space<semaphore_mem>>) src(%dma_wait3A_29 : memref<80x128xi32, #tpu.memory_space<hbm>>) dst(%arg7 : memref<80x128xi32, #tpu.memory_space<vmem>>)
      tpu.yield
    }) : () -> ()
    "tpu.region"() ({
      %run_scoped3A = tpu.sem_alloc : memref<!tpu.dma_semaphore, #tpu.memory_space<semaphore_mem>>
      %dma_start3A = arith.constant 0 : i32
      %dma_start3A_24 = tpu.memref_slice %arg5[%mul3A_2, %dma_start3A] : memref<2560x128xi32, #tpu.memory_space<hbm>> -> memref<80x128xi32, #tpu.memory_space<hbm>>
      %dma_start3A_25 = arith.constant 0 : i32
      %dma_start3A_26 = tpu.memref_slice %arg5[%mul3A_2, %dma_start3A_25] : memref<2560x128xi32, #tpu.memory_space<hbm>> -> memref<80x128xi32, #tpu.memory_space<hbm>>
      tpu.enqueue_dma source(%dma_start3A_26 : memref<80x128xi32, #tpu.memory_space<hbm>>) target(%arg8 : memref<80x128xi32, #tpu.memory_space<vmem>>) target_semaphore(%run_scoped3A : memref<!tpu.dma_semaphore, #tpu.memory_space<semaphore_mem>>)
      %dma_wait3A = arith.constant 0 : i32
      %dma_wait3A_27 = tpu.memref_slice %arg5[%mul3A_2, %dma_wait3A] : memref<2560x128xi32, #tpu.memory_space<hbm>> -> memref<80x128xi32, #tpu.memory_space<hbm>>
      %dma_wait3A_28 = arith.constant 0 : i32
      %dma_wait3A_29 = tpu.memref_slice %arg5[%mul3A_2, %dma_wait3A_28] : memref<2560x128xi32, #tpu.memory_space<hbm>> -> memref<80x128xi32, #tpu.memory_space<hbm>>
      tpu.wait_dma2 semaphore(%run_scoped3A : memref<!tpu.dma_semaphore, #tpu.memory_space<semaphore_mem>>) src(%dma_wait3A_29 : memref<80x128xi32, #tpu.memory_space<hbm>>) dst(%arg8 : memref<80x128xi32, #tpu.memory_space<vmem>>)
      tpu.yield
    }) : () -> ()
    %gt3A = arith.constant 0 : i32
    %gt3A_5 = arith.cmpi sgt, %min3A_4, %gt3A : i32
    %convert_element_type3A = arith.extui %gt3A_5 : i1 to i32
    %cond3A = arith.constant 0 : i32
    %cond3A_6 = arith.cmpi ne, %convert_element_type3A, %cond3A : i32
    scf.if %cond3A_6 {
      %dma_start3A = arith.constant 0 : i32
      %dma_start3A_24 = arith.constant 0 : i32
      %dma_start3A_25 = arith.constant 0 : i32
      %dma_start3A_26 = arith.constant 0 : i32
      %dma_start3A_27 = tpu.memref_slice %arg9[%dma_start3A_24, %dma_start3A_25, %dma_start3A_26] : memref<2x128x128xf32, #tpu.memory_space<vmem>> -> memref<1x128x128xf32, #tpu.memory_space<vmem>>
      %dma_start3A_28 = tpu.memref_squeeze %dma_start3A_27 : memref<1x128x128xf32, #tpu.memory_space<vmem>> -> memref<128x128xf32, #tpu.memory_space<vmem>>
      %dma_start3A_29 = arith.constant 0 : i32
      %dma_start3A_30 = tpu.memref_slice %arg7[%dma_start3A, %dma_start3A_29] : memref<80x128xi32, #tpu.memory_space<vmem>> -> memref<1x128xi32, #tpu.memory_space<vmem>>
      %dma_start3A_31 = tpu.memref_squeeze %dma_start3A_30 : memref<1x128xi32, #tpu.memory_space<vmem>> -> memref<128xi32, #tpu.memory_space<vmem>>
      %dma_start3A_32 = arith.constant 0 : i32
      %dma_start3A_33 = arith.constant 0 : i32
      %dma_start3A_34 = tpu.memref_slice %arg2[%dma_start3A_32, %dma_start3A_33] : memref<10240x128xf32, #tpu.memory_space<hbm>> -> memref<10240x128xf32, #tpu.memory_space<hbm>>
      tpu.enqueue_indirect_dma source(%dma_start3A_34 : memref<10240x128xf32, #tpu.memory_space<hbm>>) target(%dma_start3A_28 : memref<128x128xf32, #tpu.memory_space<vmem>>) offsets(%dma_start3A_31 : memref<128xi32, #tpu.memory_space<vmem>>) semaphore(%arg11 : memref<!tpu.dma_semaphore, #tpu.memory_space<semaphore_mem>>)
      %dma_start3A_35 = arith.constant 0 : i32
      %dma_start3A_36 = arith.constant 0 : i32
      %dma_start3A_37 = arith.constant 0 : i32
      %dma_start3A_38 = arith.constant 0 : i32
      %dma_start3A_39 = tpu.memref_slice %arg10[%dma_start3A_36, %dma_start3A_37, %dma_start3A_38] : memref<2x128x128xf32, #tpu.memory_space<vmem>> -> memref<1x128x128xf32, #tpu.memory_space<vmem>>
      %dma_start3A_40 = tpu.memref_squeeze %dma_start3A_39 : memref<1x128x128xf32, #tpu.memory_space<vmem>> -> memref<128x128xf32, #tpu.memory_space<vmem>>
      %dma_start3A_41 = arith.constant 0 : i32
      %dma_start3A_42 = tpu.memref_slice %arg8[%dma_start3A_35, %dma_start3A_41] : memref<80x128xi32, #tpu.memory_space<vmem>> -> memref<1x128xi32, #tpu.memory_space<vmem>>
      %dma_start3A_43 = tpu.memref_squeeze %dma_start3A_42 : memref<1x128xi32, #tpu.memory_space<vmem>> -> memref<128xi32, #tpu.memory_space<vmem>>
      %dma_start3A_44 = arith.constant 0 : i32
      %dma_start3A_45 = arith.constant 0 : i32
      %dma_start3A_46 = tpu.memref_slice %arg3[%dma_start3A_44, %dma_start3A_45] : memref<10240x128xf32, #tpu.memory_space<hbm>> -> memref<10240x128xf32, #tpu.memory_space<hbm>>
      tpu.enqueue_indirect_dma source(%dma_start3A_46 : memref<10240x128xf32, #tpu.memory_space<hbm>>) target(%dma_start3A_40 : memref<128x128xf32, #tpu.memory_space<vmem>>) offsets(%dma_start3A_43 : memref<128xi32, #tpu.memory_space<vmem>>) semaphore(%arg13 : memref<!tpu.dma_semaphore, #tpu.memory_space<semaphore_mem>>)
    } else {
    }
    %scan3A = arith.constant 0 : i32
    %scan3A_7 = arith.constant 0 : i32
    %scan3A_8 = arith.constant 40 : i32
    %scan3A_9 = arith.addi %scan3A_7, %scan3A_8 : i32
    %scan3A_10 = arith.constant 1 : i32
    scf.for %scan3A_24 = %scan3A_7 to %scan3A_9 step %scan3A_10  : i32 {
      %mul3A_25 = arith.constant 2 : i32
      %mul3A_26 = arith.muli %mul3A_25, %scan3A_24 : i32
      %add3A_27 = arith.constant 0 : i32
      %add3A_28 = arith.addi %mul3A_26, %add3A_27 : i32
      %lt3A = arith.cmpi slt, %add3A_28, %min3A_4 : i32
      %convert_element_type3A_29 = arith.extui %lt3A : i1 to i32
      %cond3A_30 = arith.constant 0 : i32
      %cond3A_31 = arith.cmpi ne, %convert_element_type3A_29, %cond3A_30 : i32
      scf.if %cond3A_31 {
        %dma_wait3A = arith.constant 0 : i32
        %dma_wait3A_40 = arith.constant 0 : i32
        %dma_wait3A_41 = arith.constant 0 : i32
        %dma_wait3A_42 = tpu.memref_slice %arg9[%dma_wait3A, %dma_wait3A_40, %dma_wait3A_41] : memref<2x128x128xf32, #tpu.memory_space<vmem>> -> memref<1x128x128xf32, #tpu.memory_space<vmem>>
        %dma_wait3A_43 = tpu.memref_squeeze %dma_wait3A_42 : memref<1x128x128xf32, #tpu.memory_space<vmem>> -> memref<128x128xf32, #tpu.memory_space<vmem>>
        %dma_wait3A_44 = arith.constant 0 : i32
        %dma_wait3A_45 = tpu.memref_slice %arg7[%add3A_28, %dma_wait3A_44] : memref<80x128xi32, #tpu.memory_space<vmem>> -> memref<1x128xi32, #tpu.memory_space<vmem>>
        %dma_wait3A_46 = tpu.memref_squeeze %dma_wait3A_45 : memref<1x128xi32, #tpu.memory_space<vmem>> -> memref<128xi32, #tpu.memory_space<vmem>>
        %dma_wait3A_47 = arith.constant 0 : i32
        %dma_wait3A_48 = arith.constant 0 : i32
        %dma_wait3A_49 = tpu.memref_slice %arg2[%dma_wait3A_47, %dma_wait3A_48] : memref<10240x128xf32, #tpu.memory_space<hbm>> -> memref<10240x128xf32, #tpu.memory_space<hbm>>
        tpu.wait_indirect_dma semaphore(%arg11 : memref<!tpu.dma_semaphore, #tpu.memory_space<semaphore_mem>>) src(%dma_wait3A_49 : memref<10240x128xf32, #tpu.memory_space<hbm>>) dst(%dma_wait3A_43 : memref<128x128xf32, #tpu.memory_space<vmem>>)
        %dma_wait3A_50 = arith.constant 0 : i32
        %dma_wait3A_51 = arith.constant 0 : i32
        %dma_wait3A_52 = arith.constant 0 : i32
        %dma_wait3A_53 = tpu.memref_slice %arg10[%dma_wait3A_50, %dma_wait3A_51, %dma_wait3A_52] : memref<2x128x128xf32, #tpu.memory_space<vmem>> -> memref<1x128x128xf32, #tpu.memory_space<vmem>>
        %dma_wait3A_54 = tpu.memref_squeeze %dma_wait3A_53 : memref<1x128x128xf32, #tpu.memory_space<vmem>> -> memref<128x128xf32, #tpu.memory_space<vmem>>
        %dma_wait3A_55 = arith.constant 0 : i32
        %dma_wait3A_56 = tpu.memref_slice %arg8[%add3A_28, %dma_wait3A_55] : memref<80x128xi32, #tpu.memory_space<vmem>> -> memref<1x128xi32, #tpu.memory_space<vmem>>
        %dma_wait3A_57 = tpu.memref_squeeze %dma_wait3A_56 : memref<1x128xi32, #tpu.memory_space<vmem>> -> memref<128xi32, #tpu.memory_space<vmem>>
        %dma_wait3A_58 = arith.constant 0 : i32
        %dma_wait3A_59 = arith.constant 0 : i32
        %dma_wait3A_60 = tpu.memref_slice %arg3[%dma_wait3A_58, %dma_wait3A_59] : memref<10240x128xf32, #tpu.memory_space<hbm>> -> memref<10240x128xf32, #tpu.memory_space<hbm>>
        tpu.wait_indirect_dma semaphore(%arg13 : memref<!tpu.dma_semaphore, #tpu.memory_space<semaphore_mem>>) src(%dma_wait3A_60 : memref<10240x128xf32, #tpu.memory_space<hbm>>) dst(%dma_wait3A_54 : memref<128x128xf32, #tpu.memory_space<vmem>>)
        %ge3A = arith.constant 1 : i32
        %ge3A_61 = arith.cmpi sge, %add3A_28, %ge3A : i32
        %convert_element_type3A_62 = arith.extui %ge3A_61 : i1 to i32
        %cond3A_63 = arith.constant 0 : i32
        %cond3A_64 = arith.cmpi ne, %convert_element_type3A_62, %cond3A_63 : i32
        scf.if %cond3A_64 {
          %dma_wait3A_94 = arith.constant 1 : i32
          %dma_wait3A_95 = arith.constant 0 : i32
          %dma_wait3A_96 = arith.constant 0 : i32
          %dma_wait3A_97 = tpu.memref_slice %arg9[%dma_wait3A_94, %dma_wait3A_95, %dma_wait3A_96] : memref<2x128x128xf32, #tpu.memory_space<vmem>> -> memref<1x128x128xf32, #tpu.memory_space<vmem>>
          %dma_wait3A_98 = tpu.memref_squeeze %dma_wait3A_97 : memref<1x128x128xf32, #tpu.memory_space<vmem>> -> memref<128x128xf32, #tpu.memory_space<vmem>>
          %dma_wait3A_99 = arith.constant 0 : i32
          %dma_wait3A_100 = arith.constant 0 : i32
          %dma_wait3A_101 = tpu.memref_slice %arg6[%mul3A_2, %dma_wait3A_99, %dma_wait3A_100] : memref<2500x128x128xf32, #tpu.memory_space<hbm>> -> memref<1x128x128xf32, #tpu.memory_space<hbm>>
          %dma_wait3A_102 = tpu.memref_squeeze %dma_wait3A_101 : memref<1x128x128xf32, #tpu.memory_space<hbm>> -> memref<128x128xf32, #tpu.memory_space<hbm>>
          %dma_wait3A_103 = arith.constant 0 : i32
          %dma_wait3A_104 = arith.constant 0 : i32
          %dma_wait3A_105 = tpu.memref_slice %arg6[%mul3A_2, %dma_wait3A_103, %dma_wait3A_104] : memref<2500x128x128xf32, #tpu.memory_space<hbm>> -> memref<1x128x128xf32, #tpu.memory_space<hbm>>
          %dma_wait3A_106 = tpu.memref_squeeze %dma_wait3A_105 : memref<1x128x128xf32, #tpu.memory_space<hbm>> -> memref<128x128xf32, #tpu.memory_space<hbm>>
          %dma_wait3A_107 = arith.constant 0 : i32
          %dma_wait3A_108 = arith.constant 0 : i32
          %dma_wait3A_109 = tpu.memref_slice %arg9[%dma_wait3A_94, %dma_wait3A_107, %dma_wait3A_108] : memref<2x128x128xf32, #tpu.memory_space<vmem>> -> memref<1x128x128xf32, #tpu.memory_space<vmem>>
          %dma_wait3A_110 = tpu.memref_squeeze %dma_wait3A_109 : memref<1x128x128xf32, #tpu.memory_space<vmem>> -> memref<128x128xf32, #tpu.memory_space<vmem>>
          tpu.wait_dma2 semaphore(%arg16 : memref<!tpu.dma_semaphore, #tpu.memory_space<semaphore_mem>>) src(%dma_wait3A_110 : memref<128x128xf32, #tpu.memory_space<vmem>>) dst(%dma_wait3A_106 : memref<128x128xf32, #tpu.memory_space<hbm>>)
        } else {
        }
        %add3A_65 = arith.constant 1 : i32
        %add3A_66 = arith.addi %add3A_28, %add3A_65 : i32
        %lt3A_67 = arith.cmpi slt, %add3A_66, %min3A_4 : i32
        %convert_element_type3A_68 = arith.extui %lt3A_67 : i1 to i32
        %cond3A_69 = arith.constant 0 : i32
        %cond3A_70 = arith.cmpi ne, %convert_element_type3A_68, %cond3A_69 : i32
        scf.if %cond3A_70 {
          %dma_start3A_94 = arith.constant 1 : i32
          %dma_start3A_95 = arith.constant 0 : i32
          %dma_start3A_96 = arith.constant 0 : i32
          %dma_start3A_97 = tpu.memref_slice %arg9[%dma_start3A_94, %dma_start3A_95, %dma_start3A_96] : memref<2x128x128xf32, #tpu.memory_space<vmem>> -> memref<1x128x128xf32, #tpu.memory_space<vmem>>
          %dma_start3A_98 = tpu.memref_squeeze %dma_start3A_97 : memref<1x128x128xf32, #tpu.memory_space<vmem>> -> memref<128x128xf32, #tpu.memory_space<vmem>>
          %dma_start3A_99 = arith.constant 0 : i32
          %dma_start3A_100 = tpu.memref_slice %arg7[%add3A_66, %dma_start3A_99] : memref<80x128xi32, #tpu.memory_space<vmem>> -> memref<1x128xi32, #tpu.memory_space<vmem>>
          %dma_start3A_101 = tpu.memref_squeeze %dma_start3A_100 : memref<1x128xi32, #tpu.memory_space<vmem>> -> memref<128xi32, #tpu.memory_space<vmem>>
          %dma_start3A_102 = arith.constant 0 : i32
          %dma_start3A_103 = arith.constant 0 : i32
          %dma_start3A_104 = tpu.memref_slice %arg2[%dma_start3A_102, %dma_start3A_103] : memref<10240x128xf32, #tpu.memory_space<hbm>> -> memref<10240x128xf32, #tpu.memory_space<hbm>>
          tpu.enqueue_indirect_dma source(%dma_start3A_104 : memref<10240x128xf32, #tpu.memory_space<hbm>>) target(%dma_start3A_98 : memref<128x128xf32, #tpu.memory_space<vmem>>) offsets(%dma_start3A_101 : memref<128xi32, #tpu.memory_space<vmem>>) semaphore(%arg12 : memref<!tpu.dma_semaphore, #tpu.memory_space<semaphore_mem>>)
          %dma_start3A_105 = arith.constant 1 : i32
          %dma_start3A_106 = arith.constant 0 : i32
          %dma_start3A_107 = arith.constant 0 : i32
          %dma_start3A_108 = tpu.memref_slice %arg10[%dma_start3A_105, %dma_start3A_106, %dma_start3A_107] : memref<2x128x128xf32, #tpu.memory_space<vmem>> -> memref<1x128x128xf32, #tpu.memory_space<vmem>>
          %dma_start3A_109 = tpu.memref_squeeze %dma_start3A_108 : memref<1x128x128xf32, #tpu.memory_space<vmem>> -> memref<128x128xf32, #tpu.memory_space<vmem>>
          %dma_start3A_110 = arith.constant 0 : i32
          %dma_start3A_111 = tpu.memref_slice %arg8[%add3A_66, %dma_start3A_110] : memref<80x128xi32, #tpu.memory_space<vmem>> -> memref<1x128xi32, #tpu.memory_space<vmem>>
          %dma_start3A_112 = tpu.memref_squeeze %dma_start3A_111 : memref<1x128xi32, #tpu.memory_space<vmem>> -> memref<128xi32, #tpu.memory_space<vmem>>
          %dma_start3A_113 = arith.constant 0 : i32
          %dma_start3A_114 = arith.constant 0 : i32
          %dma_start3A_115 = tpu.memref_slice %arg3[%dma_start3A_113, %dma_start3A_114] : memref<10240x128xf32, #tpu.memory_space<hbm>> -> memref<10240x128xf32, #tpu.memory_space<hbm>>
          tpu.enqueue_indirect_dma source(%dma_start3A_115 : memref<10240x128xf32, #tpu.memory_space<hbm>>) target(%dma_start3A_109 : memref<128x128xf32, #tpu.memory_space<vmem>>) offsets(%dma_start3A_112 : memref<128xi32, #tpu.memory_space<vmem>>) semaphore(%arg14 : memref<!tpu.dma_semaphore, #tpu.memory_space<semaphore_mem>>)
        } else {
        }
        %scan3A_71 = arith.constant 0 : i32
        %scan3A_72 = arith.constant 0 : i32
        %scan3A_73 = arith.constant 128 : i32
        %scan3A_74 = arith.addi %scan3A_72, %scan3A_73 : i32
        %scan3A_75 = arith.constant 1 : i32
        scf.for %scan3A_94 = %scan3A_72 to %scan3A_74 step %scan3A_75  : i32 {
          %get3A = arith.constant 0 : i32
          %get3A_95 = arith.index_cast %get3A : i32 to index
          %get3A_96 = arith.index_cast %scan3A_94 : i32 to index
          %get3A_97 = arith.constant 0 : index
          %get3A_98 = tpu.vector_load %arg9[%get3A_95, %get3A_96, %get3A_97] {strides = array<i32>} : memref<2x128x128xf32, #tpu.memory_space<vmem>>, vector<1x1x16xf32>,
          %get3A_99 = vector.shape_cast %get3A_98 : vector<1x1x16xf32> to vector<16xf32>
          %get3A_100 = arith.constant 0 : i32
          %get3A_101 = arith.index_cast %get3A_100 : i32 to index
          %get3A_102 = arith.index_cast %scan3A_94 : i32 to index
          %get3A_103 = arith.constant 0 : index
          %get3A_104 = tpu.vector_load %arg10[%get3A_101, %get3A_102, %get3A_103] {strides = array<i32>} : memref<2x128x128xf32, #tpu.memory_space<vmem>>, vector<1x1x16xf32>,
          %get3A_105 = vector.shape_cast %get3A_104 : vector<1x1x16xf32> to vector<16xf32>
          %add3A_106 = arith.addf %get3A_99, %get3A_105 : vector<16xf32>
          %swap3A = arith.constant 0 : i32
          %swap3A_107 = arith.index_cast %swap3A : i32 to index
          %swap3A_108 = arith.index_cast %scan3A_94 : i32 to index
          %swap3A_109 = arith.constant 0 : index
          %swap3A_110 = tpu.vector_load %arg9[%swap3A_107, %swap3A_108, %swap3A_109] {strides = array<i32>} : memref<2x128x128xf32, #tpu.memory_space<vmem>>, vector<1x1x16xf32>,
          %swap3A_111 = vector.shape_cast %swap3A_110 : vector<1x1x16xf32> to vector<16xf32>
          %swap3A_112 = vector.shape_cast %add3A_106 : vector<16xf32> to vector<1x1x16xf32>
          tpu.vector_store %arg9[%swap3A_107, %swap3A_108, %swap3A_109], %swap3A_112 {strides = array<i32>} : memref<2x128x128xf32, #tpu.memory_space<vmem>>, vector<1x1x16xf32>,
          %get3A_113 = arith.constant 0 : i32
          %get3A_114 = arith.index_cast %get3A_113 : i32 to index
          %get3A_115 = arith.index_cast %scan3A_94 : i32 to index
          %get3A_116 = arith.constant 16 : index
          %get3A_117 = tpu.vector_load %arg9[%get3A_114, %get3A_115, %get3A_116] {strides = array<i32>} : memref<2x128x128xf32, #tpu.memory_space<vmem>>, vector<1x1x16xf32>,
          %get3A_118 = vector.shape_cast %get3A_117 : vector<1x1x16xf32> to vector<16xf32>
          %get3A_119 = arith.constant 0 : i32
          %get3A_120 = arith.index_cast %get3A_119 : i32 to index
          %get3A_121 = arith.index_cast %scan3A_94 : i32 to index
          %get3A_122 = arith.constant 16 : index
          %get3A_123 = tpu.vector_load %arg10[%get3A_120, %get3A_121, %get3A_122] {strides = array<i32>} : memref<2x128x128xf32, #tpu.memory_space<vmem>>, vector<1x1x16xf32>,
          %get3A_124 = vector.shape_cast %get3A_123 : vector<1x1x16xf32> to vector<16xf32>
          %add3A_125 = arith.addf %get3A_118, %get3A_124 : vector<16xf32>
          %swap3A_126 = arith.constant 0 : i32
          %swap3A_127 = arith.index_cast %swap3A_126 : i32 to index
          %swap3A_128 = arith.index_cast %scan3A_94 : i32 to index
          %swap3A_129 = arith.constant 16 : index
          %swap3A_130 = tpu.vector_load %arg9[%swap3A_127, %swap3A_128, %swap3A_129] {strides = array<i32>} : memref<2x128x128xf32, #tpu.memory_space<vmem>>, vector<1x1x16xf32>,
          %swap3A_131 = vector.shape_cast %swap3A_130 : vector<1x1x16xf32> to vector<16xf32>
          %swap3A_132 = vector.shape_cast %add3A_125 : vector<16xf32> to vector<1x1x16xf32>
          tpu.vector_store %arg9[%swap3A_127, %swap3A_128, %swap3A_129], %swap3A_132 {strides = array<i32>} : memref<2x128x128xf32, #tpu.memory_space<vmem>>, vector<1x1x16xf32>,
          %get3A_133 = arith.constant 0 : i32
          %get3A_134 = arith.index_cast %get3A_133 : i32 to index
          %get3A_135 = arith.index_cast %scan3A_94 : i32 to index
          %get3A_136 = arith.constant 32 : index
          %get3A_137 = tpu.vector_load %arg9[%get3A_134, %get3A_135, %get3A_136] {strides = array<i32>} : memref<2x128x128xf32, #tpu.memory_space<vmem>>, vector<1x1x16xf32>,
          %get3A_138 = vector.shape_cast %get3A_137 : vector<1x1x16xf32> to vector<16xf32>
          %get3A_139 = arith.constant 0 : i32
          %get3A_140 = arith.index_cast %get3A_139 : i32 to index
          %get3A_141 = arith.index_cast %scan3A_94 : i32 to index
          %get3A_142 = arith.constant 32 : index
          %get3A_143 = tpu.vector_load %arg10[%get3A_140, %get3A_141, %get3A_142] {strides = array<i32>} : memref<2x128x128xf32, #tpu.memory_space<vmem>>, vector<1x1x16xf32>,
          %get3A_144 = vector.shape_cast %get3A_143 : vector<1x1x16xf32> to vector<16xf32>
          %add3A_145 = arith.addf %get3A_138, %get3A_144 : vector<16xf32>
          %swap3A_146 = arith.constant 0 : i32
          %swap3A_147 = arith.index_cast %swap3A_146 : i32 to index
          %swap3A_148 = arith.index_cast %scan3A_94 : i32 to index
          %swap3A_149 = arith.constant 32 : index
          %swap3A_150 = tpu.vector_load %arg9[%swap3A_147, %swap3A_148, %swap3A_149] {strides = array<i32>} : memref<2x128x128xf32, #tpu.memory_space<vmem>>, vector<1x1x16xf32>,
          %swap3A_151 = vector.shape_cast %swap3A_150 : vector<1x1x16xf32> to vector<16xf32>
          %swap3A_152 = vector.shape_cast %add3A_145 : vector<16xf32> to vector<1x1x16xf32>
          tpu.vector_store %arg9[%swap3A_147, %swap3A_148, %swap3A_149], %swap3A_152 {strides = array<i32>} : memref<2x128x128xf32, #tpu.memory_space<vmem>>, vector<1x1x16xf32>,
          %get3A_153 = arith.constant 0 : i32
          %get3A_154 = arith.index_cast %get3A_153 : i32 to index
          %get3A_155 = arith.index_cast %scan3A_94 : i32 to index
          %get3A_156 = arith.constant 48 : index
          %get3A_157 = tpu.vector_load %arg9[%get3A_154, %get3A_155, %get3A_156] {strides = array<i32>} : memref<2x128x128xf32, #tpu.memory_space<vmem>>, vector<1x1x16xf32>,
          %get3A_158 = vector.shape_cast %get3A_157 : vector<1x1x16xf32> to vector<16xf32>
          %get3A_159 = arith.constant 0 : i32
          %get3A_160 = arith.index_cast %get3A_159 : i32 to index
          %get3A_161 = arith.index_cast %scan3A_94 : i32 to index
          %get3A_162 = arith.constant 48 : index
          %get3A_163 = tpu.vector_load %arg10[%get3A_160, %get3A_161, %get3A_162] {strides = array<i32>} : memref<2x128x128xf32, #tpu.memory_space<vmem>>, vector<1x1x16xf32>,
          %get3A_164 = vector.shape_cast %get3A_163 : vector<1x1x16xf32> to vector<16xf32>
          %add3A_165 = arith.addf %get3A_158, %get3A_164 : vector<16xf32>
          %swap3A_166 = arith.constant 0 : i32
          %swap3A_167 = arith.index_cast %swap3A_166 : i32 to index
          %swap3A_168 = arith.index_cast %scan3A_94 : i32 to index
          %swap3A_169 = arith.constant 48 : index
          %swap3A_170 = tpu.vector_load %arg9[%swap3A_167, %swap3A_168, %swap3A_169] {strides = array<i32>} : memref<2x128x128xf32, #tpu.memory_space<vmem>>, vector<1x1x16xf32>,
          %swap3A_171 = vector.shape_cast %swap3A_170 : vector<1x1x16xf32> to vector<16xf32>
          %swap3A_172 = vector.shape_cast %add3A_165 : vector<16xf32> to vector<1x1x16xf32>
          tpu.vector_store %arg9[%swap3A_167, %swap3A_168, %swap3A_169], %swap3A_172 {strides = array<i32>} : memref<2x128x128xf32, #tpu.memory_space<vmem>>, vector<1x1x16xf32>,
          %get3A_173 = arith.constant 0 : i32
          %get3A_174 = arith.index_cast %get3A_173 : i32 to index
          %get3A_175 = arith.index_cast %scan3A_94 : i32 to index
          %get3A_176 = arith.constant 64 : index
          %get3A_177 = tpu.vector_load %arg9[%get3A_174, %get3A_175, %get3A_176] {strides = array<i32>} : memref<2x128x128xf32, #tpu.memory_space<vmem>>, vector<1x1x16xf32>,
          %get3A_178 = vector.shape_cast %get3A_177 : vector<1x1x16xf32> to vector<16xf32>
          %get3A_179 = arith.constant 0 : i32
          %get3A_180 = arith.index_cast %get3A_179 : i32 to index
          %get3A_181 = arith.index_cast %scan3A_94 : i32 to index
          %get3A_182 = arith.constant 64 : index
          %get3A_183 = tpu.vector_load %arg10[%get3A_180, %get3A_181, %get3A_182] {strides = array<i32>} : memref<2x128x128xf32, #tpu.memory_space<vmem>>, vector<1x1x16xf32>,
          %get3A_184 = vector.shape_cast %get3A_183 : vector<1x1x16xf32> to vector<16xf32>
          %add3A_185 = arith.addf %get3A_178, %get3A_184 : vector<16xf32>
          %swap3A_186 = arith.constant 0 : i32
          %swap3A_187 = arith.index_cast %swap3A_186 : i32 to index
          %swap3A_188 = arith.index_cast %scan3A_94 : i32 to index
          %swap3A_189 = arith.constant 64 : index
          %swap3A_190 = tpu.vector_load %arg9[%swap3A_187, %swap3A_188, %swap3A_189] {strides = array<i32>} : memref<2x128x128xf32, #tpu.memory_space<vmem>>, vector<1x1x16xf32>,
          %swap3A_191 = vector.shape_cast %swap3A_190 : vector<1x1x16xf32> to vector<16xf32>
          %swap3A_192 = vector.shape_cast %add3A_185 : vector<16xf32> to vector<1x1x16xf32>
          tpu.vector_store %arg9[%swap3A_187, %swap3A_188, %swap3A_189], %swap3A_192 {strides = array<i32>} : memref<2x128x128xf32, #tpu.memory_space<vmem>>, vector<1x1x16xf32>,
          %get3A_193 = arith.constant 0 : i32
          %get3A_194 = arith.index_cast %get3A_193 : i32 to index
          %get3A_195 = arith.index_cast %scan3A_94 : i32 to index
          %get3A_196 = arith.constant 80 : index
          %get3A_197 = tpu.vector_load %arg9[%get3A_194, %get3A_195, %get3A_196] {strides = array<i32>} : memref<2x128x128xf32, #tpu.memory_space<vmem>>, vector<1x1x16xf32>,
          %get3A_198 = vector.shape_cast %get3A_197 : vector<1x1x16xf32> to vector<16xf32>
          %get3A_199 = arith.constant 0 : i32
          %get3A_200 = arith.index_cast %get3A_199 : i32 to index
          %get3A_201 = arith.index_cast %scan3A_94 : i32 to index
          %get3A_202 = arith.constant 80 : index
          %get3A_203 = tpu.vector_load %arg10[%get3A_200, %get3A_201, %get3A_202] {strides = array<i32>} : memref<2x128x128xf32, #tpu.memory_space<vmem>>, vector<1x1x16xf32>,
          %get3A_204 = vector.shape_cast %get3A_203 : vector<1x1x16xf32> to vector<16xf32>
          %add3A_205 = arith.addf %get3A_198, %get3A_204 : vector<16xf32>
          %swap3A_206 = arith.constant 0 : i32
          %swap3A_207 = arith.index_cast %swap3A_206 : i32 to index
          %swap3A_208 = arith.index_cast %scan3A_94 : i32 to index
          %swap3A_209 = arith.constant 80 : index
          %swap3A_210 = tpu.vector_load %arg9[%swap3A_207, %swap3A_208, %swap3A_209] {strides = array<i32>} : memref<2x128x128xf32, #tpu.memory_space<vmem>>, vector<1x1x16xf32>,
          %swap3A_211 = vector.shape_cast %swap3A_210 : vector<1x1x16xf32> to vector<16xf32>
          %swap3A_212 = vector.shape_cast %add3A_205 : vector<16xf32> to vector<1x1x16xf32>
          tpu.vector_store %arg9[%swap3A_207, %swap3A_208, %swap3A_209], %swap3A_212 {strides = array<i32>} : memref<2x128x128xf32, #tpu.memory_space<vmem>>, vector<1x1x16xf32>,
          %get3A_213 = arith.constant 0 : i32
          %get3A_214 = arith.index_cast %get3A_213 : i32 to index
          %get3A_215 = arith.index_cast %scan3A_94 : i32 to index
          %get3A_216 = arith.constant 96 : index
          %get3A_217 = tpu.vector_load %arg9[%get3A_214, %get3A_215, %get3A_216] {strides = array<i32>} : memref<2x128x128xf32, #tpu.memory_space<vmem>>, vector<1x1x16xf32>,
          %get3A_218 = vector.shape_cast %get3A_217 : vector<1x1x16xf32> to vector<16xf32>
          %get3A_219 = arith.constant 0 : i32
          %get3A_220 = arith.index_cast %get3A_219 : i32 to index
          %get3A_221 = arith.index_cast %scan3A_94 : i32 to index
          %get3A_222 = arith.constant 96 : index
          %get3A_223 = tpu.vector_load %arg10[%get3A_220, %get3A_221, %get3A_222] {strides = array<i32>} : memref<2x128x128xf32, #tpu.memory_space<vmem>>, vector<1x1x16xf32>,
          %get3A_224 = vector.shape_cast %get3A_223 : vector<1x1x16xf32> to vector<16xf32>
          %add3A_225 = arith.addf %get3A_218, %get3A_224 : vector<16xf32>
          %swap3A_226 = arith.constant 0 : i32
          %swap3A_227 = arith.index_cast %swap3A_226 : i32 to index
          %swap3A_228 = arith.index_cast %scan3A_94 : i32 to index
          %swap3A_229 = arith.constant 96 : index
          %swap3A_230 = tpu.vector_load %arg9[%swap3A_227, %swap3A_228, %swap3A_229] {strides = array<i32>} : memref<2x128x128xf32, #tpu.memory_space<vmem>>, vector<1x1x16xf32>,
          %swap3A_231 = vector.shape_cast %swap3A_230 : vector<1x1x16xf32> to vector<16xf32>
          %swap3A_232 = vector.shape_cast %add3A_225 : vector<16xf32> to vector<1x1x16xf32>
          tpu.vector_store %arg9[%swap3A_227, %swap3A_228, %swap3A_229], %swap3A_232 {strides = array<i32>} : memref<2x128x128xf32, #tpu.memory_space<vmem>>, vector<1x1x16xf32>,
          %get3A_233 = arith.constant 0 : i32
          %get3A_234 = arith.index_cast %get3A_233 : i32 to index
          %get3A_235 = arith.index_cast %scan3A_94 : i32 to index
          %get3A_236 = arith.constant 112 : index
          %get3A_237 = tpu.vector_load %arg9[%get3A_234, %get3A_235, %get3A_236] {strides = array<i32>} : memref<2x128x128xf32, #tpu.memory_space<vmem>>, vector<1x1x16xf32>,
          %get3A_238 = vector.shape_cast %get3A_237 : vector<1x1x16xf32> to vector<16xf32>
          %get3A_239 = arith.constant 0 : i32
          %get3A_240 = arith.index_cast %get3A_239 : i32 to index
          %get3A_241 = arith.index_cast %scan3A_94 : i32 to index
          %get3A_242 = arith.constant 112 : index
          %get3A_243 = tpu.vector_load %arg10[%get3A_240, %get3A_241, %get3A_242] {strides = array<i32>} : memref<2x128x128xf32, #tpu.memory_space<vmem>>, vector<1x1x16xf32>,
          %get3A_244 = vector.shape_cast %get3A_243 : vector<1x1x16xf32> to vector<16xf32>
          %add3A_245 = arith.addf %get3A_238, %get3A_244 : vector<16xf32>
          %swap3A_246 = arith.constant 0 : i32
          %swap3A_247 = arith.index_cast %swap3A_246 : i32 to index
          %swap3A_248 = arith.index_cast %scan3A_94 : i32 to index
          %swap3A_249 = arith.constant 112 : index
          %swap3A_250 = tpu.vector_load %arg9[%swap3A_247, %swap3A_248, %swap3A_249] {strides = array<i32>} : memref<2x128x128xf32, #tpu.memory_space<vmem>>, vector<1x1x16xf32>,
          %swap3A_251 = vector.shape_cast %swap3A_250 : vector<1x1x16xf32> to vector<16xf32>
          %swap3A_252 = vector.shape_cast %add3A_245 : vector<16xf32> to vector<1x1x16xf32>
          tpu.vector_store %arg9[%swap3A_247, %swap3A_248, %swap3A_249], %swap3A_252 {strides = array<i32>} : memref<2x128x128xf32, #tpu.memory_space<vmem>>, vector<1x1x16xf32>,
        }
        %scan3A_76 = arith.constant 128 : i32
        %add3A_77 = arith.addi %mul3A_2, %add3A_28 : i32
        %dma_start3A = arith.constant 0 : i32
        %dma_start3A_78 = arith.constant 0 : i32
        %dma_start3A_79 = arith.constant 0 : i32
        %dma_start3A_80 = tpu.memref_slice %arg9[%dma_start3A, %dma_start3A_78, %dma_start3A_79] : memref<2x128x128xf32, #tpu.memory_space<vmem>> -> memref<1x128x128xf32, #tpu.memory_space<vmem>>
        %dma_start3A_81 = tpu.memref_squeeze %dma_start3A_80 : memref<1x128x128xf32, #tpu.memory_space<vmem>> -> memref<128x128xf32, #tpu.memory_space<vmem>>
        %dma_start3A_82 = arith.constant 0 : i32
        %dma_start3A_83 = arith.constant 0 : i32
        %dma_start3A_84 = tpu.memref_slice %arg6[%add3A_77, %dma_start3A_82, %dma_start3A_83] : memref<2500x128x128xf32, #tpu.memory_space<hbm>> -> memref<1x128x128xf32, #tpu.memory_space<hbm>>
        %dma_start3A_85 = tpu.memref_squeeze %dma_start3A_84 : memref<1x128x128xf32, #tpu.memory_space<hbm>> -> memref<128x128xf32, #tpu.memory_space<hbm>>
        %dma_start3A_86 = arith.constant 0 : i32
        %dma_start3A_87 = arith.constant 0 : i32
        %dma_start3A_88 = tpu.memref_slice %arg6[%add3A_77, %dma_start3A_86, %dma_start3A_87] : memref<2500x128x128xf32, #tpu.memory_space<hbm>> -> memref<1x128x128xf32, #tpu.memory_space<hbm>>
        %dma_start3A_89 = tpu.memref_squeeze %dma_start3A_88 : memref<1x128x128xf32, #tpu.memory_space<hbm>> -> memref<128x128xf32, #tpu.memory_space<hbm>>
        %dma_start3A_90 = arith.constant 0 : i32
        %dma_start3A_91 = arith.constant 0 : i32
        %dma_start3A_92 = tpu.memref_slice %arg9[%dma_start3A, %dma_start3A_90, %dma_start3A_91] : memref<2x128x128xf32, #tpu.memory_space<vmem>> -> memref<1x128x128xf32, #tpu.memory_space<vmem>>
        %dma_start3A_93 = tpu.memref_squeeze %dma_start3A_92 : memref<1x128x128xf32, #tpu.memory_space<vmem>> -> memref<128x128xf32, #tpu.memory_space<vmem>>
        tpu.enqueue_dma source(%dma_start3A_93 : memref<128x128xf32, #tpu.memory_space<vmem>>) target(%dma_start3A_89 : memref<128x128xf32, #tpu.memory_space<hbm>>) target_semaphore(%arg15 : memref<!tpu.dma_semaphore, #tpu.memory_space<semaphore_mem>>)
      } else {
      }
      %mul3A_32 = arith.constant 2 : i32
      %mul3A_33 = arith.muli %mul3A_32, %scan3A_24 : i32
      %add3A_34 = arith.constant 1 : i32
      %add3A_35 = arith.addi %mul3A_33, %add3A_34 : i32
      %lt3A_36 = arith.cmpi slt, %add3A_35, %min3A_4 : i32
      %convert_element_type3A_37 = arith.extui %lt3A_36 : i1 to i32
      %cond3A_38 = arith.constant 0 : i32
      %cond3A_39 = arith.cmpi ne, %convert_element_type3A_37, %cond3A_38 : i32
      scf.if %cond3A_39 {
        %dma_wait3A = arith.constant 1 : i32
        %dma_wait3A_40 = arith.constant 0 : i32
        %dma_wait3A_41 = arith.constant 0 : i32
        %dma_wait3A_42 = tpu.memref_slice %arg9[%dma_wait3A, %dma_wait3A_40, %dma_wait3A_41] : memref<2x128x128xf32, #tpu.memory_space<vmem>> -> memref<1x128x128xf32, #tpu.memory_space<vmem>>
        %dma_wait3A_43 = tpu.memref_squeeze %dma_wait3A_42 : memref<1x128x128xf32, #tpu.memory_space<vmem>> -> memref<128x128xf32, #tpu.memory_space<vmem>>
        %dma_wait3A_44 = arith.constant 0 : i32
        %dma_wait3A_45 = tpu.memref_slice %arg7[%add3A_35, %dma_wait3A_44] : memref<80x128xi32, #tpu.memory_space<vmem>> -> memref<1x128xi32, #tpu.memory_space<vmem>>
        %dma_wait3A_46 = tpu.memref_squeeze %dma_wait3A_45 : memref<1x128xi32, #tpu.memory_space<vmem>> -> memref<128xi32, #tpu.memory_space<vmem>>
        %dma_wait3A_47 = arith.constant 0 : i32
        %dma_wait3A_48 = arith.constant 0 : i32
        %dma_wait3A_49 = tpu.memref_slice %arg2[%dma_wait3A_47, %dma_wait3A_48] : memref<10240x128xf32, #tpu.memory_space<hbm>> -> memref<10240x128xf32, #tpu.memory_space<hbm>>
        tpu.wait_indirect_dma semaphore(%arg12 : memref<!tpu.dma_semaphore, #tpu.memory_space<semaphore_mem>>) src(%dma_wait3A_49 : memref<10240x128xf32, #tpu.memory_space<hbm>>) dst(%dma_wait3A_43 : memref<128x128xf32, #tpu.memory_space<vmem>>)
        %dma_wait3A_50 = arith.constant 1 : i32
        %dma_wait3A_51 = arith.constant 0 : i32
        %dma_wait3A_52 = arith.constant 0 : i32
        %dma_wait3A_53 = tpu.memref_slice %arg10[%dma_wait3A_50, %dma_wait3A_51, %dma_wait3A_52] : memref<2x128x128xf32, #tpu.memory_space<vmem>> -> memref<1x128x128xf32, #tpu.memory_space<vmem>>
        %dma_wait3A_54 = tpu.memref_squeeze %dma_wait3A_53 : memref<1x128x128xf32, #tpu.memory_space<vmem>> -> memref<128x128xf32, #tpu.memory_space<vmem>>
        %dma_wait3A_55 = arith.constant 0 : i32
        %dma_wait3A_56 = tpu.memref_slice %arg8[%add3A_35, %dma_wait3A_55] : memref<80x128xi32, #tpu.memory_space<vmem>> -> memref<1x128xi32, #tpu.memory_space<vmem>>
        %dma_wait3A_57 = tpu.memref_squeeze %dma_wait3A_56 : memref<1x128xi32, #tpu.memory_space<vmem>> -> memref<128xi32, #tpu.memory_space<vmem>>
        %dma_wait3A_58 = arith.constant 0 : i32
        %dma_wait3A_59 = arith.constant 0 : i32
        %dma_wait3A_60 = tpu.memref_slice %arg3[%dma_wait3A_58, %dma_wait3A_59] : memref<10240x128xf32, #tpu.memory_space<hbm>> -> memref<10240x128xf32, #tpu.memory_space<hbm>>
        tpu.wait_indirect_dma semaphore(%arg14 : memref<!tpu.dma_semaphore, #tpu.memory_space<semaphore_mem>>) src(%dma_wait3A_60 : memref<10240x128xf32, #tpu.memory_space<hbm>>) dst(%dma_wait3A_54 : memref<128x128xf32, #tpu.memory_space<vmem>>)
        %ge3A = arith.constant 1 : i32
        %ge3A_61 = arith.cmpi sge, %add3A_35, %ge3A : i32
        %convert_element_type3A_62 = arith.extui %ge3A_61 : i1 to i32
        %cond3A_63 = arith.constant 0 : i32
        %cond3A_64 = arith.cmpi ne, %convert_element_type3A_62, %cond3A_63 : i32
        scf.if %cond3A_64 {
          %dma_wait3A_94 = arith.constant 0 : i32
          %dma_wait3A_95 = arith.constant 0 : i32
          %dma_wait3A_96 = arith.constant 0 : i32
          %dma_wait3A_97 = tpu.memref_slice %arg9[%dma_wait3A_94, %dma_wait3A_95, %dma_wait3A_96] : memref<2x128x128xf32, #tpu.memory_space<vmem>> -> memref<1x128x128xf32, #tpu.memory_space<vmem>>
          %dma_wait3A_98 = tpu.memref_squeeze %dma_wait3A_97 : memref<1x128x128xf32, #tpu.memory_space<vmem>> -> memref<128x128xf32, #tpu.memory_space<vmem>>
          %dma_wait3A_99 = arith.constant 0 : i32
          %dma_wait3A_100 = arith.constant 0 : i32
          %dma_wait3A_101 = tpu.memref_slice %arg6[%mul3A_2, %dma_wait3A_99, %dma_wait3A_100] : memref<2500x128x128xf32, #tpu.memory_space<hbm>> -> memref<1x128x128xf32, #tpu.memory_space<hbm>>
          %dma_wait3A_102 = tpu.memref_squeeze %dma_wait3A_101 : memref<1x128x128xf32, #tpu.memory_space<hbm>> -> memref<128x128xf32, #tpu.memory_space<hbm>>
          %dma_wait3A_103 = arith.constant 0 : i32
          %dma_wait3A_104 = arith.constant 0 : i32
          %dma_wait3A_105 = tpu.memref_slice %arg6[%mul3A_2, %dma_wait3A_103, %dma_wait3A_104] : memref<2500x128x128xf32, #tpu.memory_space<hbm>> -> memref<1x128x128xf32, #tpu.memory_space<hbm>>
          %dma_wait3A_106 = tpu.memref_squeeze %dma_wait3A_105 : memref<1x128x128xf32, #tpu.memory_space<hbm>> -> memref<128x128xf32, #tpu.memory_space<hbm>>
          %dma_wait3A_107 = arith.constant 0 : i32
          %dma_wait3A_108 = arith.constant 0 : i32
          %dma_wait3A_109 = tpu.memref_slice %arg9[%dma_wait3A_94, %dma_wait3A_107, %dma_wait3A_108] : memref<2x128x128xf32, #tpu.memory_space<vmem>> -> memref<1x128x128xf32, #tpu.memory_space<vmem>>
          %dma_wait3A_110 = tpu.memref_squeeze %dma_wait3A_109 : memref<1x128x128xf32, #tpu.memory_space<vmem>> -> memref<128x128xf32, #tpu.memory_space<vmem>>
          tpu.wait_dma2 semaphore(%arg15 : memref<!tpu.dma_semaphore, #tpu.memory_space<semaphore_mem>>) src(%dma_wait3A_110 : memref<128x128xf32, #tpu.memory_space<vmem>>) dst(%dma_wait3A_106 : memref<128x128xf32, #tpu.memory_space<hbm>>)
        } else {
        }
        %add3A_65 = arith.constant 1 : i32
        %add3A_66 = arith.addi %add3A_35, %add3A_65 : i32
        %lt3A_67 = arith.cmpi slt, %add3A_66, %min3A_4 : i32
        %convert_element_type3A_68 = arith.extui %lt3A_67 : i1 to i32
        %cond3A_69 = arith.constant 0 : i32
        %cond3A_70 = arith.cmpi ne, %convert_element_type3A_68, %cond3A_69 : i32
        scf.if %cond3A_70 {
          %dma_start3A_94 = arith.constant 0 : i32
          %dma_start3A_95 = arith.constant 0 : i32
          %dma_start3A_96 = arith.constant 0 : i32
          %dma_start3A_97 = tpu.memref_slice %arg9[%dma_start3A_94, %dma_start3A_95, %dma_start3A_96] : memref<2x128x128xf32, #tpu.memory_space<vmem>> -> memref<1x128x128xf32, #tpu.memory_space<vmem>>
          %dma_start3A_98 = tpu.memref_squeeze %dma_start3A_97 : memref<1x128x128xf32, #tpu.memory_space<vmem>> -> memref<128x128xf32, #tpu.memory_space<vmem>>
          %dma_start3A_99 = arith.constant 0 : i32
          %dma_start3A_100 = tpu.memref_slice %arg7[%add3A_66, %dma_start3A_99] : memref<80x128xi32, #tpu.memory_space<vmem>> -> memref<1x128xi32, #tpu.memory_space<vmem>>
          %dma_start3A_101 = tpu.memref_squeeze %dma_start3A_100 : memref<1x128xi32, #tpu.memory_space<vmem>> -> memref<128xi32, #tpu.memory_space<vmem>>
          %dma_start3A_102 = arith.constant 0 : i32
          %dma_start3A_103 = arith.constant 0 : i32
          %dma_start3A_104 = tpu.memref_slice %arg2[%dma_start3A_102, %dma_start3A_103] : memref<10240x128xf32, #tpu.memory_space<hbm>> -> memref<10240x128xf32, #tpu.memory_space<hbm>>
          tpu.enqueue_indirect_dma source(%dma_start3A_104 : memref<10240x128xf32, #tpu.memory_space<hbm>>) target(%dma_start3A_98 : memref<128x128xf32, #tpu.memory_space<vmem>>) offsets(%dma_start3A_101 : memref<128xi32, #tpu.memory_space<vmem>>) semaphore(%arg11 : memref<!tpu.dma_semaphore, #tpu.memory_space<semaphore_mem>>)
          %dma_start3A_105 = arith.constant 0 : i32
          %dma_start3A_106 = arith.constant 0 : i32
          %dma_start3A_107 = arith.constant 0 : i32
          %dma_start3A_108 = tpu.memref_slice %arg10[%dma_start3A_105, %dma_start3A_106, %dma_start3A_107] : memref<2x128x128xf32, #tpu.memory_space<vmem>> -> memref<1x128x128xf32, #tpu.memory_space<vmem>>
          %dma_start3A_109 = tpu.memref_squeeze %dma_start3A_108 : memref<1x128x128xf32, #tpu.memory_space<vmem>> -> memref<128x128xf32, #tpu.memory_space<vmem>>
          %dma_start3A_110 = arith.constant 0 : i32
          %dma_start3A_111 = tpu.memref_slice %arg8[%add3A_66, %dma_start3A_110] : memref<80x128xi32, #tpu.memory_space<vmem>> -> memref<1x128xi32, #tpu.memory_space<vmem>>
          %dma_start3A_112 = tpu.memref_squeeze %dma_start3A_111 : memref<1x128xi32, #tpu.memory_space<vmem>> -> memref<128xi32, #tpu.memory_space<vmem>>
          %dma_start3A_113 = arith.constant 0 : i32
          %dma_start3A_114 = arith.constant 0 : i32
          %dma_start3A_115 = tpu.memref_slice %arg3[%dma_start3A_113, %dma_start3A_114] : memref<10240x128xf32, #tpu.memory_space<hbm>> -> memref<10240x128xf32, #tpu.memory_space<hbm>>
          tpu.enqueue_indirect_dma source(%dma_start3A_115 : memref<10240x128xf32, #tpu.memory_space<hbm>>) target(%dma_start3A_109 : memref<128x128xf32, #tpu.memory_space<vmem>>) offsets(%dma_start3A_112 : memref<128xi32, #tpu.memory_space<vmem>>) semaphore(%arg13 : memref<!tpu.dma_semaphore, #tpu.memory_space<semaphore_mem>>)
        } else {
        }
        %scan3A_71 = arith.constant 0 : i32
        %scan3A_72 = arith.constant 0 : i32
        %scan3A_73 = arith.constant 128 : i32
        %scan3A_74 = arith.addi %scan3A_72, %scan3A_73 : i32
        %scan3A_75 = arith.constant 1 : i32
        scf.for %scan3A_94 = %scan3A_72 to %scan3A_74 step %scan3A_75  : i32 {
          %get3A = arith.constant 1 : i32
          %get3A_95 = arith.index_cast %get3A : i32 to index
          %get3A_96 = arith.index_cast %scan3A_94 : i32 to index
          %get3A_97 = arith.constant 0 : index
          %get3A_98 = tpu.vector_load %arg9[%get3A_95, %get3A_96, %get3A_97] {strides = array<i32>} : memref<2x128x128xf32, #tpu.memory_space<vmem>>, vector<1x1x16xf32>,
          %get3A_99 = vector.shape_cast %get3A_98 : vector<1x1x16xf32> to vector<16xf32>
          %get3A_100 = arith.constant 1 : i32
          %get3A_101 = arith.index_cast %get3A_100 : i32 to index
          %get3A_102 = arith.index_cast %scan3A_94 : i32 to index
          %get3A_103 = arith.constant 0 : index
          %get3A_104 = tpu.vector_load %arg10[%get3A_101, %get3A_102, %get3A_103] {strides = array<i32>} : memref<2x128x128xf32, #tpu.memory_space<vmem>>, vector<1x1x16xf32>,
          %get3A_105 = vector.shape_cast %get3A_104 : vector<1x1x16xf32> to vector<16xf32>
          %add3A_106 = arith.addf %get3A_99, %get3A_105 : vector<16xf32>
          %swap3A = arith.constant 1 : i32
          %swap3A_107 = arith.index_cast %swap3A : i32 to index
          %swap3A_108 = arith.index_cast %scan3A_94 : i32 to index
          %swap3A_109 = arith.constant 0 : index
          %swap3A_110 = tpu.vector_load %arg9[%swap3A_107, %swap3A_108, %swap3A_109] {strides = array<i32>} : memref<2x128x128xf32, #tpu.memory_space<vmem>>, vector<1x1x16xf32>,
          %swap3A_111 = vector.shape_cast %swap3A_110 : vector<1x1x16xf32> to vector<16xf32>
          %swap3A_112 = vector.shape_cast %add3A_106 : vector<16xf32> to vector<1x1x16xf32>
          tpu.vector_store %arg9[%swap3A_107, %swap3A_108, %swap3A_109], %swap3A_112 {strides = array<i32>} : memref<2x128x128xf32, #tpu.memory_space<vmem>>, vector<1x1x16xf32>,
          %get3A_113 = arith.constant 1 : i32
          %get3A_114 = arith.index_cast %get3A_113 : i32 to index
          %get3A_115 = arith.index_cast %scan3A_94 : i32 to index
          %get3A_116 = arith.constant 16 : index
          %get3A_117 = tpu.vector_load %arg9[%get3A_114, %get3A_115, %get3A_116] {strides = array<i32>} : memref<2x128x128xf32, #tpu.memory_space<vmem>>, vector<1x1x16xf32>,
          %get3A_118 = vector.shape_cast %get3A_117 : vector<1x1x16xf32> to vector<16xf32>
          %get3A_119 = arith.constant 1 : i32
          %get3A_120 = arith.index_cast %get3A_119 : i32 to index
          %get3A_121 = arith.index_cast %scan3A_94 : i32 to index
          %get3A_122 = arith.constant 16 : index
          %get3A_123 = tpu.vector_load %arg10[%get3A_120, %get3A_121, %get3A_122] {strides = array<i32>} : memref<2x128x128xf32, #tpu.memory_space<vmem>>, vector<1x1x16xf32>,
          %get3A_124 = vector.shape_cast %get3A_123 : vector<1x1x16xf32> to vector<16xf32>
          %add3A_125 = arith.addf %get3A_118, %get3A_124 : vector<16xf32>
          %swap3A_126 = arith.constant 1 : i32
          %swap3A_127 = arith.index_cast %swap3A_126 : i32 to index
          %swap3A_128 = arith.index_cast %scan3A_94 : i32 to index
          %swap3A_129 = arith.constant 16 : index
          %swap3A_130 = tpu.vector_load %arg9[%swap3A_127, %swap3A_128, %swap3A_129] {strides = array<i32>} : memref<2x128x128xf32, #tpu.memory_space<vmem>>, vector<1x1x16xf32>,
          %swap3A_131 = vector.shape_cast %swap3A_130 : vector<1x1x16xf32> to vector<16xf32>
          %swap3A_132 = vector.shape_cast %add3A_125 : vector<16xf32> to vector<1x1x16xf32>
          tpu.vector_store %arg9[%swap3A_127, %swap3A_128, %swap3A_129], %swap3A_132 {strides = array<i32>} : memref<2x128x128xf32, #tpu.memory_space<vmem>>, vector<1x1x16xf32>,
          %get3A_133 = arith.constant 1 : i32
          %get3A_134 = arith.index_cast %get3A_133 : i32 to index
          %get3A_135 = arith.index_cast %scan3A_94 : i32 to index
          %get3A_136 = arith.constant 32 : index
          %get3A_137 = tpu.vector_load %arg9[%get3A_134, %get3A_135, %get3A_136] {strides = array<i32>} : memref<2x128x128xf32, #tpu.memory_space<vmem>>, vector<1x1x16xf32>,
          %get3A_138 = vector.shape_cast %get3A_137 : vector<1x1x16xf32> to vector<16xf32>
          %get3A_139 = arith.constant 1 : i32
          %get3A_140 = arith.index_cast %get3A_139 : i32 to index
          %get3A_141 = arith.index_cast %scan3A_94 : i32 to index
          %get3A_142 = arith.constant 32 : index
          %get3A_143 = tpu.vector_load %arg10[%get3A_140, %get3A_141, %get3A_142] {strides = array<i32>} : memref<2x128x128xf32, #tpu.memory_space<vmem>>, vector<1x1x16xf32>,
          %get3A_144 = vector.shape_cast %get3A_143 : vector<1x1x16xf32> to vector<16xf32>
          %add3A_145 = arith.addf %get3A_138, %get3A_144 : vector<16xf32>
          %swap3A_146 = arith.constant 1 : i32
          %swap3A_147 = arith.index_cast %swap3A_146 : i32 to index
          %swap3A_148 = arith.index_cast %scan3A_94 : i32 to index
          %swap3A_149 = arith.constant 32 : index
          %swap3A_150 = tpu.vector_load %arg9[%swap3A_147, %swap3A_148, %swap3A_149] {strides = array<i32>} : memref<2x128x128xf32, #tpu.memory_space<vmem>>, vector<1x1x16xf32>,
          %swap3A_151 = vector.shape_cast %swap3A_150 : vector<1x1x16xf32> to vector<16xf32>
          %swap3A_152 = vector.shape_cast %add3A_145 : vector<16xf32> to vector<1x1x16xf32>
          tpu.vector_store %arg9[%swap3A_147, %swap3A_148, %swap3A_149], %swap3A_152 {strides = array<i32>} : memref<2x128x128xf32, #tpu.memory_space<vmem>>, vector<1x1x16xf32>,
          %get3A_153 = arith.constant 1 : i32
          %get3A_154 = arith.index_cast %get3A_153 : i32 to index
          %get3A_155 = arith.index_cast %scan3A_94 : i32 to index
          %get3A_156 = arith.constant 48 : index
          %get3A_157 = tpu.vector_load %arg9[%get3A_154, %get3A_155, %get3A_156] {strides = array<i32>} : memref<2x128x128xf32, #tpu.memory_space<vmem>>, vector<1x1x16xf32>,
          %get3A_158 = vector.shape_cast %get3A_157 : vector<1x1x16xf32> to vector<16xf32>
          %get3A_159 = arith.constant 1 : i32
          %get3A_160 = arith.index_cast %get3A_159 : i32 to index
          %get3A_161 = arith.index_cast %scan3A_94 : i32 to index
          %get3A_162 = arith.constant 48 : index
          %get3A_163 = tpu.vector_load %arg10[%get3A_160, %get3A_161, %get3A_162] {strides = array<i32>} : memref<2x128x128xf32, #tpu.memory_space<vmem>>, vector<1x1x16xf32>,
          %get3A_164 = vector.shape_cast %get3A_163 : vector<1x1x16xf32> to vector<16xf32>
          %add3A_165 = arith.addf %get3A_158, %get3A_164 : vector<16xf32>
          %swap3A_166 = arith.constant 1 : i32
          %swap3A_167 = arith.index_cast %swap3A_166 : i32 to index
          %swap3A_168 = arith.index_cast %scan3A_94 : i32 to index
          %swap3A_169 = arith.constant 48 : index
          %swap3A_170 = tpu.vector_load %arg9[%swap3A_167, %swap3A_168, %swap3A_169] {strides = array<i32>} : memref<2x128x128xf32, #tpu.memory_space<vmem>>, vector<1x1x16xf32>,
          %swap3A_171 = vector.shape_cast %swap3A_170 : vector<1x1x16xf32> to vector<16xf32>
          %swap3A_172 = vector.shape_cast %add3A_165 : vector<16xf32> to vector<1x1x16xf32>
          tpu.vector_store %arg9[%swap3A_167, %swap3A_168, %swap3A_169], %swap3A_172 {strides = array<i32>} : memref<2x128x128xf32, #tpu.memory_space<vmem>>, vector<1x1x16xf32>,
          %get3A_173 = arith.constant 1 : i32
          %get3A_174 = arith.index_cast %get3A_173 : i32 to index
          %get3A_175 = arith.index_cast %scan3A_94 : i32 to index
          %get3A_176 = arith.constant 64 : index
          %get3A_177 = tpu.vector_load %arg9[%get3A_174, %get3A_175, %get3A_176] {strides = array<i32>} : memref<2x128x128xf32, #tpu.memory_space<vmem>>, vector<1x1x16xf32>,
          %get3A_178 = vector.shape_cast %get3A_177 : vector<1x1x16xf32> to vector<16xf32>
          %get3A_179 = arith.constant 1 : i32
          %get3A_180 = arith.index_cast %get3A_179 : i32 to index
          %get3A_181 = arith.index_cast %scan3A_94 : i32 to index
          %get3A_182 = arith.constant 64 : index
          %get3A_183 = tpu.vector_load %arg10[%get3A_180, %get3A_181, %get3A_182] {strides = array<i32>} : memref<2x128x128xf32, #tpu.memory_space<vmem>>, vector<1x1x16xf32>,
          %get3A_184 = vector.shape_cast %get3A_183 : vector<1x1x16xf32> to vector<16xf32>
          %add3A_185 = arith.addf %get3A_178, %get3A_184 : vector<16xf32>
          %swap3A_186 = arith.constant 1 : i32
          %swap3A_187 = arith.index_cast %swap3A_186 : i32 to index
          %swap3A_188 = arith.index_cast %scan3A_94 : i32 to index
          %swap3A_189 = arith.constant 64 : index
          %swap3A_190 = tpu.vector_load %arg9[%swap3A_187, %swap3A_188, %swap3A_189] {strides = array<i32>} : memref<2x128x128xf32, #tpu.memory_space<vmem>>, vector<1x1x16xf32>,
          %swap3A_191 = vector.shape_cast %swap3A_190 : vector<1x1x16xf32> to vector<16xf32>
          %swap3A_192 = vector.shape_cast %add3A_185 : vector<16xf32> to vector<1x1x16xf32>
          tpu.vector_store %arg9[%swap3A_187, %swap3A_188, %swap3A_189], %swap3A_192 {strides = array<i32>} : memref<2x128x128xf32, #tpu.memory_space<vmem>>, vector<1x1x16xf32>,
          %get3A_193 = arith.constant 1 : i32
          %get3A_194 = arith.index_cast %get3A_193 : i32 to index
          %get3A_195 = arith.index_cast %scan3A_94 : i32 to index
          %get3A_196 = arith.constant 80 : index
          %get3A_197 = tpu.vector_load %arg9[%get3A_194, %get3A_195, %get3A_196] {strides = array<i32>} : memref<2x128x128xf32, #tpu.memory_space<vmem>>, vector<1x1x16xf32>,
          %get3A_198 = vector.shape_cast %get3A_197 : vector<1x1x16xf32> to vector<16xf32>
          %get3A_199 = arith.constant 1 : i32
          %get3A_200 = arith.index_cast %get3A_199 : i32 to index
          %get3A_201 = arith.index_cast %scan3A_94 : i32 to index
          %get3A_202 = arith.constant 80 : index
          %get3A_203 = tpu.vector_load %arg10[%get3A_200, %get3A_201, %get3A_202] {strides = array<i32>} : memref<2x128x128xf32, #tpu.memory_space<vmem>>, vector<1x1x16xf32>,
          %get3A_204 = vector.shape_cast %get3A_203 : vector<1x1x16xf32> to vector<16xf32>
          %add3A_205 = arith.addf %get3A_198, %get3A_204 : vector<16xf32>
          %swap3A_206 = arith.constant 1 : i32
          %swap3A_207 = arith.index_cast %swap3A_206 : i32 to index
          %swap3A_208 = arith.index_cast %scan3A_94 : i32 to index
          %swap3A_209 = arith.constant 80 : index
          %swap3A_210 = tpu.vector_load %arg9[%swap3A_207, %swap3A_208, %swap3A_209] {strides = array<i32>} : memref<2x128x128xf32, #tpu.memory_space<vmem>>, vector<1x1x16xf32>,
          %swap3A_211 = vector.shape_cast %swap3A_210 : vector<1x1x16xf32> to vector<16xf32>
          %swap3A_212 = vector.shape_cast %add3A_205 : vector<16xf32> to vector<1x1x16xf32>
          tpu.vector_store %arg9[%swap3A_207, %swap3A_208, %swap3A_209], %swap3A_212 {strides = array<i32>} : memref<2x128x128xf32, #tpu.memory_space<vmem>>, vector<1x1x16xf32>,
          %get3A_213 = arith.constant 1 : i32
          %get3A_214 = arith.index_cast %get3A_213 : i32 to index
          %get3A_215 = arith.index_cast %scan3A_94 : i32 to index
          %get3A_216 = arith.constant 96 : index
          %get3A_217 = tpu.vector_load %arg9[%get3A_214, %get3A_215, %get3A_216] {strides = array<i32>} : memref<2x128x128xf32, #tpu.memory_space<vmem>>, vector<1x1x16xf32>,
          %get3A_218 = vector.shape_cast %get3A_217 : vector<1x1x16xf32> to vector<16xf32>
          %get3A_219 = arith.constant 1 : i32
          %get3A_220 = arith.index_cast %get3A_219 : i32 to index
          %get3A_221 = arith.index_cast %scan3A_94 : i32 to index
          %get3A_222 = arith.constant 96 : index
          %get3A_223 = tpu.vector_load %arg10[%get3A_220, %get3A_221, %get3A_222] {strides = array<i32>} : memref<2x128x128xf32, #tpu.memory_space<vmem>>, vector<1x1x16xf32>,
          %get3A_224 = vector.shape_cast %get3A_223 : vector<1x1x16xf32> to vector<16xf32>
          %add3A_225 = arith.addf %get3A_218, %get3A_224 : vector<16xf32>
          %swap3A_226 = arith.constant 1 : i32
          %swap3A_227 = arith.index_cast %swap3A_226 : i32 to index
          %swap3A_228 = arith.index_cast %scan3A_94 : i32 to index
          %swap3A_229 = arith.constant 96 : index
          %swap3A_230 = tpu.vector_load %arg9[%swap3A_227, %swap3A_228, %swap3A_229] {strides = array<i32>} : memref<2x128x128xf32, #tpu.memory_space<vmem>>, vector<1x1x16xf32>,
          %swap3A_231 = vector.shape_cast %swap3A_230 : vector<1x1x16xf32> to vector<16xf32>
          %swap3A_232 = vector.shape_cast %add3A_225 : vector<16xf32> to vector<1x1x16xf32>
          tpu.vector_store %arg9[%swap3A_227, %swap3A_228, %swap3A_229], %swap3A_232 {strides = array<i32>} : memref<2x128x128xf32, #tpu.memory_space<vmem>>, vector<1x1x16xf32>,
          %get3A_233 = arith.constant 1 : i32
          %get3A_234 = arith.index_cast %get3A_233 : i32 to index
          %get3A_235 = arith.index_cast %scan3A_94 : i32 to index
          %get3A_236 = arith.constant 112 : index
          %get3A_237 = tpu.vector_load %arg9[%get3A_234, %get3A_235, %get3A_236] {strides = array<i32>} : memref<2x128x128xf32, #tpu.memory_space<vmem>>, vector<1x1x16xf32>,
          %get3A_238 = vector.shape_cast %get3A_237 : vector<1x1x16xf32> to vector<16xf32>
          %get3A_239 = arith.constant 1 : i32
          %get3A_240 = arith.index_cast %get3A_239 : i32 to index
          %get3A_241 = arith.index_cast %scan3A_94 : i32 to index
          %get3A_242 = arith.constant 112 : index
          %get3A_243 = tpu.vector_load %arg10[%get3A_240, %get3A_241, %get3A_242] {strides = array<i32>} : memref<2x128x128xf32, #tpu.memory_space<vmem>>, vector<1x1x16xf32>,
          %get3A_244 = vector.shape_cast %get3A_243 : vector<1x1x16xf32> to vector<16xf32>
          %add3A_245 = arith.addf %get3A_238, %get3A_244 : vector<16xf32>
          %swap3A_246 = arith.constant 1 : i32
          %swap3A_247 = arith.index_cast %swap3A_246 : i32 to index
          %swap3A_248 = arith.index_cast %scan3A_94 : i32 to index
          %swap3A_249 = arith.constant 112 : index
          %swap3A_250 = tpu.vector_load %arg9[%swap3A_247, %swap3A_248, %swap3A_249] {strides = array<i32>} : memref<2x128x128xf32, #tpu.memory_space<vmem>>, vector<1x1x16xf32>,
          %swap3A_251 = vector.shape_cast %swap3A_250 : vector<1x1x16xf32> to vector<16xf32>
          %swap3A_252 = vector.shape_cast %add3A_245 : vector<16xf32> to vector<1x1x16xf32>
          tpu.vector_store %arg9[%swap3A_247, %swap3A_248, %swap3A_249], %swap3A_252 {strides = array<i32>} : memref<2x128x128xf32, #tpu.memory_space<vmem>>, vector<1x1x16xf32>,
        }
        %scan3A_76 = arith.constant 128 : i32
        %add3A_77 = arith.addi %mul3A_2, %add3A_35 : i32
        %dma_start3A = arith.constant 1 : i32
        %dma_start3A_78 = arith.constant 0 : i32
        %dma_start3A_79 = arith.constant 0 : i32
        %dma_start3A_80 = tpu.memref_slice %arg9[%dma_start3A, %dma_start3A_78, %dma_start3A_79] : memref<2x128x128xf32, #tpu.memory_space<vmem>> -> memref<1x128x128xf32, #tpu.memory_space<vmem>>
        %dma_start3A_81 = tpu.memref_squeeze %dma_start3A_80 : memref<1x128x128xf32, #tpu.memory_space<vmem>> -> memref<128x128xf32, #tpu.memory_space<vmem>>
        %dma_start3A_82 = arith.constant 0 : i32
        %dma_start3A_83 = arith.constant 0 : i32
        %dma_start3A_84 = tpu.memref_slice %arg6[%add3A_77, %dma_start3A_82, %dma_start3A_83] : memref<2500x128x128xf32, #tpu.memory_space<hbm>> -> memref<1x128x128xf32, #tpu.memory_space<hbm>>
        %dma_start3A_85 = tpu.memref_squeeze %dma_start3A_84 : memref<1x128x128xf32, #tpu.memory_space<hbm>> -> memref<128x128xf32, #tpu.memory_space<hbm>>
        %dma_start3A_86 = arith.constant 0 : i32
        %dma_start3A_87 = arith.constant 0 : i32
        %dma_start3A_88 = tpu.memref_slice %arg6[%add3A_77, %dma_start3A_86, %dma_start3A_87] : memref<2500x128x128xf32, #tpu.memory_space<hbm>> -> memref<1x128x128xf32, #tpu.memory_space<hbm>>
        %dma_start3A_89 = tpu.memref_squeeze %dma_start3A_88 : memref<1x128x128xf32, #tpu.memory_space<hbm>> -> memref<128x128xf32, #tpu.memory_space<hbm>>
        %dma_start3A_90 = arith.constant 0 : i32
        %dma_start3A_91 = arith.constant 0 : i32
        %dma_start3A_92 = tpu.memref_slice %arg9[%dma_start3A, %dma_start3A_90, %dma_start3A_91] : memref<2x128x128xf32, #tpu.memory_space<vmem>> -> memref<1x128x128xf32, #tpu.memory_space<vmem>>
        %dma_start3A_93 = tpu.memref_squeeze %dma_start3A_92 : memref<1x128x128xf32, #tpu.memory_space<vmem>> -> memref<128x128xf32, #tpu.memory_space<vmem>>
        tpu.enqueue_dma source(%dma_start3A_93 : memref<128x128xf32, #tpu.memory_space<vmem>>) target(%dma_start3A_89 : memref<128x128xf32, #tpu.memory_space<hbm>>) target_semaphore(%arg16 : memref<!tpu.dma_semaphore, #tpu.memory_space<semaphore_mem>>)
      } else {
      }
    }
    %scan3A_11 = arith.constant 40 : i32
    %sub3A_12 = arith.constant 1 : i32
    %sub3A_13 = arith.subi %min3A_4, %sub3A_12 : i32
    %rem3A = arith.constant 2 : i32
    %rem3A_14 = arith.remsi %sub3A_13, %rem3A : i32
    %eq3A = arith.constant 0 : i32
    %eq3A_15 = arith.cmpi eq, %rem3A_14, %eq3A : i32
    %convert_element_type3A_16 = arith.extui %eq3A_15 : i1 to i32
    %cond3A_17 = arith.constant 0 : i32
    %cond3A_18 = arith.cmpi ne, %convert_element_type3A_16, %cond3A_17 : i32
    scf.if %cond3A_18 {
      %dma_wait3A = arith.constant 0 : i32
      %dma_wait3A_24 = arith.constant 0 : i32
      %dma_wait3A_25 = arith.constant 0 : i32
      %dma_wait3A_26 = tpu.memref_slice %arg9[%dma_wait3A, %dma_wait3A_24, %dma_wait3A_25] : memref<2x128x128xf32, #tpu.memory_space<vmem>> -> memref<1x128x128xf32, #tpu.memory_space<vmem>>
      %dma_wait3A_27 = tpu.memref_squeeze %dma_wait3A_26 : memref<1x128x128xf32, #tpu.memory_space<vmem>> -> memref<128x128xf32, #tpu.memory_space<vmem>>
      %dma_wait3A_28 = arith.constant 0 : i32
      %dma_wait3A_29 = arith.constant 0 : i32
      %dma_wait3A_30 = tpu.memref_slice %arg6[%mul3A_2, %dma_wait3A_28, %dma_wait3A_29] : memref<2500x128x128xf32, #tpu.memory_space<hbm>> -> memref<1x128x128xf32, #tpu.memory_space<hbm>>
      %dma_wait3A_31 = tpu.memref_squeeze %dma_wait3A_30 : memref<1x128x128xf32, #tpu.memory_space<hbm>> -> memref<128x128xf32, #tpu.memory_space<hbm>>
      %dma_wait3A_32 = arith.constant 0 : i32
      %dma_wait3A_33 = arith.constant 0 : i32
      %dma_wait3A_34 = tpu.memref_slice %arg6[%mul3A_2, %dma_wait3A_32, %dma_wait3A_33] : memref<2500x128x128xf32, #tpu.memory_space<hbm>> -> memref<1x128x128xf32, #tpu.memory_space<hbm>>
      %dma_wait3A_35 = tpu.memref_squeeze %dma_wait3A_34 : memref<1x128x128xf32, #tpu.memory_space<hbm>> -> memref<128x128xf32, #tpu.memory_space<hbm>>
      %dma_wait3A_36 = arith.constant 0 : i32
      %dma_wait3A_37 = arith.constant 0 : i32
      %dma_wait3A_38 = tpu.memref_slice %arg9[%dma_wait3A, %dma_wait3A_36, %dma_wait3A_37] : memref<2x128x128xf32, #tpu.memory_space<vmem>> -> memref<1x128x128xf32, #tpu.memory_space<vmem>>
      %dma_wait3A_39 = tpu.memref_squeeze %dma_wait3A_38 : memref<1x128x128xf32, #tpu.memory_space<vmem>> -> memref<128x128xf32, #tpu.memory_space<vmem>>
      tpu.wait_dma2 semaphore(%arg15 : memref<!tpu.dma_semaphore, #tpu.memory_space<semaphore_mem>>) src(%dma_wait3A_39 : memref<128x128xf32, #tpu.memory_space<vmem>>) dst(%dma_wait3A_35 : memref<128x128xf32, #tpu.memory_space<hbm>>)
    } else {
    }
    %eq3A_19 = arith.constant 1 : i32
    %eq3A_20 = arith.cmpi eq, %rem3A_14, %eq3A_19 : i32
    %convert_element_type3A_21 = arith.extui %eq3A_20 : i1 to i32
    %cond3A_22 = arith.constant 0 : i32
    %cond3A_23 = arith.cmpi ne, %convert_element_type3A_21, %cond3A_22 : i32
    scf.if %cond3A_23 {
      %dma_wait3A = arith.constant 1 : i32
      %dma_wait3A_24 = arith.constant 0 : i32
      %dma_wait3A_25 = arith.constant 0 : i32
      %dma_wait3A_26 = tpu.memref_slice %arg9[%dma_wait3A, %dma_wait3A_24, %dma_wait3A_25] : memref<2x128x128xf32, #tpu.memory_space<vmem>> -> memref<1x128x128xf32, #tpu.memory_space<vmem>>
      %dma_wait3A_27 = tpu.memref_squeeze %dma_wait3A_26 : memref<1x128x128xf32, #tpu.memory_space<vmem>> -> memref<128x128xf32, #tpu.memory_space<vmem>>
      %dma_wait3A_28 = arith.constant 0 : i32
      %dma_wait3A_29 = arith.constant 0 : i32
      %dma_wait3A_30 = tpu.memref_slice %arg6[%mul3A_2, %dma_wait3A_28, %dma_wait3A_29] : memref<2500x128x128xf32, #tpu.memory_space<hbm>> -> memref<1x128x128xf32, #tpu.memory_space<hbm>>
      %dma_wait3A_31 = tpu.memref_squeeze %dma_wait3A_30 : memref<1x128x128xf32, #tpu.memory_space<hbm>> -> memref<128x128xf32, #tpu.memory_space<hbm>>
      %dma_wait3A_32 = arith.constant 0 : i32
      %dma_wait3A_33 = arith.constant 0 : i32
      %dma_wait3A_34 = tpu.memref_slice %arg6[%mul3A_2, %dma_wait3A_32, %dma_wait3A_33] : memref<2500x128x128xf32, #tpu.memory_space<hbm>> -> memref<1x128x128xf32, #tpu.memory_space<hbm>>
      %dma_wait3A_35 = tpu.memref_squeeze %dma_wait3A_34 : memref<1x128x128xf32, #tpu.memory_space<hbm>> -> memref<128x128xf32, #tpu.memory_space<hbm>>
      %dma_wait3A_36 = arith.constant 0 : i32
      %dma_wait3A_37 = arith.constant 0 : i32
      %dma_wait3A_38 = tpu.memref_slice %arg9[%dma_wait3A, %dma_wait3A_36, %dma_wait3A_37] : memref<2x128x128xf32, #tpu.memory_space<vmem>> -> memref<1x128x128xf32, #tpu.memory_space<vmem>>
      %dma_wait3A_39 = tpu.memref_squeeze %dma_wait3A_38 : memref<1x128x128xf32, #tpu.memory_space<vmem>> -> memref<128x128xf32, #tpu.memory_space<vmem>>
      tpu.wait_dma2 semaphore(%arg16 : memref<!tpu.dma_semaphore, #tpu.memory_space<semaphore_mem>>) src(%dma_wait3A_39 : memref<128x128xf32, #tpu.memory_space<vmem>>) dst(%dma_wait3A_35 : memref<128x128xf32, #tpu.memory_space<hbm>>)
    } else {
    }
    return
  }
}

#map = affine_map<(d0, d1) -> (0, 0, 0)>
#map1 = affine_map<(d0, d1) -> (0, 0)>
module attributes {stable_mosaic.version = 14 : i64} {
  func.func @k(%arg0: i32, %arg1: i32, %arg2: memref<2500x128x128xf32, #tpu.memory_space<hbm>>, %arg3: memref<2560x128xi32, #tpu.memory_space<hbm>>, %arg4: memref<2x10240x128xf32, #tpu.memory_space<hbm>>, %arg5: memref<80x128xi32, #tpu.memory_space<vmem>>, %arg6: memref<2x128x128xf32, #tpu.memory_space<vmem>>, %arg7: memref<10240x128xf32, #tpu.memory_space<vmem_shared>>, %arg8: memref<!tpu.dma_semaphore, #tpu.memory_space<semaphore_mem>>, %arg9: memref<!tpu.dma_semaphore, #tpu.memory_space<semaphore_mem>>) attributes {dimension_semantics = [#tpu.dimension_semantics<core_parallel>, #tpu.dimension_semantics<subcore_parallel>], iteration_bounds = array<i64: 2, 16>, scalar_prefetch = 0 : i64, scratch_operands = 5 : i64, tpu.core_type = #tpu.core_type<sc_vector_subcore>, window_params = [{transform_indices = #map}, {transform_indices = #map1}, {transform_indices = #map}]} {
    %mul3A = arith.constant 2 : i32
    %mul3A_0 = arith.muli %arg1, %mul3A : i32
    %add3A = arith.addi %mul3A_0, %arg0 : i32
    %mul3A_1 = arith.constant 80 : i32
    %mul3A_2 = arith.muli %add3A, %mul3A_1 : i32
    %sub3A = arith.constant 2500 : i32
    %sub3A_3 = arith.subi %sub3A, %mul3A_2 : i32
    %min3A = arith.constant 80 : i32
    %min3A_4 = arith.minsi %min3A, %sub3A_3 : i32
    %scan3A = arith.constant 0 : i32
    %scan3A_5 = arith.constant 0 : i32
    %scan3A_6 = arith.constant 128 : i32
    %scan3A_7 = arith.addi %scan3A_5, %scan3A_6 : i32
    %scan3A_8 = arith.constant 1 : i32
    scf.for %scan3A_45 = %scan3A_5 to %scan3A_7 step %scan3A_8  : i32 {
      %broadcast_in_dim3A = arith.constant 0.000000e+00 : f32
      %broadcast_in_dim3A_46 = vector.broadcast %broadcast_in_dim3A : f32 to vector<16xf32>
      %swap3A = arith.constant 0 : i32
      %swap3A_47 = arith.index_cast %swap3A : i32 to index
      %swap3A_48 = arith.index_cast %scan3A_45 : i32 to index
      %swap3A_49 = arith.constant 0 : index
      %swap3A_50 = tpu.vector_load %arg6[%swap3A_47, %swap3A_48, %swap3A_49] {strides = array<i32>} : memref<2x128x128xf32, #tpu.memory_space<vmem>>, vector<1x1x16xf32>,
      %swap3A_51 = vector.shape_cast %swap3A_50 : vector<1x1x16xf32> to vector<16xf32>
      %swap3A_52 = vector.shape_cast %broadcast_in_dim3A_46 : vector<16xf32> to vector<1x1x16xf32>
      tpu.vector_store %arg6[%swap3A_47, %swap3A_48, %swap3A_49], %swap3A_52 {strides = array<i32>} : memref<2x128x128xf32, #tpu.memory_space<vmem>>, vector<1x1x16xf32>,
      %broadcast_in_dim3A_53 = arith.constant 0.000000e+00 : f32
      %broadcast_in_dim3A_54 = vector.broadcast %broadcast_in_dim3A_53 : f32 to vector<16xf32>
      %swap3A_55 = arith.constant 0 : i32
      %swap3A_56 = arith.index_cast %swap3A_55 : i32 to index
      %swap3A_57 = arith.index_cast %scan3A_45 : i32 to index
      %swap3A_58 = arith.constant 16 : index
      %swap3A_59 = tpu.vector_load %arg6[%swap3A_56, %swap3A_57, %swap3A_58] {strides = array<i32>} : memref<2x128x128xf32, #tpu.memory_space<vmem>>, vector<1x1x16xf32>,
      %swap3A_60 = vector.shape_cast %swap3A_59 : vector<1x1x16xf32> to vector<16xf32>
      %swap3A_61 = vector.shape_cast %broadcast_in_dim3A_54 : vector<16xf32> to vector<1x1x16xf32>
      tpu.vector_store %arg6[%swap3A_56, %swap3A_57, %swap3A_58], %swap3A_61 {strides = array<i32>} : memref<2x128x128xf32, #tpu.memory_space<vmem>>, vector<1x1x16xf32>,
      %broadcast_in_dim3A_62 = arith.constant 0.000000e+00 : f32
      %broadcast_in_dim3A_63 = vector.broadcast %broadcast_in_dim3A_62 : f32 to vector<16xf32>
      %swap3A_64 = arith.constant 0 : i32
      %swap3A_65 = arith.index_cast %swap3A_64 : i32 to index
      %swap3A_66 = arith.index_cast %scan3A_45 : i32 to index
      %swap3A_67 = arith.constant 32 : index
      %swap3A_68 = tpu.vector_load %arg6[%swap3A_65, %swap3A_66, %swap3A_67] {strides = array<i32>} : memref<2x128x128xf32, #tpu.memory_space<vmem>>, vector<1x1x16xf32>,
      %swap3A_69 = vector.shape_cast %swap3A_68 : vector<1x1x16xf32> to vector<16xf32>
      %swap3A_70 = vector.shape_cast %broadcast_in_dim3A_63 : vector<16xf32> to vector<1x1x16xf32>
      tpu.vector_store %arg6[%swap3A_65, %swap3A_66, %swap3A_67], %swap3A_70 {strides = array<i32>} : memref<2x128x128xf32, #tpu.memory_space<vmem>>, vector<1x1x16xf32>,
      %broadcast_in_dim3A_71 = arith.constant 0.000000e+00 : f32
      %broadcast_in_dim3A_72 = vector.broadcast %broadcast_in_dim3A_71 : f32 to vector<16xf32>
      %swap3A_73 = arith.constant 0 : i32
      %swap3A_74 = arith.index_cast %swap3A_73 : i32 to index
      %swap3A_75 = arith.index_cast %scan3A_45 : i32 to index
      %swap3A_76 = arith.constant 48 : index
      %swap3A_77 = tpu.vector_load %arg6[%swap3A_74, %swap3A_75, %swap3A_76] {strides = array<i32>} : memref<2x128x128xf32, #tpu.memory_space<vmem>>, vector<1x1x16xf32>,
      %swap3A_78 = vector.shape_cast %swap3A_77 : vector<1x1x16xf32> to vector<16xf32>
      %swap3A_79 = vector.shape_cast %broadcast_in_dim3A_72 : vector<16xf32> to vector<1x1x16xf32>
      tpu.vector_store %arg6[%swap3A_74, %swap3A_75, %swap3A_76], %swap3A_79 {strides = array<i32>} : memref<2x128x128xf32, #tpu.memory_space<vmem>>, vector<1x1x16xf32>,
      %broadcast_in_dim3A_80 = arith.constant 0.000000e+00 : f32
      %broadcast_in_dim3A_81 = vector.broadcast %broadcast_in_dim3A_80 : f32 to vector<16xf32>
      %swap3A_82 = arith.constant 0 : i32
      %swap3A_83 = arith.index_cast %swap3A_82 : i32 to index
      %swap3A_84 = arith.index_cast %scan3A_45 : i32 to index
      %swap3A_85 = arith.constant 64 : index
      %swap3A_86 = tpu.vector_load %arg6[%swap3A_83, %swap3A_84, %swap3A_85] {strides = array<i32>} : memref<2x128x128xf32, #tpu.memory_space<vmem>>, vector<1x1x16xf32>,
      %swap3A_87 = vector.shape_cast %swap3A_86 : vector<1x1x16xf32> to vector<16xf32>
      %swap3A_88 = vector.shape_cast %broadcast_in_dim3A_81 : vector<16xf32> to vector<1x1x16xf32>
      tpu.vector_store %arg6[%swap3A_83, %swap3A_84, %swap3A_85], %swap3A_88 {strides = array<i32>} : memref<2x128x128xf32, #tpu.memory_space<vmem>>, vector<1x1x16xf32>,
      %broadcast_in_dim3A_89 = arith.constant 0.000000e+00 : f32
      %broadcast_in_dim3A_90 = vector.broadcast %broadcast_in_dim3A_89 : f32 to vector<16xf32>
      %swap3A_91 = arith.constant 0 : i32
      %swap3A_92 = arith.index_cast %swap3A_91 : i32 to index
      %swap3A_93 = arith.index_cast %scan3A_45 : i32 to index
      %swap3A_94 = arith.constant 80 : index
      %swap3A_95 = tpu.vector_load %arg6[%swap3A_92, %swap3A_93, %swap3A_94] {strides = array<i32>} : memref<2x128x128xf32, #tpu.memory_space<vmem>>, vector<1x1x16xf32>,
      %swap3A_96 = vector.shape_cast %swap3A_95 : vector<1x1x16xf32> to vector<16xf32>
      %swap3A_97 = vector.shape_cast %broadcast_in_dim3A_90 : vector<16xf32> to vector<1x1x16xf32>
      tpu.vector_store %arg6[%swap3A_92, %swap3A_93, %swap3A_94], %swap3A_97 {strides = array<i32>} : memref<2x128x128xf32, #tpu.memory_space<vmem>>, vector<1x1x16xf32>,
      %broadcast_in_dim3A_98 = arith.constant 0.000000e+00 : f32
      %broadcast_in_dim3A_99 = vector.broadcast %broadcast_in_dim3A_98 : f32 to vector<16xf32>
      %swap3A_100 = arith.constant 0 : i32
      %swap3A_101 = arith.index_cast %swap3A_100 : i32 to index
      %swap3A_102 = arith.index_cast %scan3A_45 : i32 to index
      %swap3A_103 = arith.constant 96 : index
      %swap3A_104 = tpu.vector_load %arg6[%swap3A_101, %swap3A_102, %swap3A_103] {strides = array<i32>} : memref<2x128x128xf32, #tpu.memory_space<vmem>>, vector<1x1x16xf32>,
      %swap3A_105 = vector.shape_cast %swap3A_104 : vector<1x1x16xf32> to vector<16xf32>
      %swap3A_106 = vector.shape_cast %broadcast_in_dim3A_99 : vector<16xf32> to vector<1x1x16xf32>
      tpu.vector_store %arg6[%swap3A_101, %swap3A_102, %swap3A_103], %swap3A_106 {strides = array<i32>} : memref<2x128x128xf32, #tpu.memory_space<vmem>>, vector<1x1x16xf32>,
      %broadcast_in_dim3A_107 = arith.constant 0.000000e+00 : f32
      %broadcast_in_dim3A_108 = vector.broadcast %broadcast_in_dim3A_107 : f32 to vector<16xf32>
      %swap3A_109 = arith.constant 0 : i32
      %swap3A_110 = arith.index_cast %swap3A_109 : i32 to index
      %swap3A_111 = arith.index_cast %scan3A_45 : i32 to index
      %swap3A_112 = arith.constant 112 : index
      %swap3A_113 = tpu.vector_load %arg6[%swap3A_110, %swap3A_111, %swap3A_112] {strides = array<i32>} : memref<2x128x128xf32, #tpu.memory_space<vmem>>, vector<1x1x16xf32>,
      %swap3A_114 = vector.shape_cast %swap3A_113 : vector<1x1x16xf32> to vector<16xf32>
      %swap3A_115 = vector.shape_cast %broadcast_in_dim3A_108 : vector<16xf32> to vector<1x1x16xf32>
      tpu.vector_store %arg6[%swap3A_110, %swap3A_111, %swap3A_112], %swap3A_115 {strides = array<i32>} : memref<2x128x128xf32, #tpu.memory_space<vmem>>, vector<1x1x16xf32>,
    }
    %scan3A_9 = arith.constant 128 : i32
    %mul3A_10 = arith.constant 640 : i32
    %mul3A_11 = arith.muli %arg1, %mul3A_10 : i32
    %add3A_12 = arith.constant 0 : i32
    %add3A_13 = arith.addi %mul3A_11, %add3A_12 : i32
    %run_scoped3A = arith.constant 0 : i32
    "tpu.region"() ({
      %run_scoped3A_45 = tpu.sem_alloc : memref<!tpu.dma_semaphore, #tpu.memory_space<semaphore_mem>>
      %dma_start3A = arith.constant 0 : i32
      %dma_start3A_46 = arith.constant 0 : i32
      %dma_start3A_47 = tpu.memref_slice %arg6[%run_scoped3A, %dma_start3A, %dma_start3A_46] : memref<2x128x128xf32, #tpu.memory_space<vmem>> -> memref<1x128x128xf32, #tpu.memory_space<vmem>>
      %dma_start3A_48 = tpu.memref_squeeze %dma_start3A_47 : memref<1x128x128xf32, #tpu.memory_space<vmem>> -> memref<128x128xf32, #tpu.memory_space<vmem>>
      %dma_start3A_49 = arith.constant 0 : i32
      %dma_start3A_50 = tpu.memref_slice %arg7[%add3A_13, %dma_start3A_49] : memref<10240x128xf32, #tpu.memory_space<vmem_shared>> -> memref<128x128xf32, #tpu.memory_space<vmem_shared>>
      %dma_start3A_51 = arith.constant 0 : i32
      %dma_start3A_52 = tpu.memref_slice %arg7[%add3A_13, %dma_start3A_51] : memref<10240x128xf32, #tpu.memory_space<vmem_shared>> -> memref<128x128xf32, #tpu.memory_space<vmem_shared>>
      %dma_start3A_53 = arith.constant 0 : i32
      %dma_start3A_54 = arith.constant 0 : i32
      %dma_start3A_55 = tpu.memref_slice %arg6[%run_scoped3A, %dma_start3A_53, %dma_start3A_54] : memref<2x128x128xf32, #tpu.memory_space<vmem>> -> memref<1x128x128xf32, #tpu.memory_space<vmem>>
      %dma_start3A_56 = tpu.memref_squeeze %dma_start3A_55 : memref<1x128x128xf32, #tpu.memory_space<vmem>> -> memref<128x128xf32, #tpu.memory_space<vmem>>
      tpu.enqueue_dma source(%dma_start3A_56 : memref<128x128xf32, #tpu.memory_space<vmem>>) target(%dma_start3A_52 : memref<128x128xf32, #tpu.memory_space<vmem_shared>>) target_semaphore(%run_scoped3A_45 : memref<!tpu.dma_semaphore, #tpu.memory_space<semaphore_mem>>)
      %dma_wait3A = arith.constant 0 : i32
      %dma_wait3A_57 = arith.constant 0 : i32
      %dma_wait3A_58 = tpu.memref_slice %arg6[%run_scoped3A, %dma_wait3A, %dma_wait3A_57] : memref<2x128x128xf32, #tpu.memory_space<vmem>> -> memref<1x128x128xf32, #tpu.memory_space<vmem>>
      %dma_wait3A_59 = tpu.memref_squeeze %dma_wait3A_58 : memref<1x128x128xf32, #tpu.memory_space<vmem>> -> memref<128x128xf32, #tpu.memory_space<vmem>>
      %dma_wait3A_60 = arith.constant 0 : i32
      %dma_wait3A_61 = tpu.memref_slice %arg7[%add3A_13, %dma_wait3A_60] : memref<10240x128xf32, #tpu.memory_space<vmem_shared>> -> memref<128x128xf32, #tpu.memory_space<vmem_shared>>
      %dma_wait3A_62 = arith.constant 0 : i32
      %dma_wait3A_63 = tpu.memref_slice %arg7[%add3A_13, %dma_wait3A_62] : memref<10240x128xf32, #tpu.memory_space<vmem_shared>> -> memref<128x128xf32, #tpu.memory_space<vmem_shared>>
      %dma_wait3A_64 = arith.constant 0 : i32
      %dma_wait3A_65 = arith.constant 0 : i32
      %dma_wait3A_66 = tpu.memref_slice %arg6[%run_scoped3A, %dma_wait3A_64, %dma_wait3A_65] : memref<2x128x128xf32, #tpu.memory_space<vmem>> -> memref<1x128x128xf32, #tpu.memory_space<vmem>>
      %dma_wait3A_67 = tpu.memref_squeeze %dma_wait3A_66 : memref<1x128x128xf32, #tpu.memory_space<vmem>> -> memref<128x128xf32, #tpu.memory_space<vmem>>
      tpu.wait_dma2 semaphore(%run_scoped3A_45 : memref<!tpu.dma_semaphore, #tpu.memory_space<semaphore_mem>>) src(%dma_wait3A_67 : memref<128x128xf32, #tpu.memory_space<vmem>>) dst(%dma_wait3A_63 : memref<128x128xf32, #tpu.memory_space<vmem_shared>>)
      tpu.yield
    }) : () -> ()
    %mul3A_14 = arith.constant 640 : i32
    %mul3A_15 = arith.muli %arg1, %mul3A_14 : i32
    %add3A_16 = arith.constant 128 : i32
    %add3A_17 = arith.addi %mul3A_15, %add3A_16 : i32
    %run_scoped3A_18 = arith.constant 0 : i32
    "tpu.region"() ({
      %run_scoped3A_45 = tpu.sem_alloc : memref<!tpu.dma_semaphore, #tpu.memory_space<semaphore_mem>>
      %dma_start3A = arith.constant 0 : i32
      %dma_start3A_46 = arith.constant 0 : i32
      %dma_start3A_47 = tpu.memref_slice %arg6[%run_scoped3A_18, %dma_start3A, %dma_start3A_46] : memref<2x128x128xf32, #tpu.memory_space<vmem>> -> memref<1x128x128xf32, #tpu.memory_space<vmem>>
      %dma_start3A_48 = tpu.memref_squeeze %dma_start3A_47 : memref<1x128x128xf32, #tpu.memory_space<vmem>> -> memref<128x128xf32, #tpu.memory_space<vmem>>
      %dma_start3A_49 = arith.constant 0 : i32
      %dma_start3A_50 = tpu.memref_slice %arg7[%add3A_17, %dma_start3A_49] : memref<10240x128xf32, #tpu.memory_space<vmem_shared>> -> memref<128x128xf32, #tpu.memory_space<vmem_shared>>
      %dma_start3A_51 = arith.constant 0 : i32
      %dma_start3A_52 = tpu.memref_slice %arg7[%add3A_17, %dma_start3A_51] : memref<10240x128xf32, #tpu.memory_space<vmem_shared>> -> memref<128x128xf32, #tpu.memory_space<vmem_shared>>
      %dma_start3A_53 = arith.constant 0 : i32
      %dma_start3A_54 = arith.constant 0 : i32
      %dma_start3A_55 = tpu.memref_slice %arg6[%run_scoped3A_18, %dma_start3A_53, %dma_start3A_54] : memref<2x128x128xf32, #tpu.memory_space<vmem>> -> memref<1x128x128xf32, #tpu.memory_space<vmem>>
      %dma_start3A_56 = tpu.memref_squeeze %dma_start3A_55 : memref<1x128x128xf32, #tpu.memory_space<vmem>> -> memref<128x128xf32, #tpu.memory_space<vmem>>
      tpu.enqueue_dma source(%dma_start3A_56 : memref<128x128xf32, #tpu.memory_space<vmem>>) target(%dma_start3A_52 : memref<128x128xf32, #tpu.memory_space<vmem_shared>>) target_semaphore(%run_scoped3A_45 : memref<!tpu.dma_semaphore, #tpu.memory_space<semaphore_mem>>)
      %dma_wait3A = arith.constant 0 : i32
      %dma_wait3A_57 = arith.constant 0 : i32
      %dma_wait3A_58 = tpu.memref_slice %arg6[%run_scoped3A_18, %dma_wait3A, %dma_wait3A_57] : memref<2x128x128xf32, #tpu.memory_space<vmem>> -> memref<1x128x128xf32, #tpu.memory_space<vmem>>
      %dma_wait3A_59 = tpu.memref_squeeze %dma_wait3A_58 : memref<1x128x128xf32, #tpu.memory_space<vmem>> -> memref<128x128xf32, #tpu.memory_space<vmem>>
      %dma_wait3A_60 = arith.constant 0 : i32
      %dma_wait3A_61 = tpu.memref_slice %arg7[%add3A_17, %dma_wait3A_60] : memref<10240x128xf32, #tpu.memory_space<vmem_shared>> -> memref<128x128xf32, #tpu.memory_space<vmem_shared>>
      %dma_wait3A_62 = arith.constant 0 : i32
      %dma_wait3A_63 = tpu.memref_slice %arg7[%add3A_17, %dma_wait3A_62] : memref<10240x128xf32, #tpu.memory_space<vmem_shared>> -> memref<128x128xf32, #tpu.memory_space<vmem_shared>>
      %dma_wait3A_64 = arith.constant 0 : i32
      %dma_wait3A_65 = arith.constant 0 : i32
      %dma_wait3A_66 = tpu.memref_slice %arg6[%run_scoped3A_18, %dma_wait3A_64, %dma_wait3A_65] : memref<2x128x128xf32, #tpu.memory_space<vmem>> -> memref<1x128x128xf32, #tpu.memory_space<vmem>>
      %dma_wait3A_67 = tpu.memref_squeeze %dma_wait3A_66 : memref<1x128x128xf32, #tpu.memory_space<vmem>> -> memref<128x128xf32, #tpu.memory_space<vmem>>
      tpu.wait_dma2 semaphore(%run_scoped3A_45 : memref<!tpu.dma_semaphore, #tpu.memory_space<semaphore_mem>>) src(%dma_wait3A_67 : memref<128x128xf32, #tpu.memory_space<vmem>>) dst(%dma_wait3A_63 : memref<128x128xf32, #tpu.memory_space<vmem_shared>>)
      tpu.yield
    }) : () -> ()
    %mul3A_19 = arith.constant 640 : i32
    %mul3A_20 = arith.muli %arg1, %mul3A_19 : i32
    %add3A_21 = arith.constant 256 : i32
    %add3A_22 = arith.addi %mul3A_20, %add3A_21 : i32
    %run_scoped3A_23 = arith.constant 0 : i32
    "tpu.region"() ({
      %run_scoped3A_45 = tpu.sem_alloc : memref<!tpu.dma_semaphore, #tpu.memory_space<semaphore_mem>>
      %dma_start3A = arith.constant 0 : i32
      %dma_start3A_46 = arith.constant 0 : i32
      %dma_start3A_47 = tpu.memref_slice %arg6[%run_scoped3A_23, %dma_start3A, %dma_start3A_46] : memref<2x128x128xf32, #tpu.memory_space<vmem>> -> memref<1x128x128xf32, #tpu.memory_space<vmem>>
      %dma_start3A_48 = tpu.memref_squeeze %dma_start3A_47 : memref<1x128x128xf32, #tpu.memory_space<vmem>> -> memref<128x128xf32, #tpu.memory_space<vmem>>
      %dma_start3A_49 = arith.constant 0 : i32
      %dma_start3A_50 = tpu.memref_slice %arg7[%add3A_22, %dma_start3A_49] : memref<10240x128xf32, #tpu.memory_space<vmem_shared>> -> memref<128x128xf32, #tpu.memory_space<vmem_shared>>
      %dma_start3A_51 = arith.constant 0 : i32
      %dma_start3A_52 = tpu.memref_slice %arg7[%add3A_22, %dma_start3A_51] : memref<10240x128xf32, #tpu.memory_space<vmem_shared>> -> memref<128x128xf32, #tpu.memory_space<vmem_shared>>
      %dma_start3A_53 = arith.constant 0 : i32
      %dma_start3A_54 = arith.constant 0 : i32
      %dma_start3A_55 = tpu.memref_slice %arg6[%run_scoped3A_23, %dma_start3A_53, %dma_start3A_54] : memref<2x128x128xf32, #tpu.memory_space<vmem>> -> memref<1x128x128xf32, #tpu.memory_space<vmem>>
      %dma_start3A_56 = tpu.memref_squeeze %dma_start3A_55 : memref<1x128x128xf32, #tpu.memory_space<vmem>> -> memref<128x128xf32, #tpu.memory_space<vmem>>
      tpu.enqueue_dma source(%dma_start3A_56 : memref<128x128xf32, #tpu.memory_space<vmem>>) target(%dma_start3A_52 : memref<128x128xf32, #tpu.memory_space<vmem_shared>>) target_semaphore(%run_scoped3A_45 : memref<!tpu.dma_semaphore, #tpu.memory_space<semaphore_mem>>)
      %dma_wait3A = arith.constant 0 : i32
      %dma_wait3A_57 = arith.constant 0 : i32
      %dma_wait3A_58 = tpu.memref_slice %arg6[%run_scoped3A_23, %dma_wait3A, %dma_wait3A_57] : memref<2x128x128xf32, #tpu.memory_space<vmem>> -> memref<1x128x128xf32, #tpu.memory_space<vmem>>
      %dma_wait3A_59 = tpu.memref_squeeze %dma_wait3A_58 : memref<1x128x128xf32, #tpu.memory_space<vmem>> -> memref<128x128xf32, #tpu.memory_space<vmem>>
      %dma_wait3A_60 = arith.constant 0 : i32
      %dma_wait3A_61 = tpu.memref_slice %arg7[%add3A_22, %dma_wait3A_60] : memref<10240x128xf32, #tpu.memory_space<vmem_shared>> -> memref<128x128xf32, #tpu.memory_space<vmem_shared>>
      %dma_wait3A_62 = arith.constant 0 : i32
      %dma_wait3A_63 = tpu.memref_slice %arg7[%add3A_22, %dma_wait3A_62] : memref<10240x128xf32, #tpu.memory_space<vmem_shared>> -> memref<128x128xf32, #tpu.memory_space<vmem_shared>>
      %dma_wait3A_64 = arith.constant 0 : i32
      %dma_wait3A_65 = arith.constant 0 : i32
      %dma_wait3A_66 = tpu.memref_slice %arg6[%run_scoped3A_23, %dma_wait3A_64, %dma_wait3A_65] : memref<2x128x128xf32, #tpu.memory_space<vmem>> -> memref<1x128x128xf32, #tpu.memory_space<vmem>>
      %dma_wait3A_67 = tpu.memref_squeeze %dma_wait3A_66 : memref<1x128x128xf32, #tpu.memory_space<vmem>> -> memref<128x128xf32, #tpu.memory_space<vmem>>
      tpu.wait_dma2 semaphore(%run_scoped3A_45 : memref<!tpu.dma_semaphore, #tpu.memory_space<semaphore_mem>>) src(%dma_wait3A_67 : memref<128x128xf32, #tpu.memory_space<vmem>>) dst(%dma_wait3A_63 : memref<128x128xf32, #tpu.memory_space<vmem_shared>>)
      tpu.yield
    }) : () -> ()
    %mul3A_24 = arith.constant 640 : i32
    %mul3A_25 = arith.muli %arg1, %mul3A_24 : i32
    %add3A_26 = arith.constant 384 : i32
    %add3A_27 = arith.addi %mul3A_25, %add3A_26 : i32
    %run_scoped3A_28 = arith.constant 0 : i32
    "tpu.region"() ({
      %run_scoped3A_45 = tpu.sem_alloc : memref<!tpu.dma_semaphore, #tpu.memory_space<semaphore_mem>>
      %dma_start3A = arith.constant 0 : i32
      %dma_start3A_46 = arith.constant 0 : i32
      %dma_start3A_47 = tpu.memref_slice %arg6[%run_scoped3A_28, %dma_start3A, %dma_start3A_46] : memref<2x128x128xf32, #tpu.memory_space<vmem>> -> memref<1x128x128xf32, #tpu.memory_space<vmem>>
      %dma_start3A_48 = tpu.memref_squeeze %dma_start3A_47 : memref<1x128x128xf32, #tpu.memory_space<vmem>> -> memref<128x128xf32, #tpu.memory_space<vmem>>
      %dma_start3A_49 = arith.constant 0 : i32
      %dma_start3A_50 = tpu.memref_slice %arg7[%add3A_27, %dma_start3A_49] : memref<10240x128xf32, #tpu.memory_space<vmem_shared>> -> memref<128x128xf32, #tpu.memory_space<vmem_shared>>
      %dma_start3A_51 = arith.constant 0 : i32
      %dma_start3A_52 = tpu.memref_slice %arg7[%add3A_27, %dma_start3A_51] : memref<10240x128xf32, #tpu.memory_space<vmem_shared>> -> memref<128x128xf32, #tpu.memory_space<vmem_shared>>
      %dma_start3A_53 = arith.constant 0 : i32
      %dma_start3A_54 = arith.constant 0 : i32
      %dma_start3A_55 = tpu.memref_slice %arg6[%run_scoped3A_28, %dma_start3A_53, %dma_start3A_54] : memref<2x128x128xf32, #tpu.memory_space<vmem>> -> memref<1x128x128xf32, #tpu.memory_space<vmem>>
      %dma_start3A_56 = tpu.memref_squeeze %dma_start3A_55 : memref<1x128x128xf32, #tpu.memory_space<vmem>> -> memref<128x128xf32, #tpu.memory_space<vmem>>
      tpu.enqueue_dma source(%dma_start3A_56 : memref<128x128xf32, #tpu.memory_space<vmem>>) target(%dma_start3A_52 : memref<128x128xf32, #tpu.memory_space<vmem_shared>>) target_semaphore(%run_scoped3A_45 : memref<!tpu.dma_semaphore, #tpu.memory_space<semaphore_mem>>)
      %dma_wait3A = arith.constant 0 : i32
      %dma_wait3A_57 = arith.constant 0 : i32
      %dma_wait3A_58 = tpu.memref_slice %arg6[%run_scoped3A_28, %dma_wait3A, %dma_wait3A_57] : memref<2x128x128xf32, #tpu.memory_space<vmem>> -> memref<1x128x128xf32, #tpu.memory_space<vmem>>
      %dma_wait3A_59 = tpu.memref_squeeze %dma_wait3A_58 : memref<1x128x128xf32, #tpu.memory_space<vmem>> -> memref<128x128xf32, #tpu.memory_space<vmem>>
      %dma_wait3A_60 = arith.constant 0 : i32
      %dma_wait3A_61 = tpu.memref_slice %arg7[%add3A_27, %dma_wait3A_60] : memref<10240x128xf32, #tpu.memory_space<vmem_shared>> -> memref<128x128xf32, #tpu.memory_space<vmem_shared>>
      %dma_wait3A_62 = arith.constant 0 : i32
      %dma_wait3A_63 = tpu.memref_slice %arg7[%add3A_27, %dma_wait3A_62] : memref<10240x128xf32, #tpu.memory_space<vmem_shared>> -> memref<128x128xf32, #tpu.memory_space<vmem_shared>>
      %dma_wait3A_64 = arith.constant 0 : i32
      %dma_wait3A_65 = arith.constant 0 : i32
      %dma_wait3A_66 = tpu.memref_slice %arg6[%run_scoped3A_28, %dma_wait3A_64, %dma_wait3A_65] : memref<2x128x128xf32, #tpu.memory_space<vmem>> -> memref<1x128x128xf32, #tpu.memory_space<vmem>>
      %dma_wait3A_67 = tpu.memref_squeeze %dma_wait3A_66 : memref<1x128x128xf32, #tpu.memory_space<vmem>> -> memref<128x128xf32, #tpu.memory_space<vmem>>
      tpu.wait_dma2 semaphore(%run_scoped3A_45 : memref<!tpu.dma_semaphore, #tpu.memory_space<semaphore_mem>>) src(%dma_wait3A_67 : memref<128x128xf32, #tpu.memory_space<vmem>>) dst(%dma_wait3A_63 : memref<128x128xf32, #tpu.memory_space<vmem_shared>>)
      tpu.yield
    }) : () -> ()
    %mul3A_29 = arith.constant 640 : i32
    %mul3A_30 = arith.muli %arg1, %mul3A_29 : i32
    %add3A_31 = arith.constant 512 : i32
    %add3A_32 = arith.addi %mul3A_30, %add3A_31 : i32
    %run_scoped3A_33 = arith.constant 0 : i32
    "tpu.region"() ({
      %run_scoped3A_45 = tpu.sem_alloc : memref<!tpu.dma_semaphore, #tpu.memory_space<semaphore_mem>>
      %dma_start3A = arith.constant 0 : i32
      %dma_start3A_46 = arith.constant 0 : i32
      %dma_start3A_47 = tpu.memref_slice %arg6[%run_scoped3A_33, %dma_start3A, %dma_start3A_46] : memref<2x128x128xf32, #tpu.memory_space<vmem>> -> memref<1x128x128xf32, #tpu.memory_space<vmem>>
      %dma_start3A_48 = tpu.memref_squeeze %dma_start3A_47 : memref<1x128x128xf32, #tpu.memory_space<vmem>> -> memref<128x128xf32, #tpu.memory_space<vmem>>
      %dma_start3A_49 = arith.constant 0 : i32
      %dma_start3A_50 = tpu.memref_slice %arg7[%add3A_32, %dma_start3A_49] : memref<10240x128xf32, #tpu.memory_space<vmem_shared>> -> memref<128x128xf32, #tpu.memory_space<vmem_shared>>
      %dma_start3A_51 = arith.constant 0 : i32
      %dma_start3A_52 = tpu.memref_slice %arg7[%add3A_32, %dma_start3A_51] : memref<10240x128xf32, #tpu.memory_space<vmem_shared>> -> memref<128x128xf32, #tpu.memory_space<vmem_shared>>
      %dma_start3A_53 = arith.constant 0 : i32
      %dma_start3A_54 = arith.constant 0 : i32
      %dma_start3A_55 = tpu.memref_slice %arg6[%run_scoped3A_33, %dma_start3A_53, %dma_start3A_54] : memref<2x128x128xf32, #tpu.memory_space<vmem>> -> memref<1x128x128xf32, #tpu.memory_space<vmem>>
      %dma_start3A_56 = tpu.memref_squeeze %dma_start3A_55 : memref<1x128x128xf32, #tpu.memory_space<vmem>> -> memref<128x128xf32, #tpu.memory_space<vmem>>
      tpu.enqueue_dma source(%dma_start3A_56 : memref<128x128xf32, #tpu.memory_space<vmem>>) target(%dma_start3A_52 : memref<128x128xf32, #tpu.memory_space<vmem_shared>>) target_semaphore(%run_scoped3A_45 : memref<!tpu.dma_semaphore, #tpu.memory_space<semaphore_mem>>)
      %dma_wait3A = arith.constant 0 : i32
      %dma_wait3A_57 = arith.constant 0 : i32
      %dma_wait3A_58 = tpu.memref_slice %arg6[%run_scoped3A_33, %dma_wait3A, %dma_wait3A_57] : memref<2x128x128xf32, #tpu.memory_space<vmem>> -> memref<1x128x128xf32, #tpu.memory_space<vmem>>
      %dma_wait3A_59 = tpu.memref_squeeze %dma_wait3A_58 : memref<1x128x128xf32, #tpu.memory_space<vmem>> -> memref<128x128xf32, #tpu.memory_space<vmem>>
      %dma_wait3A_60 = arith.constant 0 : i32
      %dma_wait3A_61 = tpu.memref_slice %arg7[%add3A_32, %dma_wait3A_60] : memref<10240x128xf32, #tpu.memory_space<vmem_shared>> -> memref<128x128xf32, #tpu.memory_space<vmem_shared>>
      %dma_wait3A_62 = arith.constant 0 : i32
      %dma_wait3A_63 = tpu.memref_slice %arg7[%add3A_32, %dma_wait3A_62] : memref<10240x128xf32, #tpu.memory_space<vmem_shared>> -> memref<128x128xf32, #tpu.memory_space<vmem_shared>>
      %dma_wait3A_64 = arith.constant 0 : i32
      %dma_wait3A_65 = arith.constant 0 : i32
      %dma_wait3A_66 = tpu.memref_slice %arg6[%run_scoped3A_33, %dma_wait3A_64, %dma_wait3A_65] : memref<2x128x128xf32, #tpu.memory_space<vmem>> -> memref<1x128x128xf32, #tpu.memory_space<vmem>>
      %dma_wait3A_67 = tpu.memref_squeeze %dma_wait3A_66 : memref<1x128x128xf32, #tpu.memory_space<vmem>> -> memref<128x128xf32, #tpu.memory_space<vmem>>
      tpu.wait_dma2 semaphore(%run_scoped3A_45 : memref<!tpu.dma_semaphore, #tpu.memory_space<semaphore_mem>>) src(%dma_wait3A_67 : memref<128x128xf32, #tpu.memory_space<vmem>>) dst(%dma_wait3A_63 : memref<128x128xf32, #tpu.memory_space<vmem_shared>>)
      tpu.yield
    }) : () -> ()
    "tpu.region"() ({
      %run_scoped3A_45 = tpu.sem_alloc : memref<!tpu.dma_semaphore, #tpu.memory_space<semaphore_mem>>
      %dma_start3A = arith.constant 0 : i32
      %dma_start3A_46 = tpu.memref_slice %arg3[%mul3A_2, %dma_start3A] : memref<2560x128xi32, #tpu.memory_space<hbm>> -> memref<80x128xi32, #tpu.memory_space<hbm>>
      %dma_start3A_47 = arith.constant 0 : i32
      %dma_start3A_48 = tpu.memref_slice %arg3[%mul3A_2, %dma_start3A_47] : memref<2560x128xi32, #tpu.memory_space<hbm>> -> memref<80x128xi32, #tpu.memory_space<hbm>>
      tpu.enqueue_dma source(%dma_start3A_48 : memref<80x128xi32, #tpu.memory_space<hbm>>) target(%arg5 : memref<80x128xi32, #tpu.memory_space<vmem>>) target_semaphore(%run_scoped3A_45 : memref<!tpu.dma_semaphore, #tpu.memory_space<semaphore_mem>>)
      %dma_wait3A = arith.constant 0 : i32
      %dma_wait3A_49 = tpu.memref_slice %arg3[%mul3A_2, %dma_wait3A] : memref<2560x128xi32, #tpu.memory_space<hbm>> -> memref<80x128xi32, #tpu.memory_space<hbm>>
      %dma_wait3A_50 = arith.constant 0 : i32
      %dma_wait3A_51 = tpu.memref_slice %arg3[%mul3A_2, %dma_wait3A_50] : memref<2560x128xi32, #tpu.memory_space<hbm>> -> memref<80x128xi32, #tpu.memory_space<hbm>>
      tpu.wait_dma2 semaphore(%run_scoped3A_45 : memref<!tpu.dma_semaphore, #tpu.memory_space<semaphore_mem>>) src(%dma_wait3A_51 : memref<80x128xi32, #tpu.memory_space<hbm>>) dst(%arg5 : memref<80x128xi32, #tpu.memory_space<vmem>>)
      tpu.yield
    }) : () -> ()
    %barrier3A = arith.constant 0 : index
    tpu.barrier barrier_id(%barrier3A)
    %gt3A = arith.constant 0 : i32
    %gt3A_34 = arith.cmpi sgt, %min3A_4, %gt3A : i32
    %convert_element_type3A = arith.extui %gt3A_34 : i1 to i32
    %cond3A = arith.constant 0 : i32
    %cond3A_35 = arith.cmpi ne, %convert_element_type3A, %cond3A : i32
    scf.if %cond3A_35 {
      %add3A_45 = arith.constant 0 : i32
      %add3A_46 = arith.addi %mul3A_2, %add3A_45 : i32
      %dma_start3A = arith.constant 0 : i32
      %dma_start3A_47 = arith.constant 0 : i32
      %dma_start3A_48 = arith.constant 0 : i32
      %dma_start3A_49 = tpu.memref_slice %arg6[%dma_start3A, %dma_start3A_47, %dma_start3A_48] : memref<2x128x128xf32, #tpu.memory_space<vmem>> -> memref<1x128x128xf32, #tpu.memory_space<vmem>>
      %dma_start3A_50 = tpu.memref_squeeze %dma_start3A_49 : memref<1x128x128xf32, #tpu.memory_space<vmem>> -> memref<128x128xf32, #tpu.memory_space<vmem>>
      %dma_start3A_51 = arith.constant 0 : i32
      %dma_start3A_52 = arith.constant 0 : i32
      %dma_start3A_53 = tpu.memref_slice %arg2[%add3A_46, %dma_start3A_51, %dma_start3A_52] : memref<2500x128x128xf32, #tpu.memory_space<hbm>> -> memref<1x128x128xf32, #tpu.memory_space<hbm>>
      %dma_start3A_54 = tpu.memref_squeeze %dma_start3A_53 : memref<1x128x128xf32, #tpu.memory_space<hbm>> -> memref<128x128xf32, #tpu.memory_space<hbm>>
      %dma_start3A_55 = arith.constant 0 : i32
      %dma_start3A_56 = arith.constant 0 : i32
      %dma_start3A_57 = tpu.memref_slice %arg6[%dma_start3A, %dma_start3A_55, %dma_start3A_56] : memref<2x128x128xf32, #tpu.memory_space<vmem>> -> memref<1x128x128xf32, #tpu.memory_space<vmem>>
      %dma_start3A_58 = tpu.memref_squeeze %dma_start3A_57 : memref<1x128x128xf32, #tpu.memory_space<vmem>> -> memref<128x128xf32, #tpu.memory_space<vmem>>
      %dma_start3A_59 = arith.constant 0 : i32
      %dma_start3A_60 = arith.constant 0 : i32
      %dma_start3A_61 = tpu.memref_slice %arg2[%add3A_46, %dma_start3A_59, %dma_start3A_60] : memref<2500x128x128xf32, #tpu.memory_space<hbm>> -> memref<1x128x128xf32, #tpu.memory_space<hbm>>
      %dma_start3A_62 = tpu.memref_squeeze %dma_start3A_61 : memref<1x128x128xf32, #tpu.memory_space<hbm>> -> memref<128x128xf32, #tpu.memory_space<hbm>>
      tpu.enqueue_dma source(%dma_start3A_62 : memref<128x128xf32, #tpu.memory_space<hbm>>) target(%dma_start3A_58 : memref<128x128xf32, #tpu.memory_space<vmem>>) target_semaphore(%arg8 : memref<!tpu.dma_semaphore, #tpu.memory_space<semaphore_mem>>)
    } else {
    }
    %scan3A_36 = arith.constant 0 : i32
    %scan3A_37 = arith.constant 0 : i32
    %scan3A_38 = arith.constant 40 : i32
    %scan3A_39 = arith.addi %scan3A_37, %scan3A_38 : i32
    %scan3A_40 = arith.constant 1 : i32
    scf.for %scan3A_45 = %scan3A_37 to %scan3A_39 step %scan3A_40  : i32 {
      %mul3A_46 = arith.constant 2 : i32
      %mul3A_47 = arith.muli %mul3A_46, %scan3A_45 : i32
      %add3A_48 = arith.constant 0 : i32
      %add3A_49 = arith.addi %mul3A_47, %add3A_48 : i32
      %lt3A = arith.cmpi slt, %add3A_49, %min3A_4 : i32
      %convert_element_type3A_50 = arith.extui %lt3A : i1 to i32
      %cond3A_51 = arith.constant 0 : i32
      %cond3A_52 = arith.cmpi ne, %convert_element_type3A_50, %cond3A_51 : i32
      scf.if %cond3A_52 {
        %add3A_61 = arith.addi %mul3A_2, %add3A_49 : i32
        %dma_wait3A = arith.constant 0 : i32
        %dma_wait3A_62 = arith.constant 0 : i32
        %dma_wait3A_63 = arith.constant 0 : i32
        %dma_wait3A_64 = tpu.memref_slice %arg6[%dma_wait3A, %dma_wait3A_62, %dma_wait3A_63] : memref<2x128x128xf32, #tpu.memory_space<vmem>> -> memref<1x128x128xf32, #tpu.memory_space<vmem>>
        %dma_wait3A_65 = tpu.memref_squeeze %dma_wait3A_64 : memref<1x128x128xf32, #tpu.memory_space<vmem>> -> memref<128x128xf32, #tpu.memory_space<vmem>>
        %dma_wait3A_66 = arith.constant 0 : i32
        %dma_wait3A_67 = arith.constant 0 : i32
        %dma_wait3A_68 = tpu.memref_slice %arg2[%add3A_61, %dma_wait3A_66, %dma_wait3A_67] : memref<2500x128x128xf32, #tpu.memory_space<hbm>> -> memref<1x128x128xf32, #tpu.memory_space<hbm>>
        %dma_wait3A_69 = tpu.memref_squeeze %dma_wait3A_68 : memref<1x128x128xf32, #tpu.memory_space<hbm>> -> memref<128x128xf32, #tpu.memory_space<hbm>>
        %dma_wait3A_70 = arith.constant 0 : i32
        %dma_wait3A_71 = arith.constant 0 : i32
        %dma_wait3A_72 = tpu.memref_slice %arg6[%dma_wait3A, %dma_wait3A_70, %dma_wait3A_71] : memref<2x128x128xf32, #tpu.memory_space<vmem>> -> memref<1x128x128xf32, #tpu.memory_space<vmem>>
        %dma_wait3A_73 = tpu.memref_squeeze %dma_wait3A_72 : memref<1x128x128xf32, #tpu.memory_space<vmem>> -> memref<128x128xf32, #tpu.memory_space<vmem>>
        %dma_wait3A_74 = arith.constant 0 : i32
        %dma_wait3A_75 = arith.constant 0 : i32
        %dma_wait3A_76 = tpu.memref_slice %arg2[%add3A_61, %dma_wait3A_74, %dma_wait3A_75] : memref<2500x128x128xf32, #tpu.memory_space<hbm>> -> memref<1x128x128xf32, #tpu.memory_space<hbm>>
        %dma_wait3A_77 = tpu.memref_squeeze %dma_wait3A_76 : memref<1x128x128xf32, #tpu.memory_space<hbm>> -> memref<128x128xf32, #tpu.memory_space<hbm>>
        tpu.wait_dma2 semaphore(%arg8 : memref<!tpu.dma_semaphore, #tpu.memory_space<semaphore_mem>>) src(%dma_wait3A_77 : memref<128x128xf32, #tpu.memory_space<hbm>>) dst(%dma_wait3A_73 : memref<128x128xf32, #tpu.memory_space<vmem>>)
        %add3A_78 = arith.constant 1 : i32
        %add3A_79 = arith.addi %add3A_49, %add3A_78 : i32
        %lt3A_80 = arith.cmpi slt, %add3A_79, %min3A_4 : i32
        %convert_element_type3A_81 = arith.extui %lt3A_80 : i1 to i32
        %cond3A_82 = arith.constant 0 : i32
        %cond3A_83 = arith.cmpi ne, %convert_element_type3A_81, %cond3A_82 : i32
        scf.if %cond3A_83 {
          %add3A_85 = arith.addi %mul3A_2, %add3A_79 : i32
          %dma_start3A = arith.constant 1 : i32
          %dma_start3A_86 = arith.constant 0 : i32
          %dma_start3A_87 = arith.constant 0 : i32
          %dma_start3A_88 = tpu.memref_slice %arg6[%dma_start3A, %dma_start3A_86, %dma_start3A_87] : memref<2x128x128xf32, #tpu.memory_space<vmem>> -> memref<1x128x128xf32, #tpu.memory_space<vmem>>
          %dma_start3A_89 = tpu.memref_squeeze %dma_start3A_88 : memref<1x128x128xf32, #tpu.memory_space<vmem>> -> memref<128x128xf32, #tpu.memory_space<vmem>>
          %dma_start3A_90 = arith.constant 0 : i32
          %dma_start3A_91 = arith.constant 0 : i32
          %dma_start3A_92 = tpu.memref_slice %arg2[%add3A_85, %dma_start3A_90, %dma_start3A_91] : memref<2500x128x128xf32, #tpu.memory_space<hbm>> -> memref<1x128x128xf32, #tpu.memory_space<hbm>>
          %dma_start3A_93 = tpu.memref_squeeze %dma_start3A_92 : memref<1x128x128xf32, #tpu.memory_space<hbm>> -> memref<128x128xf32, #tpu.memory_space<hbm>>
          %dma_start3A_94 = arith.constant 0 : i32
          %dma_start3A_95 = arith.constant 0 : i32
          %dma_start3A_96 = tpu.memref_slice %arg6[%dma_start3A, %dma_start3A_94, %dma_start3A_95] : memref<2x128x128xf32, #tpu.memory_space<vmem>> -> memref<1x128x128xf32, #tpu.memory_space<vmem>>
          %dma_start3A_97 = tpu.memref_squeeze %dma_start3A_96 : memref<1x128x128xf32, #tpu.memory_space<vmem>> -> memref<128x128xf32, #tpu.memory_space<vmem>>
          %dma_start3A_98 = arith.constant 0 : i32
          %dma_start3A_99 = arith.constant 0 : i32
          %dma_start3A_100 = tpu.memref_slice %arg2[%add3A_85, %dma_start3A_98, %dma_start3A_99] : memref<2500x128x128xf32, #tpu.memory_space<hbm>> -> memref<1x128x128xf32, #tpu.memory_space<hbm>>
          %dma_start3A_101 = tpu.memref_squeeze %dma_start3A_100 : memref<1x128x128xf32, #tpu.memory_space<hbm>> -> memref<128x128xf32, #tpu.memory_space<hbm>>
          tpu.enqueue_dma source(%dma_start3A_101 : memref<128x128xf32, #tpu.memory_space<hbm>>) target(%dma_start3A_97 : memref<128x128xf32, #tpu.memory_space<vmem>>) target_semaphore(%arg9 : memref<!tpu.dma_semaphore, #tpu.memory_space<semaphore_mem>>)
        } else {
        }
        %run_scoped3A_84 = arith.constant 0 : i32
        "tpu.region"() ({
          %run_scoped3A_85 = tpu.sem_alloc : memref<!tpu.dma_semaphore, #tpu.memory_space<semaphore_mem>>
          %dma_start3A = arith.constant 0 : i32
          %dma_start3A_86 = arith.constant 0 : i32
          %dma_start3A_87 = tpu.memref_slice %arg6[%run_scoped3A_84, %dma_start3A, %dma_start3A_86] : memref<2x128x128xf32, #tpu.memory_space<vmem>> -> memref<1x128x128xf32, #tpu.memory_space<vmem>>
          %dma_start3A_88 = tpu.memref_squeeze %dma_start3A_87 : memref<1x128x128xf32, #tpu.memory_space<vmem>> -> memref<128x128xf32, #tpu.memory_space<vmem>>
          %dma_start3A_89 = arith.constant 0 : i32
          %dma_start3A_90 = tpu.memref_slice %arg5[%add3A_49, %dma_start3A_89] : memref<80x128xi32, #tpu.memory_space<vmem>> -> memref<1x128xi32, #tpu.memory_space<vmem>>
          %dma_start3A_91 = tpu.memref_squeeze %dma_start3A_90 : memref<1x128xi32, #tpu.memory_space<vmem>> -> memref<128xi32, #tpu.memory_space<vmem>>
          %dma_start3A_92 = arith.constant 0 : i32
          %dma_start3A_93 = arith.constant 0 : i32
          %dma_start3A_94 = tpu.memref_slice %arg7[%dma_start3A_92, %dma_start3A_93] : memref<10240x128xf32, #tpu.memory_space<vmem_shared>> -> memref<10240x128xf32, #tpu.memory_space<vmem_shared>>
          tpu.enqueue_indirect_dma source(%dma_start3A_88 : memref<128x128xf32, #tpu.memory_space<vmem>>) target(%dma_start3A_94 : memref<10240x128xf32, #tpu.memory_space<vmem_shared>>) offsets(%dma_start3A_91 : memref<128xi32, #tpu.memory_space<vmem>>) semaphore(%run_scoped3A_85 : memref<!tpu.dma_semaphore, #tpu.memory_space<semaphore_mem>>) {add = true}
          %dma_wait3A_95 = arith.constant 0 : i32
          %dma_wait3A_96 = arith.constant 0 : i32
          %dma_wait3A_97 = tpu.memref_slice %arg6[%run_scoped3A_84, %dma_wait3A_95, %dma_wait3A_96] : memref<2x128x128xf32, #tpu.memory_space<vmem>> -> memref<1x128x128xf32, #tpu.memory_space<vmem>>
          %dma_wait3A_98 = tpu.memref_squeeze %dma_wait3A_97 : memref<1x128x128xf32, #tpu.memory_space<vmem>> -> memref<128x128xf32, #tpu.memory_space<vmem>>
          %dma_wait3A_99 = arith.constant 0 : i32
          %dma_wait3A_100 = tpu.memref_slice %arg5[%add3A_49, %dma_wait3A_99] : memref<80x128xi32, #tpu.memory_space<vmem>> -> memref<1x128xi32, #tpu.memory_space<vmem>>
          %dma_wait3A_101 = tpu.memref_squeeze %dma_wait3A_100 : memref<1x128xi32, #tpu.memory_space<vmem>> -> memref<128xi32, #tpu.memory_space<vmem>>
          %dma_wait3A_102 = arith.constant 0 : i32
          %dma_wait3A_103 = arith.constant 0 : i32
          %dma_wait3A_104 = tpu.memref_slice %arg7[%dma_wait3A_102, %dma_wait3A_103] : memref<10240x128xf32, #tpu.memory_space<vmem_shared>> -> memref<10240x128xf32, #tpu.memory_space<vmem_shared>>
          tpu.wait_indirect_dma semaphore(%run_scoped3A_85 : memref<!tpu.dma_semaphore, #tpu.memory_space<semaphore_mem>>) src(%dma_wait3A_98 : memref<128x128xf32, #tpu.memory_space<vmem>>) dst(%dma_wait3A_104 : memref<10240x128xf32, #tpu.memory_space<vmem_shared>>)
          tpu.yield
        }) : () -> ()
      } else {
      }
      %mul3A_53 = arith.constant 2 : i32
      %mul3A_54 = arith.muli %mul3A_53, %scan3A_45 : i32
      %add3A_55 = arith.constant 1 : i32
      %add3A_56 = arith.addi %mul3A_54, %add3A_55 : i32
      %lt3A_57 = arith.cmpi slt, %add3A_56, %min3A_4 : i32
      %convert_element_type3A_58 = arith.extui %lt3A_57 : i1 to i32
      %cond3A_59 = arith.constant 0 : i32
      %cond3A_60 = arith.cmpi ne, %convert_element_type3A_58, %cond3A_59 : i32
      scf.if %cond3A_60 {
        %add3A_61 = arith.addi %mul3A_2, %add3A_56 : i32
        %dma_wait3A = arith.constant 1 : i32
        %dma_wait3A_62 = arith.constant 0 : i32
        %dma_wait3A_63 = arith.constant 0 : i32
        %dma_wait3A_64 = tpu.memref_slice %arg6[%dma_wait3A, %dma_wait3A_62, %dma_wait3A_63] : memref<2x128x128xf32, #tpu.memory_space<vmem>> -> memref<1x128x128xf32, #tpu.memory_space<vmem>>
        %dma_wait3A_65 = tpu.memref_squeeze %dma_wait3A_64 : memref<1x128x128xf32, #tpu.memory_space<vmem>> -> memref<128x128xf32, #tpu.memory_space<vmem>>
        %dma_wait3A_66 = arith.constant 0 : i32
        %dma_wait3A_67 = arith.constant 0 : i32
        %dma_wait3A_68 = tpu.memref_slice %arg2[%add3A_61, %dma_wait3A_66, %dma_wait3A_67] : memref<2500x128x128xf32, #tpu.memory_space<hbm>> -> memref<1x128x128xf32, #tpu.memory_space<hbm>>
        %dma_wait3A_69 = tpu.memref_squeeze %dma_wait3A_68 : memref<1x128x128xf32, #tpu.memory_space<hbm>> -> memref<128x128xf32, #tpu.memory_space<hbm>>
        %dma_wait3A_70 = arith.constant 0 : i32
        %dma_wait3A_71 = arith.constant 0 : i32
        %dma_wait3A_72 = tpu.memref_slice %arg6[%dma_wait3A, %dma_wait3A_70, %dma_wait3A_71] : memref<2x128x128xf32, #tpu.memory_space<vmem>> -> memref<1x128x128xf32, #tpu.memory_space<vmem>>
        %dma_wait3A_73 = tpu.memref_squeeze %dma_wait3A_72 : memref<1x128x128xf32, #tpu.memory_space<vmem>> -> memref<128x128xf32, #tpu.memory_space<vmem>>
        %dma_wait3A_74 = arith.constant 0 : i32
        %dma_wait3A_75 = arith.constant 0 : i32
        %dma_wait3A_76 = tpu.memref_slice %arg2[%add3A_61, %dma_wait3A_74, %dma_wait3A_75] : memref<2500x128x128xf32, #tpu.memory_space<hbm>> -> memref<1x128x128xf32, #tpu.memory_space<hbm>>
        %dma_wait3A_77 = tpu.memref_squeeze %dma_wait3A_76 : memref<1x128x128xf32, #tpu.memory_space<hbm>> -> memref<128x128xf32, #tpu.memory_space<hbm>>
        tpu.wait_dma2 semaphore(%arg9 : memref<!tpu.dma_semaphore, #tpu.memory_space<semaphore_mem>>) src(%dma_wait3A_77 : memref<128x128xf32, #tpu.memory_space<hbm>>) dst(%dma_wait3A_73 : memref<128x128xf32, #tpu.memory_space<vmem>>)
        %add3A_78 = arith.constant 1 : i32
        %add3A_79 = arith.addi %add3A_56, %add3A_78 : i32
        %lt3A_80 = arith.cmpi slt, %add3A_79, %min3A_4 : i32
        %convert_element_type3A_81 = arith.extui %lt3A_80 : i1 to i32
        %cond3A_82 = arith.constant 0 : i32
        %cond3A_83 = arith.cmpi ne, %convert_element_type3A_81, %cond3A_82 : i32
        scf.if %cond3A_83 {
          %add3A_85 = arith.addi %mul3A_2, %add3A_79 : i32
          %dma_start3A = arith.constant 0 : i32
          %dma_start3A_86 = arith.constant 0 : i32
          %dma_start3A_87 = arith.constant 0 : i32
          %dma_start3A_88 = tpu.memref_slice %arg6[%dma_start3A, %dma_start3A_86, %dma_start3A_87] : memref<2x128x128xf32, #tpu.memory_space<vmem>> -> memref<1x128x128xf32, #tpu.memory_space<vmem>>
          %dma_start3A_89 = tpu.memref_squeeze %dma_start3A_88 : memref<1x128x128xf32, #tpu.memory_space<vmem>> -> memref<128x128xf32, #tpu.memory_space<vmem>>
          %dma_start3A_90 = arith.constant 0 : i32
          %dma_start3A_91 = arith.constant 0 : i32
          %dma_start3A_92 = tpu.memref_slice %arg2[%add3A_85, %dma_start3A_90, %dma_start3A_91] : memref<2500x128x128xf32, #tpu.memory_space<hbm>> -> memref<1x128x128xf32, #tpu.memory_space<hbm>>
          %dma_start3A_93 = tpu.memref_squeeze %dma_start3A_92 : memref<1x128x128xf32, #tpu.memory_space<hbm>> -> memref<128x128xf32, #tpu.memory_space<hbm>>
          %dma_start3A_94 = arith.constant 0 : i32
          %dma_start3A_95 = arith.constant 0 : i32
          %dma_start3A_96 = tpu.memref_slice %arg6[%dma_start3A, %dma_start3A_94, %dma_start3A_95] : memref<2x128x128xf32, #tpu.memory_space<vmem>> -> memref<1x128x128xf32, #tpu.memory_space<vmem>>
          %dma_start3A_97 = tpu.memref_squeeze %dma_start3A_96 : memref<1x128x128xf32, #tpu.memory_space<vmem>> -> memref<128x128xf32, #tpu.memory_space<vmem>>
          %dma_start3A_98 = arith.constant 0 : i32
          %dma_start3A_99 = arith.constant 0 : i32
          %dma_start3A_100 = tpu.memref_slice %arg2[%add3A_85, %dma_start3A_98, %dma_start3A_99] : memref<2500x128x128xf32, #tpu.memory_space<hbm>> -> memref<1x128x128xf32, #tpu.memory_space<hbm>>
          %dma_start3A_101 = tpu.memref_squeeze %dma_start3A_100 : memref<1x128x128xf32, #tpu.memory_space<hbm>> -> memref<128x128xf32, #tpu.memory_space<hbm>>
          tpu.enqueue_dma source(%dma_start3A_101 : memref<128x128xf32, #tpu.memory_space<hbm>>) target(%dma_start3A_97 : memref<128x128xf32, #tpu.memory_space<vmem>>) target_semaphore(%arg8 : memref<!tpu.dma_semaphore, #tpu.memory_space<semaphore_mem>>)
        } else {
        }
        %run_scoped3A_84 = arith.constant 1 : i32
        "tpu.region"() ({
          %run_scoped3A_85 = tpu.sem_alloc : memref<!tpu.dma_semaphore, #tpu.memory_space<semaphore_mem>>
          %dma_start3A = arith.constant 0 : i32
          %dma_start3A_86 = arith.constant 0 : i32
          %dma_start3A_87 = tpu.memref_slice %arg6[%run_scoped3A_84, %dma_start3A, %dma_start3A_86] : memref<2x128x128xf32, #tpu.memory_space<vmem>> -> memref<1x128x128xf32, #tpu.memory_space<vmem>>
          %dma_start3A_88 = tpu.memref_squeeze %dma_start3A_87 : memref<1x128x128xf32, #tpu.memory_space<vmem>> -> memref<128x128xf32, #tpu.memory_space<vmem>>
          %dma_start3A_89 = arith.constant 0 : i32
          %dma_start3A_90 = tpu.memref_slice %arg5[%add3A_56, %dma_start3A_89] : memref<80x128xi32, #tpu.memory_space<vmem>> -> memref<1x128xi32, #tpu.memory_space<vmem>>
          %dma_start3A_91 = tpu.memref_squeeze %dma_start3A_90 : memref<1x128xi32, #tpu.memory_space<vmem>> -> memref<128xi32, #tpu.memory_space<vmem>>
          %dma_start3A_92 = arith.constant 0 : i32
          %dma_start3A_93 = arith.constant 0 : i32
          %dma_start3A_94 = tpu.memref_slice %arg7[%dma_start3A_92, %dma_start3A_93] : memref<10240x128xf32, #tpu.memory_space<vmem_shared>> -> memref<10240x128xf32, #tpu.memory_space<vmem_shared>>
          tpu.enqueue_indirect_dma source(%dma_start3A_88 : memref<128x128xf32, #tpu.memory_space<vmem>>) target(%dma_start3A_94 : memref<10240x128xf32, #tpu.memory_space<vmem_shared>>) offsets(%dma_start3A_91 : memref<128xi32, #tpu.memory_space<vmem>>) semaphore(%run_scoped3A_85 : memref<!tpu.dma_semaphore, #tpu.memory_space<semaphore_mem>>) {add = true}
          %dma_wait3A_95 = arith.constant 0 : i32
          %dma_wait3A_96 = arith.constant 0 : i32
          %dma_wait3A_97 = tpu.memref_slice %arg6[%run_scoped3A_84, %dma_wait3A_95, %dma_wait3A_96] : memref<2x128x128xf32, #tpu.memory_space<vmem>> -> memref<1x128x128xf32, #tpu.memory_space<vmem>>
          %dma_wait3A_98 = tpu.memref_squeeze %dma_wait3A_97 : memref<1x128x128xf32, #tpu.memory_space<vmem>> -> memref<128x128xf32, #tpu.memory_space<vmem>>
          %dma_wait3A_99 = arith.constant 0 : i32
          %dma_wait3A_100 = tpu.memref_slice %arg5[%add3A_56, %dma_wait3A_99] : memref<80x128xi32, #tpu.memory_space<vmem>> -> memref<1x128xi32, #tpu.memory_space<vmem>>
          %dma_wait3A_101 = tpu.memref_squeeze %dma_wait3A_100 : memref<1x128xi32, #tpu.memory_space<vmem>> -> memref<128xi32, #tpu.memory_space<vmem>>
          %dma_wait3A_102 = arith.constant 0 : i32
          %dma_wait3A_103 = arith.constant 0 : i32
          %dma_wait3A_104 = tpu.memref_slice %arg7[%dma_wait3A_102, %dma_wait3A_103] : memref<10240x128xf32, #tpu.memory_space<vmem_shared>> -> memref<10240x128xf32, #tpu.memory_space<vmem_shared>>
          tpu.wait_indirect_dma semaphore(%run_scoped3A_85 : memref<!tpu.dma_semaphore, #tpu.memory_space<semaphore_mem>>) src(%dma_wait3A_98 : memref<128x128xf32, #tpu.memory_space<vmem>>) dst(%dma_wait3A_104 : memref<10240x128xf32, #tpu.memory_space<vmem_shared>>)
          tpu.yield
        }) : () -> ()
      } else {
      }
    }
    %scan3A_41 = arith.constant 40 : i32
    %barrier3A_42 = arith.constant 0 : index
    tpu.barrier barrier_id(%barrier3A_42)
    %mul3A_43 = arith.constant 640 : i32
    %mul3A_44 = arith.muli %arg1, %mul3A_43 : i32
    "tpu.region"() ({
      %run_scoped3A_45 = tpu.sem_alloc : memref<!tpu.dma_semaphore, #tpu.memory_space<semaphore_mem>>
      %dma_start3A = arith.constant 0 : i32
      %dma_start3A_46 = tpu.memref_slice %arg4[%arg0, %mul3A_44, %dma_start3A] : memref<2x10240x128xf32, #tpu.memory_space<hbm>> -> memref<1x640x128xf32, #tpu.memory_space<hbm>>
      %dma_start3A_47 = tpu.memref_squeeze %dma_start3A_46 : memref<1x640x128xf32, #tpu.memory_space<hbm>> -> memref<640x128xf32, #tpu.memory_space<hbm>>
      %dma_start3A_48 = arith.constant 0 : i32
      %dma_start3A_49 = tpu.memref_slice %arg7[%mul3A_44, %dma_start3A_48] : memref<10240x128xf32, #tpu.memory_space<vmem_shared>> -> memref<640x128xf32, #tpu.memory_space<vmem_shared>>
      tpu.enqueue_dma source(%dma_start3A_49 : memref<640x128xf32, #tpu.memory_space<vmem_shared>>) target(%dma_start3A_47 : memref<640x128xf32, #tpu.memory_space<hbm>>) target_semaphore(%run_scoped3A_45 : memref<!tpu.dma_semaphore, #tpu.memory_space<semaphore_mem>>)
      %dma_wait3A = arith.constant 0 : i32
      %dma_wait3A_50 = tpu.memref_slice %arg4[%arg0, %mul3A_44, %dma_wait3A] : memref<2x10240x128xf32, #tpu.memory_space<hbm>> -> memref<1x640x128xf32, #tpu.memory_space<hbm>>
      %dma_wait3A_51 = tpu.memref_squeeze %dma_wait3A_50 : memref<1x640x128xf32, #tpu.memory_space<hbm>> -> memref<640x128xf32, #tpu.memory_space<hbm>>
      %dma_wait3A_52 = arith.constant 0 : i32
      %dma_wait3A_53 = tpu.memref_slice %arg7[%mul3A_44, %dma_wait3A_52] : memref<10240x128xf32, #tpu.memory_space<vmem_shared>> -> memref<640x128xf32, #tpu.memory_space<vmem_shared>>
      tpu.wait_dma2 semaphore(%run_scoped3A_45 : memref<!tpu.dma_semaphore, #tpu.memory_space<semaphore_mem>>) src(%dma_wait3A_53 : memref<640x128xf32, #tpu.memory_space<vmem_shared>>) dst(%dma_wait3A_51 : memref<640x128xf32, #tpu.memory_space<hbm>>)
      tpu.yield
    }) : () -> ()
    return
  }
}

#map = affine_map<(d0, d1) -> (0, 0, 0)>
#map1 = affine_map<(d0, d1) -> (0, 0)>
module attributes {stable_mosaic.version = 14 : i64} {
  func.func @k(%arg0: i32, %arg1: i32, %arg2: memref<2500x128x128xf32, #tpu.memory_space<hbm>>, %arg3: memref<2560x128xi32, #tpu.memory_space<hbm>>, %arg4: memref<2x10240x128xf32, #tpu.memory_space<hbm>>, %arg5: memref<80x128xi32, #tpu.memory_space<vmem>>, %arg6: memref<2x128x128xf32, #tpu.memory_space<vmem>>, %arg7: memref<10240x128xf32, #tpu.memory_space<vmem_shared>>, %arg8: memref<!tpu.dma_semaphore, #tpu.memory_space<semaphore_mem>>, %arg9: memref<!tpu.dma_semaphore, #tpu.memory_space<semaphore_mem>>) attributes {dimension_semantics = [#tpu.dimension_semantics<core_parallel>, #tpu.dimension_semantics<subcore_parallel>], iteration_bounds = array<i64: 2, 16>, scalar_prefetch = 0 : i64, scratch_operands = 5 : i64, tpu.core_type = #tpu.core_type<sc_vector_subcore>, window_params = [{transform_indices = #map}, {transform_indices = #map1}, {transform_indices = #map}]} {
    %mul3A = arith.constant 2 : i32
    %mul3A_0 = arith.muli %arg1, %mul3A : i32
    %add3A = arith.addi %mul3A_0, %arg0 : i32
    %mul3A_1 = arith.constant 80 : i32
    %mul3A_2 = arith.muli %add3A, %mul3A_1 : i32
    %sub3A = arith.constant 2500 : i32
    %sub3A_3 = arith.subi %sub3A, %mul3A_2 : i32
    %min3A = arith.constant 80 : i32
    %min3A_4 = arith.minsi %min3A, %sub3A_3 : i32
    %scan3A = arith.constant 0 : i32
    %scan3A_5 = arith.constant 0 : i32
    %scan3A_6 = arith.constant 128 : i32
    %scan3A_7 = arith.addi %scan3A_5, %scan3A_6 : i32
    %scan3A_8 = arith.constant 1 : i32
    scf.for %scan3A_45 = %scan3A_5 to %scan3A_7 step %scan3A_8  : i32 {
      %broadcast_in_dim3A = arith.constant 0.000000e+00 : f32
      %broadcast_in_dim3A_46 = vector.broadcast %broadcast_in_dim3A : f32 to vector<16xf32>
      %swap3A = arith.constant 0 : i32
      %swap3A_47 = arith.index_cast %swap3A : i32 to index
      %swap3A_48 = arith.index_cast %scan3A_45 : i32 to index
      %swap3A_49 = arith.constant 0 : index
      %swap3A_50 = tpu.vector_load %arg6[%swap3A_47, %swap3A_48, %swap3A_49] {strides = array<i32>} : memref<2x128x128xf32, #tpu.memory_space<vmem>>, vector<1x1x16xf32>,
      %swap3A_51 = vector.shape_cast %swap3A_50 : vector<1x1x16xf32> to vector<16xf32>
      %swap3A_52 = vector.shape_cast %broadcast_in_dim3A_46 : vector<16xf32> to vector<1x1x16xf32>
      tpu.vector_store %arg6[%swap3A_47, %swap3A_48, %swap3A_49], %swap3A_52 {strides = array<i32>} : memref<2x128x128xf32, #tpu.memory_space<vmem>>, vector<1x1x16xf32>,
      %broadcast_in_dim3A_53 = arith.constant 0.000000e+00 : f32
      %broadcast_in_dim3A_54 = vector.broadcast %broadcast_in_dim3A_53 : f32 to vector<16xf32>
      %swap3A_55 = arith.constant 0 : i32
      %swap3A_56 = arith.index_cast %swap3A_55 : i32 to index
      %swap3A_57 = arith.index_cast %scan3A_45 : i32 to index
      %swap3A_58 = arith.constant 16 : index
      %swap3A_59 = tpu.vector_load %arg6[%swap3A_56, %swap3A_57, %swap3A_58] {strides = array<i32>} : memref<2x128x128xf32, #tpu.memory_space<vmem>>, vector<1x1x16xf32>,
      %swap3A_60 = vector.shape_cast %swap3A_59 : vector<1x1x16xf32> to vector<16xf32>
      %swap3A_61 = vector.shape_cast %broadcast_in_dim3A_54 : vector<16xf32> to vector<1x1x16xf32>
      tpu.vector_store %arg6[%swap3A_56, %swap3A_57, %swap3A_58], %swap3A_61 {strides = array<i32>} : memref<2x128x128xf32, #tpu.memory_space<vmem>>, vector<1x1x16xf32>,
      %broadcast_in_dim3A_62 = arith.constant 0.000000e+00 : f32
      %broadcast_in_dim3A_63 = vector.broadcast %broadcast_in_dim3A_62 : f32 to vector<16xf32>
      %swap3A_64 = arith.constant 0 : i32
      %swap3A_65 = arith.index_cast %swap3A_64 : i32 to index
      %swap3A_66 = arith.index_cast %scan3A_45 : i32 to index
      %swap3A_67 = arith.constant 32 : index
      %swap3A_68 = tpu.vector_load %arg6[%swap3A_65, %swap3A_66, %swap3A_67] {strides = array<i32>} : memref<2x128x128xf32, #tpu.memory_space<vmem>>, vector<1x1x16xf32>,
      %swap3A_69 = vector.shape_cast %swap3A_68 : vector<1x1x16xf32> to vector<16xf32>
      %swap3A_70 = vector.shape_cast %broadcast_in_dim3A_63 : vector<16xf32> to vector<1x1x16xf32>
      tpu.vector_store %arg6[%swap3A_65, %swap3A_66, %swap3A_67], %swap3A_70 {strides = array<i32>} : memref<2x128x128xf32, #tpu.memory_space<vmem>>, vector<1x1x16xf32>,
      %broadcast_in_dim3A_71 = arith.constant 0.000000e+00 : f32
      %broadcast_in_dim3A_72 = vector.broadcast %broadcast_in_dim3A_71 : f32 to vector<16xf32>
      %swap3A_73 = arith.constant 0 : i32
      %swap3A_74 = arith.index_cast %swap3A_73 : i32 to index
      %swap3A_75 = arith.index_cast %scan3A_45 : i32 to index
      %swap3A_76 = arith.constant 48 : index
      %swap3A_77 = tpu.vector_load %arg6[%swap3A_74, %swap3A_75, %swap3A_76] {strides = array<i32>} : memref<2x128x128xf32, #tpu.memory_space<vmem>>, vector<1x1x16xf32>,
      %swap3A_78 = vector.shape_cast %swap3A_77 : vector<1x1x16xf32> to vector<16xf32>
      %swap3A_79 = vector.shape_cast %broadcast_in_dim3A_72 : vector<16xf32> to vector<1x1x16xf32>
      tpu.vector_store %arg6[%swap3A_74, %swap3A_75, %swap3A_76], %swap3A_79 {strides = array<i32>} : memref<2x128x128xf32, #tpu.memory_space<vmem>>, vector<1x1x16xf32>,
      %broadcast_in_dim3A_80 = arith.constant 0.000000e+00 : f32
      %broadcast_in_dim3A_81 = vector.broadcast %broadcast_in_dim3A_80 : f32 to vector<16xf32>
      %swap3A_82 = arith.constant 0 : i32
      %swap3A_83 = arith.index_cast %swap3A_82 : i32 to index
      %swap3A_84 = arith.index_cast %scan3A_45 : i32 to index
      %swap3A_85 = arith.constant 64 : index
      %swap3A_86 = tpu.vector_load %arg6[%swap3A_83, %swap3A_84, %swap3A_85] {strides = array<i32>} : memref<2x128x128xf32, #tpu.memory_space<vmem>>, vector<1x1x16xf32>,
      %swap3A_87 = vector.shape_cast %swap3A_86 : vector<1x1x16xf32> to vector<16xf32>
      %swap3A_88 = vector.shape_cast %broadcast_in_dim3A_81 : vector<16xf32> to vector<1x1x16xf32>
      tpu.vector_store %arg6[%swap3A_83, %swap3A_84, %swap3A_85], %swap3A_88 {strides = array<i32>} : memref<2x128x128xf32, #tpu.memory_space<vmem>>, vector<1x1x16xf32>,
      %broadcast_in_dim3A_89 = arith.constant 0.000000e+00 : f32
      %broadcast_in_dim3A_90 = vector.broadcast %broadcast_in_dim3A_89 : f32 to vector<16xf32>
      %swap3A_91 = arith.constant 0 : i32
      %swap3A_92 = arith.index_cast %swap3A_91 : i32 to index
      %swap3A_93 = arith.index_cast %scan3A_45 : i32 to index
      %swap3A_94 = arith.constant 80 : index
      %swap3A_95 = tpu.vector_load %arg6[%swap3A_92, %swap3A_93, %swap3A_94] {strides = array<i32>} : memref<2x128x128xf32, #tpu.memory_space<vmem>>, vector<1x1x16xf32>,
      %swap3A_96 = vector.shape_cast %swap3A_95 : vector<1x1x16xf32> to vector<16xf32>
      %swap3A_97 = vector.shape_cast %broadcast_in_dim3A_90 : vector<16xf32> to vector<1x1x16xf32>
      tpu.vector_store %arg6[%swap3A_92, %swap3A_93, %swap3A_94], %swap3A_97 {strides = array<i32>} : memref<2x128x128xf32, #tpu.memory_space<vmem>>, vector<1x1x16xf32>,
      %broadcast_in_dim3A_98 = arith.constant 0.000000e+00 : f32
      %broadcast_in_dim3A_99 = vector.broadcast %broadcast_in_dim3A_98 : f32 to vector<16xf32>
      %swap3A_100 = arith.constant 0 : i32
      %swap3A_101 = arith.index_cast %swap3A_100 : i32 to index
      %swap3A_102 = arith.index_cast %scan3A_45 : i32 to index
      %swap3A_103 = arith.constant 96 : index
      %swap3A_104 = tpu.vector_load %arg6[%swap3A_101, %swap3A_102, %swap3A_103] {strides = array<i32>} : memref<2x128x128xf32, #tpu.memory_space<vmem>>, vector<1x1x16xf32>,
      %swap3A_105 = vector.shape_cast %swap3A_104 : vector<1x1x16xf32> to vector<16xf32>
      %swap3A_106 = vector.shape_cast %broadcast_in_dim3A_99 : vector<16xf32> to vector<1x1x16xf32>
      tpu.vector_store %arg6[%swap3A_101, %swap3A_102, %swap3A_103], %swap3A_106 {strides = array<i32>} : memref<2x128x128xf32, #tpu.memory_space<vmem>>, vector<1x1x16xf32>,
      %broadcast_in_dim3A_107 = arith.constant 0.000000e+00 : f32
      %broadcast_in_dim3A_108 = vector.broadcast %broadcast_in_dim3A_107 : f32 to vector<16xf32>
      %swap3A_109 = arith.constant 0 : i32
      %swap3A_110 = arith.index_cast %swap3A_109 : i32 to index
      %swap3A_111 = arith.index_cast %scan3A_45 : i32 to index
      %swap3A_112 = arith.constant 112 : index
      %swap3A_113 = tpu.vector_load %arg6[%swap3A_110, %swap3A_111, %swap3A_112] {strides = array<i32>} : memref<2x128x128xf32, #tpu.memory_space<vmem>>, vector<1x1x16xf32>,
      %swap3A_114 = vector.shape_cast %swap3A_113 : vector<1x1x16xf32> to vector<16xf32>
      %swap3A_115 = vector.shape_cast %broadcast_in_dim3A_108 : vector<16xf32> to vector<1x1x16xf32>
      tpu.vector_store %arg6[%swap3A_110, %swap3A_111, %swap3A_112], %swap3A_115 {strides = array<i32>} : memref<2x128x128xf32, #tpu.memory_space<vmem>>, vector<1x1x16xf32>,
    }
    %scan3A_9 = arith.constant 128 : i32
    %mul3A_10 = arith.constant 640 : i32
    %mul3A_11 = arith.muli %arg1, %mul3A_10 : i32
    %add3A_12 = arith.constant 0 : i32
    %add3A_13 = arith.addi %mul3A_11, %add3A_12 : i32
    %run_scoped3A = arith.constant 0 : i32
    "tpu.region"() ({
      %run_scoped3A_45 = tpu.sem_alloc : memref<!tpu.dma_semaphore, #tpu.memory_space<semaphore_mem>>
      %dma_start3A = arith.constant 0 : i32
      %dma_start3A_46 = arith.constant 0 : i32
      %dma_start3A_47 = tpu.memref_slice %arg6[%run_scoped3A, %dma_start3A, %dma_start3A_46] : memref<2x128x128xf32, #tpu.memory_space<vmem>> -> memref<1x128x128xf32, #tpu.memory_space<vmem>>
      %dma_start3A_48 = tpu.memref_squeeze %dma_start3A_47 : memref<1x128x128xf32, #tpu.memory_space<vmem>> -> memref<128x128xf32, #tpu.memory_space<vmem>>
      %dma_start3A_49 = arith.constant 0 : i32
      %dma_start3A_50 = tpu.memref_slice %arg7[%add3A_13, %dma_start3A_49] : memref<10240x128xf32, #tpu.memory_space<vmem_shared>> -> memref<128x128xf32, #tpu.memory_space<vmem_shared>>
      %dma_start3A_51 = arith.constant 0 : i32
      %dma_start3A_52 = tpu.memref_slice %arg7[%add3A_13, %dma_start3A_51] : memref<10240x128xf32, #tpu.memory_space<vmem_shared>> -> memref<128x128xf32, #tpu.memory_space<vmem_shared>>
      %dma_start3A_53 = arith.constant 0 : i32
      %dma_start3A_54 = arith.constant 0 : i32
      %dma_start3A_55 = tpu.memref_slice %arg6[%run_scoped3A, %dma_start3A_53, %dma_start3A_54] : memref<2x128x128xf32, #tpu.memory_space<vmem>> -> memref<1x128x128xf32, #tpu.memory_space<vmem>>
      %dma_start3A_56 = tpu.memref_squeeze %dma_start3A_55 : memref<1x128x128xf32, #tpu.memory_space<vmem>> -> memref<128x128xf32, #tpu.memory_space<vmem>>
      tpu.enqueue_dma source(%dma_start3A_56 : memref<128x128xf32, #tpu.memory_space<vmem>>) target(%dma_start3A_52 : memref<128x128xf32, #tpu.memory_space<vmem_shared>>) target_semaphore(%run_scoped3A_45 : memref<!tpu.dma_semaphore, #tpu.memory_space<semaphore_mem>>)
      %dma_wait3A = arith.constant 0 : i32
      %dma_wait3A_57 = arith.constant 0 : i32
      %dma_wait3A_58 = tpu.memref_slice %arg6[%run_scoped3A, %dma_wait3A, %dma_wait3A_57] : memref<2x128x128xf32, #tpu.memory_space<vmem>> -> memref<1x128x128xf32, #tpu.memory_space<vmem>>
      %dma_wait3A_59 = tpu.memref_squeeze %dma_wait3A_58 : memref<1x128x128xf32, #tpu.memory_space<vmem>> -> memref<128x128xf32, #tpu.memory_space<vmem>>
      %dma_wait3A_60 = arith.constant 0 : i32
      %dma_wait3A_61 = tpu.memref_slice %arg7[%add3A_13, %dma_wait3A_60] : memref<10240x128xf32, #tpu.memory_space<vmem_shared>> -> memref<128x128xf32, #tpu.memory_space<vmem_shared>>
      %dma_wait3A_62 = arith.constant 0 : i32
      %dma_wait3A_63 = tpu.memref_slice %arg7[%add3A_13, %dma_wait3A_62] : memref<10240x128xf32, #tpu.memory_space<vmem_shared>> -> memref<128x128xf32, #tpu.memory_space<vmem_shared>>
      %dma_wait3A_64 = arith.constant 0 : i32
      %dma_wait3A_65 = arith.constant 0 : i32
      %dma_wait3A_66 = tpu.memref_slice %arg6[%run_scoped3A, %dma_wait3A_64, %dma_wait3A_65] : memref<2x128x128xf32, #tpu.memory_space<vmem>> -> memref<1x128x128xf32, #tpu.memory_space<vmem>>
      %dma_wait3A_67 = tpu.memref_squeeze %dma_wait3A_66 : memref<1x128x128xf32, #tpu.memory_space<vmem>> -> memref<128x128xf32, #tpu.memory_space<vmem>>
      tpu.wait_dma2 semaphore(%run_scoped3A_45 : memref<!tpu.dma_semaphore, #tpu.memory_space<semaphore_mem>>) src(%dma_wait3A_67 : memref<128x128xf32, #tpu.memory_space<vmem>>) dst(%dma_wait3A_63 : memref<128x128xf32, #tpu.memory_space<vmem_shared>>)
      tpu.yield
    }) : () -> ()
    %mul3A_14 = arith.constant 640 : i32
    %mul3A_15 = arith.muli %arg1, %mul3A_14 : i32
    %add3A_16 = arith.constant 128 : i32
    %add3A_17 = arith.addi %mul3A_15, %add3A_16 : i32
    %run_scoped3A_18 = arith.constant 0 : i32
    "tpu.region"() ({
      %run_scoped3A_45 = tpu.sem_alloc : memref<!tpu.dma_semaphore, #tpu.memory_space<semaphore_mem>>
      %dma_start3A = arith.constant 0 : i32
      %dma_start3A_46 = arith.constant 0 : i32
      %dma_start3A_47 = tpu.memref_slice %arg6[%run_scoped3A_18, %dma_start3A, %dma_start3A_46] : memref<2x128x128xf32, #tpu.memory_space<vmem>> -> memref<1x128x128xf32, #tpu.memory_space<vmem>>
      %dma_start3A_48 = tpu.memref_squeeze %dma_start3A_47 : memref<1x128x128xf32, #tpu.memory_space<vmem>> -> memref<128x128xf32, #tpu.memory_space<vmem>>
      %dma_start3A_49 = arith.constant 0 : i32
      %dma_start3A_50 = tpu.memref_slice %arg7[%add3A_17, %dma_start3A_49] : memref<10240x128xf32, #tpu.memory_space<vmem_shared>> -> memref<128x128xf32, #tpu.memory_space<vmem_shared>>
      %dma_start3A_51 = arith.constant 0 : i32
      %dma_start3A_52 = tpu.memref_slice %arg7[%add3A_17, %dma_start3A_51] : memref<10240x128xf32, #tpu.memory_space<vmem_shared>> -> memref<128x128xf32, #tpu.memory_space<vmem_shared>>
      %dma_start3A_53 = arith.constant 0 : i32
      %dma_start3A_54 = arith.constant 0 : i32
      %dma_start3A_55 = tpu.memref_slice %arg6[%run_scoped3A_18, %dma_start3A_53, %dma_start3A_54] : memref<2x128x128xf32, #tpu.memory_space<vmem>> -> memref<1x128x128xf32, #tpu.memory_space<vmem>>
      %dma_start3A_56 = tpu.memref_squeeze %dma_start3A_55 : memref<1x128x128xf32, #tpu.memory_space<vmem>> -> memref<128x128xf32, #tpu.memory_space<vmem>>
      tpu.enqueue_dma source(%dma_start3A_56 : memref<128x128xf32, #tpu.memory_space<vmem>>) target(%dma_start3A_52 : memref<128x128xf32, #tpu.memory_space<vmem_shared>>) target_semaphore(%run_scoped3A_45 : memref<!tpu.dma_semaphore, #tpu.memory_space<semaphore_mem>>)
      %dma_wait3A = arith.constant 0 : i32
      %dma_wait3A_57 = arith.constant 0 : i32
      %dma_wait3A_58 = tpu.memref_slice %arg6[%run_scoped3A_18, %dma_wait3A, %dma_wait3A_57] : memref<2x128x128xf32, #tpu.memory_space<vmem>> -> memref<1x128x128xf32, #tpu.memory_space<vmem>>
      %dma_wait3A_59 = tpu.memref_squeeze %dma_wait3A_58 : memref<1x128x128xf32, #tpu.memory_space<vmem>> -> memref<128x128xf32, #tpu.memory_space<vmem>>
      %dma_wait3A_60 = arith.constant 0 : i32
      %dma_wait3A_61 = tpu.memref_slice %arg7[%add3A_17, %dma_wait3A_60] : memref<10240x128xf32, #tpu.memory_space<vmem_shared>> -> memref<128x128xf32, #tpu.memory_space<vmem_shared>>
      %dma_wait3A_62 = arith.constant 0 : i32
      %dma_wait3A_63 = tpu.memref_slice %arg7[%add3A_17, %dma_wait3A_62] : memref<10240x128xf32, #tpu.memory_space<vmem_shared>> -> memref<128x128xf32, #tpu.memory_space<vmem_shared>>
      %dma_wait3A_64 = arith.constant 0 : i32
      %dma_wait3A_65 = arith.constant 0 : i32
      %dma_wait3A_66 = tpu.memref_slice %arg6[%run_scoped3A_18, %dma_wait3A_64, %dma_wait3A_65] : memref<2x128x128xf32, #tpu.memory_space<vmem>> -> memref<1x128x128xf32, #tpu.memory_space<vmem>>
      %dma_wait3A_67 = tpu.memref_squeeze %dma_wait3A_66 : memref<1x128x128xf32, #tpu.memory_space<vmem>> -> memref<128x128xf32, #tpu.memory_space<vmem>>
      tpu.wait_dma2 semaphore(%run_scoped3A_45 : memref<!tpu.dma_semaphore, #tpu.memory_space<semaphore_mem>>) src(%dma_wait3A_67 : memref<128x128xf32, #tpu.memory_space<vmem>>) dst(%dma_wait3A_63 : memref<128x128xf32, #tpu.memory_space<vmem_shared>>)
      tpu.yield
    }) : () -> ()
    %mul3A_19 = arith.constant 640 : i32
    %mul3A_20 = arith.muli %arg1, %mul3A_19 : i32
    %add3A_21 = arith.constant 256 : i32
    %add3A_22 = arith.addi %mul3A_20, %add3A_21 : i32
    %run_scoped3A_23 = arith.constant 0 : i32
    "tpu.region"() ({
      %run_scoped3A_45 = tpu.sem_alloc : memref<!tpu.dma_semaphore, #tpu.memory_space<semaphore_mem>>
      %dma_start3A = arith.constant 0 : i32
      %dma_start3A_46 = arith.constant 0 : i32
      %dma_start3A_47 = tpu.memref_slice %arg6[%run_scoped3A_23, %dma_start3A, %dma_start3A_46] : memref<2x128x128xf32, #tpu.memory_space<vmem>> -> memref<1x128x128xf32, #tpu.memory_space<vmem>>
      %dma_start3A_48 = tpu.memref_squeeze %dma_start3A_47 : memref<1x128x128xf32, #tpu.memory_space<vmem>> -> memref<128x128xf32, #tpu.memory_space<vmem>>
      %dma_start3A_49 = arith.constant 0 : i32
      %dma_start3A_50 = tpu.memref_slice %arg7[%add3A_22, %dma_start3A_49] : memref<10240x128xf32, #tpu.memory_space<vmem_shared>> -> memref<128x128xf32, #tpu.memory_space<vmem_shared>>
      %dma_start3A_51 = arith.constant 0 : i32
      %dma_start3A_52 = tpu.memref_slice %arg7[%add3A_22, %dma_start3A_51] : memref<10240x128xf32, #tpu.memory_space<vmem_shared>> -> memref<128x128xf32, #tpu.memory_space<vmem_shared>>
      %dma_start3A_53 = arith.constant 0 : i32
      %dma_start3A_54 = arith.constant 0 : i32
      %dma_start3A_55 = tpu.memref_slice %arg6[%run_scoped3A_23, %dma_start3A_53, %dma_start3A_54] : memref<2x128x128xf32, #tpu.memory_space<vmem>> -> memref<1x128x128xf32, #tpu.memory_space<vmem>>
      %dma_start3A_56 = tpu.memref_squeeze %dma_start3A_55 : memref<1x128x128xf32, #tpu.memory_space<vmem>> -> memref<128x128xf32, #tpu.memory_space<vmem>>
      tpu.enqueue_dma source(%dma_start3A_56 : memref<128x128xf32, #tpu.memory_space<vmem>>) target(%dma_start3A_52 : memref<128x128xf32, #tpu.memory_space<vmem_shared>>) target_semaphore(%run_scoped3A_45 : memref<!tpu.dma_semaphore, #tpu.memory_space<semaphore_mem>>)
      %dma_wait3A = arith.constant 0 : i32
      %dma_wait3A_57 = arith.constant 0 : i32
      %dma_wait3A_58 = tpu.memref_slice %arg6[%run_scoped3A_23, %dma_wait3A, %dma_wait3A_57] : memref<2x128x128xf32, #tpu.memory_space<vmem>> -> memref<1x128x128xf32, #tpu.memory_space<vmem>>
      %dma_wait3A_59 = tpu.memref_squeeze %dma_wait3A_58 : memref<1x128x128xf32, #tpu.memory_space<vmem>> -> memref<128x128xf32, #tpu.memory_space<vmem>>
      %dma_wait3A_60 = arith.constant 0 : i32
      %dma_wait3A_61 = tpu.memref_slice %arg7[%add3A_22, %dma_wait3A_60] : memref<10240x128xf32, #tpu.memory_space<vmem_shared>> -> memref<128x128xf32, #tpu.memory_space<vmem_shared>>
      %dma_wait3A_62 = arith.constant 0 : i32
      %dma_wait3A_63 = tpu.memref_slice %arg7[%add3A_22, %dma_wait3A_62] : memref<10240x128xf32, #tpu.memory_space<vmem_shared>> -> memref<128x128xf32, #tpu.memory_space<vmem_shared>>
      %dma_wait3A_64 = arith.constant 0 : i32
      %dma_wait3A_65 = arith.constant 0 : i32
      %dma_wait3A_66 = tpu.memref_slice %arg6[%run_scoped3A_23, %dma_wait3A_64, %dma_wait3A_65] : memref<2x128x128xf32, #tpu.memory_space<vmem>> -> memref<1x128x128xf32, #tpu.memory_space<vmem>>
      %dma_wait3A_67 = tpu.memref_squeeze %dma_wait3A_66 : memref<1x128x128xf32, #tpu.memory_space<vmem>> -> memref<128x128xf32, #tpu.memory_space<vmem>>
      tpu.wait_dma2 semaphore(%run_scoped3A_45 : memref<!tpu.dma_semaphore, #tpu.memory_space<semaphore_mem>>) src(%dma_wait3A_67 : memref<128x128xf32, #tpu.memory_space<vmem>>) dst(%dma_wait3A_63 : memref<128x128xf32, #tpu.memory_space<vmem_shared>>)
      tpu.yield
    }) : () -> ()
    %mul3A_24 = arith.constant 640 : i32
    %mul3A_25 = arith.muli %arg1, %mul3A_24 : i32
    %add3A_26 = arith.constant 384 : i32
    %add3A_27 = arith.addi %mul3A_25, %add3A_26 : i32
    %run_scoped3A_28 = arith.constant 0 : i32
    "tpu.region"() ({
      %run_scoped3A_45 = tpu.sem_alloc : memref<!tpu.dma_semaphore, #tpu.memory_space<semaphore_mem>>
      %dma_start3A = arith.constant 0 : i32
      %dma_start3A_46 = arith.constant 0 : i32
      %dma_start3A_47 = tpu.memref_slice %arg6[%run_scoped3A_28, %dma_start3A, %dma_start3A_46] : memref<2x128x128xf32, #tpu.memory_space<vmem>> -> memref<1x128x128xf32, #tpu.memory_space<vmem>>
      %dma_start3A_48 = tpu.memref_squeeze %dma_start3A_47 : memref<1x128x128xf32, #tpu.memory_space<vmem>> -> memref<128x128xf32, #tpu.memory_space<vmem>>
      %dma_start3A_49 = arith.constant 0 : i32
      %dma_start3A_50 = tpu.memref_slice %arg7[%add3A_27, %dma_start3A_49] : memref<10240x128xf32, #tpu.memory_space<vmem_shared>> -> memref<128x128xf32, #tpu.memory_space<vmem_shared>>
      %dma_start3A_51 = arith.constant 0 : i32
      %dma_start3A_52 = tpu.memref_slice %arg7[%add3A_27, %dma_start3A_51] : memref<10240x128xf32, #tpu.memory_space<vmem_shared>> -> memref<128x128xf32, #tpu.memory_space<vmem_shared>>
      %dma_start3A_53 = arith.constant 0 : i32
      %dma_start3A_54 = arith.constant 0 : i32
      %dma_start3A_55 = tpu.memref_slice %arg6[%run_scoped3A_28, %dma_start3A_53, %dma_start3A_54] : memref<2x128x128xf32, #tpu.memory_space<vmem>> -> memref<1x128x128xf32, #tpu.memory_space<vmem>>
      %dma_start3A_56 = tpu.memref_squeeze %dma_start3A_55 : memref<1x128x128xf32, #tpu.memory_space<vmem>> -> memref<128x128xf32, #tpu.memory_space<vmem>>
      tpu.enqueue_dma source(%dma_start3A_56 : memref<128x128xf32, #tpu.memory_space<vmem>>) target(%dma_start3A_52 : memref<128x128xf32, #tpu.memory_space<vmem_shared>>) target_semaphore(%run_scoped3A_45 : memref<!tpu.dma_semaphore, #tpu.memory_space<semaphore_mem>>)
      %dma_wait3A = arith.constant 0 : i32
      %dma_wait3A_57 = arith.constant 0 : i32
      %dma_wait3A_58 = tpu.memref_slice %arg6[%run_scoped3A_28, %dma_wait3A, %dma_wait3A_57] : memref<2x128x128xf32, #tpu.memory_space<vmem>> -> memref<1x128x128xf32, #tpu.memory_space<vmem>>
      %dma_wait3A_59 = tpu.memref_squeeze %dma_wait3A_58 : memref<1x128x128xf32, #tpu.memory_space<vmem>> -> memref<128x128xf32, #tpu.memory_space<vmem>>
      %dma_wait3A_60 = arith.constant 0 : i32
      %dma_wait3A_61 = tpu.memref_slice %arg7[%add3A_27, %dma_wait3A_60] : memref<10240x128xf32, #tpu.memory_space<vmem_shared>> -> memref<128x128xf32, #tpu.memory_space<vmem_shared>>
      %dma_wait3A_62 = arith.constant 0 : i32
      %dma_wait3A_63 = tpu.memref_slice %arg7[%add3A_27, %dma_wait3A_62] : memref<10240x128xf32, #tpu.memory_space<vmem_shared>> -> memref<128x128xf32, #tpu.memory_space<vmem_shared>>
      %dma_wait3A_64 = arith.constant 0 : i32
      %dma_wait3A_65 = arith.constant 0 : i32
      %dma_wait3A_66 = tpu.memref_slice %arg6[%run_scoped3A_28, %dma_wait3A_64, %dma_wait3A_65] : memref<2x128x128xf32, #tpu.memory_space<vmem>> -> memref<1x128x128xf32, #tpu.memory_space<vmem>>
      %dma_wait3A_67 = tpu.memref_squeeze %dma_wait3A_66 : memref<1x128x128xf32, #tpu.memory_space<vmem>> -> memref<128x128xf32, #tpu.memory_space<vmem>>
      tpu.wait_dma2 semaphore(%run_scoped3A_45 : memref<!tpu.dma_semaphore, #tpu.memory_space<semaphore_mem>>) src(%dma_wait3A_67 : memref<128x128xf32, #tpu.memory_space<vmem>>) dst(%dma_wait3A_63 : memref<128x128xf32, #tpu.memory_space<vmem_shared>>)
      tpu.yield
    }) : () -> ()
    %mul3A_29 = arith.constant 640 : i32
    %mul3A_30 = arith.muli %arg1, %mul3A_29 : i32
    %add3A_31 = arith.constant 512 : i32
    %add3A_32 = arith.addi %mul3A_30, %add3A_31 : i32
    %run_scoped3A_33 = arith.constant 0 : i32
    "tpu.region"() ({
      %run_scoped3A_45 = tpu.sem_alloc : memref<!tpu.dma_semaphore, #tpu.memory_space<semaphore_mem>>
      %dma_start3A = arith.constant 0 : i32
      %dma_start3A_46 = arith.constant 0 : i32
      %dma_start3A_47 = tpu.memref_slice %arg6[%run_scoped3A_33, %dma_start3A, %dma_start3A_46] : memref<2x128x128xf32, #tpu.memory_space<vmem>> -> memref<1x128x128xf32, #tpu.memory_space<vmem>>
      %dma_start3A_48 = tpu.memref_squeeze %dma_start3A_47 : memref<1x128x128xf32, #tpu.memory_space<vmem>> -> memref<128x128xf32, #tpu.memory_space<vmem>>
      %dma_start3A_49 = arith.constant 0 : i32
      %dma_start3A_50 = tpu.memref_slice %arg7[%add3A_32, %dma_start3A_49] : memref<10240x128xf32, #tpu.memory_space<vmem_shared>> -> memref<128x128xf32, #tpu.memory_space<vmem_shared>>
      %dma_start3A_51 = arith.constant 0 : i32
      %dma_start3A_52 = tpu.memref_slice %arg7[%add3A_32, %dma_start3A_51] : memref<10240x128xf32, #tpu.memory_space<vmem_shared>> -> memref<128x128xf32, #tpu.memory_space<vmem_shared>>
      %dma_start3A_53 = arith.constant 0 : i32
      %dma_start3A_54 = arith.constant 0 : i32
      %dma_start3A_55 = tpu.memref_slice %arg6[%run_scoped3A_33, %dma_start3A_53, %dma_start3A_54] : memref<2x128x128xf32, #tpu.memory_space<vmem>> -> memref<1x128x128xf32, #tpu.memory_space<vmem>>
      %dma_start3A_56 = tpu.memref_squeeze %dma_start3A_55 : memref<1x128x128xf32, #tpu.memory_space<vmem>> -> memref<128x128xf32, #tpu.memory_space<vmem>>
      tpu.enqueue_dma source(%dma_start3A_56 : memref<128x128xf32, #tpu.memory_space<vmem>>) target(%dma_start3A_52 : memref<128x128xf32, #tpu.memory_space<vmem_shared>>) target_semaphore(%run_scoped3A_45 : memref<!tpu.dma_semaphore, #tpu.memory_space<semaphore_mem>>)
      %dma_wait3A = arith.constant 0 : i32
      %dma_wait3A_57 = arith.constant 0 : i32
      %dma_wait3A_58 = tpu.memref_slice %arg6[%run_scoped3A_33, %dma_wait3A, %dma_wait3A_57] : memref<2x128x128xf32, #tpu.memory_space<vmem>> -> memref<1x128x128xf32, #tpu.memory_space<vmem>>
      %dma_wait3A_59 = tpu.memref_squeeze %dma_wait3A_58 : memref<1x128x128xf32, #tpu.memory_space<vmem>> -> memref<128x128xf32, #tpu.memory_space<vmem>>
      %dma_wait3A_60 = arith.constant 0 : i32
      %dma_wait3A_61 = tpu.memref_slice %arg7[%add3A_32, %dma_wait3A_60] : memref<10240x128xf32, #tpu.memory_space<vmem_shared>> -> memref<128x128xf32, #tpu.memory_space<vmem_shared>>
      %dma_wait3A_62 = arith.constant 0 : i32
      %dma_wait3A_63 = tpu.memref_slice %arg7[%add3A_32, %dma_wait3A_62] : memref<10240x128xf32, #tpu.memory_space<vmem_shared>> -> memref<128x128xf32, #tpu.memory_space<vmem_shared>>
      %dma_wait3A_64 = arith.constant 0 : i32
      %dma_wait3A_65 = arith.constant 0 : i32
      %dma_wait3A_66 = tpu.memref_slice %arg6[%run_scoped3A_33, %dma_wait3A_64, %dma_wait3A_65] : memref<2x128x128xf32, #tpu.memory_space<vmem>> -> memref<1x128x128xf32, #tpu.memory_space<vmem>>
      %dma_wait3A_67 = tpu.memref_squeeze %dma_wait3A_66 : memref<1x128x128xf32, #tpu.memory_space<vmem>> -> memref<128x128xf32, #tpu.memory_space<vmem>>
      tpu.wait_dma2 semaphore(%run_scoped3A_45 : memref<!tpu.dma_semaphore, #tpu.memory_space<semaphore_mem>>) src(%dma_wait3A_67 : memref<128x128xf32, #tpu.memory_space<vmem>>) dst(%dma_wait3A_63 : memref<128x128xf32, #tpu.memory_space<vmem_shared>>)
      tpu.yield
    }) : () -> ()
    "tpu.region"() ({
      %run_scoped3A_45 = tpu.sem_alloc : memref<!tpu.dma_semaphore, #tpu.memory_space<semaphore_mem>>
      %dma_start3A = arith.constant 0 : i32
      %dma_start3A_46 = tpu.memref_slice %arg3[%mul3A_2, %dma_start3A] : memref<2560x128xi32, #tpu.memory_space<hbm>> -> memref<80x128xi32, #tpu.memory_space<hbm>>
      %dma_start3A_47 = arith.constant 0 : i32
      %dma_start3A_48 = tpu.memref_slice %arg3[%mul3A_2, %dma_start3A_47] : memref<2560x128xi32, #tpu.memory_space<hbm>> -> memref<80x128xi32, #tpu.memory_space<hbm>>
      tpu.enqueue_dma source(%dma_start3A_48 : memref<80x128xi32, #tpu.memory_space<hbm>>) target(%arg5 : memref<80x128xi32, #tpu.memory_space<vmem>>) target_semaphore(%run_scoped3A_45 : memref<!tpu.dma_semaphore, #tpu.memory_space<semaphore_mem>>)
      %dma_wait3A = arith.constant 0 : i32
      %dma_wait3A_49 = tpu.memref_slice %arg3[%mul3A_2, %dma_wait3A] : memref<2560x128xi32, #tpu.memory_space<hbm>> -> memref<80x128xi32, #tpu.memory_space<hbm>>
      %dma_wait3A_50 = arith.constant 0 : i32
      %dma_wait3A_51 = tpu.memref_slice %arg3[%mul3A_2, %dma_wait3A_50] : memref<2560x128xi32, #tpu.memory_space<hbm>> -> memref<80x128xi32, #tpu.memory_space<hbm>>
      tpu.wait_dma2 semaphore(%run_scoped3A_45 : memref<!tpu.dma_semaphore, #tpu.memory_space<semaphore_mem>>) src(%dma_wait3A_51 : memref<80x128xi32, #tpu.memory_space<hbm>>) dst(%arg5 : memref<80x128xi32, #tpu.memory_space<vmem>>)
      tpu.yield
    }) : () -> ()
    %barrier3A = arith.constant 0 : index
    tpu.barrier barrier_id(%barrier3A)
    %gt3A = arith.constant 0 : i32
    %gt3A_34 = arith.cmpi sgt, %min3A_4, %gt3A : i32
    %convert_element_type3A = arith.extui %gt3A_34 : i1 to i32
    %cond3A = arith.constant 0 : i32
    %cond3A_35 = arith.cmpi ne, %convert_element_type3A, %cond3A : i32
    scf.if %cond3A_35 {
      %add3A_45 = arith.constant 0 : i32
      %add3A_46 = arith.addi %mul3A_2, %add3A_45 : i32
      %dma_start3A = arith.constant 0 : i32
      %dma_start3A_47 = arith.constant 0 : i32
      %dma_start3A_48 = arith.constant 0 : i32
      %dma_start3A_49 = tpu.memref_slice %arg6[%dma_start3A, %dma_start3A_47, %dma_start3A_48] : memref<2x128x128xf32, #tpu.memory_space<vmem>> -> memref<1x128x128xf32, #tpu.memory_space<vmem>>
      %dma_start3A_50 = tpu.memref_squeeze %dma_start3A_49 : memref<1x128x128xf32, #tpu.memory_space<vmem>> -> memref<128x128xf32, #tpu.memory_space<vmem>>
      %dma_start3A_51 = arith.constant 0 : i32
      %dma_start3A_52 = arith.constant 0 : i32
      %dma_start3A_53 = tpu.memref_slice %arg2[%add3A_46, %dma_start3A_51, %dma_start3A_52] : memref<2500x128x128xf32, #tpu.memory_space<hbm>> -> memref<1x128x128xf32, #tpu.memory_space<hbm>>
      %dma_start3A_54 = tpu.memref_squeeze %dma_start3A_53 : memref<1x128x128xf32, #tpu.memory_space<hbm>> -> memref<128x128xf32, #tpu.memory_space<hbm>>
      %dma_start3A_55 = arith.constant 0 : i32
      %dma_start3A_56 = arith.constant 0 : i32
      %dma_start3A_57 = tpu.memref_slice %arg6[%dma_start3A, %dma_start3A_55, %dma_start3A_56] : memref<2x128x128xf32, #tpu.memory_space<vmem>> -> memref<1x128x128xf32, #tpu.memory_space<vmem>>
      %dma_start3A_58 = tpu.memref_squeeze %dma_start3A_57 : memref<1x128x128xf32, #tpu.memory_space<vmem>> -> memref<128x128xf32, #tpu.memory_space<vmem>>
      %dma_start3A_59 = arith.constant 0 : i32
      %dma_start3A_60 = arith.constant 0 : i32
      %dma_start3A_61 = tpu.memref_slice %arg2[%add3A_46, %dma_start3A_59, %dma_start3A_60] : memref<2500x128x128xf32, #tpu.memory_space<hbm>> -> memref<1x128x128xf32, #tpu.memory_space<hbm>>
      %dma_start3A_62 = tpu.memref_squeeze %dma_start3A_61 : memref<1x128x128xf32, #tpu.memory_space<hbm>> -> memref<128x128xf32, #tpu.memory_space<hbm>>
      tpu.enqueue_dma source(%dma_start3A_62 : memref<128x128xf32, #tpu.memory_space<hbm>>) target(%dma_start3A_58 : memref<128x128xf32, #tpu.memory_space<vmem>>) target_semaphore(%arg8 : memref<!tpu.dma_semaphore, #tpu.memory_space<semaphore_mem>>)
    } else {
    }
    %scan3A_36 = arith.constant 0 : i32
    %scan3A_37 = arith.constant 0 : i32
    %scan3A_38 = arith.constant 40 : i32
    %scan3A_39 = arith.addi %scan3A_37, %scan3A_38 : i32
    %scan3A_40 = arith.constant 1 : i32
    scf.for %scan3A_45 = %scan3A_37 to %scan3A_39 step %scan3A_40  : i32 {
      %mul3A_46 = arith.constant 2 : i32
      %mul3A_47 = arith.muli %mul3A_46, %scan3A_45 : i32
      %add3A_48 = arith.constant 0 : i32
      %add3A_49 = arith.addi %mul3A_47, %add3A_48 : i32
      %lt3A = arith.cmpi slt, %add3A_49, %min3A_4 : i32
      %convert_element_type3A_50 = arith.extui %lt3A : i1 to i32
      %cond3A_51 = arith.constant 0 : i32
      %cond3A_52 = arith.cmpi ne, %convert_element_type3A_50, %cond3A_51 : i32
      scf.if %cond3A_52 {
        %add3A_61 = arith.addi %mul3A_2, %add3A_49 : i32
        %dma_wait3A = arith.constant 0 : i32
        %dma_wait3A_62 = arith.constant 0 : i32
        %dma_wait3A_63 = arith.constant 0 : i32
        %dma_wait3A_64 = tpu.memref_slice %arg6[%dma_wait3A, %dma_wait3A_62, %dma_wait3A_63] : memref<2x128x128xf32, #tpu.memory_space<vmem>> -> memref<1x128x128xf32, #tpu.memory_space<vmem>>
        %dma_wait3A_65 = tpu.memref_squeeze %dma_wait3A_64 : memref<1x128x128xf32, #tpu.memory_space<vmem>> -> memref<128x128xf32, #tpu.memory_space<vmem>>
        %dma_wait3A_66 = arith.constant 0 : i32
        %dma_wait3A_67 = arith.constant 0 : i32
        %dma_wait3A_68 = tpu.memref_slice %arg2[%add3A_61, %dma_wait3A_66, %dma_wait3A_67] : memref<2500x128x128xf32, #tpu.memory_space<hbm>> -> memref<1x128x128xf32, #tpu.memory_space<hbm>>
        %dma_wait3A_69 = tpu.memref_squeeze %dma_wait3A_68 : memref<1x128x128xf32, #tpu.memory_space<hbm>> -> memref<128x128xf32, #tpu.memory_space<hbm>>
        %dma_wait3A_70 = arith.constant 0 : i32
        %dma_wait3A_71 = arith.constant 0 : i32
        %dma_wait3A_72 = tpu.memref_slice %arg6[%dma_wait3A, %dma_wait3A_70, %dma_wait3A_71] : memref<2x128x128xf32, #tpu.memory_space<vmem>> -> memref<1x128x128xf32, #tpu.memory_space<vmem>>
        %dma_wait3A_73 = tpu.memref_squeeze %dma_wait3A_72 : memref<1x128x128xf32, #tpu.memory_space<vmem>> -> memref<128x128xf32, #tpu.memory_space<vmem>>
        %dma_wait3A_74 = arith.constant 0 : i32
        %dma_wait3A_75 = arith.constant 0 : i32
        %dma_wait3A_76 = tpu.memref_slice %arg2[%add3A_61, %dma_wait3A_74, %dma_wait3A_75] : memref<2500x128x128xf32, #tpu.memory_space<hbm>> -> memref<1x128x128xf32, #tpu.memory_space<hbm>>
        %dma_wait3A_77 = tpu.memref_squeeze %dma_wait3A_76 : memref<1x128x128xf32, #tpu.memory_space<hbm>> -> memref<128x128xf32, #tpu.memory_space<hbm>>
        tpu.wait_dma2 semaphore(%arg8 : memref<!tpu.dma_semaphore, #tpu.memory_space<semaphore_mem>>) src(%dma_wait3A_77 : memref<128x128xf32, #tpu.memory_space<hbm>>) dst(%dma_wait3A_73 : memref<128x128xf32, #tpu.memory_space<vmem>>)
        %add3A_78 = arith.constant 1 : i32
        %add3A_79 = arith.addi %add3A_49, %add3A_78 : i32
        %lt3A_80 = arith.cmpi slt, %add3A_79, %min3A_4 : i32
        %convert_element_type3A_81 = arith.extui %lt3A_80 : i1 to i32
        %cond3A_82 = arith.constant 0 : i32
        %cond3A_83 = arith.cmpi ne, %convert_element_type3A_81, %cond3A_82 : i32
        scf.if %cond3A_83 {
          %add3A_85 = arith.addi %mul3A_2, %add3A_79 : i32
          %dma_start3A = arith.constant 1 : i32
          %dma_start3A_86 = arith.constant 0 : i32
          %dma_start3A_87 = arith.constant 0 : i32
          %dma_start3A_88 = tpu.memref_slice %arg6[%dma_start3A, %dma_start3A_86, %dma_start3A_87] : memref<2x128x128xf32, #tpu.memory_space<vmem>> -> memref<1x128x128xf32, #tpu.memory_space<vmem>>
          %dma_start3A_89 = tpu.memref_squeeze %dma_start3A_88 : memref<1x128x128xf32, #tpu.memory_space<vmem>> -> memref<128x128xf32, #tpu.memory_space<vmem>>
          %dma_start3A_90 = arith.constant 0 : i32
          %dma_start3A_91 = arith.constant 0 : i32
          %dma_start3A_92 = tpu.memref_slice %arg2[%add3A_85, %dma_start3A_90, %dma_start3A_91] : memref<2500x128x128xf32, #tpu.memory_space<hbm>> -> memref<1x128x128xf32, #tpu.memory_space<hbm>>
          %dma_start3A_93 = tpu.memref_squeeze %dma_start3A_92 : memref<1x128x128xf32, #tpu.memory_space<hbm>> -> memref<128x128xf32, #tpu.memory_space<hbm>>
          %dma_start3A_94 = arith.constant 0 : i32
          %dma_start3A_95 = arith.constant 0 : i32
          %dma_start3A_96 = tpu.memref_slice %arg6[%dma_start3A, %dma_start3A_94, %dma_start3A_95] : memref<2x128x128xf32, #tpu.memory_space<vmem>> -> memref<1x128x128xf32, #tpu.memory_space<vmem>>
          %dma_start3A_97 = tpu.memref_squeeze %dma_start3A_96 : memref<1x128x128xf32, #tpu.memory_space<vmem>> -> memref<128x128xf32, #tpu.memory_space<vmem>>
          %dma_start3A_98 = arith.constant 0 : i32
          %dma_start3A_99 = arith.constant 0 : i32
          %dma_start3A_100 = tpu.memref_slice %arg2[%add3A_85, %dma_start3A_98, %dma_start3A_99] : memref<2500x128x128xf32, #tpu.memory_space<hbm>> -> memref<1x128x128xf32, #tpu.memory_space<hbm>>
          %dma_start3A_101 = tpu.memref_squeeze %dma_start3A_100 : memref<1x128x128xf32, #tpu.memory_space<hbm>> -> memref<128x128xf32, #tpu.memory_space<hbm>>
          tpu.enqueue_dma source(%dma_start3A_101 : memref<128x128xf32, #tpu.memory_space<hbm>>) target(%dma_start3A_97 : memref<128x128xf32, #tpu.memory_space<vmem>>) target_semaphore(%arg9 : memref<!tpu.dma_semaphore, #tpu.memory_space<semaphore_mem>>)
        } else {
        }
        %run_scoped3A_84 = arith.constant 0 : i32
        "tpu.region"() ({
          %run_scoped3A_85 = tpu.sem_alloc : memref<!tpu.dma_semaphore, #tpu.memory_space<semaphore_mem>>
          %dma_start3A = arith.constant 0 : i32
          %dma_start3A_86 = arith.constant 0 : i32
          %dma_start3A_87 = tpu.memref_slice %arg6[%run_scoped3A_84, %dma_start3A, %dma_start3A_86] : memref<2x128x128xf32, #tpu.memory_space<vmem>> -> memref<1x128x128xf32, #tpu.memory_space<vmem>>
          %dma_start3A_88 = tpu.memref_squeeze %dma_start3A_87 : memref<1x128x128xf32, #tpu.memory_space<vmem>> -> memref<128x128xf32, #tpu.memory_space<vmem>>
          %dma_start3A_89 = arith.constant 0 : i32
          %dma_start3A_90 = tpu.memref_slice %arg5[%add3A_49, %dma_start3A_89] : memref<80x128xi32, #tpu.memory_space<vmem>> -> memref<1x128xi32, #tpu.memory_space<vmem>>
          %dma_start3A_91 = tpu.memref_squeeze %dma_start3A_90 : memref<1x128xi32, #tpu.memory_space<vmem>> -> memref<128xi32, #tpu.memory_space<vmem>>
          %dma_start3A_92 = arith.constant 0 : i32
          %dma_start3A_93 = arith.constant 0 : i32
          %dma_start3A_94 = tpu.memref_slice %arg7[%dma_start3A_92, %dma_start3A_93] : memref<10240x128xf32, #tpu.memory_space<vmem_shared>> -> memref<10240x128xf32, #tpu.memory_space<vmem_shared>>
          tpu.enqueue_indirect_dma source(%dma_start3A_88 : memref<128x128xf32, #tpu.memory_space<vmem>>) target(%dma_start3A_94 : memref<10240x128xf32, #tpu.memory_space<vmem_shared>>) offsets(%dma_start3A_91 : memref<128xi32, #tpu.memory_space<vmem>>) semaphore(%run_scoped3A_85 : memref<!tpu.dma_semaphore, #tpu.memory_space<semaphore_mem>>) {add = true}
          %dma_wait3A_95 = arith.constant 0 : i32
          %dma_wait3A_96 = arith.constant 0 : i32
          %dma_wait3A_97 = tpu.memref_slice %arg6[%run_scoped3A_84, %dma_wait3A_95, %dma_wait3A_96] : memref<2x128x128xf32, #tpu.memory_space<vmem>> -> memref<1x128x128xf32, #tpu.memory_space<vmem>>
          %dma_wait3A_98 = tpu.memref_squeeze %dma_wait3A_97 : memref<1x128x128xf32, #tpu.memory_space<vmem>> -> memref<128x128xf32, #tpu.memory_space<vmem>>
          %dma_wait3A_99 = arith.constant 0 : i32
          %dma_wait3A_100 = tpu.memref_slice %arg5[%add3A_49, %dma_wait3A_99] : memref<80x128xi32, #tpu.memory_space<vmem>> -> memref<1x128xi32, #tpu.memory_space<vmem>>
          %dma_wait3A_101 = tpu.memref_squeeze %dma_wait3A_100 : memref<1x128xi32, #tpu.memory_space<vmem>> -> memref<128xi32, #tpu.memory_space<vmem>>
          %dma_wait3A_102 = arith.constant 0 : i32
          %dma_wait3A_103 = arith.constant 0 : i32
          %dma_wait3A_104 = tpu.memref_slice %arg7[%dma_wait3A_102, %dma_wait3A_103] : memref<10240x128xf32, #tpu.memory_space<vmem_shared>> -> memref<10240x128xf32, #tpu.memory_space<vmem_shared>>
          tpu.wait_indirect_dma semaphore(%run_scoped3A_85 : memref<!tpu.dma_semaphore, #tpu.memory_space<semaphore_mem>>) src(%dma_wait3A_98 : memref<128x128xf32, #tpu.memory_space<vmem>>) dst(%dma_wait3A_104 : memref<10240x128xf32, #tpu.memory_space<vmem_shared>>)
          tpu.yield
        }) : () -> ()
      } else {
      }
      %mul3A_53 = arith.constant 2 : i32
      %mul3A_54 = arith.muli %mul3A_53, %scan3A_45 : i32
      %add3A_55 = arith.constant 1 : i32
      %add3A_56 = arith.addi %mul3A_54, %add3A_55 : i32
      %lt3A_57 = arith.cmpi slt, %add3A_56, %min3A_4 : i32
      %convert_element_type3A_58 = arith.extui %lt3A_57 : i1 to i32
      %cond3A_59 = arith.constant 0 : i32
      %cond3A_60 = arith.cmpi ne, %convert_element_type3A_58, %cond3A_59 : i32
      scf.if %cond3A_60 {
        %add3A_61 = arith.addi %mul3A_2, %add3A_56 : i32
        %dma_wait3A = arith.constant 1 : i32
        %dma_wait3A_62 = arith.constant 0 : i32
        %dma_wait3A_63 = arith.constant 0 : i32
        %dma_wait3A_64 = tpu.memref_slice %arg6[%dma_wait3A, %dma_wait3A_62, %dma_wait3A_63] : memref<2x128x128xf32, #tpu.memory_space<vmem>> -> memref<1x128x128xf32, #tpu.memory_space<vmem>>
        %dma_wait3A_65 = tpu.memref_squeeze %dma_wait3A_64 : memref<1x128x128xf32, #tpu.memory_space<vmem>> -> memref<128x128xf32, #tpu.memory_space<vmem>>
        %dma_wait3A_66 = arith.constant 0 : i32
        %dma_wait3A_67 = arith.constant 0 : i32
        %dma_wait3A_68 = tpu.memref_slice %arg2[%add3A_61, %dma_wait3A_66, %dma_wait3A_67] : memref<2500x128x128xf32, #tpu.memory_space<hbm>> -> memref<1x128x128xf32, #tpu.memory_space<hbm>>
        %dma_wait3A_69 = tpu.memref_squeeze %dma_wait3A_68 : memref<1x128x128xf32, #tpu.memory_space<hbm>> -> memref<128x128xf32, #tpu.memory_space<hbm>>
        %dma_wait3A_70 = arith.constant 0 : i32
        %dma_wait3A_71 = arith.constant 0 : i32
        %dma_wait3A_72 = tpu.memref_slice %arg6[%dma_wait3A, %dma_wait3A_70, %dma_wait3A_71] : memref<2x128x128xf32, #tpu.memory_space<vmem>> -> memref<1x128x128xf32, #tpu.memory_space<vmem>>
        %dma_wait3A_73 = tpu.memref_squeeze %dma_wait3A_72 : memref<1x128x128xf32, #tpu.memory_space<vmem>> -> memref<128x128xf32, #tpu.memory_space<vmem>>
        %dma_wait3A_74 = arith.constant 0 : i32
        %dma_wait3A_75 = arith.constant 0 : i32
        %dma_wait3A_76 = tpu.memref_slice %arg2[%add3A_61, %dma_wait3A_74, %dma_wait3A_75] : memref<2500x128x128xf32, #tpu.memory_space<hbm>> -> memref<1x128x128xf32, #tpu.memory_space<hbm>>
        %dma_wait3A_77 = tpu.memref_squeeze %dma_wait3A_76 : memref<1x128x128xf32, #tpu.memory_space<hbm>> -> memref<128x128xf32, #tpu.memory_space<hbm>>
        tpu.wait_dma2 semaphore(%arg9 : memref<!tpu.dma_semaphore, #tpu.memory_space<semaphore_mem>>) src(%dma_wait3A_77 : memref<128x128xf32, #tpu.memory_space<hbm>>) dst(%dma_wait3A_73 : memref<128x128xf32, #tpu.memory_space<vmem>>)
        %add3A_78 = arith.constant 1 : i32
        %add3A_79 = arith.addi %add3A_56, %add3A_78 : i32
        %lt3A_80 = arith.cmpi slt, %add3A_79, %min3A_4 : i32
        %convert_element_type3A_81 = arith.extui %lt3A_80 : i1 to i32
        %cond3A_82 = arith.constant 0 : i32
        %cond3A_83 = arith.cmpi ne, %convert_element_type3A_81, %cond3A_82 : i32
        scf.if %cond3A_83 {
          %add3A_85 = arith.addi %mul3A_2, %add3A_79 : i32
          %dma_start3A = arith.constant 0 : i32
          %dma_start3A_86 = arith.constant 0 : i32
          %dma_start3A_87 = arith.constant 0 : i32
          %dma_start3A_88 = tpu.memref_slice %arg6[%dma_start3A, %dma_start3A_86, %dma_start3A_87] : memref<2x128x128xf32, #tpu.memory_space<vmem>> -> memref<1x128x128xf32, #tpu.memory_space<vmem>>
          %dma_start3A_89 = tpu.memref_squeeze %dma_start3A_88 : memref<1x128x128xf32, #tpu.memory_space<vmem>> -> memref<128x128xf32, #tpu.memory_space<vmem>>
          %dma_start3A_90 = arith.constant 0 : i32
          %dma_start3A_91 = arith.constant 0 : i32
          %dma_start3A_92 = tpu.memref_slice %arg2[%add3A_85, %dma_start3A_90, %dma_start3A_91] : memref<2500x128x128xf32, #tpu.memory_space<hbm>> -> memref<1x128x128xf32, #tpu.memory_space<hbm>>
          %dma_start3A_93 = tpu.memref_squeeze %dma_start3A_92 : memref<1x128x128xf32, #tpu.memory_space<hbm>> -> memref<128x128xf32, #tpu.memory_space<hbm>>
          %dma_start3A_94 = arith.constant 0 : i32
          %dma_start3A_95 = arith.constant 0 : i32
          %dma_start3A_96 = tpu.memref_slice %arg6[%dma_start3A, %dma_start3A_94, %dma_start3A_95] : memref<2x128x128xf32, #tpu.memory_space<vmem>> -> memref<1x128x128xf32, #tpu.memory_space<vmem>>
          %dma_start3A_97 = tpu.memref_squeeze %dma_start3A_96 : memref<1x128x128xf32, #tpu.memory_space<vmem>> -> memref<128x128xf32, #tpu.memory_space<vmem>>
          %dma_start3A_98 = arith.constant 0 : i32
          %dma_start3A_99 = arith.constant 0 : i32
          %dma_start3A_100 = tpu.memref_slice %arg2[%add3A_85, %dma_start3A_98, %dma_start3A_99] : memref<2500x128x128xf32, #tpu.memory_space<hbm>> -> memref<1x128x128xf32, #tpu.memory_space<hbm>>
          %dma_start3A_101 = tpu.memref_squeeze %dma_start3A_100 : memref<1x128x128xf32, #tpu.memory_space<hbm>> -> memref<128x128xf32, #tpu.memory_space<hbm>>
          tpu.enqueue_dma source(%dma_start3A_101 : memref<128x128xf32, #tpu.memory_space<hbm>>) target(%dma_start3A_97 : memref<128x128xf32, #tpu.memory_space<vmem>>) target_semaphore(%arg8 : memref<!tpu.dma_semaphore, #tpu.memory_space<semaphore_mem>>)
        } else {
        }
        %run_scoped3A_84 = arith.constant 1 : i32
        "tpu.region"() ({
          %run_scoped3A_85 = tpu.sem_alloc : memref<!tpu.dma_semaphore, #tpu.memory_space<semaphore_mem>>
          %dma_start3A = arith.constant 0 : i32
          %dma_start3A_86 = arith.constant 0 : i32
          %dma_start3A_87 = tpu.memref_slice %arg6[%run_scoped3A_84, %dma_start3A, %dma_start3A_86] : memref<2x128x128xf32, #tpu.memory_space<vmem>> -> memref<1x128x128xf32, #tpu.memory_space<vmem>>
          %dma_start3A_88 = tpu.memref_squeeze %dma_start3A_87 : memref<1x128x128xf32, #tpu.memory_space<vmem>> -> memref<128x128xf32, #tpu.memory_space<vmem>>
          %dma_start3A_89 = arith.constant 0 : i32
          %dma_start3A_90 = tpu.memref_slice %arg5[%add3A_56, %dma_start3A_89] : memref<80x128xi32, #tpu.memory_space<vmem>> -> memref<1x128xi32, #tpu.memory_space<vmem>>
          %dma_start3A_91 = tpu.memref_squeeze %dma_start3A_90 : memref<1x128xi32, #tpu.memory_space<vmem>> -> memref<128xi32, #tpu.memory_space<vmem>>
          %dma_start3A_92 = arith.constant 0 : i32
          %dma_start3A_93 = arith.constant 0 : i32
          %dma_start3A_94 = tpu.memref_slice %arg7[%dma_start3A_92, %dma_start3A_93] : memref<10240x128xf32, #tpu.memory_space<vmem_shared>> -> memref<10240x128xf32, #tpu.memory_space<vmem_shared>>
          tpu.enqueue_indirect_dma source(%dma_start3A_88 : memref<128x128xf32, #tpu.memory_space<vmem>>) target(%dma_start3A_94 : memref<10240x128xf32, #tpu.memory_space<vmem_shared>>) offsets(%dma_start3A_91 : memref<128xi32, #tpu.memory_space<vmem>>) semaphore(%run_scoped3A_85 : memref<!tpu.dma_semaphore, #tpu.memory_space<semaphore_mem>>) {add = true}
          %dma_wait3A_95 = arith.constant 0 : i32
          %dma_wait3A_96 = arith.constant 0 : i32
          %dma_wait3A_97 = tpu.memref_slice %arg6[%run_scoped3A_84, %dma_wait3A_95, %dma_wait3A_96] : memref<2x128x128xf32, #tpu.memory_space<vmem>> -> memref<1x128x128xf32, #tpu.memory_space<vmem>>
          %dma_wait3A_98 = tpu.memref_squeeze %dma_wait3A_97 : memref<1x128x128xf32, #tpu.memory_space<vmem>> -> memref<128x128xf32, #tpu.memory_space<vmem>>
          %dma_wait3A_99 = arith.constant 0 : i32
          %dma_wait3A_100 = tpu.memref_slice %arg5[%add3A_56, %dma_wait3A_99] : memref<80x128xi32, #tpu.memory_space<vmem>> -> memref<1x128xi32, #tpu.memory_space<vmem>>
          %dma_wait3A_101 = tpu.memref_squeeze %dma_wait3A_100 : memref<1x128xi32, #tpu.memory_space<vmem>> -> memref<128xi32, #tpu.memory_space<vmem>>
          %dma_wait3A_102 = arith.constant 0 : i32
          %dma_wait3A_103 = arith.constant 0 : i32
          %dma_wait3A_104 = tpu.memref_slice %arg7[%dma_wait3A_102, %dma_wait3A_103] : memref<10240x128xf32, #tpu.memory_space<vmem_shared>> -> memref<10240x128xf32, #tpu.memory_space<vmem_shared>>
          tpu.wait_indirect_dma semaphore(%run_scoped3A_85 : memref<!tpu.dma_semaphore, #tpu.memory_space<semaphore_mem>>) src(%dma_wait3A_98 : memref<128x128xf32, #tpu.memory_space<vmem>>) dst(%dma_wait3A_104 : memref<10240x128xf32, #tpu.memory_space<vmem_shared>>)
          tpu.yield
        }) : () -> ()
      } else {
      }
    }
    %scan3A_41 = arith.constant 40 : i32
    %barrier3A_42 = arith.constant 0 : index
    tpu.barrier barrier_id(%barrier3A_42)
    %mul3A_43 = arith.constant 640 : i32
    %mul3A_44 = arith.muli %arg1, %mul3A_43 : i32
    "tpu.region"() ({
      %run_scoped3A_45 = tpu.sem_alloc : memref<!tpu.dma_semaphore, #tpu.memory_space<semaphore_mem>>
      %dma_start3A = arith.constant 0 : i32
      %dma_start3A_46 = tpu.memref_slice %arg4[%arg0, %mul3A_44, %dma_start3A] : memref<2x10240x128xf32, #tpu.memory_space<hbm>> -> memref<1x640x128xf32, #tpu.memory_space<hbm>>
      %dma_start3A_47 = tpu.memref_squeeze %dma_start3A_46 : memref<1x640x128xf32, #tpu.memory_space<hbm>> -> memref<640x128xf32, #tpu.memory_space<hbm>>
      %dma_start3A_48 = arith.constant 0 : i32
      %dma_start3A_49 = tpu.memref_slice %arg7[%mul3A_44, %dma_start3A_48] : memref<10240x128xf32, #tpu.memory_space<vmem_shared>> -> memref<640x128xf32, #tpu.memory_space<vmem_shared>>
      tpu.enqueue_dma source(%dma_start3A_49 : memref<640x128xf32, #tpu.memory_space<vmem_shared>>) target(%dma_start3A_47 : memref<640x128xf32, #tpu.memory_space<hbm>>) target_semaphore(%run_scoped3A_45 : memref<!tpu.dma_semaphore, #tpu.memory_space<semaphore_mem>>)
      %dma_wait3A = arith.constant 0 : i32
      %dma_wait3A_50 = tpu.memref_slice %arg4[%arg0, %mul3A_44, %dma_wait3A] : memref<2x10240x128xf32, #tpu.memory_space<hbm>> -> memref<1x640x128xf32, #tpu.memory_space<hbm>>
      %dma_wait3A_51 = tpu.memref_squeeze %dma_wait3A_50 : memref<1x640x128xf32, #tpu.memory_space<hbm>> -> memref<640x128xf32, #tpu.memory_space<hbm>>
      %dma_wait3A_52 = arith.constant 0 : i32
      %dma_wait3A_53 = tpu.memref_slice %arg7[%mul3A_44, %dma_wait3A_52] : memref<10240x128xf32, #tpu.memory_space<vmem_shared>> -> memref<640x128xf32, #tpu.memory_space<vmem_shared>>
      tpu.wait_dma2 semaphore(%run_scoped3A_45 : memref<!tpu.dma_semaphore, #tpu.memory_space<semaphore_mem>>) src(%dma_wait3A_53 : memref<640x128xf32, #tpu.memory_space<vmem_shared>>) dst(%dma_wait3A_51 : memref<640x128xf32, #tpu.memory_space<hbm>>)
      tpu.yield
    }) : () -> ()
    return
  }
}

#map = affine_map<(d0, d1) -> (0, 0)>
#map1 = affine_map<(d0, d1) -> (0, 0, 0)>
module attributes {stable_mosaic.version = 14 : i64} {
  func.func @k(%arg0: i32, %arg1: i32, %arg2: memref<10240x128xf32, #tpu.memory_space<hbm>>, %arg3: memref<10240x128xf32, #tpu.memory_space<hbm>>, %arg4: memref<2560x128xi32, #tpu.memory_space<hbm>>, %arg5: memref<2560x128xi32, #tpu.memory_space<hbm>>, %arg6: memref<2500x128x128xf32, #tpu.memory_space<hbm>>, %arg7: memref<80x128xi32, #tpu.memory_space<vmem>>, %arg8: memref<80x128xi32, #tpu.memory_space<vmem>>, %arg9: memref<2x128x128xf32, #tpu.memory_space<vmem>>, %arg10: memref<2x128x128xf32, #tpu.memory_space<vmem>>, %arg11: memref<!tpu.dma_semaphore, #tpu.memory_space<semaphore_mem>>, %arg12: memref<!tpu.dma_semaphore, #tpu.memory_space<semaphore_mem>>, %arg13: memref<!tpu.dma_semaphore, #tpu.memory_space<semaphore_mem>>, %arg14: memref<!tpu.dma_semaphore, #tpu.memory_space<semaphore_mem>>, %arg15: memref<!tpu.dma_semaphore, #tpu.memory_space<semaphore_mem>>, %arg16: memref<!tpu.dma_semaphore, #tpu.memory_space<semaphore_mem>>) attributes {dimension_semantics = [#tpu.dimension_semantics<core_parallel>, #tpu.dimension_semantics<subcore_parallel>], iteration_bounds = array<i64: 2, 16>, scalar_prefetch = 0 : i64, scratch_operands = 10 : i64, tpu.core_type = #tpu.core_type<sc_vector_subcore>, window_params = [{transform_indices = #map}, {transform_indices = #map}, {transform_indices = #map}, {transform_indices = #map}, {transform_indices = #map1}]} {
    %mul3A = arith.constant 2 : i32
    %mul3A_0 = arith.muli %arg1, %mul3A : i32
    %add3A = arith.addi %mul3A_0, %arg0 : i32
    %mul3A_1 = arith.constant 80 : i32
    %mul3A_2 = arith.muli %add3A, %mul3A_1 : i32
    %sub3A = arith.constant 2500 : i32
    %sub3A_3 = arith.subi %sub3A, %mul3A_2 : i32
    %min3A = arith.constant 80 : i32
    %min3A_4 = arith.minsi %min3A, %sub3A_3 : i32
    "tpu.region"() ({
      %run_scoped3A = tpu.sem_alloc : memref<!tpu.dma_semaphore, #tpu.memory_space<semaphore_mem>>
      %dma_start3A = arith.constant 0 : i32
      %dma_start3A_24 = tpu.memref_slice %arg4[%mul3A_2, %dma_start3A] : memref<2560x128xi32, #tpu.memory_space<hbm>> -> memref<80x128xi32, #tpu.memory_space<hbm>>
      %dma_start3A_25 = arith.constant 0 : i32
      %dma_start3A_26 = tpu.memref_slice %arg4[%mul3A_2, %dma_start3A_25] : memref<2560x128xi32, #tpu.memory_space<hbm>> -> memref<80x128xi32, #tpu.memory_space<hbm>>
      tpu.enqueue_dma source(%dma_start3A_26 : memref<80x128xi32, #tpu.memory_space<hbm>>) target(%arg7 : memref<80x128xi32, #tpu.memory_space<vmem>>) target_semaphore(%run_scoped3A : memref<!tpu.dma_semaphore, #tpu.memory_space<semaphore_mem>>)
      %dma_wait3A = arith.constant 0 : i32
      %dma_wait3A_27 = tpu.memref_slice %arg4[%mul3A_2, %dma_wait3A] : memref<2560x128xi32, #tpu.memory_space<hbm>> -> memref<80x128xi32, #tpu.memory_space<hbm>>
      %dma_wait3A_28 = arith.constant 0 : i32
      %dma_wait3A_29 = tpu.memref_slice %arg4[%mul3A_2, %dma_wait3A_28] : memref<2560x128xi32, #tpu.memory_space<hbm>> -> memref<80x128xi32, #tpu.memory_space<hbm>>
      tpu.wait_dma2 semaphore(%run_scoped3A : memref<!tpu.dma_semaphore, #tpu.memory_space<semaphore_mem>>) src(%dma_wait3A_29 : memref<80x128xi32, #tpu.memory_space<hbm>>) dst(%arg7 : memref<80x128xi32, #tpu.memory_space<vmem>>)
      tpu.yield
    }) : () -> ()
    "tpu.region"() ({
      %run_scoped3A = tpu.sem_alloc : memref<!tpu.dma_semaphore, #tpu.memory_space<semaphore_mem>>
      %dma_start3A = arith.constant 0 : i32
      %dma_start3A_24 = tpu.memref_slice %arg5[%mul3A_2, %dma_start3A] : memref<2560x128xi32, #tpu.memory_space<hbm>> -> memref<80x128xi32, #tpu.memory_space<hbm>>
      %dma_start3A_25 = arith.constant 0 : i32
      %dma_start3A_26 = tpu.memref_slice %arg5[%mul3A_2, %dma_start3A_25] : memref<2560x128xi32, #tpu.memory_space<hbm>> -> memref<80x128xi32, #tpu.memory_space<hbm>>
      tpu.enqueue_dma source(%dma_start3A_26 : memref<80x128xi32, #tpu.memory_space<hbm>>) target(%arg8 : memref<80x128xi32, #tpu.memory_space<vmem>>) target_semaphore(%run_scoped3A : memref<!tpu.dma_semaphore, #tpu.memory_space<semaphore_mem>>)
      %dma_wait3A = arith.constant 0 : i32
      %dma_wait3A_27 = tpu.memref_slice %arg5[%mul3A_2, %dma_wait3A] : memref<2560x128xi32, #tpu.memory_space<hbm>> -> memref<80x128xi32, #tpu.memory_space<hbm>>
      %dma_wait3A_28 = arith.constant 0 : i32
      %dma_wait3A_29 = tpu.memref_slice %arg5[%mul3A_2, %dma_wait3A_28] : memref<2560x128xi32, #tpu.memory_space<hbm>> -> memref<80x128xi32, #tpu.memory_space<hbm>>
      tpu.wait_dma2 semaphore(%run_scoped3A : memref<!tpu.dma_semaphore, #tpu.memory_space<semaphore_mem>>) src(%dma_wait3A_29 : memref<80x128xi32, #tpu.memory_space<hbm>>) dst(%arg8 : memref<80x128xi32, #tpu.memory_space<vmem>>)
      tpu.yield
    }) : () -> ()
    %gt3A = arith.constant 0 : i32
    %gt3A_5 = arith.cmpi sgt, %min3A_4, %gt3A : i32
    %convert_element_type3A = arith.extui %gt3A_5 : i1 to i32
    %cond3A = arith.constant 0 : i32
    %cond3A_6 = arith.cmpi ne, %convert_element_type3A, %cond3A : i32
    scf.if %cond3A_6 {
      %dma_start3A = arith.constant 0 : i32
      %dma_start3A_24 = arith.constant 0 : i32
      %dma_start3A_25 = arith.constant 0 : i32
      %dma_start3A_26 = arith.constant 0 : i32
      %dma_start3A_27 = tpu.memref_slice %arg9[%dma_start3A_24, %dma_start3A_25, %dma_start3A_26] : memref<2x128x128xf32, #tpu.memory_space<vmem>> -> memref<1x128x128xf32, #tpu.memory_space<vmem>>
      %dma_start3A_28 = tpu.memref_squeeze %dma_start3A_27 : memref<1x128x128xf32, #tpu.memory_space<vmem>> -> memref<128x128xf32, #tpu.memory_space<vmem>>
      %dma_start3A_29 = arith.constant 0 : i32
      %dma_start3A_30 = tpu.memref_slice %arg7[%dma_start3A, %dma_start3A_29] : memref<80x128xi32, #tpu.memory_space<vmem>> -> memref<1x128xi32, #tpu.memory_space<vmem>>
      %dma_start3A_31 = tpu.memref_squeeze %dma_start3A_30 : memref<1x128xi32, #tpu.memory_space<vmem>> -> memref<128xi32, #tpu.memory_space<vmem>>
      %dma_start3A_32 = arith.constant 0 : i32
      %dma_start3A_33 = arith.constant 0 : i32
      %dma_start3A_34 = tpu.memref_slice %arg2[%dma_start3A_32, %dma_start3A_33] : memref<10240x128xf32, #tpu.memory_space<hbm>> -> memref<10240x128xf32, #tpu.memory_space<hbm>>
      tpu.enqueue_indirect_dma source(%dma_start3A_34 : memref<10240x128xf32, #tpu.memory_space<hbm>>) target(%dma_start3A_28 : memref<128x128xf32, #tpu.memory_space<vmem>>) offsets(%dma_start3A_31 : memref<128xi32, #tpu.memory_space<vmem>>) semaphore(%arg11 : memref<!tpu.dma_semaphore, #tpu.memory_space<semaphore_mem>>)
      %dma_start3A_35 = arith.constant 0 : i32
      %dma_start3A_36 = arith.constant 0 : i32
      %dma_start3A_37 = arith.constant 0 : i32
      %dma_start3A_38 = arith.constant 0 : i32
      %dma_start3A_39 = tpu.memref_slice %arg10[%dma_start3A_36, %dma_start3A_37, %dma_start3A_38] : memref<2x128x128xf32, #tpu.memory_space<vmem>> -> memref<1x128x128xf32, #tpu.memory_space<vmem>>
      %dma_start3A_40 = tpu.memref_squeeze %dma_start3A_39 : memref<1x128x128xf32, #tpu.memory_space<vmem>> -> memref<128x128xf32, #tpu.memory_space<vmem>>
      %dma_start3A_41 = arith.constant 0 : i32
      %dma_start3A_42 = tpu.memref_slice %arg8[%dma_start3A_35, %dma_start3A_41] : memref<80x128xi32, #tpu.memory_space<vmem>> -> memref<1x128xi32, #tpu.memory_space<vmem>>
      %dma_start3A_43 = tpu.memref_squeeze %dma_start3A_42 : memref<1x128xi32, #tpu.memory_space<vmem>> -> memref<128xi32, #tpu.memory_space<vmem>>
      %dma_start3A_44 = arith.constant 0 : i32
      %dma_start3A_45 = arith.constant 0 : i32
      %dma_start3A_46 = tpu.memref_slice %arg3[%dma_start3A_44, %dma_start3A_45] : memref<10240x128xf32, #tpu.memory_space<hbm>> -> memref<10240x128xf32, #tpu.memory_space<hbm>>
      tpu.enqueue_indirect_dma source(%dma_start3A_46 : memref<10240x128xf32, #tpu.memory_space<hbm>>) target(%dma_start3A_40 : memref<128x128xf32, #tpu.memory_space<vmem>>) offsets(%dma_start3A_43 : memref<128xi32, #tpu.memory_space<vmem>>) semaphore(%arg13 : memref<!tpu.dma_semaphore, #tpu.memory_space<semaphore_mem>>)
    } else {
    }
    %scan3A = arith.constant 0 : i32
    %scan3A_7 = arith.constant 0 : i32
    %scan3A_8 = arith.constant 40 : i32
    %scan3A_9 = arith.addi %scan3A_7, %scan3A_8 : i32
    %scan3A_10 = arith.constant 1 : i32
    scf.for %scan3A_24 = %scan3A_7 to %scan3A_9 step %scan3A_10  : i32 {
      %mul3A_25 = arith.constant 2 : i32
      %mul3A_26 = arith.muli %mul3A_25, %scan3A_24 : i32
      %add3A_27 = arith.constant 0 : i32
      %add3A_28 = arith.addi %mul3A_26, %add3A_27 : i32
      %lt3A = arith.cmpi slt, %add3A_28, %min3A_4 : i32
      %convert_element_type3A_29 = arith.extui %lt3A : i1 to i32
      %cond3A_30 = arith.constant 0 : i32
      %cond3A_31 = arith.cmpi ne, %convert_element_type3A_29, %cond3A_30 : i32
      scf.if %cond3A_31 {
        %dma_wait3A = arith.constant 0 : i32
        %dma_wait3A_40 = arith.constant 0 : i32
        %dma_wait3A_41 = arith.constant 0 : i32
        %dma_wait3A_42 = tpu.memref_slice %arg9[%dma_wait3A, %dma_wait3A_40, %dma_wait3A_41] : memref<2x128x128xf32, #tpu.memory_space<vmem>> -> memref<1x128x128xf32, #tpu.memory_space<vmem>>
        %dma_wait3A_43 = tpu.memref_squeeze %dma_wait3A_42 : memref<1x128x128xf32, #tpu.memory_space<vmem>> -> memref<128x128xf32, #tpu.memory_space<vmem>>
        %dma_wait3A_44 = arith.constant 0 : i32
        %dma_wait3A_45 = tpu.memref_slice %arg7[%add3A_28, %dma_wait3A_44] : memref<80x128xi32, #tpu.memory_space<vmem>> -> memref<1x128xi32, #tpu.memory_space<vmem>>
        %dma_wait3A_46 = tpu.memref_squeeze %dma_wait3A_45 : memref<1x128xi32, #tpu.memory_space<vmem>> -> memref<128xi32, #tpu.memory_space<vmem>>
        %dma_wait3A_47 = arith.constant 0 : i32
        %dma_wait3A_48 = arith.constant 0 : i32
        %dma_wait3A_49 = tpu.memref_slice %arg2[%dma_wait3A_47, %dma_wait3A_48] : memref<10240x128xf32, #tpu.memory_space<hbm>> -> memref<10240x128xf32, #tpu.memory_space<hbm>>
        tpu.wait_indirect_dma semaphore(%arg11 : memref<!tpu.dma_semaphore, #tpu.memory_space<semaphore_mem>>) src(%dma_wait3A_49 : memref<10240x128xf32, #tpu.memory_space<hbm>>) dst(%dma_wait3A_43 : memref<128x128xf32, #tpu.memory_space<vmem>>)
        %dma_wait3A_50 = arith.constant 0 : i32
        %dma_wait3A_51 = arith.constant 0 : i32
        %dma_wait3A_52 = arith.constant 0 : i32
        %dma_wait3A_53 = tpu.memref_slice %arg10[%dma_wait3A_50, %dma_wait3A_51, %dma_wait3A_52] : memref<2x128x128xf32, #tpu.memory_space<vmem>> -> memref<1x128x128xf32, #tpu.memory_space<vmem>>
        %dma_wait3A_54 = tpu.memref_squeeze %dma_wait3A_53 : memref<1x128x128xf32, #tpu.memory_space<vmem>> -> memref<128x128xf32, #tpu.memory_space<vmem>>
        %dma_wait3A_55 = arith.constant 0 : i32
        %dma_wait3A_56 = tpu.memref_slice %arg8[%add3A_28, %dma_wait3A_55] : memref<80x128xi32, #tpu.memory_space<vmem>> -> memref<1x128xi32, #tpu.memory_space<vmem>>
        %dma_wait3A_57 = tpu.memref_squeeze %dma_wait3A_56 : memref<1x128xi32, #tpu.memory_space<vmem>> -> memref<128xi32, #tpu.memory_space<vmem>>
        %dma_wait3A_58 = arith.constant 0 : i32
        %dma_wait3A_59 = arith.constant 0 : i32
        %dma_wait3A_60 = tpu.memref_slice %arg3[%dma_wait3A_58, %dma_wait3A_59] : memref<10240x128xf32, #tpu.memory_space<hbm>> -> memref<10240x128xf32, #tpu.memory_space<hbm>>
        tpu.wait_indirect_dma semaphore(%arg13 : memref<!tpu.dma_semaphore, #tpu.memory_space<semaphore_mem>>) src(%dma_wait3A_60 : memref<10240x128xf32, #tpu.memory_space<hbm>>) dst(%dma_wait3A_54 : memref<128x128xf32, #tpu.memory_space<vmem>>)
        %ge3A = arith.constant 1 : i32
        %ge3A_61 = arith.cmpi sge, %add3A_28, %ge3A : i32
        %convert_element_type3A_62 = arith.extui %ge3A_61 : i1 to i32
        %cond3A_63 = arith.constant 0 : i32
        %cond3A_64 = arith.cmpi ne, %convert_element_type3A_62, %cond3A_63 : i32
        scf.if %cond3A_64 {
          %dma_wait3A_94 = arith.constant 1 : i32
          %dma_wait3A_95 = arith.constant 0 : i32
          %dma_wait3A_96 = arith.constant 0 : i32
          %dma_wait3A_97 = tpu.memref_slice %arg9[%dma_wait3A_94, %dma_wait3A_95, %dma_wait3A_96] : memref<2x128x128xf32, #tpu.memory_space<vmem>> -> memref<1x128x128xf32, #tpu.memory_space<vmem>>
          %dma_wait3A_98 = tpu.memref_squeeze %dma_wait3A_97 : memref<1x128x128xf32, #tpu.memory_space<vmem>> -> memref<128x128xf32, #tpu.memory_space<vmem>>
          %dma_wait3A_99 = arith.constant 0 : i32
          %dma_wait3A_100 = arith.constant 0 : i32
          %dma_wait3A_101 = tpu.memref_slice %arg6[%mul3A_2, %dma_wait3A_99, %dma_wait3A_100] : memref<2500x128x128xf32, #tpu.memory_space<hbm>> -> memref<1x128x128xf32, #tpu.memory_space<hbm>>
          %dma_wait3A_102 = tpu.memref_squeeze %dma_wait3A_101 : memref<1x128x128xf32, #tpu.memory_space<hbm>> -> memref<128x128xf32, #tpu.memory_space<hbm>>
          %dma_wait3A_103 = arith.constant 0 : i32
          %dma_wait3A_104 = arith.constant 0 : i32
          %dma_wait3A_105 = tpu.memref_slice %arg6[%mul3A_2, %dma_wait3A_103, %dma_wait3A_104] : memref<2500x128x128xf32, #tpu.memory_space<hbm>> -> memref<1x128x128xf32, #tpu.memory_space<hbm>>
          %dma_wait3A_106 = tpu.memref_squeeze %dma_wait3A_105 : memref<1x128x128xf32, #tpu.memory_space<hbm>> -> memref<128x128xf32, #tpu.memory_space<hbm>>
          %dma_wait3A_107 = arith.constant 0 : i32
          %dma_wait3A_108 = arith.constant 0 : i32
          %dma_wait3A_109 = tpu.memref_slice %arg9[%dma_wait3A_94, %dma_wait3A_107, %dma_wait3A_108] : memref<2x128x128xf32, #tpu.memory_space<vmem>> -> memref<1x128x128xf32, #tpu.memory_space<vmem>>
          %dma_wait3A_110 = tpu.memref_squeeze %dma_wait3A_109 : memref<1x128x128xf32, #tpu.memory_space<vmem>> -> memref<128x128xf32, #tpu.memory_space<vmem>>
          tpu.wait_dma2 semaphore(%arg16 : memref<!tpu.dma_semaphore, #tpu.memory_space<semaphore_mem>>) src(%dma_wait3A_110 : memref<128x128xf32, #tpu.memory_space<vmem>>) dst(%dma_wait3A_106 : memref<128x128xf32, #tpu.memory_space<hbm>>)
        } else {
        }
        %add3A_65 = arith.constant 1 : i32
        %add3A_66 = arith.addi %add3A_28, %add3A_65 : i32
        %lt3A_67 = arith.cmpi slt, %add3A_66, %min3A_4 : i32
        %convert_element_type3A_68 = arith.extui %lt3A_67 : i1 to i32
        %cond3A_69 = arith.constant 0 : i32
        %cond3A_70 = arith.cmpi ne, %convert_element_type3A_68, %cond3A_69 : i32
        scf.if %cond3A_70 {
          %dma_start3A_94 = arith.constant 1 : i32
          %dma_start3A_95 = arith.constant 0 : i32
          %dma_start3A_96 = arith.constant 0 : i32
          %dma_start3A_97 = tpu.memref_slice %arg9[%dma_start3A_94, %dma_start3A_95, %dma_start3A_96] : memref<2x128x128xf32, #tpu.memory_space<vmem>> -> memref<1x128x128xf32, #tpu.memory_space<vmem>>
          %dma_start3A_98 = tpu.memref_squeeze %dma_start3A_97 : memref<1x128x128xf32, #tpu.memory_space<vmem>> -> memref<128x128xf32, #tpu.memory_space<vmem>>
          %dma_start3A_99 = arith.constant 0 : i32
          %dma_start3A_100 = tpu.memref_slice %arg7[%add3A_66, %dma_start3A_99] : memref<80x128xi32, #tpu.memory_space<vmem>> -> memref<1x128xi32, #tpu.memory_space<vmem>>
          %dma_start3A_101 = tpu.memref_squeeze %dma_start3A_100 : memref<1x128xi32, #tpu.memory_space<vmem>> -> memref<128xi32, #tpu.memory_space<vmem>>
          %dma_start3A_102 = arith.constant 0 : i32
          %dma_start3A_103 = arith.constant 0 : i32
          %dma_start3A_104 = tpu.memref_slice %arg2[%dma_start3A_102, %dma_start3A_103] : memref<10240x128xf32, #tpu.memory_space<hbm>> -> memref<10240x128xf32, #tpu.memory_space<hbm>>
          tpu.enqueue_indirect_dma source(%dma_start3A_104 : memref<10240x128xf32, #tpu.memory_space<hbm>>) target(%dma_start3A_98 : memref<128x128xf32, #tpu.memory_space<vmem>>) offsets(%dma_start3A_101 : memref<128xi32, #tpu.memory_space<vmem>>) semaphore(%arg12 : memref<!tpu.dma_semaphore, #tpu.memory_space<semaphore_mem>>)
          %dma_start3A_105 = arith.constant 1 : i32
          %dma_start3A_106 = arith.constant 0 : i32
          %dma_start3A_107 = arith.constant 0 : i32
          %dma_start3A_108 = tpu.memref_slice %arg10[%dma_start3A_105, %dma_start3A_106, %dma_start3A_107] : memref<2x128x128xf32, #tpu.memory_space<vmem>> -> memref<1x128x128xf32, #tpu.memory_space<vmem>>
          %dma_start3A_109 = tpu.memref_squeeze %dma_start3A_108 : memref<1x128x128xf32, #tpu.memory_space<vmem>> -> memref<128x128xf32, #tpu.memory_space<vmem>>
          %dma_start3A_110 = arith.constant 0 : i32
          %dma_start3A_111 = tpu.memref_slice %arg8[%add3A_66, %dma_start3A_110] : memref<80x128xi32, #tpu.memory_space<vmem>> -> memref<1x128xi32, #tpu.memory_space<vmem>>
          %dma_start3A_112 = tpu.memref_squeeze %dma_start3A_111 : memref<1x128xi32, #tpu.memory_space<vmem>> -> memref<128xi32, #tpu.memory_space<vmem>>
          %dma_start3A_113 = arith.constant 0 : i32
          %dma_start3A_114 = arith.constant 0 : i32
          %dma_start3A_115 = tpu.memref_slice %arg3[%dma_start3A_113, %dma_start3A_114] : memref<10240x128xf32, #tpu.memory_space<hbm>> -> memref<10240x128xf32, #tpu.memory_space<hbm>>
          tpu.enqueue_indirect_dma source(%dma_start3A_115 : memref<10240x128xf32, #tpu.memory_space<hbm>>) target(%dma_start3A_109 : memref<128x128xf32, #tpu.memory_space<vmem>>) offsets(%dma_start3A_112 : memref<128xi32, #tpu.memory_space<vmem>>) semaphore(%arg14 : memref<!tpu.dma_semaphore, #tpu.memory_space<semaphore_mem>>)
        } else {
        }
        %scan3A_71 = arith.constant 0 : i32
        %scan3A_72 = arith.constant 0 : i32
        %scan3A_73 = arith.constant 128 : i32
        %scan3A_74 = arith.addi %scan3A_72, %scan3A_73 : i32
        %scan3A_75 = arith.constant 1 : i32
        scf.for %scan3A_94 = %scan3A_72 to %scan3A_74 step %scan3A_75  : i32 {
          %get3A = arith.constant 0 : i32
          %get3A_95 = arith.index_cast %get3A : i32 to index
          %get3A_96 = arith.index_cast %scan3A_94 : i32 to index
          %get3A_97 = arith.constant 0 : index
          %get3A_98 = tpu.vector_load %arg9[%get3A_95, %get3A_96, %get3A_97] {strides = array<i32>} : memref<2x128x128xf32, #tpu.memory_space<vmem>>, vector<1x1x16xf32>,
          %get3A_99 = vector.shape_cast %get3A_98 : vector<1x1x16xf32> to vector<16xf32>
          %get3A_100 = arith.constant 0 : i32
          %get3A_101 = arith.index_cast %get3A_100 : i32 to index
          %get3A_102 = arith.index_cast %scan3A_94 : i32 to index
          %get3A_103 = arith.constant 64 : index
          %get3A_104 = tpu.vector_load %arg10[%get3A_101, %get3A_102, %get3A_103] {strides = array<i32>} : memref<2x128x128xf32, #tpu.memory_space<vmem>>, vector<1x1x16xf32>,
          %get3A_105 = vector.shape_cast %get3A_104 : vector<1x1x16xf32> to vector<16xf32>
          %add3A_106 = arith.addf %get3A_99, %get3A_105 : vector<16xf32>
          %swap3A = arith.constant 0 : i32
          %swap3A_107 = arith.index_cast %swap3A : i32 to index
          %swap3A_108 = arith.index_cast %scan3A_94 : i32 to index
          %swap3A_109 = arith.constant 0 : index
          %swap3A_110 = tpu.vector_load %arg9[%swap3A_107, %swap3A_108, %swap3A_109] {strides = array<i32>} : memref<2x128x128xf32, #tpu.memory_space<vmem>>, vector<1x1x16xf32>,
          %swap3A_111 = vector.shape_cast %swap3A_110 : vector<1x1x16xf32> to vector<16xf32>
          %swap3A_112 = vector.shape_cast %add3A_106 : vector<16xf32> to vector<1x1x16xf32>
          tpu.vector_store %arg9[%swap3A_107, %swap3A_108, %swap3A_109], %swap3A_112 {strides = array<i32>} : memref<2x128x128xf32, #tpu.memory_space<vmem>>, vector<1x1x16xf32>,
          %get3A_113 = arith.constant 0 : i32
          %get3A_114 = arith.index_cast %get3A_113 : i32 to index
          %get3A_115 = arith.index_cast %scan3A_94 : i32 to index
          %get3A_116 = arith.constant 16 : index
          %get3A_117 = tpu.vector_load %arg9[%get3A_114, %get3A_115, %get3A_116] {strides = array<i32>} : memref<2x128x128xf32, #tpu.memory_space<vmem>>, vector<1x1x16xf32>,
          %get3A_118 = vector.shape_cast %get3A_117 : vector<1x1x16xf32> to vector<16xf32>
          %get3A_119 = arith.constant 0 : i32
          %get3A_120 = arith.index_cast %get3A_119 : i32 to index
          %get3A_121 = arith.index_cast %scan3A_94 : i32 to index
          %get3A_122 = arith.constant 80 : index
          %get3A_123 = tpu.vector_load %arg10[%get3A_120, %get3A_121, %get3A_122] {strides = array<i32>} : memref<2x128x128xf32, #tpu.memory_space<vmem>>, vector<1x1x16xf32>,
          %get3A_124 = vector.shape_cast %get3A_123 : vector<1x1x16xf32> to vector<16xf32>
          %add3A_125 = arith.addf %get3A_118, %get3A_124 : vector<16xf32>
          %swap3A_126 = arith.constant 0 : i32
          %swap3A_127 = arith.index_cast %swap3A_126 : i32 to index
          %swap3A_128 = arith.index_cast %scan3A_94 : i32 to index
          %swap3A_129 = arith.constant 16 : index
          %swap3A_130 = tpu.vector_load %arg9[%swap3A_127, %swap3A_128, %swap3A_129] {strides = array<i32>} : memref<2x128x128xf32, #tpu.memory_space<vmem>>, vector<1x1x16xf32>,
          %swap3A_131 = vector.shape_cast %swap3A_130 : vector<1x1x16xf32> to vector<16xf32>
          %swap3A_132 = vector.shape_cast %add3A_125 : vector<16xf32> to vector<1x1x16xf32>
          tpu.vector_store %arg9[%swap3A_127, %swap3A_128, %swap3A_129], %swap3A_132 {strides = array<i32>} : memref<2x128x128xf32, #tpu.memory_space<vmem>>, vector<1x1x16xf32>,
          %get3A_133 = arith.constant 0 : i32
          %get3A_134 = arith.index_cast %get3A_133 : i32 to index
          %get3A_135 = arith.index_cast %scan3A_94 : i32 to index
          %get3A_136 = arith.constant 32 : index
          %get3A_137 = tpu.vector_load %arg9[%get3A_134, %get3A_135, %get3A_136] {strides = array<i32>} : memref<2x128x128xf32, #tpu.memory_space<vmem>>, vector<1x1x16xf32>,
          %get3A_138 = vector.shape_cast %get3A_137 : vector<1x1x16xf32> to vector<16xf32>
          %get3A_139 = arith.constant 0 : i32
          %get3A_140 = arith.index_cast %get3A_139 : i32 to index
          %get3A_141 = arith.index_cast %scan3A_94 : i32 to index
          %get3A_142 = arith.constant 96 : index
          %get3A_143 = tpu.vector_load %arg10[%get3A_140, %get3A_141, %get3A_142] {strides = array<i32>} : memref<2x128x128xf32, #tpu.memory_space<vmem>>, vector<1x1x16xf32>,
          %get3A_144 = vector.shape_cast %get3A_143 : vector<1x1x16xf32> to vector<16xf32>
          %add3A_145 = arith.addf %get3A_138, %get3A_144 : vector<16xf32>
          %swap3A_146 = arith.constant 0 : i32
          %swap3A_147 = arith.index_cast %swap3A_146 : i32 to index
          %swap3A_148 = arith.index_cast %scan3A_94 : i32 to index
          %swap3A_149 = arith.constant 32 : index
          %swap3A_150 = tpu.vector_load %arg9[%swap3A_147, %swap3A_148, %swap3A_149] {strides = array<i32>} : memref<2x128x128xf32, #tpu.memory_space<vmem>>, vector<1x1x16xf32>,
          %swap3A_151 = vector.shape_cast %swap3A_150 : vector<1x1x16xf32> to vector<16xf32>
          %swap3A_152 = vector.shape_cast %add3A_145 : vector<16xf32> to vector<1x1x16xf32>
          tpu.vector_store %arg9[%swap3A_147, %swap3A_148, %swap3A_149], %swap3A_152 {strides = array<i32>} : memref<2x128x128xf32, #tpu.memory_space<vmem>>, vector<1x1x16xf32>,
          %get3A_153 = arith.constant 0 : i32
          %get3A_154 = arith.index_cast %get3A_153 : i32 to index
          %get3A_155 = arith.index_cast %scan3A_94 : i32 to index
          %get3A_156 = arith.constant 48 : index
          %get3A_157 = tpu.vector_load %arg9[%get3A_154, %get3A_155, %get3A_156] {strides = array<i32>} : memref<2x128x128xf32, #tpu.memory_space<vmem>>, vector<1x1x16xf32>,
          %get3A_158 = vector.shape_cast %get3A_157 : vector<1x1x16xf32> to vector<16xf32>
          %get3A_159 = arith.constant 0 : i32
          %get3A_160 = arith.index_cast %get3A_159 : i32 to index
          %get3A_161 = arith.index_cast %scan3A_94 : i32 to index
          %get3A_162 = arith.constant 112 : index
          %get3A_163 = tpu.vector_load %arg10[%get3A_160, %get3A_161, %get3A_162] {strides = array<i32>} : memref<2x128x128xf32, #tpu.memory_space<vmem>>, vector<1x1x16xf32>,
          %get3A_164 = vector.shape_cast %get3A_163 : vector<1x1x16xf32> to vector<16xf32>
          %add3A_165 = arith.addf %get3A_158, %get3A_164 : vector<16xf32>
          %swap3A_166 = arith.constant 0 : i32
          %swap3A_167 = arith.index_cast %swap3A_166 : i32 to index
          %swap3A_168 = arith.index_cast %scan3A_94 : i32 to index
          %swap3A_169 = arith.constant 48 : index
          %swap3A_170 = tpu.vector_load %arg9[%swap3A_167, %swap3A_168, %swap3A_169] {strides = array<i32>} : memref<2x128x128xf32, #tpu.memory_space<vmem>>, vector<1x1x16xf32>,
          %swap3A_171 = vector.shape_cast %swap3A_170 : vector<1x1x16xf32> to vector<16xf32>
          %swap3A_172 = vector.shape_cast %add3A_165 : vector<16xf32> to vector<1x1x16xf32>
          tpu.vector_store %arg9[%swap3A_167, %swap3A_168, %swap3A_169], %swap3A_172 {strides = array<i32>} : memref<2x128x128xf32, #tpu.memory_space<vmem>>, vector<1x1x16xf32>,
        }
        %scan3A_76 = arith.constant 128 : i32
        %add3A_77 = arith.addi %mul3A_2, %add3A_28 : i32
        %dma_start3A = arith.constant 0 : i32
        %dma_start3A_78 = arith.constant 0 : i32
        %dma_start3A_79 = arith.constant 0 : i32
        %dma_start3A_80 = tpu.memref_slice %arg9[%dma_start3A, %dma_start3A_78, %dma_start3A_79] : memref<2x128x128xf32, #tpu.memory_space<vmem>> -> memref<1x128x128xf32, #tpu.memory_space<vmem>>
        %dma_start3A_81 = tpu.memref_squeeze %dma_start3A_80 : memref<1x128x128xf32, #tpu.memory_space<vmem>> -> memref<128x128xf32, #tpu.memory_space<vmem>>
        %dma_start3A_82 = arith.constant 0 : i32
        %dma_start3A_83 = arith.constant 0 : i32
        %dma_start3A_84 = tpu.memref_slice %arg6[%add3A_77, %dma_start3A_82, %dma_start3A_83] : memref<2500x128x128xf32, #tpu.memory_space<hbm>> -> memref<1x128x128xf32, #tpu.memory_space<hbm>>
        %dma_start3A_85 = tpu.memref_squeeze %dma_start3A_84 : memref<1x128x128xf32, #tpu.memory_space<hbm>> -> memref<128x128xf32, #tpu.memory_space<hbm>>
        %dma_start3A_86 = arith.constant 0 : i32
        %dma_start3A_87 = arith.constant 0 : i32
        %dma_start3A_88 = tpu.memref_slice %arg6[%add3A_77, %dma_start3A_86, %dma_start3A_87] : memref<2500x128x128xf32, #tpu.memory_space<hbm>> -> memref<1x128x128xf32, #tpu.memory_space<hbm>>
        %dma_start3A_89 = tpu.memref_squeeze %dma_start3A_88 : memref<1x128x128xf32, #tpu.memory_space<hbm>> -> memref<128x128xf32, #tpu.memory_space<hbm>>
        %dma_start3A_90 = arith.constant 0 : i32
        %dma_start3A_91 = arith.constant 0 : i32
        %dma_start3A_92 = tpu.memref_slice %arg9[%dma_start3A, %dma_start3A_90, %dma_start3A_91] : memref<2x128x128xf32, #tpu.memory_space<vmem>> -> memref<1x128x128xf32, #tpu.memory_space<vmem>>
        %dma_start3A_93 = tpu.memref_squeeze %dma_start3A_92 : memref<1x128x128xf32, #tpu.memory_space<vmem>> -> memref<128x128xf32, #tpu.memory_space<vmem>>
        tpu.enqueue_dma source(%dma_start3A_93 : memref<128x128xf32, #tpu.memory_space<vmem>>) target(%dma_start3A_89 : memref<128x128xf32, #tpu.memory_space<hbm>>) target_semaphore(%arg15 : memref<!tpu.dma_semaphore, #tpu.memory_space<semaphore_mem>>)
      } else {
      }
      %mul3A_32 = arith.constant 2 : i32
      %mul3A_33 = arith.muli %mul3A_32, %scan3A_24 : i32
      %add3A_34 = arith.constant 1 : i32
      %add3A_35 = arith.addi %mul3A_33, %add3A_34 : i32
      %lt3A_36 = arith.cmpi slt, %add3A_35, %min3A_4 : i32
      %convert_element_type3A_37 = arith.extui %lt3A_36 : i1 to i32
      %cond3A_38 = arith.constant 0 : i32
      %cond3A_39 = arith.cmpi ne, %convert_element_type3A_37, %cond3A_38 : i32
      scf.if %cond3A_39 {
        %dma_wait3A = arith.constant 1 : i32
        %dma_wait3A_40 = arith.constant 0 : i32
        %dma_wait3A_41 = arith.constant 0 : i32
        %dma_wait3A_42 = tpu.memref_slice %arg9[%dma_wait3A, %dma_wait3A_40, %dma_wait3A_41] : memref<2x128x128xf32, #tpu.memory_space<vmem>> -> memref<1x128x128xf32, #tpu.memory_space<vmem>>
        %dma_wait3A_43 = tpu.memref_squeeze %dma_wait3A_42 : memref<1x128x128xf32, #tpu.memory_space<vmem>> -> memref<128x128xf32, #tpu.memory_space<vmem>>
        %dma_wait3A_44 = arith.constant 0 : i32
        %dma_wait3A_45 = tpu.memref_slice %arg7[%add3A_35, %dma_wait3A_44] : memref<80x128xi32, #tpu.memory_space<vmem>> -> memref<1x128xi32, #tpu.memory_space<vmem>>
        %dma_wait3A_46 = tpu.memref_squeeze %dma_wait3A_45 : memref<1x128xi32, #tpu.memory_space<vmem>> -> memref<128xi32, #tpu.memory_space<vmem>>
        %dma_wait3A_47 = arith.constant 0 : i32
        %dma_wait3A_48 = arith.constant 0 : i32
        %dma_wait3A_49 = tpu.memref_slice %arg2[%dma_wait3A_47, %dma_wait3A_48] : memref<10240x128xf32, #tpu.memory_space<hbm>> -> memref<10240x128xf32, #tpu.memory_space<hbm>>
        tpu.wait_indirect_dma semaphore(%arg12 : memref<!tpu.dma_semaphore, #tpu.memory_space<semaphore_mem>>) src(%dma_wait3A_49 : memref<10240x128xf32, #tpu.memory_space<hbm>>) dst(%dma_wait3A_43 : memref<128x128xf32, #tpu.memory_space<vmem>>)
        %dma_wait3A_50 = arith.constant 1 : i32
        %dma_wait3A_51 = arith.constant 0 : i32
        %dma_wait3A_52 = arith.constant 0 : i32
        %dma_wait3A_53 = tpu.memref_slice %arg10[%dma_wait3A_50, %dma_wait3A_51, %dma_wait3A_52] : memref<2x128x128xf32, #tpu.memory_space<vmem>> -> memref<1x128x128xf32, #tpu.memory_space<vmem>>
        %dma_wait3A_54 = tpu.memref_squeeze %dma_wait3A_53 : memref<1x128x128xf32, #tpu.memory_space<vmem>> -> memref<128x128xf32, #tpu.memory_space<vmem>>
        %dma_wait3A_55 = arith.constant 0 : i32
        %dma_wait3A_56 = tpu.memref_slice %arg8[%add3A_35, %dma_wait3A_55] : memref<80x128xi32, #tpu.memory_space<vmem>> -> memref<1x128xi32, #tpu.memory_space<vmem>>
        %dma_wait3A_57 = tpu.memref_squeeze %dma_wait3A_56 : memref<1x128xi32, #tpu.memory_space<vmem>> -> memref<128xi32, #tpu.memory_space<vmem>>
        %dma_wait3A_58 = arith.constant 0 : i32
        %dma_wait3A_59 = arith.constant 0 : i32
        %dma_wait3A_60 = tpu.memref_slice %arg3[%dma_wait3A_58, %dma_wait3A_59] : memref<10240x128xf32, #tpu.memory_space<hbm>> -> memref<10240x128xf32, #tpu.memory_space<hbm>>
        tpu.wait_indirect_dma semaphore(%arg14 : memref<!tpu.dma_semaphore, #tpu.memory_space<semaphore_mem>>) src(%dma_wait3A_60 : memref<10240x128xf32, #tpu.memory_space<hbm>>) dst(%dma_wait3A_54 : memref<128x128xf32, #tpu.memory_space<vmem>>)
        %ge3A = arith.constant 1 : i32
        %ge3A_61 = arith.cmpi sge, %add3A_35, %ge3A : i32
        %convert_element_type3A_62 = arith.extui %ge3A_61 : i1 to i32
        %cond3A_63 = arith.constant 0 : i32
        %cond3A_64 = arith.cmpi ne, %convert_element_type3A_62, %cond3A_63 : i32
        scf.if %cond3A_64 {
          %dma_wait3A_94 = arith.constant 0 : i32
          %dma_wait3A_95 = arith.constant 0 : i32
          %dma_wait3A_96 = arith.constant 0 : i32
          %dma_wait3A_97 = tpu.memref_slice %arg9[%dma_wait3A_94, %dma_wait3A_95, %dma_wait3A_96] : memref<2x128x128xf32, #tpu.memory_space<vmem>> -> memref<1x128x128xf32, #tpu.memory_space<vmem>>
          %dma_wait3A_98 = tpu.memref_squeeze %dma_wait3A_97 : memref<1x128x128xf32, #tpu.memory_space<vmem>> -> memref<128x128xf32, #tpu.memory_space<vmem>>
          %dma_wait3A_99 = arith.constant 0 : i32
          %dma_wait3A_100 = arith.constant 0 : i32
          %dma_wait3A_101 = tpu.memref_slice %arg6[%mul3A_2, %dma_wait3A_99, %dma_wait3A_100] : memref<2500x128x128xf32, #tpu.memory_space<hbm>> -> memref<1x128x128xf32, #tpu.memory_space<hbm>>
          %dma_wait3A_102 = tpu.memref_squeeze %dma_wait3A_101 : memref<1x128x128xf32, #tpu.memory_space<hbm>> -> memref<128x128xf32, #tpu.memory_space<hbm>>
          %dma_wait3A_103 = arith.constant 0 : i32
          %dma_wait3A_104 = arith.constant 0 : i32
          %dma_wait3A_105 = tpu.memref_slice %arg6[%mul3A_2, %dma_wait3A_103, %dma_wait3A_104] : memref<2500x128x128xf32, #tpu.memory_space<hbm>> -> memref<1x128x128xf32, #tpu.memory_space<hbm>>
          %dma_wait3A_106 = tpu.memref_squeeze %dma_wait3A_105 : memref<1x128x128xf32, #tpu.memory_space<hbm>> -> memref<128x128xf32, #tpu.memory_space<hbm>>
          %dma_wait3A_107 = arith.constant 0 : i32
          %dma_wait3A_108 = arith.constant 0 : i32
          %dma_wait3A_109 = tpu.memref_slice %arg9[%dma_wait3A_94, %dma_wait3A_107, %dma_wait3A_108] : memref<2x128x128xf32, #tpu.memory_space<vmem>> -> memref<1x128x128xf32, #tpu.memory_space<vmem>>
          %dma_wait3A_110 = tpu.memref_squeeze %dma_wait3A_109 : memref<1x128x128xf32, #tpu.memory_space<vmem>> -> memref<128x128xf32, #tpu.memory_space<vmem>>
          tpu.wait_dma2 semaphore(%arg15 : memref<!tpu.dma_semaphore, #tpu.memory_space<semaphore_mem>>) src(%dma_wait3A_110 : memref<128x128xf32, #tpu.memory_space<vmem>>) dst(%dma_wait3A_106 : memref<128x128xf32, #tpu.memory_space<hbm>>)
        } else {
        }
        %add3A_65 = arith.constant 1 : i32
        %add3A_66 = arith.addi %add3A_35, %add3A_65 : i32
        %lt3A_67 = arith.cmpi slt, %add3A_66, %min3A_4 : i32
        %convert_element_type3A_68 = arith.extui %lt3A_67 : i1 to i32
        %cond3A_69 = arith.constant 0 : i32
        %cond3A_70 = arith.cmpi ne, %convert_element_type3A_68, %cond3A_69 : i32
        scf.if %cond3A_70 {
          %dma_start3A_94 = arith.constant 0 : i32
          %dma_start3A_95 = arith.constant 0 : i32
          %dma_start3A_96 = arith.constant 0 : i32
          %dma_start3A_97 = tpu.memref_slice %arg9[%dma_start3A_94, %dma_start3A_95, %dma_start3A_96] : memref<2x128x128xf32, #tpu.memory_space<vmem>> -> memref<1x128x128xf32, #tpu.memory_space<vmem>>
          %dma_start3A_98 = tpu.memref_squeeze %dma_start3A_97 : memref<1x128x128xf32, #tpu.memory_space<vmem>> -> memref<128x128xf32, #tpu.memory_space<vmem>>
          %dma_start3A_99 = arith.constant 0 : i32
          %dma_start3A_100 = tpu.memref_slice %arg7[%add3A_66, %dma_start3A_99] : memref<80x128xi32, #tpu.memory_space<vmem>> -> memref<1x128xi32, #tpu.memory_space<vmem>>
          %dma_start3A_101 = tpu.memref_squeeze %dma_start3A_100 : memref<1x128xi32, #tpu.memory_space<vmem>> -> memref<128xi32, #tpu.memory_space<vmem>>
          %dma_start3A_102 = arith.constant 0 : i32
          %dma_start3A_103 = arith.constant 0 : i32
          %dma_start3A_104 = tpu.memref_slice %arg2[%dma_start3A_102, %dma_start3A_103] : memref<10240x128xf32, #tpu.memory_space<hbm>> -> memref<10240x128xf32, #tpu.memory_space<hbm>>
          tpu.enqueue_indirect_dma source(%dma_start3A_104 : memref<10240x128xf32, #tpu.memory_space<hbm>>) target(%dma_start3A_98 : memref<128x128xf32, #tpu.memory_space<vmem>>) offsets(%dma_start3A_101 : memref<128xi32, #tpu.memory_space<vmem>>) semaphore(%arg11 : memref<!tpu.dma_semaphore, #tpu.memory_space<semaphore_mem>>)
          %dma_start3A_105 = arith.constant 0 : i32
          %dma_start3A_106 = arith.constant 0 : i32
          %dma_start3A_107 = arith.constant 0 : i32
          %dma_start3A_108 = tpu.memref_slice %arg10[%dma_start3A_105, %dma_start3A_106, %dma_start3A_107] : memref<2x128x128xf32, #tpu.memory_space<vmem>> -> memref<1x128x128xf32, #tpu.memory_space<vmem>>
          %dma_start3A_109 = tpu.memref_squeeze %dma_start3A_108 : memref<1x128x128xf32, #tpu.memory_space<vmem>> -> memref<128x128xf32, #tpu.memory_space<vmem>>
          %dma_start3A_110 = arith.constant 0 : i32
          %dma_start3A_111 = tpu.memref_slice %arg8[%add3A_66, %dma_start3A_110] : memref<80x128xi32, #tpu.memory_space<vmem>> -> memref<1x128xi32, #tpu.memory_space<vmem>>
          %dma_start3A_112 = tpu.memref_squeeze %dma_start3A_111 : memref<1x128xi32, #tpu.memory_space<vmem>> -> memref<128xi32, #tpu.memory_space<vmem>>
          %dma_start3A_113 = arith.constant 0 : i32
          %dma_start3A_114 = arith.constant 0 : i32
          %dma_start3A_115 = tpu.memref_slice %arg3[%dma_start3A_113, %dma_start3A_114] : memref<10240x128xf32, #tpu.memory_space<hbm>> -> memref<10240x128xf32, #tpu.memory_space<hbm>>
          tpu.enqueue_indirect_dma source(%dma_start3A_115 : memref<10240x128xf32, #tpu.memory_space<hbm>>) target(%dma_start3A_109 : memref<128x128xf32, #tpu.memory_space<vmem>>) offsets(%dma_start3A_112 : memref<128xi32, #tpu.memory_space<vmem>>) semaphore(%arg13 : memref<!tpu.dma_semaphore, #tpu.memory_space<semaphore_mem>>)
        } else {
        }
        %scan3A_71 = arith.constant 0 : i32
        %scan3A_72 = arith.constant 0 : i32
        %scan3A_73 = arith.constant 128 : i32
        %scan3A_74 = arith.addi %scan3A_72, %scan3A_73 : i32
        %scan3A_75 = arith.constant 1 : i32
        scf.for %scan3A_94 = %scan3A_72 to %scan3A_74 step %scan3A_75  : i32 {
          %get3A = arith.constant 1 : i32
          %get3A_95 = arith.index_cast %get3A : i32 to index
          %get3A_96 = arith.index_cast %scan3A_94 : i32 to index
          %get3A_97 = arith.constant 0 : index
          %get3A_98 = tpu.vector_load %arg9[%get3A_95, %get3A_96, %get3A_97] {strides = array<i32>} : memref<2x128x128xf32, #tpu.memory_space<vmem>>, vector<1x1x16xf32>,
          %get3A_99 = vector.shape_cast %get3A_98 : vector<1x1x16xf32> to vector<16xf32>
          %get3A_100 = arith.constant 1 : i32
          %get3A_101 = arith.index_cast %get3A_100 : i32 to index
          %get3A_102 = arith.index_cast %scan3A_94 : i32 to index
          %get3A_103 = arith.constant 64 : index
          %get3A_104 = tpu.vector_load %arg10[%get3A_101, %get3A_102, %get3A_103] {strides = array<i32>} : memref<2x128x128xf32, #tpu.memory_space<vmem>>, vector<1x1x16xf32>,
          %get3A_105 = vector.shape_cast %get3A_104 : vector<1x1x16xf32> to vector<16xf32>
          %add3A_106 = arith.addf %get3A_99, %get3A_105 : vector<16xf32>
          %swap3A = arith.constant 1 : i32
          %swap3A_107 = arith.index_cast %swap3A : i32 to index
          %swap3A_108 = arith.index_cast %scan3A_94 : i32 to index
          %swap3A_109 = arith.constant 0 : index
          %swap3A_110 = tpu.vector_load %arg9[%swap3A_107, %swap3A_108, %swap3A_109] {strides = array<i32>} : memref<2x128x128xf32, #tpu.memory_space<vmem>>, vector<1x1x16xf32>,
          %swap3A_111 = vector.shape_cast %swap3A_110 : vector<1x1x16xf32> to vector<16xf32>
          %swap3A_112 = vector.shape_cast %add3A_106 : vector<16xf32> to vector<1x1x16xf32>
          tpu.vector_store %arg9[%swap3A_107, %swap3A_108, %swap3A_109], %swap3A_112 {strides = array<i32>} : memref<2x128x128xf32, #tpu.memory_space<vmem>>, vector<1x1x16xf32>,
          %get3A_113 = arith.constant 1 : i32
          %get3A_114 = arith.index_cast %get3A_113 : i32 to index
          %get3A_115 = arith.index_cast %scan3A_94 : i32 to index
          %get3A_116 = arith.constant 16 : index
          %get3A_117 = tpu.vector_load %arg9[%get3A_114, %get3A_115, %get3A_116] {strides = array<i32>} : memref<2x128x128xf32, #tpu.memory_space<vmem>>, vector<1x1x16xf32>,
          %get3A_118 = vector.shape_cast %get3A_117 : vector<1x1x16xf32> to vector<16xf32>
          %get3A_119 = arith.constant 1 : i32
          %get3A_120 = arith.index_cast %get3A_119 : i32 to index
          %get3A_121 = arith.index_cast %scan3A_94 : i32 to index
          %get3A_122 = arith.constant 80 : index
          %get3A_123 = tpu.vector_load %arg10[%get3A_120, %get3A_121, %get3A_122] {strides = array<i32>} : memref<2x128x128xf32, #tpu.memory_space<vmem>>, vector<1x1x16xf32>,
          %get3A_124 = vector.shape_cast %get3A_123 : vector<1x1x16xf32> to vector<16xf32>
          %add3A_125 = arith.addf %get3A_118, %get3A_124 : vector<16xf32>
          %swap3A_126 = arith.constant 1 : i32
          %swap3A_127 = arith.index_cast %swap3A_126 : i32 to index
          %swap3A_128 = arith.index_cast %scan3A_94 : i32 to index
          %swap3A_129 = arith.constant 16 : index
          %swap3A_130 = tpu.vector_load %arg9[%swap3A_127, %swap3A_128, %swap3A_129] {strides = array<i32>} : memref<2x128x128xf32, #tpu.memory_space<vmem>>, vector<1x1x16xf32>,
          %swap3A_131 = vector.shape_cast %swap3A_130 : vector<1x1x16xf32> to vector<16xf32>
          %swap3A_132 = vector.shape_cast %add3A_125 : vector<16xf32> to vector<1x1x16xf32>
          tpu.vector_store %arg9[%swap3A_127, %swap3A_128, %swap3A_129], %swap3A_132 {strides = array<i32>} : memref<2x128x128xf32, #tpu.memory_space<vmem>>, vector<1x1x16xf32>,
          %get3A_133 = arith.constant 1 : i32
          %get3A_134 = arith.index_cast %get3A_133 : i32 to index
          %get3A_135 = arith.index_cast %scan3A_94 : i32 to index
          %get3A_136 = arith.constant 32 : index
          %get3A_137 = tpu.vector_load %arg9[%get3A_134, %get3A_135, %get3A_136] {strides = array<i32>} : memref<2x128x128xf32, #tpu.memory_space<vmem>>, vector<1x1x16xf32>,
          %get3A_138 = vector.shape_cast %get3A_137 : vector<1x1x16xf32> to vector<16xf32>
          %get3A_139 = arith.constant 1 : i32
          %get3A_140 = arith.index_cast %get3A_139 : i32 to index
          %get3A_141 = arith.index_cast %scan3A_94 : i32 to index
          %get3A_142 = arith.constant 96 : index
          %get3A_143 = tpu.vector_load %arg10[%get3A_140, %get3A_141, %get3A_142] {strides = array<i32>} : memref<2x128x128xf32, #tpu.memory_space<vmem>>, vector<1x1x16xf32>,
          %get3A_144 = vector.shape_cast %get3A_143 : vector<1x1x16xf32> to vector<16xf32>
          %add3A_145 = arith.addf %get3A_138, %get3A_144 : vector<16xf32>
          %swap3A_146 = arith.constant 1 : i32
          %swap3A_147 = arith.index_cast %swap3A_146 : i32 to index
          %swap3A_148 = arith.index_cast %scan3A_94 : i32 to index
          %swap3A_149 = arith.constant 32 : index
          %swap3A_150 = tpu.vector_load %arg9[%swap3A_147, %swap3A_148, %swap3A_149] {strides = array<i32>} : memref<2x128x128xf32, #tpu.memory_space<vmem>>, vector<1x1x16xf32>,
          %swap3A_151 = vector.shape_cast %swap3A_150 : vector<1x1x16xf32> to vector<16xf32>
          %swap3A_152 = vector.shape_cast %add3A_145 : vector<16xf32> to vector<1x1x16xf32>
          tpu.vector_store %arg9[%swap3A_147, %swap3A_148, %swap3A_149], %swap3A_152 {strides = array<i32>} : memref<2x128x128xf32, #tpu.memory_space<vmem>>, vector<1x1x16xf32>,
          %get3A_153 = arith.constant 1 : i32
          %get3A_154 = arith.index_cast %get3A_153 : i32 to index
          %get3A_155 = arith.index_cast %scan3A_94 : i32 to index
          %get3A_156 = arith.constant 48 : index
          %get3A_157 = tpu.vector_load %arg9[%get3A_154, %get3A_155, %get3A_156] {strides = array<i32>} : memref<2x128x128xf32, #tpu.memory_space<vmem>>, vector<1x1x16xf32>,
          %get3A_158 = vector.shape_cast %get3A_157 : vector<1x1x16xf32> to vector<16xf32>
          %get3A_159 = arith.constant 1 : i32
          %get3A_160 = arith.index_cast %get3A_159 : i32 to index
          %get3A_161 = arith.index_cast %scan3A_94 : i32 to index
          %get3A_162 = arith.constant 112 : index
          %get3A_163 = tpu.vector_load %arg10[%get3A_160, %get3A_161, %get3A_162] {strides = array<i32>} : memref<2x128x128xf32, #tpu.memory_space<vmem>>, vector<1x1x16xf32>,
          %get3A_164 = vector.shape_cast %get3A_163 : vector<1x1x16xf32> to vector<16xf32>
          %add3A_165 = arith.addf %get3A_158, %get3A_164 : vector<16xf32>
          %swap3A_166 = arith.constant 1 : i32
          %swap3A_167 = arith.index_cast %swap3A_166 : i32 to index
          %swap3A_168 = arith.index_cast %scan3A_94 : i32 to index
          %swap3A_169 = arith.constant 48 : index
          %swap3A_170 = tpu.vector_load %arg9[%swap3A_167, %swap3A_168, %swap3A_169] {strides = array<i32>} : memref<2x128x128xf32, #tpu.memory_space<vmem>>, vector<1x1x16xf32>,
          %swap3A_171 = vector.shape_cast %swap3A_170 : vector<1x1x16xf32> to vector<16xf32>
          %swap3A_172 = vector.shape_cast %add3A_165 : vector<16xf32> to vector<1x1x16xf32>
          tpu.vector_store %arg9[%swap3A_167, %swap3A_168, %swap3A_169], %swap3A_172 {strides = array<i32>} : memref<2x128x128xf32, #tpu.memory_space<vmem>>, vector<1x1x16xf32>,
        }
        %scan3A_76 = arith.constant 128 : i32
        %add3A_77 = arith.addi %mul3A_2, %add3A_35 : i32
        %dma_start3A = arith.constant 1 : i32
        %dma_start3A_78 = arith.constant 0 : i32
        %dma_start3A_79 = arith.constant 0 : i32
        %dma_start3A_80 = tpu.memref_slice %arg9[%dma_start3A, %dma_start3A_78, %dma_start3A_79] : memref<2x128x128xf32, #tpu.memory_space<vmem>> -> memref<1x128x128xf32, #tpu.memory_space<vmem>>
        %dma_start3A_81 = tpu.memref_squeeze %dma_start3A_80 : memref<1x128x128xf32, #tpu.memory_space<vmem>> -> memref<128x128xf32, #tpu.memory_space<vmem>>
        %dma_start3A_82 = arith.constant 0 : i32
        %dma_start3A_83 = arith.constant 0 : i32
        %dma_start3A_84 = tpu.memref_slice %arg6[%add3A_77, %dma_start3A_82, %dma_start3A_83] : memref<2500x128x128xf32, #tpu.memory_space<hbm>> -> memref<1x128x128xf32, #tpu.memory_space<hbm>>
        %dma_start3A_85 = tpu.memref_squeeze %dma_start3A_84 : memref<1x128x128xf32, #tpu.memory_space<hbm>> -> memref<128x128xf32, #tpu.memory_space<hbm>>
        %dma_start3A_86 = arith.constant 0 : i32
        %dma_start3A_87 = arith.constant 0 : i32
        %dma_start3A_88 = tpu.memref_slice %arg6[%add3A_77, %dma_start3A_86, %dma_start3A_87] : memref<2500x128x128xf32, #tpu.memory_space<hbm>> -> memref<1x128x128xf32, #tpu.memory_space<hbm>>
        %dma_start3A_89 = tpu.memref_squeeze %dma_start3A_88 : memref<1x128x128xf32, #tpu.memory_space<hbm>> -> memref<128x128xf32, #tpu.memory_space<hbm>>
        %dma_start3A_90 = arith.constant 0 : i32
        %dma_start3A_91 = arith.constant 0 : i32
        %dma_start3A_92 = tpu.memref_slice %arg9[%dma_start3A, %dma_start3A_90, %dma_start3A_91] : memref<2x128x128xf32, #tpu.memory_space<vmem>> -> memref<1x128x128xf32, #tpu.memory_space<vmem>>
        %dma_start3A_93 = tpu.memref_squeeze %dma_start3A_92 : memref<1x128x128xf32, #tpu.memory_space<vmem>> -> memref<128x128xf32, #tpu.memory_space<vmem>>
        tpu.enqueue_dma source(%dma_start3A_93 : memref<128x128xf32, #tpu.memory_space<vmem>>) target(%dma_start3A_89 : memref<128x128xf32, #tpu.memory_space<hbm>>) target_semaphore(%arg16 : memref<!tpu.dma_semaphore, #tpu.memory_space<semaphore_mem>>)
      } else {
      }
    }
    %scan3A_11 = arith.constant 40 : i32
    %sub3A_12 = arith.constant 1 : i32
    %sub3A_13 = arith.subi %min3A_4, %sub3A_12 : i32
    %rem3A = arith.constant 2 : i32
    %rem3A_14 = arith.remsi %sub3A_13, %rem3A : i32
    %eq3A = arith.constant 0 : i32
    %eq3A_15 = arith.cmpi eq, %rem3A_14, %eq3A : i32
    %convert_element_type3A_16 = arith.extui %eq3A_15 : i1 to i32
    %cond3A_17 = arith.constant 0 : i32
    %cond3A_18 = arith.cmpi ne, %convert_element_type3A_16, %cond3A_17 : i32
    scf.if %cond3A_18 {
      %dma_wait3A = arith.constant 0 : i32
      %dma_wait3A_24 = arith.constant 0 : i32
      %dma_wait3A_25 = arith.constant 0 : i32
      %dma_wait3A_26 = tpu.memref_slice %arg9[%dma_wait3A, %dma_wait3A_24, %dma_wait3A_25] : memref<2x128x128xf32, #tpu.memory_space<vmem>> -> memref<1x128x128xf32, #tpu.memory_space<vmem>>
      %dma_wait3A_27 = tpu.memref_squeeze %dma_wait3A_26 : memref<1x128x128xf32, #tpu.memory_space<vmem>> -> memref<128x128xf32, #tpu.memory_space<vmem>>
      %dma_wait3A_28 = arith.constant 0 : i32
      %dma_wait3A_29 = arith.constant 0 : i32
      %dma_wait3A_30 = tpu.memref_slice %arg6[%mul3A_2, %dma_wait3A_28, %dma_wait3A_29] : memref<2500x128x128xf32, #tpu.memory_space<hbm>> -> memref<1x128x128xf32, #tpu.memory_space<hbm>>
      %dma_wait3A_31 = tpu.memref_squeeze %dma_wait3A_30 : memref<1x128x128xf32, #tpu.memory_space<hbm>> -> memref<128x128xf32, #tpu.memory_space<hbm>>
      %dma_wait3A_32 = arith.constant 0 : i32
      %dma_wait3A_33 = arith.constant 0 : i32
      %dma_wait3A_34 = tpu.memref_slice %arg6[%mul3A_2, %dma_wait3A_32, %dma_wait3A_33] : memref<2500x128x128xf32, #tpu.memory_space<hbm>> -> memref<1x128x128xf32, #tpu.memory_space<hbm>>
      %dma_wait3A_35 = tpu.memref_squeeze %dma_wait3A_34 : memref<1x128x128xf32, #tpu.memory_space<hbm>> -> memref<128x128xf32, #tpu.memory_space<hbm>>
      %dma_wait3A_36 = arith.constant 0 : i32
      %dma_wait3A_37 = arith.constant 0 : i32
      %dma_wait3A_38 = tpu.memref_slice %arg9[%dma_wait3A, %dma_wait3A_36, %dma_wait3A_37] : memref<2x128x128xf32, #tpu.memory_space<vmem>> -> memref<1x128x128xf32, #tpu.memory_space<vmem>>
      %dma_wait3A_39 = tpu.memref_squeeze %dma_wait3A_38 : memref<1x128x128xf32, #tpu.memory_space<vmem>> -> memref<128x128xf32, #tpu.memory_space<vmem>>
      tpu.wait_dma2 semaphore(%arg15 : memref<!tpu.dma_semaphore, #tpu.memory_space<semaphore_mem>>) src(%dma_wait3A_39 : memref<128x128xf32, #tpu.memory_space<vmem>>) dst(%dma_wait3A_35 : memref<128x128xf32, #tpu.memory_space<hbm>>)
    } else {
    }
    %eq3A_19 = arith.constant 1 : i32
    %eq3A_20 = arith.cmpi eq, %rem3A_14, %eq3A_19 : i32
    %convert_element_type3A_21 = arith.extui %eq3A_20 : i1 to i32
    %cond3A_22 = arith.constant 0 : i32
    %cond3A_23 = arith.cmpi ne, %convert_element_type3A_21, %cond3A_22 : i32
    scf.if %cond3A_23 {
      %dma_wait3A = arith.constant 1 : i32
      %dma_wait3A_24 = arith.constant 0 : i32
      %dma_wait3A_25 = arith.constant 0 : i32
      %dma_wait3A_26 = tpu.memref_slice %arg9[%dma_wait3A, %dma_wait3A_24, %dma_wait3A_25] : memref<2x128x128xf32, #tpu.memory_space<vmem>> -> memref<1x128x128xf32, #tpu.memory_space<vmem>>
      %dma_wait3A_27 = tpu.memref_squeeze %dma_wait3A_26 : memref<1x128x128xf32, #tpu.memory_space<vmem>> -> memref<128x128xf32, #tpu.memory_space<vmem>>
      %dma_wait3A_28 = arith.constant 0 : i32
      %dma_wait3A_29 = arith.constant 0 : i32
      %dma_wait3A_30 = tpu.memref_slice %arg6[%mul3A_2, %dma_wait3A_28, %dma_wait3A_29] : memref<2500x128x128xf32, #tpu.memory_space<hbm>> -> memref<1x128x128xf32, #tpu.memory_space<hbm>>
      %dma_wait3A_31 = tpu.memref_squeeze %dma_wait3A_30 : memref<1x128x128xf32, #tpu.memory_space<hbm>> -> memref<128x128xf32, #tpu.memory_space<hbm>>
      %dma_wait3A_32 = arith.constant 0 : i32
      %dma_wait3A_33 = arith.constant 0 : i32
      %dma_wait3A_34 = tpu.memref_slice %arg6[%mul3A_2, %dma_wait3A_32, %dma_wait3A_33] : memref<2500x128x128xf32, #tpu.memory_space<hbm>> -> memref<1x128x128xf32, #tpu.memory_space<hbm>>
      %dma_wait3A_35 = tpu.memref_squeeze %dma_wait3A_34 : memref<1x128x128xf32, #tpu.memory_space<hbm>> -> memref<128x128xf32, #tpu.memory_space<hbm>>
      %dma_wait3A_36 = arith.constant 0 : i32
      %dma_wait3A_37 = arith.constant 0 : i32
      %dma_wait3A_38 = tpu.memref_slice %arg9[%dma_wait3A, %dma_wait3A_36, %dma_wait3A_37] : memref<2x128x128xf32, #tpu.memory_space<vmem>> -> memref<1x128x128xf32, #tpu.memory_space<vmem>>
      %dma_wait3A_39 = tpu.memref_squeeze %dma_wait3A_38 : memref<1x128x128xf32, #tpu.memory_space<vmem>> -> memref<128x128xf32, #tpu.memory_space<vmem>>
      tpu.wait_dma2 semaphore(%arg16 : memref<!tpu.dma_semaphore, #tpu.memory_space<semaphore_mem>>) src(%dma_wait3A_39 : memref<128x128xf32, #tpu.memory_space<vmem>>) dst(%dma_wait3A_35 : memref<128x128xf32, #tpu.memory_space<hbm>>)
    } else {
    }
    return
  }
}

#map = affine_map<(d0, d1) -> (0, 0, 0)>
#map1 = affine_map<(d0, d1) -> (0, 0)>
module attributes {stable_mosaic.version = 14 : i64} {
  func.func @k(%arg0: i32, %arg1: i32, %arg2: memref<2500x128x128xf32, #tpu.memory_space<hbm>>, %arg3: memref<2560x128xi32, #tpu.memory_space<hbm>>, %arg4: memref<2x10240x128xf32, #tpu.memory_space<hbm>>, %arg5: memref<80x128xi32, #tpu.memory_space<vmem>>, %arg6: memref<2x128x128xf32, #tpu.memory_space<vmem>>, %arg7: memref<10240x128xf32, #tpu.memory_space<vmem_shared>>, %arg8: memref<!tpu.dma_semaphore, #tpu.memory_space<semaphore_mem>>, %arg9: memref<!tpu.dma_semaphore, #tpu.memory_space<semaphore_mem>>) attributes {dimension_semantics = [#tpu.dimension_semantics<core_parallel>, #tpu.dimension_semantics<subcore_parallel>], iteration_bounds = array<i64: 2, 16>, scalar_prefetch = 0 : i64, scratch_operands = 5 : i64, tpu.core_type = #tpu.core_type<sc_vector_subcore>, window_params = [{transform_indices = #map}, {transform_indices = #map1}, {transform_indices = #map}]} {
    %mul3A = arith.constant 2 : i32
    %mul3A_0 = arith.muli %arg1, %mul3A : i32
    %add3A = arith.addi %mul3A_0, %arg0 : i32
    %mul3A_1 = arith.constant 80 : i32
    %mul3A_2 = arith.muli %add3A, %mul3A_1 : i32
    %sub3A = arith.constant 2500 : i32
    %sub3A_3 = arith.subi %sub3A, %mul3A_2 : i32
    %min3A = arith.constant 80 : i32
    %min3A_4 = arith.minsi %min3A, %sub3A_3 : i32
    %scan3A = arith.constant 0 : i32
    %scan3A_5 = arith.constant 0 : i32
    %scan3A_6 = arith.constant 128 : i32
    %scan3A_7 = arith.addi %scan3A_5, %scan3A_6 : i32
    %scan3A_8 = arith.constant 1 : i32
    scf.for %scan3A_45 = %scan3A_5 to %scan3A_7 step %scan3A_8  : i32 {
      %broadcast_in_dim3A = arith.constant 0.000000e+00 : f32
      %broadcast_in_dim3A_46 = vector.broadcast %broadcast_in_dim3A : f32 to vector<16xf32>
      %swap3A = arith.constant 0 : i32
      %swap3A_47 = arith.index_cast %swap3A : i32 to index
      %swap3A_48 = arith.index_cast %scan3A_45 : i32 to index
      %swap3A_49 = arith.constant 0 : index
      %swap3A_50 = tpu.vector_load %arg6[%swap3A_47, %swap3A_48, %swap3A_49] {strides = array<i32>} : memref<2x128x128xf32, #tpu.memory_space<vmem>>, vector<1x1x16xf32>,
      %swap3A_51 = vector.shape_cast %swap3A_50 : vector<1x1x16xf32> to vector<16xf32>
      %swap3A_52 = vector.shape_cast %broadcast_in_dim3A_46 : vector<16xf32> to vector<1x1x16xf32>
      tpu.vector_store %arg6[%swap3A_47, %swap3A_48, %swap3A_49], %swap3A_52 {strides = array<i32>} : memref<2x128x128xf32, #tpu.memory_space<vmem>>, vector<1x1x16xf32>,
      %broadcast_in_dim3A_53 = arith.constant 0.000000e+00 : f32
      %broadcast_in_dim3A_54 = vector.broadcast %broadcast_in_dim3A_53 : f32 to vector<16xf32>
      %swap3A_55 = arith.constant 0 : i32
      %swap3A_56 = arith.index_cast %swap3A_55 : i32 to index
      %swap3A_57 = arith.index_cast %scan3A_45 : i32 to index
      %swap3A_58 = arith.constant 16 : index
      %swap3A_59 = tpu.vector_load %arg6[%swap3A_56, %swap3A_57, %swap3A_58] {strides = array<i32>} : memref<2x128x128xf32, #tpu.memory_space<vmem>>, vector<1x1x16xf32>,
      %swap3A_60 = vector.shape_cast %swap3A_59 : vector<1x1x16xf32> to vector<16xf32>
      %swap3A_61 = vector.shape_cast %broadcast_in_dim3A_54 : vector<16xf32> to vector<1x1x16xf32>
      tpu.vector_store %arg6[%swap3A_56, %swap3A_57, %swap3A_58], %swap3A_61 {strides = array<i32>} : memref<2x128x128xf32, #tpu.memory_space<vmem>>, vector<1x1x16xf32>,
      %broadcast_in_dim3A_62 = arith.constant 0.000000e+00 : f32
      %broadcast_in_dim3A_63 = vector.broadcast %broadcast_in_dim3A_62 : f32 to vector<16xf32>
      %swap3A_64 = arith.constant 0 : i32
      %swap3A_65 = arith.index_cast %swap3A_64 : i32 to index
      %swap3A_66 = arith.index_cast %scan3A_45 : i32 to index
      %swap3A_67 = arith.constant 32 : index
      %swap3A_68 = tpu.vector_load %arg6[%swap3A_65, %swap3A_66, %swap3A_67] {strides = array<i32>} : memref<2x128x128xf32, #tpu.memory_space<vmem>>, vector<1x1x16xf32>,
      %swap3A_69 = vector.shape_cast %swap3A_68 : vector<1x1x16xf32> to vector<16xf32>
      %swap3A_70 = vector.shape_cast %broadcast_in_dim3A_63 : vector<16xf32> to vector<1x1x16xf32>
      tpu.vector_store %arg6[%swap3A_65, %swap3A_66, %swap3A_67], %swap3A_70 {strides = array<i32>} : memref<2x128x128xf32, #tpu.memory_space<vmem>>, vector<1x1x16xf32>,
      %broadcast_in_dim3A_71 = arith.constant 0.000000e+00 : f32
      %broadcast_in_dim3A_72 = vector.broadcast %broadcast_in_dim3A_71 : f32 to vector<16xf32>
      %swap3A_73 = arith.constant 0 : i32
      %swap3A_74 = arith.index_cast %swap3A_73 : i32 to index
      %swap3A_75 = arith.index_cast %scan3A_45 : i32 to index
      %swap3A_76 = arith.constant 48 : index
      %swap3A_77 = tpu.vector_load %arg6[%swap3A_74, %swap3A_75, %swap3A_76] {strides = array<i32>} : memref<2x128x128xf32, #tpu.memory_space<vmem>>, vector<1x1x16xf32>,
      %swap3A_78 = vector.shape_cast %swap3A_77 : vector<1x1x16xf32> to vector<16xf32>
      %swap3A_79 = vector.shape_cast %broadcast_in_dim3A_72 : vector<16xf32> to vector<1x1x16xf32>
      tpu.vector_store %arg6[%swap3A_74, %swap3A_75, %swap3A_76], %swap3A_79 {strides = array<i32>} : memref<2x128x128xf32, #tpu.memory_space<vmem>>, vector<1x1x16xf32>,
      %broadcast_in_dim3A_80 = arith.constant 0.000000e+00 : f32
      %broadcast_in_dim3A_81 = vector.broadcast %broadcast_in_dim3A_80 : f32 to vector<16xf32>
      %swap3A_82 = arith.constant 0 : i32
      %swap3A_83 = arith.index_cast %swap3A_82 : i32 to index
      %swap3A_84 = arith.index_cast %scan3A_45 : i32 to index
      %swap3A_85 = arith.constant 64 : index
      %swap3A_86 = tpu.vector_load %arg6[%swap3A_83, %swap3A_84, %swap3A_85] {strides = array<i32>} : memref<2x128x128xf32, #tpu.memory_space<vmem>>, vector<1x1x16xf32>,
      %swap3A_87 = vector.shape_cast %swap3A_86 : vector<1x1x16xf32> to vector<16xf32>
      %swap3A_88 = vector.shape_cast %broadcast_in_dim3A_81 : vector<16xf32> to vector<1x1x16xf32>
      tpu.vector_store %arg6[%swap3A_83, %swap3A_84, %swap3A_85], %swap3A_88 {strides = array<i32>} : memref<2x128x128xf32, #tpu.memory_space<vmem>>, vector<1x1x16xf32>,
      %broadcast_in_dim3A_89 = arith.constant 0.000000e+00 : f32
      %broadcast_in_dim3A_90 = vector.broadcast %broadcast_in_dim3A_89 : f32 to vector<16xf32>
      %swap3A_91 = arith.constant 0 : i32
      %swap3A_92 = arith.index_cast %swap3A_91 : i32 to index
      %swap3A_93 = arith.index_cast %scan3A_45 : i32 to index
      %swap3A_94 = arith.constant 80 : index
      %swap3A_95 = tpu.vector_load %arg6[%swap3A_92, %swap3A_93, %swap3A_94] {strides = array<i32>} : memref<2x128x128xf32, #tpu.memory_space<vmem>>, vector<1x1x16xf32>,
      %swap3A_96 = vector.shape_cast %swap3A_95 : vector<1x1x16xf32> to vector<16xf32>
      %swap3A_97 = vector.shape_cast %broadcast_in_dim3A_90 : vector<16xf32> to vector<1x1x16xf32>
      tpu.vector_store %arg6[%swap3A_92, %swap3A_93, %swap3A_94], %swap3A_97 {strides = array<i32>} : memref<2x128x128xf32, #tpu.memory_space<vmem>>, vector<1x1x16xf32>,
      %broadcast_in_dim3A_98 = arith.constant 0.000000e+00 : f32
      %broadcast_in_dim3A_99 = vector.broadcast %broadcast_in_dim3A_98 : f32 to vector<16xf32>
      %swap3A_100 = arith.constant 0 : i32
      %swap3A_101 = arith.index_cast %swap3A_100 : i32 to index
      %swap3A_102 = arith.index_cast %scan3A_45 : i32 to index
      %swap3A_103 = arith.constant 96 : index
      %swap3A_104 = tpu.vector_load %arg6[%swap3A_101, %swap3A_102, %swap3A_103] {strides = array<i32>} : memref<2x128x128xf32, #tpu.memory_space<vmem>>, vector<1x1x16xf32>,
      %swap3A_105 = vector.shape_cast %swap3A_104 : vector<1x1x16xf32> to vector<16xf32>
      %swap3A_106 = vector.shape_cast %broadcast_in_dim3A_99 : vector<16xf32> to vector<1x1x16xf32>
      tpu.vector_store %arg6[%swap3A_101, %swap3A_102, %swap3A_103], %swap3A_106 {strides = array<i32>} : memref<2x128x128xf32, #tpu.memory_space<vmem>>, vector<1x1x16xf32>,
      %broadcast_in_dim3A_107 = arith.constant 0.000000e+00 : f32
      %broadcast_in_dim3A_108 = vector.broadcast %broadcast_in_dim3A_107 : f32 to vector<16xf32>
      %swap3A_109 = arith.constant 0 : i32
      %swap3A_110 = arith.index_cast %swap3A_109 : i32 to index
      %swap3A_111 = arith.index_cast %scan3A_45 : i32 to index
      %swap3A_112 = arith.constant 112 : index
      %swap3A_113 = tpu.vector_load %arg6[%swap3A_110, %swap3A_111, %swap3A_112] {strides = array<i32>} : memref<2x128x128xf32, #tpu.memory_space<vmem>>, vector<1x1x16xf32>,
      %swap3A_114 = vector.shape_cast %swap3A_113 : vector<1x1x16xf32> to vector<16xf32>
      %swap3A_115 = vector.shape_cast %broadcast_in_dim3A_108 : vector<16xf32> to vector<1x1x16xf32>
      tpu.vector_store %arg6[%swap3A_110, %swap3A_111, %swap3A_112], %swap3A_115 {strides = array<i32>} : memref<2x128x128xf32, #tpu.memory_space<vmem>>, vector<1x1x16xf32>,
    }
    %scan3A_9 = arith.constant 128 : i32
    %mul3A_10 = arith.constant 640 : i32
    %mul3A_11 = arith.muli %arg1, %mul3A_10 : i32
    %add3A_12 = arith.constant 0 : i32
    %add3A_13 = arith.addi %mul3A_11, %add3A_12 : i32
    %run_scoped3A = arith.constant 0 : i32
    "tpu.region"() ({
      %run_scoped3A_45 = tpu.sem_alloc : memref<!tpu.dma_semaphore, #tpu.memory_space<semaphore_mem>>
      %dma_start3A = arith.constant 0 : i32
      %dma_start3A_46 = arith.constant 0 : i32
      %dma_start3A_47 = tpu.memref_slice %arg6[%run_scoped3A, %dma_start3A, %dma_start3A_46] : memref<2x128x128xf32, #tpu.memory_space<vmem>> -> memref<1x128x128xf32, #tpu.memory_space<vmem>>
      %dma_start3A_48 = tpu.memref_squeeze %dma_start3A_47 : memref<1x128x128xf32, #tpu.memory_space<vmem>> -> memref<128x128xf32, #tpu.memory_space<vmem>>
      %dma_start3A_49 = arith.constant 0 : i32
      %dma_start3A_50 = tpu.memref_slice %arg7[%add3A_13, %dma_start3A_49] : memref<10240x128xf32, #tpu.memory_space<vmem_shared>> -> memref<128x128xf32, #tpu.memory_space<vmem_shared>>
      %dma_start3A_51 = arith.constant 0 : i32
      %dma_start3A_52 = tpu.memref_slice %arg7[%add3A_13, %dma_start3A_51] : memref<10240x128xf32, #tpu.memory_space<vmem_shared>> -> memref<128x128xf32, #tpu.memory_space<vmem_shared>>
      %dma_start3A_53 = arith.constant 0 : i32
      %dma_start3A_54 = arith.constant 0 : i32
      %dma_start3A_55 = tpu.memref_slice %arg6[%run_scoped3A, %dma_start3A_53, %dma_start3A_54] : memref<2x128x128xf32, #tpu.memory_space<vmem>> -> memref<1x128x128xf32, #tpu.memory_space<vmem>>
      %dma_start3A_56 = tpu.memref_squeeze %dma_start3A_55 : memref<1x128x128xf32, #tpu.memory_space<vmem>> -> memref<128x128xf32, #tpu.memory_space<vmem>>
      tpu.enqueue_dma source(%dma_start3A_56 : memref<128x128xf32, #tpu.memory_space<vmem>>) target(%dma_start3A_52 : memref<128x128xf32, #tpu.memory_space<vmem_shared>>) target_semaphore(%run_scoped3A_45 : memref<!tpu.dma_semaphore, #tpu.memory_space<semaphore_mem>>)
      %dma_wait3A = arith.constant 0 : i32
      %dma_wait3A_57 = arith.constant 0 : i32
      %dma_wait3A_58 = tpu.memref_slice %arg6[%run_scoped3A, %dma_wait3A, %dma_wait3A_57] : memref<2x128x128xf32, #tpu.memory_space<vmem>> -> memref<1x128x128xf32, #tpu.memory_space<vmem>>
      %dma_wait3A_59 = tpu.memref_squeeze %dma_wait3A_58 : memref<1x128x128xf32, #tpu.memory_space<vmem>> -> memref<128x128xf32, #tpu.memory_space<vmem>>
      %dma_wait3A_60 = arith.constant 0 : i32
      %dma_wait3A_61 = tpu.memref_slice %arg7[%add3A_13, %dma_wait3A_60] : memref<10240x128xf32, #tpu.memory_space<vmem_shared>> -> memref<128x128xf32, #tpu.memory_space<vmem_shared>>
      %dma_wait3A_62 = arith.constant 0 : i32
      %dma_wait3A_63 = tpu.memref_slice %arg7[%add3A_13, %dma_wait3A_62] : memref<10240x128xf32, #tpu.memory_space<vmem_shared>> -> memref<128x128xf32, #tpu.memory_space<vmem_shared>>
      %dma_wait3A_64 = arith.constant 0 : i32
      %dma_wait3A_65 = arith.constant 0 : i32
      %dma_wait3A_66 = tpu.memref_slice %arg6[%run_scoped3A, %dma_wait3A_64, %dma_wait3A_65] : memref<2x128x128xf32, #tpu.memory_space<vmem>> -> memref<1x128x128xf32, #tpu.memory_space<vmem>>
      %dma_wait3A_67 = tpu.memref_squeeze %dma_wait3A_66 : memref<1x128x128xf32, #tpu.memory_space<vmem>> -> memref<128x128xf32, #tpu.memory_space<vmem>>
      tpu.wait_dma2 semaphore(%run_scoped3A_45 : memref<!tpu.dma_semaphore, #tpu.memory_space<semaphore_mem>>) src(%dma_wait3A_67 : memref<128x128xf32, #tpu.memory_space<vmem>>) dst(%dma_wait3A_63 : memref<128x128xf32, #tpu.memory_space<vmem_shared>>)
      tpu.yield
    }) : () -> ()
    %mul3A_14 = arith.constant 640 : i32
    %mul3A_15 = arith.muli %arg1, %mul3A_14 : i32
    %add3A_16 = arith.constant 128 : i32
    %add3A_17 = arith.addi %mul3A_15, %add3A_16 : i32
    %run_scoped3A_18 = arith.constant 0 : i32
    "tpu.region"() ({
      %run_scoped3A_45 = tpu.sem_alloc : memref<!tpu.dma_semaphore, #tpu.memory_space<semaphore_mem>>
      %dma_start3A = arith.constant 0 : i32
      %dma_start3A_46 = arith.constant 0 : i32
      %dma_start3A_47 = tpu.memref_slice %arg6[%run_scoped3A_18, %dma_start3A, %dma_start3A_46] : memref<2x128x128xf32, #tpu.memory_space<vmem>> -> memref<1x128x128xf32, #tpu.memory_space<vmem>>
      %dma_start3A_48 = tpu.memref_squeeze %dma_start3A_47 : memref<1x128x128xf32, #tpu.memory_space<vmem>> -> memref<128x128xf32, #tpu.memory_space<vmem>>
      %dma_start3A_49 = arith.constant 0 : i32
      %dma_start3A_50 = tpu.memref_slice %arg7[%add3A_17, %dma_start3A_49] : memref<10240x128xf32, #tpu.memory_space<vmem_shared>> -> memref<128x128xf32, #tpu.memory_space<vmem_shared>>
      %dma_start3A_51 = arith.constant 0 : i32
      %dma_start3A_52 = tpu.memref_slice %arg7[%add3A_17, %dma_start3A_51] : memref<10240x128xf32, #tpu.memory_space<vmem_shared>> -> memref<128x128xf32, #tpu.memory_space<vmem_shared>>
      %dma_start3A_53 = arith.constant 0 : i32
      %dma_start3A_54 = arith.constant 0 : i32
      %dma_start3A_55 = tpu.memref_slice %arg6[%run_scoped3A_18, %dma_start3A_53, %dma_start3A_54] : memref<2x128x128xf32, #tpu.memory_space<vmem>> -> memref<1x128x128xf32, #tpu.memory_space<vmem>>
      %dma_start3A_56 = tpu.memref_squeeze %dma_start3A_55 : memref<1x128x128xf32, #tpu.memory_space<vmem>> -> memref<128x128xf32, #tpu.memory_space<vmem>>
      tpu.enqueue_dma source(%dma_start3A_56 : memref<128x128xf32, #tpu.memory_space<vmem>>) target(%dma_start3A_52 : memref<128x128xf32, #tpu.memory_space<vmem_shared>>) target_semaphore(%run_scoped3A_45 : memref<!tpu.dma_semaphore, #tpu.memory_space<semaphore_mem>>)
      %dma_wait3A = arith.constant 0 : i32
      %dma_wait3A_57 = arith.constant 0 : i32
      %dma_wait3A_58 = tpu.memref_slice %arg6[%run_scoped3A_18, %dma_wait3A, %dma_wait3A_57] : memref<2x128x128xf32, #tpu.memory_space<vmem>> -> memref<1x128x128xf32, #tpu.memory_space<vmem>>
      %dma_wait3A_59 = tpu.memref_squeeze %dma_wait3A_58 : memref<1x128x128xf32, #tpu.memory_space<vmem>> -> memref<128x128xf32, #tpu.memory_space<vmem>>
      %dma_wait3A_60 = arith.constant 0 : i32
      %dma_wait3A_61 = tpu.memref_slice %arg7[%add3A_17, %dma_wait3A_60] : memref<10240x128xf32, #tpu.memory_space<vmem_shared>> -> memref<128x128xf32, #tpu.memory_space<vmem_shared>>
      %dma_wait3A_62 = arith.constant 0 : i32
      %dma_wait3A_63 = tpu.memref_slice %arg7[%add3A_17, %dma_wait3A_62] : memref<10240x128xf32, #tpu.memory_space<vmem_shared>> -> memref<128x128xf32, #tpu.memory_space<vmem_shared>>
      %dma_wait3A_64 = arith.constant 0 : i32
      %dma_wait3A_65 = arith.constant 0 : i32
      %dma_wait3A_66 = tpu.memref_slice %arg6[%run_scoped3A_18, %dma_wait3A_64, %dma_wait3A_65] : memref<2x128x128xf32, #tpu.memory_space<vmem>> -> memref<1x128x128xf32, #tpu.memory_space<vmem>>
      %dma_wait3A_67 = tpu.memref_squeeze %dma_wait3A_66 : memref<1x128x128xf32, #tpu.memory_space<vmem>> -> memref<128x128xf32, #tpu.memory_space<vmem>>
      tpu.wait_dma2 semaphore(%run_scoped3A_45 : memref<!tpu.dma_semaphore, #tpu.memory_space<semaphore_mem>>) src(%dma_wait3A_67 : memref<128x128xf32, #tpu.memory_space<vmem>>) dst(%dma_wait3A_63 : memref<128x128xf32, #tpu.memory_space<vmem_shared>>)
      tpu.yield
    }) : () -> ()
    %mul3A_19 = arith.constant 640 : i32
    %mul3A_20 = arith.muli %arg1, %mul3A_19 : i32
    %add3A_21 = arith.constant 256 : i32
    %add3A_22 = arith.addi %mul3A_20, %add3A_21 : i32
    %run_scoped3A_23 = arith.constant 0 : i32
    "tpu.region"() ({
      %run_scoped3A_45 = tpu.sem_alloc : memref<!tpu.dma_semaphore, #tpu.memory_space<semaphore_mem>>
      %dma_start3A = arith.constant 0 : i32
      %dma_start3A_46 = arith.constant 0 : i32
      %dma_start3A_47 = tpu.memref_slice %arg6[%run_scoped3A_23, %dma_start3A, %dma_start3A_46] : memref<2x128x128xf32, #tpu.memory_space<vmem>> -> memref<1x128x128xf32, #tpu.memory_space<vmem>>
      %dma_start3A_48 = tpu.memref_squeeze %dma_start3A_47 : memref<1x128x128xf32, #tpu.memory_space<vmem>> -> memref<128x128xf32, #tpu.memory_space<vmem>>
      %dma_start3A_49 = arith.constant 0 : i32
      %dma_start3A_50 = tpu.memref_slice %arg7[%add3A_22, %dma_start3A_49] : memref<10240x128xf32, #tpu.memory_space<vmem_shared>> -> memref<128x128xf32, #tpu.memory_space<vmem_shared>>
      %dma_start3A_51 = arith.constant 0 : i32
      %dma_start3A_52 = tpu.memref_slice %arg7[%add3A_22, %dma_start3A_51] : memref<10240x128xf32, #tpu.memory_space<vmem_shared>> -> memref<128x128xf32, #tpu.memory_space<vmem_shared>>
      %dma_start3A_53 = arith.constant 0 : i32
      %dma_start3A_54 = arith.constant 0 : i32
      %dma_start3A_55 = tpu.memref_slice %arg6[%run_scoped3A_23, %dma_start3A_53, %dma_start3A_54] : memref<2x128x128xf32, #tpu.memory_space<vmem>> -> memref<1x128x128xf32, #tpu.memory_space<vmem>>
      %dma_start3A_56 = tpu.memref_squeeze %dma_start3A_55 : memref<1x128x128xf32, #tpu.memory_space<vmem>> -> memref<128x128xf32, #tpu.memory_space<vmem>>
      tpu.enqueue_dma source(%dma_start3A_56 : memref<128x128xf32, #tpu.memory_space<vmem>>) target(%dma_start3A_52 : memref<128x128xf32, #tpu.memory_space<vmem_shared>>) target_semaphore(%run_scoped3A_45 : memref<!tpu.dma_semaphore, #tpu.memory_space<semaphore_mem>>)
      %dma_wait3A = arith.constant 0 : i32
      %dma_wait3A_57 = arith.constant 0 : i32
      %dma_wait3A_58 = tpu.memref_slice %arg6[%run_scoped3A_23, %dma_wait3A, %dma_wait3A_57] : memref<2x128x128xf32, #tpu.memory_space<vmem>> -> memref<1x128x128xf32, #tpu.memory_space<vmem>>
      %dma_wait3A_59 = tpu.memref_squeeze %dma_wait3A_58 : memref<1x128x128xf32, #tpu.memory_space<vmem>> -> memref<128x128xf32, #tpu.memory_space<vmem>>
      %dma_wait3A_60 = arith.constant 0 : i32
      %dma_wait3A_61 = tpu.memref_slice %arg7[%add3A_22, %dma_wait3A_60] : memref<10240x128xf32, #tpu.memory_space<vmem_shared>> -> memref<128x128xf32, #tpu.memory_space<vmem_shared>>
      %dma_wait3A_62 = arith.constant 0 : i32
      %dma_wait3A_63 = tpu.memref_slice %arg7[%add3A_22, %dma_wait3A_62] : memref<10240x128xf32, #tpu.memory_space<vmem_shared>> -> memref<128x128xf32, #tpu.memory_space<vmem_shared>>
      %dma_wait3A_64 = arith.constant 0 : i32
      %dma_wait3A_65 = arith.constant 0 : i32
      %dma_wait3A_66 = tpu.memref_slice %arg6[%run_scoped3A_23, %dma_wait3A_64, %dma_wait3A_65] : memref<2x128x128xf32, #tpu.memory_space<vmem>> -> memref<1x128x128xf32, #tpu.memory_space<vmem>>
      %dma_wait3A_67 = tpu.memref_squeeze %dma_wait3A_66 : memref<1x128x128xf32, #tpu.memory_space<vmem>> -> memref<128x128xf32, #tpu.memory_space<vmem>>
      tpu.wait_dma2 semaphore(%run_scoped3A_45 : memref<!tpu.dma_semaphore, #tpu.memory_space<semaphore_mem>>) src(%dma_wait3A_67 : memref<128x128xf32, #tpu.memory_space<vmem>>) dst(%dma_wait3A_63 : memref<128x128xf32, #tpu.memory_space<vmem_shared>>)
      tpu.yield
    }) : () -> ()
    %mul3A_24 = arith.constant 640 : i32
    %mul3A_25 = arith.muli %arg1, %mul3A_24 : i32
    %add3A_26 = arith.constant 384 : i32
    %add3A_27 = arith.addi %mul3A_25, %add3A_26 : i32
    %run_scoped3A_28 = arith.constant 0 : i32
    "tpu.region"() ({
      %run_scoped3A_45 = tpu.sem_alloc : memref<!tpu.dma_semaphore, #tpu.memory_space<semaphore_mem>>
      %dma_start3A = arith.constant 0 : i32
      %dma_start3A_46 = arith.constant 0 : i32
      %dma_start3A_47 = tpu.memref_slice %arg6[%run_scoped3A_28, %dma_start3A, %dma_start3A_46] : memref<2x128x128xf32, #tpu.memory_space<vmem>> -> memref<1x128x128xf32, #tpu.memory_space<vmem>>
      %dma_start3A_48 = tpu.memref_squeeze %dma_start3A_47 : memref<1x128x128xf32, #tpu.memory_space<vmem>> -> memref<128x128xf32, #tpu.memory_space<vmem>>
      %dma_start3A_49 = arith.constant 0 : i32
      %dma_start3A_50 = tpu.memref_slice %arg7[%add3A_27, %dma_start3A_49] : memref<10240x128xf32, #tpu.memory_space<vmem_shared>> -> memref<128x128xf32, #tpu.memory_space<vmem_shared>>
      %dma_start3A_51 = arith.constant 0 : i32
      %dma_start3A_52 = tpu.memref_slice %arg7[%add3A_27, %dma_start3A_51] : memref<10240x128xf32, #tpu.memory_space<vmem_shared>> -> memref<128x128xf32, #tpu.memory_space<vmem_shared>>
      %dma_start3A_53 = arith.constant 0 : i32
      %dma_start3A_54 = arith.constant 0 : i32
      %dma_start3A_55 = tpu.memref_slice %arg6[%run_scoped3A_28, %dma_start3A_53, %dma_start3A_54] : memref<2x128x128xf32, #tpu.memory_space<vmem>> -> memref<1x128x128xf32, #tpu.memory_space<vmem>>
      %dma_start3A_56 = tpu.memref_squeeze %dma_start3A_55 : memref<1x128x128xf32, #tpu.memory_space<vmem>> -> memref<128x128xf32, #tpu.memory_space<vmem>>
      tpu.enqueue_dma source(%dma_start3A_56 : memref<128x128xf32, #tpu.memory_space<vmem>>) target(%dma_start3A_52 : memref<128x128xf32, #tpu.memory_space<vmem_shared>>) target_semaphore(%run_scoped3A_45 : memref<!tpu.dma_semaphore, #tpu.memory_space<semaphore_mem>>)
      %dma_wait3A = arith.constant 0 : i32
      %dma_wait3A_57 = arith.constant 0 : i32
      %dma_wait3A_58 = tpu.memref_slice %arg6[%run_scoped3A_28, %dma_wait3A, %dma_wait3A_57] : memref<2x128x128xf32, #tpu.memory_space<vmem>> -> memref<1x128x128xf32, #tpu.memory_space<vmem>>
      %dma_wait3A_59 = tpu.memref_squeeze %dma_wait3A_58 : memref<1x128x128xf32, #tpu.memory_space<vmem>> -> memref<128x128xf32, #tpu.memory_space<vmem>>
      %dma_wait3A_60 = arith.constant 0 : i32
      %dma_wait3A_61 = tpu.memref_slice %arg7[%add3A_27, %dma_wait3A_60] : memref<10240x128xf32, #tpu.memory_space<vmem_shared>> -> memref<128x128xf32, #tpu.memory_space<vmem_shared>>
      %dma_wait3A_62 = arith.constant 0 : i32
      %dma_wait3A_63 = tpu.memref_slice %arg7[%add3A_27, %dma_wait3A_62] : memref<10240x128xf32, #tpu.memory_space<vmem_shared>> -> memref<128x128xf32, #tpu.memory_space<vmem_shared>>
      %dma_wait3A_64 = arith.constant 0 : i32
      %dma_wait3A_65 = arith.constant 0 : i32
      %dma_wait3A_66 = tpu.memref_slice %arg6[%run_scoped3A_28, %dma_wait3A_64, %dma_wait3A_65] : memref<2x128x128xf32, #tpu.memory_space<vmem>> -> memref<1x128x128xf32, #tpu.memory_space<vmem>>
      %dma_wait3A_67 = tpu.memref_squeeze %dma_wait3A_66 : memref<1x128x128xf32, #tpu.memory_space<vmem>> -> memref<128x128xf32, #tpu.memory_space<vmem>>
      tpu.wait_dma2 semaphore(%run_scoped3A_45 : memref<!tpu.dma_semaphore, #tpu.memory_space<semaphore_mem>>) src(%dma_wait3A_67 : memref<128x128xf32, #tpu.memory_space<vmem>>) dst(%dma_wait3A_63 : memref<128x128xf32, #tpu.memory_space<vmem_shared>>)
      tpu.yield
    }) : () -> ()
    %mul3A_29 = arith.constant 640 : i32
    %mul3A_30 = arith.muli %arg1, %mul3A_29 : i32
    %add3A_31 = arith.constant 512 : i32
    %add3A_32 = arith.addi %mul3A_30, %add3A_31 : i32
    %run_scoped3A_33 = arith.constant 0 : i32
    "tpu.region"() ({
      %run_scoped3A_45 = tpu.sem_alloc : memref<!tpu.dma_semaphore, #tpu.memory_space<semaphore_mem>>
      %dma_start3A = arith.constant 0 : i32
      %dma_start3A_46 = arith.constant 0 : i32
      %dma_start3A_47 = tpu.memref_slice %arg6[%run_scoped3A_33, %dma_start3A, %dma_start3A_46] : memref<2x128x128xf32, #tpu.memory_space<vmem>> -> memref<1x128x128xf32, #tpu.memory_space<vmem>>
      %dma_start3A_48 = tpu.memref_squeeze %dma_start3A_47 : memref<1x128x128xf32, #tpu.memory_space<vmem>> -> memref<128x128xf32, #tpu.memory_space<vmem>>
      %dma_start3A_49 = arith.constant 0 : i32
      %dma_start3A_50 = tpu.memref_slice %arg7[%add3A_32, %dma_start3A_49] : memref<10240x128xf32, #tpu.memory_space<vmem_shared>> -> memref<128x128xf32, #tpu.memory_space<vmem_shared>>
      %dma_start3A_51 = arith.constant 0 : i32
      %dma_start3A_52 = tpu.memref_slice %arg7[%add3A_32, %dma_start3A_51] : memref<10240x128xf32, #tpu.memory_space<vmem_shared>> -> memref<128x128xf32, #tpu.memory_space<vmem_shared>>
      %dma_start3A_53 = arith.constant 0 : i32
      %dma_start3A_54 = arith.constant 0 : i32
      %dma_start3A_55 = tpu.memref_slice %arg6[%run_scoped3A_33, %dma_start3A_53, %dma_start3A_54] : memref<2x128x128xf32, #tpu.memory_space<vmem>> -> memref<1x128x128xf32, #tpu.memory_space<vmem>>
      %dma_start3A_56 = tpu.memref_squeeze %dma_start3A_55 : memref<1x128x128xf32, #tpu.memory_space<vmem>> -> memref<128x128xf32, #tpu.memory_space<vmem>>
      tpu.enqueue_dma source(%dma_start3A_56 : memref<128x128xf32, #tpu.memory_space<vmem>>) target(%dma_start3A_52 : memref<128x128xf32, #tpu.memory_space<vmem_shared>>) target_semaphore(%run_scoped3A_45 : memref<!tpu.dma_semaphore, #tpu.memory_space<semaphore_mem>>)
      %dma_wait3A = arith.constant 0 : i32
      %dma_wait3A_57 = arith.constant 0 : i32
      %dma_wait3A_58 = tpu.memref_slice %arg6[%run_scoped3A_33, %dma_wait3A, %dma_wait3A_57] : memref<2x128x128xf32, #tpu.memory_space<vmem>> -> memref<1x128x128xf32, #tpu.memory_space<vmem>>
      %dma_wait3A_59 = tpu.memref_squeeze %dma_wait3A_58 : memref<1x128x128xf32, #tpu.memory_space<vmem>> -> memref<128x128xf32, #tpu.memory_space<vmem>>
      %dma_wait3A_60 = arith.constant 0 : i32
      %dma_wait3A_61 = tpu.memref_slice %arg7[%add3A_32, %dma_wait3A_60] : memref<10240x128xf32, #tpu.memory_space<vmem_shared>> -> memref<128x128xf32, #tpu.memory_space<vmem_shared>>
      %dma_wait3A_62 = arith.constant 0 : i32
      %dma_wait3A_63 = tpu.memref_slice %arg7[%add3A_32, %dma_wait3A_62] : memref<10240x128xf32, #tpu.memory_space<vmem_shared>> -> memref<128x128xf32, #tpu.memory_space<vmem_shared>>
      %dma_wait3A_64 = arith.constant 0 : i32
      %dma_wait3A_65 = arith.constant 0 : i32
      %dma_wait3A_66 = tpu.memref_slice %arg6[%run_scoped3A_33, %dma_wait3A_64, %dma_wait3A_65] : memref<2x128x128xf32, #tpu.memory_space<vmem>> -> memref<1x128x128xf32, #tpu.memory_space<vmem>>
      %dma_wait3A_67 = tpu.memref_squeeze %dma_wait3A_66 : memref<1x128x128xf32, #tpu.memory_space<vmem>> -> memref<128x128xf32, #tpu.memory_space<vmem>>
      tpu.wait_dma2 semaphore(%run_scoped3A_45 : memref<!tpu.dma_semaphore, #tpu.memory_space<semaphore_mem>>) src(%dma_wait3A_67 : memref<128x128xf32, #tpu.memory_space<vmem>>) dst(%dma_wait3A_63 : memref<128x128xf32, #tpu.memory_space<vmem_shared>>)
      tpu.yield
    }) : () -> ()
    "tpu.region"() ({
      %run_scoped3A_45 = tpu.sem_alloc : memref<!tpu.dma_semaphore, #tpu.memory_space<semaphore_mem>>
      %dma_start3A = arith.constant 0 : i32
      %dma_start3A_46 = tpu.memref_slice %arg3[%mul3A_2, %dma_start3A] : memref<2560x128xi32, #tpu.memory_space<hbm>> -> memref<80x128xi32, #tpu.memory_space<hbm>>
      %dma_start3A_47 = arith.constant 0 : i32
      %dma_start3A_48 = tpu.memref_slice %arg3[%mul3A_2, %dma_start3A_47] : memref<2560x128xi32, #tpu.memory_space<hbm>> -> memref<80x128xi32, #tpu.memory_space<hbm>>
      tpu.enqueue_dma source(%dma_start3A_48 : memref<80x128xi32, #tpu.memory_space<hbm>>) target(%arg5 : memref<80x128xi32, #tpu.memory_space<vmem>>) target_semaphore(%run_scoped3A_45 : memref<!tpu.dma_semaphore, #tpu.memory_space<semaphore_mem>>)
      %dma_wait3A = arith.constant 0 : i32
      %dma_wait3A_49 = tpu.memref_slice %arg3[%mul3A_2, %dma_wait3A] : memref<2560x128xi32, #tpu.memory_space<hbm>> -> memref<80x128xi32, #tpu.memory_space<hbm>>
      %dma_wait3A_50 = arith.constant 0 : i32
      %dma_wait3A_51 = tpu.memref_slice %arg3[%mul3A_2, %dma_wait3A_50] : memref<2560x128xi32, #tpu.memory_space<hbm>> -> memref<80x128xi32, #tpu.memory_space<hbm>>
      tpu.wait_dma2 semaphore(%run_scoped3A_45 : memref<!tpu.dma_semaphore, #tpu.memory_space<semaphore_mem>>) src(%dma_wait3A_51 : memref<80x128xi32, #tpu.memory_space<hbm>>) dst(%arg5 : memref<80x128xi32, #tpu.memory_space<vmem>>)
      tpu.yield
    }) : () -> ()
    %barrier3A = arith.constant 0 : index
    tpu.barrier barrier_id(%barrier3A)
    %gt3A = arith.constant 0 : i32
    %gt3A_34 = arith.cmpi sgt, %min3A_4, %gt3A : i32
    %convert_element_type3A = arith.extui %gt3A_34 : i1 to i32
    %cond3A = arith.constant 0 : i32
    %cond3A_35 = arith.cmpi ne, %convert_element_type3A, %cond3A : i32
    scf.if %cond3A_35 {
      %add3A_45 = arith.constant 0 : i32
      %add3A_46 = arith.addi %mul3A_2, %add3A_45 : i32
      %dma_start3A = arith.constant 0 : i32
      %dma_start3A_47 = arith.constant 0 : i32
      %dma_start3A_48 = arith.constant 0 : i32
      %dma_start3A_49 = tpu.memref_slice %arg6[%dma_start3A, %dma_start3A_47, %dma_start3A_48] : memref<2x128x128xf32, #tpu.memory_space<vmem>> -> memref<1x128x128xf32, #tpu.memory_space<vmem>>
      %dma_start3A_50 = tpu.memref_squeeze %dma_start3A_49 : memref<1x128x128xf32, #tpu.memory_space<vmem>> -> memref<128x128xf32, #tpu.memory_space<vmem>>
      %dma_start3A_51 = arith.constant 0 : i32
      %dma_start3A_52 = arith.constant 0 : i32
      %dma_start3A_53 = tpu.memref_slice %arg2[%add3A_46, %dma_start3A_51, %dma_start3A_52] : memref<2500x128x128xf32, #tpu.memory_space<hbm>> -> memref<1x128x128xf32, #tpu.memory_space<hbm>>
      %dma_start3A_54 = tpu.memref_squeeze %dma_start3A_53 : memref<1x128x128xf32, #tpu.memory_space<hbm>> -> memref<128x128xf32, #tpu.memory_space<hbm>>
      %dma_start3A_55 = arith.constant 0 : i32
      %dma_start3A_56 = arith.constant 0 : i32
      %dma_start3A_57 = tpu.memref_slice %arg6[%dma_start3A, %dma_start3A_55, %dma_start3A_56] : memref<2x128x128xf32, #tpu.memory_space<vmem>> -> memref<1x128x128xf32, #tpu.memory_space<vmem>>
      %dma_start3A_58 = tpu.memref_squeeze %dma_start3A_57 : memref<1x128x128xf32, #tpu.memory_space<vmem>> -> memref<128x128xf32, #tpu.memory_space<vmem>>
      %dma_start3A_59 = arith.constant 0 : i32
      %dma_start3A_60 = arith.constant 0 : i32
      %dma_start3A_61 = tpu.memref_slice %arg2[%add3A_46, %dma_start3A_59, %dma_start3A_60] : memref<2500x128x128xf32, #tpu.memory_space<hbm>> -> memref<1x128x128xf32, #tpu.memory_space<hbm>>
      %dma_start3A_62 = tpu.memref_squeeze %dma_start3A_61 : memref<1x128x128xf32, #tpu.memory_space<hbm>> -> memref<128x128xf32, #tpu.memory_space<hbm>>
      tpu.enqueue_dma source(%dma_start3A_62 : memref<128x128xf32, #tpu.memory_space<hbm>>) target(%dma_start3A_58 : memref<128x128xf32, #tpu.memory_space<vmem>>) target_semaphore(%arg8 : memref<!tpu.dma_semaphore, #tpu.memory_space<semaphore_mem>>)
    } else {
    }
    %scan3A_36 = arith.constant 0 : i32
    %scan3A_37 = arith.constant 0 : i32
    %scan3A_38 = arith.constant 40 : i32
    %scan3A_39 = arith.addi %scan3A_37, %scan3A_38 : i32
    %scan3A_40 = arith.constant 1 : i32
    scf.for %scan3A_45 = %scan3A_37 to %scan3A_39 step %scan3A_40  : i32 {
      %mul3A_46 = arith.constant 2 : i32
      %mul3A_47 = arith.muli %mul3A_46, %scan3A_45 : i32
      %add3A_48 = arith.constant 0 : i32
      %add3A_49 = arith.addi %mul3A_47, %add3A_48 : i32
      %lt3A = arith.cmpi slt, %add3A_49, %min3A_4 : i32
      %convert_element_type3A_50 = arith.extui %lt3A : i1 to i32
      %cond3A_51 = arith.constant 0 : i32
      %cond3A_52 = arith.cmpi ne, %convert_element_type3A_50, %cond3A_51 : i32
      scf.if %cond3A_52 {
        %add3A_61 = arith.addi %mul3A_2, %add3A_49 : i32
        %dma_wait3A = arith.constant 0 : i32
        %dma_wait3A_62 = arith.constant 0 : i32
        %dma_wait3A_63 = arith.constant 0 : i32
        %dma_wait3A_64 = tpu.memref_slice %arg6[%dma_wait3A, %dma_wait3A_62, %dma_wait3A_63] : memref<2x128x128xf32, #tpu.memory_space<vmem>> -> memref<1x128x128xf32, #tpu.memory_space<vmem>>
        %dma_wait3A_65 = tpu.memref_squeeze %dma_wait3A_64 : memref<1x128x128xf32, #tpu.memory_space<vmem>> -> memref<128x128xf32, #tpu.memory_space<vmem>>
        %dma_wait3A_66 = arith.constant 0 : i32
        %dma_wait3A_67 = arith.constant 0 : i32
        %dma_wait3A_68 = tpu.memref_slice %arg2[%add3A_61, %dma_wait3A_66, %dma_wait3A_67] : memref<2500x128x128xf32, #tpu.memory_space<hbm>> -> memref<1x128x128xf32, #tpu.memory_space<hbm>>
        %dma_wait3A_69 = tpu.memref_squeeze %dma_wait3A_68 : memref<1x128x128xf32, #tpu.memory_space<hbm>> -> memref<128x128xf32, #tpu.memory_space<hbm>>
        %dma_wait3A_70 = arith.constant 0 : i32
        %dma_wait3A_71 = arith.constant 0 : i32
        %dma_wait3A_72 = tpu.memref_slice %arg6[%dma_wait3A, %dma_wait3A_70, %dma_wait3A_71] : memref<2x128x128xf32, #tpu.memory_space<vmem>> -> memref<1x128x128xf32, #tpu.memory_space<vmem>>
        %dma_wait3A_73 = tpu.memref_squeeze %dma_wait3A_72 : memref<1x128x128xf32, #tpu.memory_space<vmem>> -> memref<128x128xf32, #tpu.memory_space<vmem>>
        %dma_wait3A_74 = arith.constant 0 : i32
        %dma_wait3A_75 = arith.constant 0 : i32
        %dma_wait3A_76 = tpu.memref_slice %arg2[%add3A_61, %dma_wait3A_74, %dma_wait3A_75] : memref<2500x128x128xf32, #tpu.memory_space<hbm>> -> memref<1x128x128xf32, #tpu.memory_space<hbm>>
        %dma_wait3A_77 = tpu.memref_squeeze %dma_wait3A_76 : memref<1x128x128xf32, #tpu.memory_space<hbm>> -> memref<128x128xf32, #tpu.memory_space<hbm>>
        tpu.wait_dma2 semaphore(%arg8 : memref<!tpu.dma_semaphore, #tpu.memory_space<semaphore_mem>>) src(%dma_wait3A_77 : memref<128x128xf32, #tpu.memory_space<hbm>>) dst(%dma_wait3A_73 : memref<128x128xf32, #tpu.memory_space<vmem>>)
        %add3A_78 = arith.constant 1 : i32
        %add3A_79 = arith.addi %add3A_49, %add3A_78 : i32
        %lt3A_80 = arith.cmpi slt, %add3A_79, %min3A_4 : i32
        %convert_element_type3A_81 = arith.extui %lt3A_80 : i1 to i32
        %cond3A_82 = arith.constant 0 : i32
        %cond3A_83 = arith.cmpi ne, %convert_element_type3A_81, %cond3A_82 : i32
        scf.if %cond3A_83 {
          %add3A_85 = arith.addi %mul3A_2, %add3A_79 : i32
          %dma_start3A = arith.constant 1 : i32
          %dma_start3A_86 = arith.constant 0 : i32
          %dma_start3A_87 = arith.constant 0 : i32
          %dma_start3A_88 = tpu.memref_slice %arg6[%dma_start3A, %dma_start3A_86, %dma_start3A_87] : memref<2x128x128xf32, #tpu.memory_space<vmem>> -> memref<1x128x128xf32, #tpu.memory_space<vmem>>
          %dma_start3A_89 = tpu.memref_squeeze %dma_start3A_88 : memref<1x128x128xf32, #tpu.memory_space<vmem>> -> memref<128x128xf32, #tpu.memory_space<vmem>>
          %dma_start3A_90 = arith.constant 0 : i32
          %dma_start3A_91 = arith.constant 0 : i32
          %dma_start3A_92 = tpu.memref_slice %arg2[%add3A_85, %dma_start3A_90, %dma_start3A_91] : memref<2500x128x128xf32, #tpu.memory_space<hbm>> -> memref<1x128x128xf32, #tpu.memory_space<hbm>>
          %dma_start3A_93 = tpu.memref_squeeze %dma_start3A_92 : memref<1x128x128xf32, #tpu.memory_space<hbm>> -> memref<128x128xf32, #tpu.memory_space<hbm>>
          %dma_start3A_94 = arith.constant 0 : i32
          %dma_start3A_95 = arith.constant 0 : i32
          %dma_start3A_96 = tpu.memref_slice %arg6[%dma_start3A, %dma_start3A_94, %dma_start3A_95] : memref<2x128x128xf32, #tpu.memory_space<vmem>> -> memref<1x128x128xf32, #tpu.memory_space<vmem>>
          %dma_start3A_97 = tpu.memref_squeeze %dma_start3A_96 : memref<1x128x128xf32, #tpu.memory_space<vmem>> -> memref<128x128xf32, #tpu.memory_space<vmem>>
          %dma_start3A_98 = arith.constant 0 : i32
          %dma_start3A_99 = arith.constant 0 : i32
          %dma_start3A_100 = tpu.memref_slice %arg2[%add3A_85, %dma_start3A_98, %dma_start3A_99] : memref<2500x128x128xf32, #tpu.memory_space<hbm>> -> memref<1x128x128xf32, #tpu.memory_space<hbm>>
          %dma_start3A_101 = tpu.memref_squeeze %dma_start3A_100 : memref<1x128x128xf32, #tpu.memory_space<hbm>> -> memref<128x128xf32, #tpu.memory_space<hbm>>
          tpu.enqueue_dma source(%dma_start3A_101 : memref<128x128xf32, #tpu.memory_space<hbm>>) target(%dma_start3A_97 : memref<128x128xf32, #tpu.memory_space<vmem>>) target_semaphore(%arg9 : memref<!tpu.dma_semaphore, #tpu.memory_space<semaphore_mem>>)
        } else {
        }
        %run_scoped3A_84 = arith.constant 0 : i32
        "tpu.region"() ({
          %run_scoped3A_85 = tpu.sem_alloc : memref<!tpu.dma_semaphore, #tpu.memory_space<semaphore_mem>>
          %dma_start3A = arith.constant 0 : i32
          %dma_start3A_86 = arith.constant 0 : i32
          %dma_start3A_87 = tpu.memref_slice %arg6[%run_scoped3A_84, %dma_start3A, %dma_start3A_86] : memref<2x128x128xf32, #tpu.memory_space<vmem>> -> memref<1x128x128xf32, #tpu.memory_space<vmem>>
          %dma_start3A_88 = tpu.memref_squeeze %dma_start3A_87 : memref<1x128x128xf32, #tpu.memory_space<vmem>> -> memref<128x128xf32, #tpu.memory_space<vmem>>
          %dma_start3A_89 = arith.constant 0 : i32
          %dma_start3A_90 = tpu.memref_slice %arg5[%add3A_49, %dma_start3A_89] : memref<80x128xi32, #tpu.memory_space<vmem>> -> memref<1x128xi32, #tpu.memory_space<vmem>>
          %dma_start3A_91 = tpu.memref_squeeze %dma_start3A_90 : memref<1x128xi32, #tpu.memory_space<vmem>> -> memref<128xi32, #tpu.memory_space<vmem>>
          %dma_start3A_92 = arith.constant 0 : i32
          %dma_start3A_93 = arith.constant 0 : i32
          %dma_start3A_94 = tpu.memref_slice %arg7[%dma_start3A_92, %dma_start3A_93] : memref<10240x128xf32, #tpu.memory_space<vmem_shared>> -> memref<10240x128xf32, #tpu.memory_space<vmem_shared>>
          tpu.enqueue_indirect_dma source(%dma_start3A_88 : memref<128x128xf32, #tpu.memory_space<vmem>>) target(%dma_start3A_94 : memref<10240x128xf32, #tpu.memory_space<vmem_shared>>) offsets(%dma_start3A_91 : memref<128xi32, #tpu.memory_space<vmem>>) semaphore(%run_scoped3A_85 : memref<!tpu.dma_semaphore, #tpu.memory_space<semaphore_mem>>) {add = true}
          %dma_wait3A_95 = arith.constant 0 : i32
          %dma_wait3A_96 = arith.constant 0 : i32
          %dma_wait3A_97 = tpu.memref_slice %arg6[%run_scoped3A_84, %dma_wait3A_95, %dma_wait3A_96] : memref<2x128x128xf32, #tpu.memory_space<vmem>> -> memref<1x128x128xf32, #tpu.memory_space<vmem>>
          %dma_wait3A_98 = tpu.memref_squeeze %dma_wait3A_97 : memref<1x128x128xf32, #tpu.memory_space<vmem>> -> memref<128x128xf32, #tpu.memory_space<vmem>>
          %dma_wait3A_99 = arith.constant 0 : i32
          %dma_wait3A_100 = tpu.memref_slice %arg5[%add3A_49, %dma_wait3A_99] : memref<80x128xi32, #tpu.memory_space<vmem>> -> memref<1x128xi32, #tpu.memory_space<vmem>>
          %dma_wait3A_101 = tpu.memref_squeeze %dma_wait3A_100 : memref<1x128xi32, #tpu.memory_space<vmem>> -> memref<128xi32, #tpu.memory_space<vmem>>
          %dma_wait3A_102 = arith.constant 0 : i32
          %dma_wait3A_103 = arith.constant 0 : i32
          %dma_wait3A_104 = tpu.memref_slice %arg7[%dma_wait3A_102, %dma_wait3A_103] : memref<10240x128xf32, #tpu.memory_space<vmem_shared>> -> memref<10240x128xf32, #tpu.memory_space<vmem_shared>>
          tpu.wait_indirect_dma semaphore(%run_scoped3A_85 : memref<!tpu.dma_semaphore, #tpu.memory_space<semaphore_mem>>) src(%dma_wait3A_98 : memref<128x128xf32, #tpu.memory_space<vmem>>) dst(%dma_wait3A_104 : memref<10240x128xf32, #tpu.memory_space<vmem_shared>>)
          tpu.yield
        }) : () -> ()
      } else {
      }
      %mul3A_53 = arith.constant 2 : i32
      %mul3A_54 = arith.muli %mul3A_53, %scan3A_45 : i32
      %add3A_55 = arith.constant 1 : i32
      %add3A_56 = arith.addi %mul3A_54, %add3A_55 : i32
      %lt3A_57 = arith.cmpi slt, %add3A_56, %min3A_4 : i32
      %convert_element_type3A_58 = arith.extui %lt3A_57 : i1 to i32
      %cond3A_59 = arith.constant 0 : i32
      %cond3A_60 = arith.cmpi ne, %convert_element_type3A_58, %cond3A_59 : i32
      scf.if %cond3A_60 {
        %add3A_61 = arith.addi %mul3A_2, %add3A_56 : i32
        %dma_wait3A = arith.constant 1 : i32
        %dma_wait3A_62 = arith.constant 0 : i32
        %dma_wait3A_63 = arith.constant 0 : i32
        %dma_wait3A_64 = tpu.memref_slice %arg6[%dma_wait3A, %dma_wait3A_62, %dma_wait3A_63] : memref<2x128x128xf32, #tpu.memory_space<vmem>> -> memref<1x128x128xf32, #tpu.memory_space<vmem>>
        %dma_wait3A_65 = tpu.memref_squeeze %dma_wait3A_64 : memref<1x128x128xf32, #tpu.memory_space<vmem>> -> memref<128x128xf32, #tpu.memory_space<vmem>>
        %dma_wait3A_66 = arith.constant 0 : i32
        %dma_wait3A_67 = arith.constant 0 : i32
        %dma_wait3A_68 = tpu.memref_slice %arg2[%add3A_61, %dma_wait3A_66, %dma_wait3A_67] : memref<2500x128x128xf32, #tpu.memory_space<hbm>> -> memref<1x128x128xf32, #tpu.memory_space<hbm>>
        %dma_wait3A_69 = tpu.memref_squeeze %dma_wait3A_68 : memref<1x128x128xf32, #tpu.memory_space<hbm>> -> memref<128x128xf32, #tpu.memory_space<hbm>>
        %dma_wait3A_70 = arith.constant 0 : i32
        %dma_wait3A_71 = arith.constant 0 : i32
        %dma_wait3A_72 = tpu.memref_slice %arg6[%dma_wait3A, %dma_wait3A_70, %dma_wait3A_71] : memref<2x128x128xf32, #tpu.memory_space<vmem>> -> memref<1x128x128xf32, #tpu.memory_space<vmem>>
        %dma_wait3A_73 = tpu.memref_squeeze %dma_wait3A_72 : memref<1x128x128xf32, #tpu.memory_space<vmem>> -> memref<128x128xf32, #tpu.memory_space<vmem>>
        %dma_wait3A_74 = arith.constant 0 : i32
        %dma_wait3A_75 = arith.constant 0 : i32
        %dma_wait3A_76 = tpu.memref_slice %arg2[%add3A_61, %dma_wait3A_74, %dma_wait3A_75] : memref<2500x128x128xf32, #tpu.memory_space<hbm>> -> memref<1x128x128xf32, #tpu.memory_space<hbm>>
        %dma_wait3A_77 = tpu.memref_squeeze %dma_wait3A_76 : memref<1x128x128xf32, #tpu.memory_space<hbm>> -> memref<128x128xf32, #tpu.memory_space<hbm>>
        tpu.wait_dma2 semaphore(%arg9 : memref<!tpu.dma_semaphore, #tpu.memory_space<semaphore_mem>>) src(%dma_wait3A_77 : memref<128x128xf32, #tpu.memory_space<hbm>>) dst(%dma_wait3A_73 : memref<128x128xf32, #tpu.memory_space<vmem>>)
        %add3A_78 = arith.constant 1 : i32
        %add3A_79 = arith.addi %add3A_56, %add3A_78 : i32
        %lt3A_80 = arith.cmpi slt, %add3A_79, %min3A_4 : i32
        %convert_element_type3A_81 = arith.extui %lt3A_80 : i1 to i32
        %cond3A_82 = arith.constant 0 : i32
        %cond3A_83 = arith.cmpi ne, %convert_element_type3A_81, %cond3A_82 : i32
        scf.if %cond3A_83 {
          %add3A_85 = arith.addi %mul3A_2, %add3A_79 : i32
          %dma_start3A = arith.constant 0 : i32
          %dma_start3A_86 = arith.constant 0 : i32
          %dma_start3A_87 = arith.constant 0 : i32
          %dma_start3A_88 = tpu.memref_slice %arg6[%dma_start3A, %dma_start3A_86, %dma_start3A_87] : memref<2x128x128xf32, #tpu.memory_space<vmem>> -> memref<1x128x128xf32, #tpu.memory_space<vmem>>
          %dma_start3A_89 = tpu.memref_squeeze %dma_start3A_88 : memref<1x128x128xf32, #tpu.memory_space<vmem>> -> memref<128x128xf32, #tpu.memory_space<vmem>>
          %dma_start3A_90 = arith.constant 0 : i32
          %dma_start3A_91 = arith.constant 0 : i32
          %dma_start3A_92 = tpu.memref_slice %arg2[%add3A_85, %dma_start3A_90, %dma_start3A_91] : memref<2500x128x128xf32, #tpu.memory_space<hbm>> -> memref<1x128x128xf32, #tpu.memory_space<hbm>>
          %dma_start3A_93 = tpu.memref_squeeze %dma_start3A_92 : memref<1x128x128xf32, #tpu.memory_space<hbm>> -> memref<128x128xf32, #tpu.memory_space<hbm>>
          %dma_start3A_94 = arith.constant 0 : i32
          %dma_start3A_95 = arith.constant 0 : i32
          %dma_start3A_96 = tpu.memref_slice %arg6[%dma_start3A, %dma_start3A_94, %dma_start3A_95] : memref<2x128x128xf32, #tpu.memory_space<vmem>> -> memref<1x128x128xf32, #tpu.memory_space<vmem>>
          %dma_start3A_97 = tpu.memref_squeeze %dma_start3A_96 : memref<1x128x128xf32, #tpu.memory_space<vmem>> -> memref<128x128xf32, #tpu.memory_space<vmem>>
          %dma_start3A_98 = arith.constant 0 : i32
          %dma_start3A_99 = arith.constant 0 : i32
          %dma_start3A_100 = tpu.memref_slice %arg2[%add3A_85, %dma_start3A_98, %dma_start3A_99] : memref<2500x128x128xf32, #tpu.memory_space<hbm>> -> memref<1x128x128xf32, #tpu.memory_space<hbm>>
          %dma_start3A_101 = tpu.memref_squeeze %dma_start3A_100 : memref<1x128x128xf32, #tpu.memory_space<hbm>> -> memref<128x128xf32, #tpu.memory_space<hbm>>
          tpu.enqueue_dma source(%dma_start3A_101 : memref<128x128xf32, #tpu.memory_space<hbm>>) target(%dma_start3A_97 : memref<128x128xf32, #tpu.memory_space<vmem>>) target_semaphore(%arg8 : memref<!tpu.dma_semaphore, #tpu.memory_space<semaphore_mem>>)
        } else {
        }
        %run_scoped3A_84 = arith.constant 1 : i32
        "tpu.region"() ({
          %run_scoped3A_85 = tpu.sem_alloc : memref<!tpu.dma_semaphore, #tpu.memory_space<semaphore_mem>>
          %dma_start3A = arith.constant 0 : i32
          %dma_start3A_86 = arith.constant 0 : i32
          %dma_start3A_87 = tpu.memref_slice %arg6[%run_scoped3A_84, %dma_start3A, %dma_start3A_86] : memref<2x128x128xf32, #tpu.memory_space<vmem>> -> memref<1x128x128xf32, #tpu.memory_space<vmem>>
          %dma_start3A_88 = tpu.memref_squeeze %dma_start3A_87 : memref<1x128x128xf32, #tpu.memory_space<vmem>> -> memref<128x128xf32, #tpu.memory_space<vmem>>
          %dma_start3A_89 = arith.constant 0 : i32
          %dma_start3A_90 = tpu.memref_slice %arg5[%add3A_56, %dma_start3A_89] : memref<80x128xi32, #tpu.memory_space<vmem>> -> memref<1x128xi32, #tpu.memory_space<vmem>>
          %dma_start3A_91 = tpu.memref_squeeze %dma_start3A_90 : memref<1x128xi32, #tpu.memory_space<vmem>> -> memref<128xi32, #tpu.memory_space<vmem>>
          %dma_start3A_92 = arith.constant 0 : i32
          %dma_start3A_93 = arith.constant 0 : i32
          %dma_start3A_94 = tpu.memref_slice %arg7[%dma_start3A_92, %dma_start3A_93] : memref<10240x128xf32, #tpu.memory_space<vmem_shared>> -> memref<10240x128xf32, #tpu.memory_space<vmem_shared>>
          tpu.enqueue_indirect_dma source(%dma_start3A_88 : memref<128x128xf32, #tpu.memory_space<vmem>>) target(%dma_start3A_94 : memref<10240x128xf32, #tpu.memory_space<vmem_shared>>) offsets(%dma_start3A_91 : memref<128xi32, #tpu.memory_space<vmem>>) semaphore(%run_scoped3A_85 : memref<!tpu.dma_semaphore, #tpu.memory_space<semaphore_mem>>) {add = true}
          %dma_wait3A_95 = arith.constant 0 : i32
          %dma_wait3A_96 = arith.constant 0 : i32
          %dma_wait3A_97 = tpu.memref_slice %arg6[%run_scoped3A_84, %dma_wait3A_95, %dma_wait3A_96] : memref<2x128x128xf32, #tpu.memory_space<vmem>> -> memref<1x128x128xf32, #tpu.memory_space<vmem>>
          %dma_wait3A_98 = tpu.memref_squeeze %dma_wait3A_97 : memref<1x128x128xf32, #tpu.memory_space<vmem>> -> memref<128x128xf32, #tpu.memory_space<vmem>>
          %dma_wait3A_99 = arith.constant 0 : i32
          %dma_wait3A_100 = tpu.memref_slice %arg5[%add3A_56, %dma_wait3A_99] : memref<80x128xi32, #tpu.memory_space<vmem>> -> memref<1x128xi32, #tpu.memory_space<vmem>>
          %dma_wait3A_101 = tpu.memref_squeeze %dma_wait3A_100 : memref<1x128xi32, #tpu.memory_space<vmem>> -> memref<128xi32, #tpu.memory_space<vmem>>
          %dma_wait3A_102 = arith.constant 0 : i32
          %dma_wait3A_103 = arith.constant 0 : i32
          %dma_wait3A_104 = tpu.memref_slice %arg7[%dma_wait3A_102, %dma_wait3A_103] : memref<10240x128xf32, #tpu.memory_space<vmem_shared>> -> memref<10240x128xf32, #tpu.memory_space<vmem_shared>>
          tpu.wait_indirect_dma semaphore(%run_scoped3A_85 : memref<!tpu.dma_semaphore, #tpu.memory_space<semaphore_mem>>) src(%dma_wait3A_98 : memref<128x128xf32, #tpu.memory_space<vmem>>) dst(%dma_wait3A_104 : memref<10240x128xf32, #tpu.memory_space<vmem_shared>>)
          tpu.yield
        }) : () -> ()
      } else {
      }
    }
    %scan3A_41 = arith.constant 40 : i32
    %barrier3A_42 = arith.constant 0 : index
    tpu.barrier barrier_id(%barrier3A_42)
    %mul3A_43 = arith.constant 640 : i32
    %mul3A_44 = arith.muli %arg1, %mul3A_43 : i32
    "tpu.region"() ({
      %run_scoped3A_45 = tpu.sem_alloc : memref<!tpu.dma_semaphore, #tpu.memory_space<semaphore_mem>>
      %dma_start3A = arith.constant 0 : i32
      %dma_start3A_46 = tpu.memref_slice %arg4[%arg0, %mul3A_44, %dma_start3A] : memref<2x10240x128xf32, #tpu.memory_space<hbm>> -> memref<1x640x128xf32, #tpu.memory_space<hbm>>
      %dma_start3A_47 = tpu.memref_squeeze %dma_start3A_46 : memref<1x640x128xf32, #tpu.memory_space<hbm>> -> memref<640x128xf32, #tpu.memory_space<hbm>>
      %dma_start3A_48 = arith.constant 0 : i32
      %dma_start3A_49 = tpu.memref_slice %arg7[%mul3A_44, %dma_start3A_48] : memref<10240x128xf32, #tpu.memory_space<vmem_shared>> -> memref<640x128xf32, #tpu.memory_space<vmem_shared>>
      tpu.enqueue_dma source(%dma_start3A_49 : memref<640x128xf32, #tpu.memory_space<vmem_shared>>) target(%dma_start3A_47 : memref<640x128xf32, #tpu.memory_space<hbm>>) target_semaphore(%run_scoped3A_45 : memref<!tpu.dma_semaphore, #tpu.memory_space<semaphore_mem>>)
      %dma_wait3A = arith.constant 0 : i32
      %dma_wait3A_50 = tpu.memref_slice %arg4[%arg0, %mul3A_44, %dma_wait3A] : memref<2x10240x128xf32, #tpu.memory_space<hbm>> -> memref<1x640x128xf32, #tpu.memory_space<hbm>>
      %dma_wait3A_51 = tpu.memref_squeeze %dma_wait3A_50 : memref<1x640x128xf32, #tpu.memory_space<hbm>> -> memref<640x128xf32, #tpu.memory_space<hbm>>
      %dma_wait3A_52 = arith.constant 0 : i32
      %dma_wait3A_53 = tpu.memref_slice %arg7[%mul3A_44, %dma_wait3A_52] : memref<10240x128xf32, #tpu.memory_space<vmem_shared>> -> memref<640x128xf32, #tpu.memory_space<vmem_shared>>
      tpu.wait_dma2 semaphore(%run_scoped3A_45 : memref<!tpu.dma_semaphore, #tpu.memory_space<semaphore_mem>>) src(%dma_wait3A_53 : memref<640x128xf32, #tpu.memory_space<vmem_shared>>) dst(%dma_wait3A_51 : memref<640x128xf32, #tpu.memory_space<hbm>>)
      tpu.yield
    }) : () -> ()
    return
  }
}

module attributes {stable_mosaic.version = 14 : i64} {
  func.func @_node_prep_body(%arg0: i32, %arg1: memref<1280x128xf32, #tpu.memory_space<vmem>>, %arg2: memref<128xf32, #tpu.memory_space<vmem>>, %arg3: memref<128xf32, #tpu.memory_space<vmem>>, %arg4: memref<128xf32, #tpu.memory_space<vmem>>, %arg5: memref<128x128xf32, #tpu.memory_space<vmem>>, %arg6: memref<1280x128xf32, #tpu.memory_space<vmem>>, %arg7: memref<1280x128xf32, #tpu.memory_space<vmem>>) attributes {dimension_semantics = [#tpu.dimension_semantics<arbitrary>], iteration_bounds = array<i64: 8>, scalar_prefetch = 0 : i64, scratch_operands = 0 : i64, tpu.core_type = #tpu.core_type<tc>, window_params = [{transform_indices = @transform_0, window_bounds = array<i64: 1280, 128>}, {pipeline_mode = #tpu.pipeline_mode<synchronous>, transform_indices = @transform_1, window_bounds = array<i64: 128>}, {pipeline_mode = #tpu.pipeline_mode<synchronous>, transform_indices = @transform_2, window_bounds = array<i64: 128>}, {pipeline_mode = #tpu.pipeline_mode<synchronous>, transform_indices = @transform_3, window_bounds = array<i64: 128>}, {pipeline_mode = #tpu.pipeline_mode<synchronous>, transform_indices = @transform_4, window_bounds = array<i64: 128, 128>}, {transform_indices = @transform_5, window_bounds = array<i64: 1280, 128>}, {transform_indices = @transform_6, window_bounds = array<i64: 1280, 128>}]} {
    %get3A = arith.constant 0 : index
    %get3A_0 = arith.constant 0 : index
    %get3A_1 = vector.load %arg1[%get3A, %get3A_0] : memref<1280x128xf32, #tpu.memory_space<vmem>>, vector<1280x128xf32>
    %slice3A = vector.extract_strided_slice %get3A_1 {offsets = [0, 0], sizes = [1280, 1], strides = [1, 1]} : vector<1280x128xf32> to vector<1280x1xf32>
    %eq3A = arith.constant -9.990000e+02 : f32
    %eq3A_2 = vector.broadcast %eq3A : f32 to vector<1280x1xf32>
    %eq3A_3 = arith.cmpf oeq, %slice3A, %eq3A_2 : vector<1280x1xf32>
    %get3A_4 = arith.constant 0 : index
    %get3A_5 = vector.load %arg2[%get3A_4] : memref<128xf32, #tpu.memory_space<vmem>>, vector<128xf32>
    %broadcast_in_dim3A = vector.shape_cast %get3A_5 : vector<128xf32> to vector<1x128xf32>
    %broadcast_in_dim3A_6 = vector.shape_cast %eq3A_3 : vector<1280x1xi1> to vector<1280x1xi1>
    %broadcast_in_dim3A_7 = vector.broadcast %broadcast_in_dim3A_6 : vector<1280x1xi1> to vector<1280x128xi1>
    %broadcast_in_dim3A_8 = vector.shape_cast %broadcast_in_dim3A : vector<1x128xf32> to vector<1x128xf32>
    %broadcast_in_dim3A_9 = vector.broadcast %broadcast_in_dim3A_8 : vector<1x128xf32> to vector<1280x128xf32>
    %select_n3A = arith.select %broadcast_in_dim3A_7, %broadcast_in_dim3A_9, %get3A_1 : vector<1280x128xi1>, vector<1280x128xf32>
    %get3A_10 = arith.constant 0 : index
    %get3A_11 = vector.load %arg3[%get3A_10] : memref<128xf32, #tpu.memory_space<vmem>>, vector<128xf32>
    %get3A_12 = arith.constant 0 : index
    %get3A_13 = vector.load %arg4[%get3A_12] : memref<128xf32, #tpu.memory_space<vmem>>, vector<128xf32>
    %reduce_sum3A = arith.constant dense<0.000000e+00> : vector<1280xf32>
    %reduce_sum3A_14 = vector.multi_reduction <add>, %select_n3A, %reduce_sum3A [1] : vector<1280x128xf32> to vector<1280xf32>
    %broadcast_in_dim3A_15 = vector.shape_cast %reduce_sum3A_14 : vector<1280xf32> to vector<1280x1xf32>
    %div3A = arith.constant 1.280000e+02 : f32
    %div3A_16 = vector.broadcast %div3A : f32 to vector<1280x1xf32>
    %div3A_17 = arith.divf %broadcast_in_dim3A_15, %div3A_16 : vector<1280x1xf32>
    %sub3A = vector.broadcast %div3A_17 : vector<1280x1xf32> to vector<1280x128xf32>
    %sub3A_18 = arith.subf %select_n3A, %sub3A : vector<1280x128xf32>
    %integer_pow3A = arith.mulf %sub3A_18, %sub3A_18 : vector<1280x128xf32>
    %reduce_sum3A_19 = arith.constant dense<0.000000e+00> : vector<1280xf32>
    %reduce_sum3A_20 = vector.multi_reduction <add>, %integer_pow3A, %reduce_sum3A_19 [1] : vector<1280x128xf32> to vector<1280xf32>
    %broadcast_in_dim3A_21 = vector.shape_cast %reduce_sum3A_20 : vector<1280xf32> to vector<1280x1xf32>
    %div3A_22 = arith.constant 1.280000e+02 : f32
    %div3A_23 = vector.broadcast %div3A_22 : f32 to vector<1280x1xf32>
    %div3A_24 = arith.divf %broadcast_in_dim3A_21, %div3A_23 : vector<1280x1xf32>
    %sub3A_25 = vector.broadcast %div3A_17 : vector<1280x1xf32> to vector<1280x128xf32>
    %sub3A_26 = arith.subf %select_n3A, %sub3A_25 : vector<1280x128xf32>
    %add3A = arith.constant 9.99999997E-7 : f32
    %add3A_27 = vector.broadcast %add3A : f32 to vector<1280x1xf32>
    %add3A_28 = arith.addf %div3A_24, %add3A_27 : vector<1280x1xf32>
    %sqrt3A = math.sqrt %add3A_28 : vector<1280x1xf32>
    %div3A_29 = vector.broadcast %sqrt3A : vector<1280x1xf32> to vector<1280x128xf32>
    %div3A_30 = arith.divf %sub3A_26, %div3A_29 : vector<1280x128xf32>
    %broadcast_in_dim3A_31 = vector.shape_cast %get3A_11 : vector<128xf32> to vector<1x128xf32>
    %mul3A = vector.broadcast %broadcast_in_dim3A_31 : vector<1x128xf32> to vector<1280x128xf32>
    %mul3A_32 = arith.mulf %div3A_30, %mul3A : vector<1280x128xf32>
    %broadcast_in_dim3A_33 = vector.shape_cast %get3A_13 : vector<128xf32> to vector<1x128xf32>
    %add3A_34 = vector.broadcast %broadcast_in_dim3A_33 : vector<1x128xf32> to vector<1280x128xf32>
    %add3A_35 = arith.addf %mul3A_32, %add3A_34 : vector<1280x128xf32>
    %swap3A = arith.constant 0 : index
    %swap3A_36 = arith.constant 0 : index
    %swap3A_37 = vector.load %arg6[%swap3A, %swap3A_36] : memref<1280x128xf32, #tpu.memory_space<vmem>>, vector<1280x128xf32>
    tpu.vector_store %arg6[%swap3A, %swap3A_36], %add3A_35 {strides = array<i32>} : memref<1280x128xf32, #tpu.memory_space<vmem>>, vector<1280x128xf32>,
    %get3A_38 = arith.constant 0 : index
    %get3A_39 = arith.constant 0 : index
    %get3A_40 = vector.load %arg5[%get3A_38, %get3A_39] : memref<128x128xf32, #tpu.memory_space<vmem>>, vector<128x128xf32>
    %dot_general3A = arith.constant dense<0.000000e+00> : vector<1280x128xf32>
    %dot_general3A_41 = tpu.matmul %add3A_35, %get3A_40, %dot_general3A {dimension_numbers = #tpu.dot_dimension_numbers<[1], [0], [0], [1], [0, 0, 1, 1], [], []>, transpose_lhs_hint = false} : vector<1280x128xf32>, vector<128x128xf32>, vector<1280x128xf32> -> vector<1280x128xf32>
    %swap3A_42 = arith.constant 0 : index
    %swap3A_43 = arith.constant 0 : index
    %swap3A_44 = vector.load %arg7[%swap3A_42, %swap3A_43] : memref<1280x128xf32, #tpu.memory_space<vmem>>, vector<1280x128xf32>
    tpu.vector_store %arg7[%swap3A_42, %swap3A_43], %dot_general3A_41 {strides = array<i32>} : memref<1280x128xf32, #tpu.memory_space<vmem>>, vector<1280x128xf32>,
    return
  }
  func.func @transform_0(%arg0: i32) -> (i32, i32) {
    %c0_i32 = arith.constant 0 : i32
    %c0_i32_0 = arith.constant 0 : i32
    return %arg0, %c0_i32 : i32, i32
  }
  func.func @transform_1(%arg0: i32) -> i32 {
    %c0_i32 = arith.constant 0 : i32
    %c0_i32_0 = arith.constant 0 : i32
    return %c0_i32 : i32
  }
  func.func @transform_2(%arg0: i32) -> i32 {
    %c0_i32 = arith.constant 0 : i32
    %c0_i32_0 = arith.constant 0 : i32
    return %c0_i32 : i32
  }
  func.func @transform_3(%arg0: i32) -> i32 {
    %c0_i32 = arith.constant 0 : i32
    %c0_i32_0 = arith.constant 0 : i32
    return %c0_i32 : i32
  }
  func.func @transform_4(%arg0: i32) -> (i32, i32) {
    %c0_i32 = arith.constant 0 : i32
    %c0_i32_0 = arith.constant 0 : i32
    %c0_i32_1 = arith.constant 0 : i32
    return %c0_i32, %c0_i32_0 : i32, i32
  }
  func.func @transform_5(%arg0: i32) -> (i32, i32) {
    %c0_i32 = arith.constant 0 : i32
    %c0_i32_0 = arith.constant 0 : i32
    return %arg0, %c0_i32 : i32, i32
  }
  func.func @transform_6(%arg0: i32) -> (i32, i32) {
    %c0_i32 = arith.constant 0 : i32
    %c0_i32_0 = arith.constant 0 : i32
    return %arg0, %c0_i32 : i32, i32
  }
}

module attributes {stable_mosaic.version = 14 : i64} {
  func.func @body(%arg0: i32, %arg1: memref<2560x128xf32, #tpu.memory_space<vmem>>, %arg2: memref<2560x128xbf16, #tpu.memory_space<vmem>>, %arg3: memref<128x64xf32, #tpu.memory_space<vmem>>, %arg4: memref<64xf32, #tpu.memory_space<vmem>>, %arg5: memref<64x64xf32, #tpu.memory_space<vmem>>, %arg6: memref<64xf32, #tpu.memory_space<vmem>>, %arg7: memref<64x128xf32, #tpu.memory_space<vmem>>, %arg8: memref<128xf32, #tpu.memory_space<vmem>>, %arg9: memref<2560x128xf32, #tpu.memory_space<vmem>>) attributes {dimension_semantics = [#tpu.dimension_semantics<arbitrary>], iteration_bounds = array<i64: 125>, scalar_prefetch = 0 : i64, scratch_operands = 0 : i64, tpu.core_type = #tpu.core_type<tc>, window_params = [{transform_indices = @transform_0, window_bounds = array<i64: 2560, 128>}, {transform_indices = @transform_1, window_bounds = array<i64: 2560, 128>}, {pipeline_mode = #tpu.pipeline_mode<synchronous>, transform_indices = @transform_2, window_bounds = array<i64: 128, 64>}, {pipeline_mode = #tpu.pipeline_mode<synchronous>, transform_indices = @transform_3, window_bounds = array<i64: 64>}, {pipeline_mode = #tpu.pipeline_mode<synchronous>, transform_indices = @transform_4, window_bounds = array<i64: 64, 64>}, {pipeline_mode = #tpu.pipeline_mode<synchronous>, transform_indices = @transform_5, window_bounds = array<i64: 64>}, {pipeline_mode = #tpu.pipeline_mode<synchronous>, transform_indices = @transform_6, window_bounds = array<i64: 64, 128>}, {pipeline_mode = #tpu.pipeline_mode<synchronous>, transform_indices = @transform_7, window_bounds = array<i64: 128>}, {transform_indices = @transform_8, window_bounds = array<i64: 2560, 128>}]} {
    %get3A = arith.constant 0 : index
    %get3A_0 = arith.constant 0 : index
    %get3A_1 = vector.load %arg2[%get3A, %get3A_0] : memref<2560x128xbf16, #tpu.memory_space<vmem>>, vector<2560x128xbf16>
    %convert_element_type3A = arith.extf %get3A_1 : vector<2560x128xbf16> to vector<2560x128xf32>
    %get3A_2 = arith.constant 0 : index
    %get3A_3 = arith.constant 0 : index
    %get3A_4 = vector.load %arg1[%get3A_2, %get3A_3] : memref<2560x128xf32, #tpu.memory_space<vmem>>, vector<2560x128xf32>
    %slice3A = vector.extract_strided_slice %get3A_4 {offsets = [0, 0], sizes = [2560, 64], strides = [1, 1]} : vector<2560x128xf32> to vector<2560x64xf32>
    %get3A_5 = arith.constant 0 : index
    %get3A_6 = arith.constant 0 : index
    %get3A_7 = vector.load %arg3[%get3A_5, %get3A_6] : memref<128x64xf32, #tpu.memory_space<vmem>>, vector<128x64xf32>
    %dot_general3A = arith.constant dense<0.000000e+00> : vector<2560x64xf32>
    %dot_general3A_8 = tpu.matmul %convert_element_type3A, %get3A_7, %dot_general3A {dimension_numbers = #tpu.dot_dimension_numbers<[1], [0], [0], [1], [0, 0, 1, 1], [], []>, transpose_lhs_hint = false} : vector<2560x128xf32>, vector<128x64xf32>, vector<2560x64xf32> -> vector<2560x64xf32>
    %add3A = arith.addf %slice3A, %dot_general3A_8 : vector<2560x64xf32>
    %get3A_9 = arith.constant 0 : index
    %get3A_10 = vector.load %arg4[%get3A_9] : memref<64xf32, #tpu.memory_space<vmem>>, vector<64xf32>
    %broadcast_in_dim3A = vector.shape_cast %get3A_10 : vector<64xf32> to vector<1x64xf32>
    %add3A_11 = vector.broadcast %broadcast_in_dim3A : vector<1x64xf32> to vector<2560x64xf32>
    %add3A_12 = arith.addf %add3A, %add3A_11 : vector<2560x64xf32>
    %max3A = arith.constant 0.000000e+00 : f32
    %max3A_13 = vector.broadcast %max3A : f32 to vector<2560x64xf32>
    %max3A_14 = arith.maximumf %add3A_12, %max3A_13 : vector<2560x64xf32>
    %get3A_15 = arith.constant 0 : index
    %get3A_16 = arith.constant 0 : index
    %get3A_17 = vector.load %arg5[%get3A_15, %get3A_16] : memref<64x64xf32, #tpu.memory_space<vmem>>, vector<64x64xf32>
    %dot_general3A_18 = arith.constant dense<0.000000e+00> : vector<2560x64xf32>
    %dot_general3A_19 = tpu.matmul %max3A_14, %get3A_17, %dot_general3A_18 {dimension_numbers = #tpu.dot_dimension_numbers<[1], [0], [0], [1], [0, 0, 1, 1], [], []>, transpose_lhs_hint = false} : vector<2560x64xf32>, vector<64x64xf32>, vector<2560x64xf32> -> vector<2560x64xf32>
    %get3A_20 = arith.constant 0 : index
    %get3A_21 = vector.load %arg6[%get3A_20] : memref<64xf32, #tpu.memory_space<vmem>>, vector<64xf32>
    %broadcast_in_dim3A_22 = vector.shape_cast %get3A_21 : vector<64xf32> to vector<1x64xf32>
    %add3A_23 = vector.broadcast %broadcast_in_dim3A_22 : vector<1x64xf32> to vector<2560x64xf32>
    %add3A_24 = arith.addf %dot_general3A_19, %add3A_23 : vector<2560x64xf32>
    %max3A_25 = arith.constant 0.000000e+00 : f32
    %max3A_26 = vector.broadcast %max3A_25 : f32 to vector<2560x64xf32>
    %max3A_27 = arith.maximumf %add3A_24, %max3A_26 : vector<2560x64xf32>
    %get3A_28 = arith.constant 0 : index
    %get3A_29 = arith.constant 0 : index
    %get3A_30 = vector.load %arg7[%get3A_28, %get3A_29] : memref<64x128xf32, #tpu.memory_space<vmem>>, vector<64x128xf32>
    %dot_general3A_31 = arith.constant dense<0.000000e+00> : vector<2560x128xf32>
    %dot_general3A_32 = tpu.matmul %max3A_27, %get3A_30, %dot_general3A_31 {dimension_numbers = #tpu.dot_dimension_numbers<[1], [0], [0], [1], [0, 0, 1, 1], [], []>, transpose_lhs_hint = false} : vector<2560x64xf32>, vector<64x128xf32>, vector<2560x128xf32> -> vector<2560x128xf32>
    %get3A_33 = arith.constant 0 : index
    %get3A_34 = vector.load %arg8[%get3A_33] : memref<128xf32, #tpu.memory_space<vmem>>, vector<128xf32>
    %broadcast_in_dim3A_35 = vector.shape_cast %get3A_34 : vector<128xf32> to vector<1x128xf32>
    %add3A_36 = vector.broadcast %broadcast_in_dim3A_35 : vector<1x128xf32> to vector<2560x128xf32>
    %add3A_37 = arith.addf %dot_general3A_32, %add3A_36 : vector<2560x128xf32>
    %swap3A = arith.constant 0 : index
    %swap3A_38 = arith.constant 0 : index
    %swap3A_39 = vector.load %arg9[%swap3A, %swap3A_38] : memref<2560x128xf32, #tpu.memory_space<vmem>>, vector<2560x128xf32>
    tpu.vector_store %arg9[%swap3A, %swap3A_38], %add3A_37 {strides = array<i32>} : memref<2560x128xf32, #tpu.memory_space<vmem>>, vector<2560x128xf32>,
    return
  }
  func.func @transform_0(%arg0: i32) -> (i32, i32) {
    %c0_i32 = arith.constant 0 : i32
    %c0_i32_0 = arith.constant 0 : i32
    return %arg0, %c0_i32 : i32, i32
  }
  func.func @transform_1(%arg0: i32) -> (i32, i32) {
    %c0_i32 = arith.constant 0 : i32
    %c0_i32_0 = arith.constant 0 : i32
    return %arg0, %c0_i32 : i32, i32
  }
  func.func @transform_2(%arg0: i32) -> (i32, i32) {
    %c0_i32 = arith.constant 0 : i32
    %c0_i32_0 = arith.constant 0 : i32
    %c0_i32_1 = arith.constant 0 : i32
    return %c0_i32, %c0_i32_0 : i32, i32
  }
  func.func @transform_3(%arg0: i32) -> i32 {
    %c0_i32 = arith.constant 0 : i32
    %c0_i32_0 = arith.constant 0 : i32
    return %c0_i32 : i32
  }
  func.func @transform_4(%arg0: i32) -> (i32, i32) {
    %c0_i32 = arith.constant 0 : i32
    %c0_i32_0 = arith.constant 0 : i32
    %c0_i32_1 = arith.constant 0 : i32
    return %c0_i32, %c0_i32_0 : i32, i32
  }
  func.func @transform_5(%arg0: i32) -> i32 {
    %c0_i32 = arith.constant 0 : i32
    %c0_i32_0 = arith.constant 0 : i32
    return %c0_i32 : i32
  }
  func.func @transform_6(%arg0: i32) -> (i32, i32) {
    %c0_i32 = arith.constant 0 : i32
    %c0_i32_0 = arith.constant 0 : i32
    %c0_i32_1 = arith.constant 0 : i32
    return %c0_i32, %c0_i32_0 : i32, i32
  }
  func.func @transform_7(%arg0: i32) -> i32 {
    %c0_i32 = arith.constant 0 : i32
    %c0_i32_0 = arith.constant 0 : i32
    return %c0_i32 : i32
  }
  func.func @transform_8(%arg0: i32) -> (i32, i32) {
    %c0_i32 = arith.constant 0 : i32
    %c0_i32_0 = arith.constant 0 : i32
    return %arg0, %c0_i32 : i32, i32
  }
}

module attributes {stable_mosaic.version = 14 : i64} {
  func.func @_edge_enc_body(%arg0: i32, %arg1: memref<2560x16xf32, #tpu.memory_space<vmem>>, %arg2: memref<16x16xf32, #tpu.memory_space<vmem>>, %arg3: memref<16x128xf32, #tpu.memory_space<vmem>>, %arg4: memref<128xf32, #tpu.memory_space<vmem>>, %arg5: memref<128x256xf32, #tpu.memory_space<vmem>>, %arg6: memref<256xf32, #tpu.memory_space<vmem>>, %arg7: memref<256x128xf32, #tpu.memory_space<vmem>>, %arg8: memref<128xf32, #tpu.memory_space<vmem>>, %arg9: memref<16x16xf32, #tpu.memory_space<vmem>>, %arg10: memref<16xf32, #tpu.memory_space<vmem>>, %arg11: memref<16x1xf32, #tpu.memory_space<vmem>>, %arg12: memref<1xf32, #tpu.memory_space<vmem>>, %arg13: memref<2560x128xf32, #tpu.memory_space<vmem>>, %arg14: memref<2560x128xbf16, #tpu.memory_space<vmem>>) attributes {dimension_semantics = [#tpu.dimension_semantics<arbitrary>], iteration_bounds = array<i64: 125>, scalar_prefetch = 0 : i64, scratch_operands = 0 : i64, tpu.core_type = #tpu.core_type<tc>, window_params = [{transform_indices = @transform_0, window_bounds = array<i64: 2560, 16>}, {pipeline_mode = #tpu.pipeline_mode<synchronous>, transform_indices = @transform_1, window_bounds = array<i64: 16, 16>}, {pipeline_mode = #tpu.pipeline_mode<synchronous>, transform_indices = @transform_2, window_bounds = array<i64: 16, 128>}, {pipeline_mode = #tpu.pipeline_mode<synchronous>, transform_indices = @transform_3, window_bounds = array<i64: 128>}, {pipeline_mode = #tpu.pipeline_mode<synchronous>, transform_indices = @transform_4, window_bounds = array<i64: 128, 256>}, {pipeline_mode = #tpu.pipeline_mode<synchronous>, transform_indices = @transform_5, window_bounds = array<i64: 256>}, {pipeline_mode = #tpu.pipeline_mode<synchronous>, transform_indices = @transform_6, window_bounds = array<i64: 256, 128>}, {pipeline_mode = #tpu.pipeline_mode<synchronous>, transform_indices = @transform_7, window_bounds = array<i64: 128>}, {pipeline_mode = #tpu.pipeline_mode<synchronous>, transform_indices = @transform_8, window_bounds = array<i64: 16, 16>}, {pipeline_mode = #tpu.pipeline_mode<synchronous>, transform_indices = @transform_9, window_bounds = array<i64: 16>}, {pipeline_mode = #tpu.pipeline_mode<synchronous>, transform_indices = @transform_10, window_bounds = array<i64: 16, 1>}, {pipeline_mode = #tpu.pipeline_mode<synchronous>, transform_indices = @transform_11, window_bounds = array<i64: 1>}, {transform_indices = @transform_12, window_bounds = array<i64: 2560, 128>}, {transform_indices = @transform_13, window_bounds = array<i64: 2560, 128>}]} {
    %get3A = arith.constant 0 : index
    %get3A_0 = arith.constant 0 : index
    %get3A_1 = vector.load %arg1[%get3A, %get3A_0] : memref<2560x16xf32, #tpu.memory_space<vmem>>, vector<2560x16xf32>
    %get3A_2 = arith.constant 0 : index
    %get3A_3 = arith.constant 0 : index
    %get3A_4 = vector.load %arg2[%get3A_2, %get3A_3] : memref<16x16xf32, #tpu.memory_space<vmem>>, vector<16x16xf32>
    %dot_general3A = arith.constant dense<0.000000e+00> : vector<2560x16xf32>
    %dot_general3A_5 = tpu.matmul %get3A_1, %get3A_4, %dot_general3A {dimension_numbers = #tpu.dot_dimension_numbers<[1], [0], [0], [1], [0, 0, 1, 1], [], []>, transpose_lhs_hint = false} : vector<2560x16xf32>, vector<16x16xf32>, vector<2560x16xf32> -> vector<2560x16xf32>
    %mul3A = arith.mulf %dot_general3A_5, %dot_general3A_5 : vector<2560x16xf32>
    %broadcast_in_dim3A = arith.constant 6.250000e-02 : f32
    %broadcast_in_dim3A_6 = vector.broadcast %broadcast_in_dim3A : f32 to vector<16x1xf32>
    %dot_general3A_7 = arith.constant dense<0.000000e+00> : vector<2560x1xf32>
    %dot_general3A_8 = tpu.matmul %mul3A, %broadcast_in_dim3A_6, %dot_general3A_7 {dimension_numbers = #tpu.dot_dimension_numbers<[1], [0], [0], [1], [0, 0, 1, 1], [], []>, transpose_lhs_hint = false} : vector<2560x16xf32>, vector<16x1xf32>, vector<2560x1xf32> -> vector<2560x1xf32>
    %add3A = arith.constant 9.99999997E-7 : f32
    %add3A_9 = vector.broadcast %add3A : f32 to vector<2560x1xf32>
    %add3A_10 = arith.addf %dot_general3A_8, %add3A_9 : vector<2560x1xf32>
    %rsqrt3A = math.rsqrt %add3A_10 : vector<2560x1xf32>
    %get3A_11 = arith.constant 0 : index
    %get3A_12 = arith.constant 0 : index
    %get3A_13 = vector.load %arg3[%get3A_11, %get3A_12] : memref<16x128xf32, #tpu.memory_space<vmem>>, vector<16x128xf32>
    %convert_element_type3A = arith.truncf %dot_general3A_5 : vector<2560x16xf32> to vector<2560x16xbf16>
    %convert_element_type3A_14 = arith.truncf %get3A_13 : vector<16x128xf32> to vector<16x128xbf16>
    %dot_general3A_15 = arith.constant dense<0.000000e+00> : vector<2560x128xf32>
    %dot_general3A_16 = tpu.matmul %convert_element_type3A, %convert_element_type3A_14, %dot_general3A_15 {dimension_numbers = #tpu.dot_dimension_numbers<[1], [0], [0], [1], [0, 0, 1, 1], [], []>, transpose_lhs_hint = false} : vector<2560x16xbf16>, vector<16x128xbf16>, vector<2560x128xf32> -> vector<2560x128xf32>
    %mul3A_17 = vector.broadcast %rsqrt3A : vector<2560x1xf32> to vector<2560x128xf32>
    %mul3A_18 = arith.mulf %dot_general3A_16, %mul3A_17 : vector<2560x128xf32>
    %get3A_19 = arith.constant 0 : index
    %get3A_20 = vector.load %arg4[%get3A_19] : memref<128xf32, #tpu.memory_space<vmem>>, vector<128xf32>
    %broadcast_in_dim3A_21 = vector.shape_cast %get3A_20 : vector<128xf32> to vector<1x128xf32>
    %add3A_22 = vector.broadcast %broadcast_in_dim3A_21 : vector<1x128xf32> to vector<2560x128xf32>
    %add3A_23 = arith.addf %mul3A_18, %add3A_22 : vector<2560x128xf32>
    %max3A = arith.constant 0.000000e+00 : f32
    %max3A_24 = vector.broadcast %max3A : f32 to vector<2560x128xf32>
    %max3A_25 = arith.maximumf %add3A_23, %max3A_24 : vector<2560x128xf32>
    %get3A_26 = arith.constant 0 : index
    %get3A_27 = arith.constant 0 : index
    %get3A_28 = vector.load %arg5[%get3A_26, %get3A_27] : memref<128x256xf32, #tpu.memory_space<vmem>>, vector<128x256xf32>
    %convert_element_type3A_29 = arith.truncf %max3A_25 : vector<2560x128xf32> to vector<2560x128xbf16>
    %convert_element_type3A_30 = arith.truncf %get3A_28 : vector<128x256xf32> to vector<128x256xbf16>
    %dot_general3A_31 = arith.constant dense<0.000000e+00> : vector<2560x256xf32>
    %dot_general3A_32 = tpu.matmul %convert_element_type3A_29, %convert_element_type3A_30, %dot_general3A_31 {dimension_numbers = #tpu.dot_dimension_numbers<[1], [0], [0], [1], [0, 0, 1, 1], [], []>, transpose_lhs_hint = false} : vector<2560x128xbf16>, vector<128x256xbf16>, vector<2560x256xf32> -> vector<2560x256xf32>
    %get3A_33 = arith.constant 0 : index
    %get3A_34 = vector.load %arg6[%get3A_33] : memref<256xf32, #tpu.memory_space<vmem>>, vector<256xf32>
    %broadcast_in_dim3A_35 = vector.shape_cast %get3A_34 : vector<256xf32> to vector<1x256xf32>
    %add3A_36 = vector.broadcast %broadcast_in_dim3A_35 : vector<1x256xf32> to vector<2560x256xf32>
    %add3A_37 = arith.addf %dot_general3A_32, %add3A_36 : vector<2560x256xf32>
    %max3A_38 = arith.constant 0.000000e+00 : f32
    %max3A_39 = vector.broadcast %max3A_38 : f32 to vector<2560x256xf32>
    %max3A_40 = arith.maximumf %add3A_37, %max3A_39 : vector<2560x256xf32>
    %get3A_41 = arith.constant 0 : index
    %get3A_42 = arith.constant 0 : index
    %get3A_43 = vector.load %arg7[%get3A_41, %get3A_42] : memref<256x128xf32, #tpu.memory_space<vmem>>, vector<256x128xf32>
    %convert_element_type3A_44 = arith.truncf %max3A_40 : vector<2560x256xf32> to vector<2560x256xbf16>
    %convert_element_type3A_45 = arith.truncf %get3A_43 : vector<256x128xf32> to vector<256x128xbf16>
    %dot_general3A_46 = arith.constant dense<0.000000e+00> : vector<2560x128xf32>
    %dot_general3A_47 = tpu.matmul %convert_element_type3A_44, %convert_element_type3A_45, %dot_general3A_46 {dimension_numbers = #tpu.dot_dimension_numbers<[1], [0], [0], [1], [0, 0, 1, 1], [], []>, transpose_lhs_hint = false} : vector<2560x256xbf16>, vector<256x128xbf16>, vector<2560x128xf32> -> vector<2560x128xf32>
    %get3A_48 = arith.constant 0 : index
    %get3A_49 = vector.load %arg8[%get3A_48] : memref<128xf32, #tpu.memory_space<vmem>>, vector<128xf32>
    %broadcast_in_dim3A_50 = vector.shape_cast %get3A_49 : vector<128xf32> to vector<1x128xf32>
    %add3A_51 = vector.broadcast %broadcast_in_dim3A_50 : vector<1x128xf32> to vector<2560x128xf32>
    %add3A_52 = arith.addf %dot_general3A_47, %add3A_51 : vector<2560x128xf32>
    %get3A_53 = arith.constant 0 : index
    %get3A_54 = arith.constant 0 : index
    %get3A_55 = vector.load %arg9[%get3A_53, %get3A_54] : memref<16x16xf32, #tpu.memory_space<vmem>>, vector<16x16xf32>
    %dot_general3A_56 = arith.constant dense<0.000000e+00> : vector<2560x16xf32>
    %dot_general3A_57 = tpu.matmul %get3A_1, %get3A_55, %dot_general3A_56 {dimension_numbers = #tpu.dot_dimension_numbers<[1], [0], [0], [1], [0, 0, 1, 1], [], []>, transpose_lhs_hint = false} : vector<2560x16xf32>, vector<16x16xf32>, vector<2560x16xf32> -> vector<2560x16xf32>
    %get3A_58 = arith.constant 0 : index
    %get3A_59 = vector.load %arg10[%get3A_58] : memref<16xf32, #tpu.memory_space<vmem>>, vector<16xf32>
    %broadcast_in_dim3A_60 = vector.shape_cast %get3A_59 : vector<16xf32> to vector<1x16xf32>
    %add3A_61 = vector.broadcast %broadcast_in_dim3A_60 : vector<1x16xf32> to vector<2560x16xf32>
    %add3A_62 = arith.addf %dot_general3A_57, %add3A_61 : vector<2560x16xf32>
    %max3A_63 = arith.constant 0.000000e+00 : f32
    %max3A_64 = vector.broadcast %max3A_63 : f32 to vector<2560x16xf32>
    %max3A_65 = arith.maximumf %add3A_62, %max3A_64 : vector<2560x16xf32>
    %get3A_66 = arith.constant 0 : index
    %get3A_67 = arith.constant 0 : index
    %get3A_68 = vector.load %arg11[%get3A_66, %get3A_67] : memref<16x1xf32, #tpu.memory_space<vmem>>, vector<16x1xf32>
    %dot_general3A_69 = arith.constant dense<0.000000e+00> : vector<2560x1xf32>
    %dot_general3A_70 = tpu.matmul %max3A_65, %get3A_68, %dot_general3A_69 {dimension_numbers = #tpu.dot_dimension_numbers<[1], [0], [0], [1], [0, 0, 1, 1], [], []>, transpose_lhs_hint = false} : vector<2560x16xf32>, vector<16x1xf32>, vector<2560x1xf32> -> vector<2560x1xf32>
    %get3A_71 = arith.constant 0 : index
    %get3A_72 = vector.load %arg12[%get3A_71] : memref<1xf32, #tpu.memory_space<vmem>>, vector<1xf32>
    %broadcast_in_dim3A_73 = vector.shape_cast %get3A_72 : vector<1xf32> to vector<1x1xf32>
    %add3A_74 = vector.broadcast %broadcast_in_dim3A_73 : vector<1x1xf32> to vector<2560x1xf32>
    %add3A_75 = arith.addf %dot_general3A_70, %add3A_74 : vector<2560x1xf32>
    %logistic3A = arith.negf %add3A_75 : vector<2560x1xf32>
    %logistic3A_76 = math.exp %logistic3A : vector<2560x1xf32>
    %logistic3A_77 = arith.constant 1.000000e+00 : f32
    %logistic3A_78 = vector.broadcast %logistic3A_77 : f32 to vector<2560x1xf32>
    %logistic3A_79 = arith.addf %logistic3A_78, %logistic3A_76 : vector<2560x1xf32>
    %logistic3A_80 = arith.divf %logistic3A_78, %logistic3A_79 : vector<2560x1xf32>
    %mul3A_81 = vector.broadcast %logistic3A_80 : vector<2560x1xf32> to vector<2560x128xf32>
    %mul3A_82 = arith.mulf %add3A_52, %mul3A_81 : vector<2560x128xf32>
    %swap3A = arith.constant 0 : index
    %swap3A_83 = arith.constant 0 : index
    %swap3A_84 = vector.load %arg13[%swap3A, %swap3A_83] : memref<2560x128xf32, #tpu.memory_space<vmem>>, vector<2560x128xf32>
    tpu.vector_store %arg13[%swap3A, %swap3A_83], %mul3A_82 {strides = array<i32>} : memref<2560x128xf32, #tpu.memory_space<vmem>>, vector<2560x128xf32>,
    %convert_element_type3A_85 = arith.truncf %mul3A_82 : vector<2560x128xf32> to vector<2560x128xbf16>
    %swap3A_86 = arith.constant 0 : index
    %swap3A_87 = arith.constant 0 : index
    %swap3A_88 = vector.load %arg14[%swap3A_86, %swap3A_87] : memref<2560x128xbf16, #tpu.memory_space<vmem>>, vector<2560x128xbf16>
    tpu.vector_store %arg14[%swap3A_86, %swap3A_87], %convert_element_type3A_85 {strides = array<i32>} : memref<2560x128xbf16, #tpu.memory_space<vmem>>, vector<2560x128xbf16>,
    return
  }
  func.func @transform_0(%arg0: i32) -> (i32, i32) {
    %c0_i32 = arith.constant 0 : i32
    %c0_i32_0 = arith.constant 0 : i32
    return %arg0, %c0_i32 : i32, i32
  }
  func.func @transform_1(%arg0: i32) -> (i32, i32) {
    %c0_i32 = arith.constant 0 : i32
    %c0_i32_0 = arith.constant 0 : i32
    %c0_i32_1 = arith.constant 0 : i32
    return %c0_i32, %c0_i32_0 : i32, i32
  }
  func.func @transform_2(%arg0: i32) -> (i32, i32) {
    %c0_i32 = arith.constant 0 : i32
    %c0_i32_0 = arith.constant 0 : i32
    %c0_i32_1 = arith.constant 0 : i32
    return %c0_i32, %c0_i32_0 : i32, i32
  }
  func.func @transform_3(%arg0: i32) -> i32 {
    %c0_i32 = arith.constant 0 : i32
    %c0_i32_0 = arith.constant 0 : i32
    return %c0_i32 : i32
  }
  func.func @transform_4(%arg0: i32) -> (i32, i32) {
    %c0_i32 = arith.constant 0 : i32
    %c0_i32_0 = arith.constant 0 : i32
    %c0_i32_1 = arith.constant 0 : i32
    return %c0_i32, %c0_i32_0 : i32, i32
  }
  func.func @transform_5(%arg0: i32) -> i32 {
    %c0_i32 = arith.constant 0 : i32
    %c0_i32_0 = arith.constant 0 : i32
    return %c0_i32 : i32
  }
  func.func @transform_6(%arg0: i32) -> (i32, i32) {
    %c0_i32 = arith.constant 0 : i32
    %c0_i32_0 = arith.constant 0 : i32
    %c0_i32_1 = arith.constant 0 : i32
    return %c0_i32, %c0_i32_0 : i32, i32
  }
  func.func @transform_7(%arg0: i32) -> i32 {
    %c0_i32 = arith.constant 0 : i32
    %c0_i32_0 = arith.constant 0 : i32
    return %c0_i32 : i32
  }
  func.func @transform_8(%arg0: i32) -> (i32, i32) {
    %c0_i32 = arith.constant 0 : i32
    %c0_i32_0 = arith.constant 0 : i32
    %c0_i32_1 = arith.constant 0 : i32
    return %c0_i32, %c0_i32_0 : i32, i32
  }
  func.func @transform_9(%arg0: i32) -> i32 {
    %c0_i32 = arith.constant 0 : i32
    %c0_i32_0 = arith.constant 0 : i32
    return %c0_i32 : i32
  }
  func.func @transform_10(%arg0: i32) -> (i32, i32) {
    %c0_i32 = arith.constant 0 : i32
    %c0_i32_0 = arith.constant 0 : i32
    %c0_i32_1 = arith.constant 0 : i32
    return %c0_i32, %c0_i32_0 : i32, i32
  }
  func.func @transform_11(%arg0: i32) -> i32 {
    %c0_i32 = arith.constant 0 : i32
    %c0_i32_0 = arith.constant 0 : i32
    return %c0_i32 : i32
  }
  func.func @transform_12(%arg0: i32) -> (i32, i32) {
    %c0_i32 = arith.constant 0 : i32
    %c0_i32_0 = arith.constant 0 : i32
    return %arg0, %c0_i32 : i32, i32
  }
  func.func @transform_13(%arg0: i32) -> (i32, i32) {
    %c0_i32 = arith.constant 0 : i32
    %c0_i32_0 = arith.constant 0 : i32
    return %arg0, %c0_i32 : i32, i32
  }
}

module attributes {stable_mosaic.version = 14 : i64} {
  func.func @_node_mid_body(%arg0: i32, %arg1: memref<2x1280x128xf32, #tpu.memory_space<vmem>>, %arg2: memref<64xf32, #tpu.memory_space<vmem>>, %arg3: memref<64xf32, #tpu.memory_space<vmem>>, %arg4: memref<64x128xf32, #tpu.memory_space<vmem>>, %arg5: memref<64x128xf32, #tpu.memory_space<vmem>>, %arg6: memref<1280x128xf32, #tpu.memory_space<vmem>>, %arg7: memref<1280x128xf32, #tpu.memory_space<vmem>>, %arg8: memref<1280x1xf32, #tpu.memory_space<vmem>>) attributes {dimension_semantics = [#tpu.dimension_semantics<arbitrary>], iteration_bounds = array<i64: 8>, scalar_prefetch = 0 : i64, scratch_operands = 0 : i64, tpu.core_type = #tpu.core_type<tc>, window_params = [{transform_indices = @transform_0, window_bounds = array<i64: 2, 1280, 128>}, {pipeline_mode = #tpu.pipeline_mode<synchronous>, transform_indices = @transform_1, window_bounds = array<i64: 64>}, {pipeline_mode = #tpu.pipeline_mode<synchronous>, transform_indices = @transform_2, window_bounds = array<i64: 64>}, {pipeline_mode = #tpu.pipeline_mode<synchronous>, transform_indices = @transform_3, window_bounds = array<i64: 64, 128>}, {pipeline_mode = #tpu.pipeline_mode<synchronous>, transform_indices = @transform_4, window_bounds = array<i64: 64, 128>}, {transform_indices = @transform_5, window_bounds = array<i64: 1280, 128>}, {transform_indices = @transform_6, window_bounds = array<i64: 1280, 128>}, {transform_indices = @transform_7, window_bounds = array<i64: 1280, 1>}]} {
    %get3A = arith.constant 0 : index
    %get3A_0 = arith.constant 0 : index
    %get3A_1 = arith.constant 0 : index
    %get3A_2 = vector.load %arg1[%get3A, %get3A_0, %get3A_1] : memref<2x1280x128xf32, #tpu.memory_space<vmem>>, vector<2x1280x128xf32>
    %slice3A = vector.extract_strided_slice %get3A_2 {offsets = [0, 0, 64], sizes = [1, 1280, 1], strides = [1, 1, 1]} : vector<2x1280x128xf32> to vector<1x1280x1xf32>
    %squeeze3A = vector.shape_cast %slice3A : vector<1x1280x1xf32> to vector<1280xf32>
    %slice3A_3 = vector.extract_strided_slice %get3A_2 {offsets = [1, 0, 64], sizes = [1, 1280, 1], strides = [1, 1, 1]} : vector<2x1280x128xf32> to vector<1x1280x1xf32>
    %squeeze3A_4 = vector.shape_cast %slice3A_3 : vector<1x1280x1xf32> to vector<1280xf32>
    %add3A = arith.addf %squeeze3A, %squeeze3A_4 : vector<1280xf32>
    %slice3A_5 = vector.extract_strided_slice %get3A_2 {offsets = [0, 0, 0], sizes = [2, 1280, 64], strides = [1, 1, 1]} : vector<2x1280x128xf32> to vector<2x1280x64xf32>
    %slice3A_6 = vector.extract_strided_slice %slice3A_5 {offsets = [0, 0, 0], sizes = [1, 1280, 64], strides = [1, 1, 1]} : vector<2x1280x64xf32> to vector<1x1280x64xf32>
    %squeeze3A_7 = vector.shape_cast %slice3A_6 : vector<1x1280x64xf32> to vector<1280x64xf32>
    %slice3A_8 = vector.extract_strided_slice %slice3A_5 {offsets = [1, 0, 0], sizes = [1, 1280, 64], strides = [1, 1, 1]} : vector<2x1280x64xf32> to vector<1x1280x64xf32>
    %squeeze3A_9 = vector.shape_cast %slice3A_8 : vector<1x1280x64xf32> to vector<1280x64xf32>
    %add3A_10 = arith.addf %squeeze3A_7, %squeeze3A_9 : vector<1280x64xf32>
    %max3A = arith.constant 1.000000e+00 : f32
    %max3A_11 = vector.broadcast %max3A : f32 to vector<1280xf32>
    %max3A_12 = arith.maximumf %add3A, %max3A_11 : vector<1280xf32>
    %broadcast_in_dim3A = vector.shape_cast %max3A_12 : vector<1280xf32> to vector<1280x1xf32>
    %div3A = vector.broadcast %broadcast_in_dim3A : vector<1280x1xf32> to vector<1280x64xf32>
    %div3A_13 = arith.divf %add3A_10, %div3A : vector<1280x64xf32>
    %get3A_14 = arith.constant 0 : index
    %get3A_15 = vector.load %arg2[%get3A_14] : memref<64xf32, #tpu.memory_space<vmem>>, vector<64xf32>
    %get3A_16 = arith.constant 0 : index
    %get3A_17 = vector.load %arg3[%get3A_16] : memref<64xf32, #tpu.memory_space<vmem>>, vector<64xf32>
    %reduce_sum3A = arith.constant dense<0.000000e+00> : vector<1280xf32>
    %reduce_sum3A_18 = vector.multi_reduction <add>, %div3A_13, %reduce_sum3A [1] : vector<1280x64xf32> to vector<1280xf32>
    %broadcast_in_dim3A_19 = vector.shape_cast %reduce_sum3A_18 : vector<1280xf32> to vector<1280x1xf32>
    %div3A_20 = arith.constant 6.400000e+01 : f32
    %div3A_21 = vector.broadcast %div3A_20 : f32 to vector<1280x1xf32>
    %div3A_22 = arith.divf %broadcast_in_dim3A_19, %div3A_21 : vector<1280x1xf32>
    %sub3A = vector.broadcast %div3A_22 : vector<1280x1xf32> to vector<1280x64xf32>
    %sub3A_23 = arith.subf %div3A_13, %sub3A : vector<1280x64xf32>
    %integer_pow3A = arith.mulf %sub3A_23, %sub3A_23 : vector<1280x64xf32>
    %reduce_sum3A_24 = arith.constant dense<0.000000e+00> : vector<1280xf32>
    %reduce_sum3A_25 = vector.multi_reduction <add>, %integer_pow3A, %reduce_sum3A_24 [1] : vector<1280x64xf32> to vector<1280xf32>
    %broadcast_in_dim3A_26 = vector.shape_cast %reduce_sum3A_25 : vector<1280xf32> to vector<1280x1xf32>
    %div3A_27 = arith.constant 6.400000e+01 : f32
    %div3A_28 = vector.broadcast %div3A_27 : f32 to vector<1280x1xf32>
    %div3A_29 = arith.divf %broadcast_in_dim3A_26, %div3A_28 : vector<1280x1xf32>
    %sub3A_30 = vector.broadcast %div3A_22 : vector<1280x1xf32> to vector<1280x64xf32>
    %sub3A_31 = arith.subf %div3A_13, %sub3A_30 : vector<1280x64xf32>
    %add3A_32 = arith.constant 9.99999997E-7 : f32
    %add3A_33 = vector.broadcast %add3A_32 : f32 to vector<1280x1xf32>
    %add3A_34 = arith.addf %div3A_29, %add3A_33 : vector<1280x1xf32>
    %sqrt3A = math.sqrt %add3A_34 : vector<1280x1xf32>
    %div3A_35 = vector.broadcast %sqrt3A : vector<1280x1xf32> to vector<1280x64xf32>
    %div3A_36 = arith.divf %sub3A_31, %div3A_35 : vector<1280x64xf32>
    %broadcast_in_dim3A_37 = vector.shape_cast %get3A_15 : vector<64xf32> to vector<1x64xf32>
    %mul3A = vector.broadcast %broadcast_in_dim3A_37 : vector<1x64xf32> to vector<1280x64xf32>
    %mul3A_38 = arith.mulf %div3A_36, %mul3A : vector<1280x64xf32>
    %broadcast_in_dim3A_39 = vector.shape_cast %get3A_17 : vector<64xf32> to vector<1x64xf32>
    %add3A_40 = vector.broadcast %broadcast_in_dim3A_39 : vector<1x64xf32> to vector<1280x64xf32>
    %add3A_41 = arith.addf %mul3A_38, %add3A_40 : vector<1280x64xf32>
    %ge3A = arith.constant 0.000000e+00 : f32
    %ge3A_42 = vector.broadcast %ge3A : f32 to vector<1280x64xf32>
    %ge3A_43 = arith.cmpf oge, %add3A_41, %ge3A_42 : vector<1280x64xf32>
    %mul3A_44 = arith.constant 0.00999999977 : f32
    %mul3A_45 = vector.broadcast %mul3A_44 : f32 to vector<1280x64xf32>
    %mul3A_46 = arith.mulf %mul3A_45, %add3A_41 : vector<1280x64xf32>
    %select_n3A = arith.select %ge3A_43, %add3A_41, %mul3A_46 : vector<1280x64xi1>, vector<1280x64xf32>
    %get3A_47 = arith.constant 0 : index
    %get3A_48 = arith.constant 0 : index
    %get3A_49 = vector.load %arg4[%get3A_47, %get3A_48] : memref<64x128xf32, #tpu.memory_space<vmem>>, vector<64x128xf32>
    %dot_general3A = arith.constant dense<0.000000e+00> : vector<1280x128xf32>
    %dot_general3A_50 = tpu.matmul %select_n3A, %get3A_49, %dot_general3A {dimension_numbers = #tpu.dot_dimension_numbers<[1], [0], [0], [1], [0, 0, 1, 1], [], []>, transpose_lhs_hint = false} : vector<1280x64xf32>, vector<64x128xf32>, vector<1280x128xf32> -> vector<1280x128xf32>
    %swap3A = arith.constant 0 : index
    %swap3A_51 = arith.constant 0 : index
    %swap3A_52 = vector.load %arg6[%swap3A, %swap3A_51] : memref<1280x128xf32, #tpu.memory_space<vmem>>, vector<1280x128xf32>
    tpu.vector_store %arg6[%swap3A, %swap3A_51], %dot_general3A_50 {strides = array<i32>} : memref<1280x128xf32, #tpu.memory_space<vmem>>, vector<1280x128xf32>,
    %get3A_53 = arith.constant 0 : index
    %get3A_54 = arith.constant 0 : index
    %get3A_55 = vector.load %arg5[%get3A_53, %get3A_54] : memref<64x128xf32, #tpu.memory_space<vmem>>, vector<64x128xf32>
    %dot_general3A_56 = arith.constant dense<0.000000e+00> : vector<1280x128xf32>
    %dot_general3A_57 = tpu.matmul %select_n3A, %get3A_55, %dot_general3A_56 {dimension_numbers = #tpu.dot_dimension_numbers<[1], [0], [0], [1], [0, 0, 1, 1], [], []>, transpose_lhs_hint = false} : vector<1280x64xf32>, vector<64x128xf32>, vector<1280x128xf32> -> vector<1280x128xf32>
    %swap3A_58 = arith.constant 0 : index
    %swap3A_59 = arith.constant 0 : index
    %swap3A_60 = vector.load %arg7[%swap3A_58, %swap3A_59] : memref<1280x128xf32, #tpu.memory_space<vmem>>, vector<1280x128xf32>
    tpu.vector_store %arg7[%swap3A_58, %swap3A_59], %dot_general3A_57 {strides = array<i32>} : memref<1280x128xf32, #tpu.memory_space<vmem>>, vector<1280x128xf32>,
    %broadcast_in_dim3A_61 = vector.shape_cast %add3A : vector<1280xf32> to vector<1280x1xf32>
    %swap3A_62 = arith.constant 0 : index
    %swap3A_63 = arith.constant 0 : index
    %swap3A_64 = vector.load %arg8[%swap3A_62, %swap3A_63] : memref<1280x1xf32, #tpu.memory_space<vmem>>, vector<1280x1xf32>
    tpu.vector_store %arg8[%swap3A_62, %swap3A_63], %broadcast_in_dim3A_61 {strides = array<i32>} : memref<1280x1xf32, #tpu.memory_space<vmem>>, vector<1280x1xf32>,
    return
  }
  func.func @transform_0(%arg0: i32) -> (i32, i32, i32) {
    %c0_i32 = arith.constant 0 : i32
    %c0_i32_0 = arith.constant 0 : i32
    %c0_i32_1 = arith.constant 0 : i32
    return %c0_i32, %arg0, %c0_i32_0 : i32, i32, i32
  }
  func.func @transform_1(%arg0: i32) -> i32 {
    %c0_i32 = arith.constant 0 : i32
    %c0_i32_0 = arith.constant 0 : i32
    return %c0_i32 : i32
  }
  func.func @transform_2(%arg0: i32) -> i32 {
    %c0_i32 = arith.constant 0 : i32
    %c0_i32_0 = arith.constant 0 : i32
    return %c0_i32 : i32
  }
  func.func @transform_3(%arg0: i32) -> (i32, i32) {
    %c0_i32 = arith.constant 0 : i32
    %c0_i32_0 = arith.constant 0 : i32
    %c0_i32_1 = arith.constant 0 : i32
    return %c0_i32, %c0_i32_0 : i32, i32
  }
  func.func @transform_4(%arg0: i32) -> (i32, i32) {
    %c0_i32 = arith.constant 0 : i32
    %c0_i32_0 = arith.constant 0 : i32
    %c0_i32_1 = arith.constant 0 : i32
    return %c0_i32, %c0_i32_0 : i32, i32
  }
  func.func @transform_5(%arg0: i32) -> (i32, i32) {
    %c0_i32 = arith.constant 0 : i32
    %c0_i32_0 = arith.constant 0 : i32
    return %arg0, %c0_i32 : i32, i32
  }
  func.func @transform_6(%arg0: i32) -> (i32, i32) {
    %c0_i32 = arith.constant 0 : i32
    %c0_i32_0 = arith.constant 0 : i32
    return %arg0, %c0_i32 : i32, i32
  }
  func.func @transform_7(%arg0: i32) -> (i32, i32) {
    %c0_i32 = arith.constant 0 : i32
    %c0_i32_0 = arith.constant 0 : i32
    return %arg0, %c0_i32 : i32, i32
  }
}

module attributes {stable_mosaic.version = 14 : i64} {
  func.func @body(%arg0: i32, %arg1: memref<2560x128xf32, #tpu.memory_space<vmem>>, %arg2: memref<2560x128xbf16, #tpu.memory_space<vmem>>, %arg3: memref<128x128xf32, #tpu.memory_space<vmem>>, %arg4: memref<128xf32, #tpu.memory_space<vmem>>, %arg5: memref<128x128xf32, #tpu.memory_space<vmem>>, %arg6: memref<128xf32, #tpu.memory_space<vmem>>, %arg7: memref<128x128xf32, #tpu.memory_space<vmem>>, %arg8: memref<128xf32, #tpu.memory_space<vmem>>, %arg9: memref<2560x128xf32, #tpu.memory_space<vmem>>) attributes {dimension_semantics = [#tpu.dimension_semantics<arbitrary>], iteration_bounds = array<i64: 125>, scalar_prefetch = 0 : i64, scratch_operands = 0 : i64, tpu.core_type = #tpu.core_type<tc>, window_params = [{transform_indices = @transform_0, window_bounds = array<i64: 2560, 128>}, {transform_indices = @transform_1, window_bounds = array<i64: 2560, 128>}, {pipeline_mode = #tpu.pipeline_mode<synchronous>, transform_indices = @transform_2, window_bounds = array<i64: 128, 128>}, {pipeline_mode = #tpu.pipeline_mode<synchronous>, transform_indices = @transform_3, window_bounds = array<i64: 128>}, {pipeline_mode = #tpu.pipeline_mode<synchronous>, transform_indices = @transform_4, window_bounds = array<i64: 128, 128>}, {pipeline_mode = #tpu.pipeline_mode<synchronous>, transform_indices = @transform_5, window_bounds = array<i64: 128>}, {pipeline_mode = #tpu.pipeline_mode<synchronous>, transform_indices = @transform_6, window_bounds = array<i64: 128, 128>}, {pipeline_mode = #tpu.pipeline_mode<synchronous>, transform_indices = @transform_7, window_bounds = array<i64: 128>}, {transform_indices = @transform_8, window_bounds = array<i64: 2560, 128>}]} {
    %get3A = arith.constant 0 : index
    %get3A_0 = arith.constant 0 : index
    %get3A_1 = vector.load %arg2[%get3A, %get3A_0] : memref<2560x128xbf16, #tpu.memory_space<vmem>>, vector<2560x128xbf16>
    %convert_element_type3A = arith.extf %get3A_1 : vector<2560x128xbf16> to vector<2560x128xf32>
    %get3A_2 = arith.constant 0 : index
    %get3A_3 = arith.constant 0 : index
    %get3A_4 = vector.load %arg1[%get3A_2, %get3A_3] : memref<2560x128xf32, #tpu.memory_space<vmem>>, vector<2560x128xf32>
    %get3A_5 = arith.constant 0 : index
    %get3A_6 = arith.constant 0 : index
    %get3A_7 = vector.load %arg3[%get3A_5, %get3A_6] : memref<128x128xf32, #tpu.memory_space<vmem>>, vector<128x128xf32>
    %dot_general3A = arith.constant dense<0.000000e+00> : vector<2560x128xf32>
    %dot_general3A_8 = tpu.matmul %convert_element_type3A, %get3A_7, %dot_general3A {dimension_numbers = #tpu.dot_dimension_numbers<[1], [0], [0], [1], [0, 0, 1, 1], [], []>, transpose_lhs_hint = false} : vector<2560x128xf32>, vector<128x128xf32>, vector<2560x128xf32> -> vector<2560x128xf32>
    %add3A = arith.addf %get3A_4, %dot_general3A_8 : vector<2560x128xf32>
    %get3A_9 = arith.constant 0 : index
    %get3A_10 = vector.load %arg4[%get3A_9] : memref<128xf32, #tpu.memory_space<vmem>>, vector<128xf32>
    %broadcast_in_dim3A = vector.shape_cast %get3A_10 : vector<128xf32> to vector<1x128xf32>
    %add3A_11 = vector.broadcast %broadcast_in_dim3A : vector<1x128xf32> to vector<2560x128xf32>
    %add3A_12 = arith.addf %add3A, %add3A_11 : vector<2560x128xf32>
    %max3A = arith.constant 0.000000e+00 : f32
    %max3A_13 = vector.broadcast %max3A : f32 to vector<2560x128xf32>
    %max3A_14 = arith.maximumf %add3A_12, %max3A_13 : vector<2560x128xf32>
    %get3A_15 = arith.constant 0 : index
    %get3A_16 = arith.constant 0 : index
    %get3A_17 = vector.load %arg5[%get3A_15, %get3A_16] : memref<128x128xf32, #tpu.memory_space<vmem>>, vector<128x128xf32>
    %dot_general3A_18 = arith.constant dense<0.000000e+00> : vector<2560x128xf32>
    %dot_general3A_19 = tpu.matmul %max3A_14, %get3A_17, %dot_general3A_18 {dimension_numbers = #tpu.dot_dimension_numbers<[1], [0], [0], [1], [0, 0, 1, 1], [], []>, transpose_lhs_hint = false} : vector<2560x128xf32>, vector<128x128xf32>, vector<2560x128xf32> -> vector<2560x128xf32>
    %get3A_20 = arith.constant 0 : index
    %get3A_21 = vector.load %arg6[%get3A_20] : memref<128xf32, #tpu.memory_space<vmem>>, vector<128xf32>
    %broadcast_in_dim3A_22 = vector.shape_cast %get3A_21 : vector<128xf32> to vector<1x128xf32>
    %add3A_23 = vector.broadcast %broadcast_in_dim3A_22 : vector<1x128xf32> to vector<2560x128xf32>
    %add3A_24 = arith.addf %dot_general3A_19, %add3A_23 : vector<2560x128xf32>
    %max3A_25 = arith.constant 0.000000e+00 : f32
    %max3A_26 = vector.broadcast %max3A_25 : f32 to vector<2560x128xf32>
    %max3A_27 = arith.maximumf %add3A_24, %max3A_26 : vector<2560x128xf32>
    %get3A_28 = arith.constant 0 : index
    %get3A_29 = arith.constant 0 : index
    %get3A_30 = vector.load %arg7[%get3A_28, %get3A_29] : memref<128x128xf32, #tpu.memory_space<vmem>>, vector<128x128xf32>
    %dot_general3A_31 = arith.constant dense<0.000000e+00> : vector<2560x128xf32>
    %dot_general3A_32 = tpu.matmul %max3A_27, %get3A_30, %dot_general3A_31 {dimension_numbers = #tpu.dot_dimension_numbers<[1], [0], [0], [1], [0, 0, 1, 1], [], []>, transpose_lhs_hint = false} : vector<2560x128xf32>, vector<128x128xf32>, vector<2560x128xf32> -> vector<2560x128xf32>
    %get3A_33 = arith.constant 0 : index
    %get3A_34 = vector.load %arg8[%get3A_33] : memref<128xf32, #tpu.memory_space<vmem>>, vector<128xf32>
    %broadcast_in_dim3A_35 = vector.shape_cast %get3A_34 : vector<128xf32> to vector<1x128xf32>
    %add3A_36 = vector.broadcast %broadcast_in_dim3A_35 : vector<1x128xf32> to vector<2560x128xf32>
    %add3A_37 = arith.addf %dot_general3A_32, %add3A_36 : vector<2560x128xf32>
    %swap3A = arith.constant 0 : index
    %swap3A_38 = arith.constant 0 : index
    %swap3A_39 = vector.load %arg9[%swap3A, %swap3A_38] : memref<2560x128xf32, #tpu.memory_space<vmem>>, vector<2560x128xf32>
    tpu.vector_store %arg9[%swap3A, %swap3A_38], %add3A_37 {strides = array<i32>} : memref<2560x128xf32, #tpu.memory_space<vmem>>, vector<2560x128xf32>,
    return
  }
  func.func @transform_0(%arg0: i32) -> (i32, i32) {
    %c0_i32 = arith.constant 0 : i32
    %c0_i32_0 = arith.constant 0 : i32
    return %arg0, %c0_i32 : i32, i32
  }
  func.func @transform_1(%arg0: i32) -> (i32, i32) {
    %c0_i32 = arith.constant 0 : i32
    %c0_i32_0 = arith.constant 0 : i32
    return %arg0, %c0_i32 : i32, i32
  }
  func.func @transform_2(%arg0: i32) -> (i32, i32) {
    %c0_i32 = arith.constant 0 : i32
    %c0_i32_0 = arith.constant 0 : i32
    %c0_i32_1 = arith.constant 0 : i32
    return %c0_i32, %c0_i32_0 : i32, i32
  }
  func.func @transform_3(%arg0: i32) -> i32 {
    %c0_i32 = arith.constant 0 : i32
    %c0_i32_0 = arith.constant 0 : i32
    return %c0_i32 : i32
  }
  func.func @transform_4(%arg0: i32) -> (i32, i32) {
    %c0_i32 = arith.constant 0 : i32
    %c0_i32_0 = arith.constant 0 : i32
    %c0_i32_1 = arith.constant 0 : i32
    return %c0_i32, %c0_i32_0 : i32, i32
  }
  func.func @transform_5(%arg0: i32) -> i32 {
    %c0_i32 = arith.constant 0 : i32
    %c0_i32_0 = arith.constant 0 : i32
    return %c0_i32 : i32
  }
  func.func @transform_6(%arg0: i32) -> (i32, i32) {
    %c0_i32 = arith.constant 0 : i32
    %c0_i32_0 = arith.constant 0 : i32
    %c0_i32_1 = arith.constant 0 : i32
    return %c0_i32, %c0_i32_0 : i32, i32
  }
  func.func @transform_7(%arg0: i32) -> i32 {
    %c0_i32 = arith.constant 0 : i32
    %c0_i32_0 = arith.constant 0 : i32
    return %c0_i32 : i32
  }
  func.func @transform_8(%arg0: i32) -> (i32, i32) {
    %c0_i32 = arith.constant 0 : i32
    %c0_i32_0 = arith.constant 0 : i32
    return %arg0, %c0_i32 : i32, i32
  }
}

module attributes {stable_mosaic.version = 14 : i64} {
  func.func @_node_final_body(%arg0: i32, %arg1: memref<2x1280x128xf32, #tpu.memory_space<vmem>>, %arg2: memref<1280x1xf32, #tpu.memory_space<vmem>>, %arg3: memref<2x1280x128xf32, #tpu.memory_space<vmem>>, %arg4: memref<1280x128xf32, #tpu.memory_space<vmem>>, %arg5: memref<128x128xf32, #tpu.memory_space<vmem>>, %arg6: memref<128xf32, #tpu.memory_space<vmem>>, %arg7: memref<128x128xf32, #tpu.memory_space<vmem>>, %arg8: memref<128xf32, #tpu.memory_space<vmem>>, %arg9: memref<128xf32, #tpu.memory_space<vmem>>, %arg10: memref<128xf32, #tpu.memory_space<vmem>>, %arg11: memref<256x128xf32, #tpu.memory_space<vmem>>, %arg12: memref<128xf32, #tpu.memory_space<vmem>>, %arg13: memref<128x64xf32, #tpu.memory_space<vmem>>, %arg14: memref<64xf32, #tpu.memory_space<vmem>>, %arg15: memref<64x1xf32, #tpu.memory_space<vmem>>, %arg16: memref<1xf32, #tpu.memory_space<vmem>>, %arg17: memref<1280x256xf32, #tpu.memory_space<vmem>>, %arg18: memref<1280x1xf32, #tpu.memory_space<vmem>>) attributes {dimension_semantics = [#tpu.dimension_semantics<arbitrary>], iteration_bounds = array<i64: 8>, scalar_prefetch = 0 : i64, scratch_operands = 0 : i64, tpu.core_type = #tpu.core_type<tc>, window_params = [{transform_indices = @transform_0, window_bounds = array<i64: 2, 1280, 128>}, {transform_indices = @transform_1, window_bounds = array<i64: 1280, 1>}, {transform_indices = @transform_2, window_bounds = array<i64: 2, 1280, 128>}, {transform_indices = @transform_3, window_bounds = array<i64: 1280, 128>}, {pipeline_mode = #tpu.pipeline_mode<synchronous>, transform_indices = @transform_4, window_bounds = array<i64: 128, 128>}, {pipeline_mode = #tpu.pipeline_mode<synchronous>, transform_indices = @transform_5, window_bounds = array<i64: 128>}, {pipeline_mode = #tpu.pipeline_mode<synchronous>, transform_indices = @transform_6, window_bounds = array<i64: 128, 128>}, {pipeline_mode = #tpu.pipeline_mode<synchronous>, transform_indices = @transform_7, window_bounds = array<i64: 128>}, {pipeline_mode = #tpu.pipeline_mode<synchronous>, transform_indices = @transform_8, window_bounds = array<i64: 128>}, {pipeline_mode = #tpu.pipeline_mode<synchronous>, transform_indices = @transform_9, window_bounds = array<i64: 128>}, {pipeline_mode = #tpu.pipeline_mode<synchronous>, transform_indices = @transform_10, window_bounds = array<i64: 256, 128>}, {pipeline_mode = #tpu.pipeline_mode<synchronous>, transform_indices = @transform_11, window_bounds = array<i64: 128>}, {pipeline_mode = #tpu.pipeline_mode<synchronous>, transform_indices = @transform_12, window_bounds = array<i64: 128, 64>}, {pipeline_mode = #tpu.pipeline_mode<synchronous>, transform_indices = @transform_13, window_bounds = array<i64: 64>}, {pipeline_mode = #tpu.pipeline_mode<synchronous>, transform_indices = @transform_14, window_bounds = array<i64: 64, 1>}, {pipeline_mode = #tpu.pipeline_mode<synchronous>, transform_indices = @transform_15, window_bounds = array<i64: 1>}, {transform_indices = @transform_16, window_bounds = array<i64: 1280, 256>}, {transform_indices = @transform_17, window_bounds = array<i64: 1280, 1>}]} {
    %get3A = arith.constant 0 : index
    %get3A_0 = arith.constant 0 : index
    %get3A_1 = vector.load %arg2[%get3A, %get3A_0] : memref<1280x1xf32, #tpu.memory_space<vmem>>, vector<1280x1xf32>
    %max3A = arith.constant 1.000000e+00 : f32
    %max3A_2 = vector.broadcast %max3A : f32 to vector<1280x1xf32>
    %max3A_3 = arith.maximumf %get3A_1, %max3A_2 : vector<1280x1xf32>
    %get3A_4 = arith.constant 0 : index
    %get3A_5 = arith.constant 0 : index
    %get3A_6 = arith.constant 0 : index
    %get3A_7 = vector.load %arg1[%get3A_4, %get3A_5, %get3A_6] : memref<2x1280x128xf32, #tpu.memory_space<vmem>>, vector<1x1280x128xf32>
    %get3A_8 = vector.shape_cast %get3A_7 : vector<1x1280x128xf32> to vector<1280x128xf32>
    %get3A_9 = arith.constant 1 : index
    %get3A_10 = arith.constant 0 : index
    %get3A_11 = arith.constant 0 : index
    %get3A_12 = vector.load %arg1[%get3A_9, %get3A_10, %get3A_11] : memref<2x1280x128xf32, #tpu.memory_space<vmem>>, vector<1x1280x128xf32>
    %get3A_13 = vector.shape_cast %get3A_12 : vector<1x1280x128xf32> to vector<1280x128xf32>
    %add3A = arith.addf %get3A_8, %get3A_13 : vector<1280x128xf32>
    %div3A = vector.broadcast %max3A_3 : vector<1280x1xf32> to vector<1280x128xf32>
    %div3A_14 = arith.divf %add3A, %div3A : vector<1280x128xf32>
    %get3A_15 = arith.constant 0 : index
    %get3A_16 = vector.load %arg9[%get3A_15] : memref<128xf32, #tpu.memory_space<vmem>>, vector<128xf32>
    %get3A_17 = arith.constant 0 : index
    %get3A_18 = vector.load %arg10[%get3A_17] : memref<128xf32, #tpu.memory_space<vmem>>, vector<128xf32>
    %reduce_sum3A = arith.constant dense<0.000000e+00> : vector<1280xf32>
    %reduce_sum3A_19 = vector.multi_reduction <add>, %div3A_14, %reduce_sum3A [1] : vector<1280x128xf32> to vector<1280xf32>
    %broadcast_in_dim3A = vector.shape_cast %reduce_sum3A_19 : vector<1280xf32> to vector<1280x1xf32>
    %div3A_20 = arith.constant 1.280000e+02 : f32
    %div3A_21 = vector.broadcast %div3A_20 : f32 to vector<1280x1xf32>
    %div3A_22 = arith.divf %broadcast_in_dim3A, %div3A_21 : vector<1280x1xf32>
    %sub3A = vector.broadcast %div3A_22 : vector<1280x1xf32> to vector<1280x128xf32>
    %sub3A_23 = arith.subf %div3A_14, %sub3A : vector<1280x128xf32>
    %integer_pow3A = arith.mulf %sub3A_23, %sub3A_23 : vector<1280x128xf32>
    %reduce_sum3A_24 = arith.constant dense<0.000000e+00> : vector<1280xf32>
    %reduce_sum3A_25 = vector.multi_reduction <add>, %integer_pow3A, %reduce_sum3A_24 [1] : vector<1280x128xf32> to vector<1280xf32>
    %broadcast_in_dim3A_26 = vector.shape_cast %reduce_sum3A_25 : vector<1280xf32> to vector<1280x1xf32>
    %div3A_27 = arith.constant 1.280000e+02 : f32
    %div3A_28 = vector.broadcast %div3A_27 : f32 to vector<1280x1xf32>
    %div3A_29 = arith.divf %broadcast_in_dim3A_26, %div3A_28 : vector<1280x1xf32>
    %sub3A_30 = vector.broadcast %div3A_22 : vector<1280x1xf32> to vector<1280x128xf32>
    %sub3A_31 = arith.subf %div3A_14, %sub3A_30 : vector<1280x128xf32>
    %add3A_32 = arith.constant 9.99999997E-7 : f32
    %add3A_33 = vector.broadcast %add3A_32 : f32 to vector<1280x1xf32>
    %add3A_34 = arith.addf %div3A_29, %add3A_33 : vector<1280x1xf32>
    %sqrt3A = math.sqrt %add3A_34 : vector<1280x1xf32>
    %div3A_35 = vector.broadcast %sqrt3A : vector<1280x1xf32> to vector<1280x128xf32>
    %div3A_36 = arith.divf %sub3A_31, %div3A_35 : vector<1280x128xf32>
    %broadcast_in_dim3A_37 = vector.shape_cast %get3A_16 : vector<128xf32> to vector<1x128xf32>
    %mul3A = vector.broadcast %broadcast_in_dim3A_37 : vector<1x128xf32> to vector<1280x128xf32>
    %mul3A_38 = arith.mulf %div3A_36, %mul3A : vector<1280x128xf32>
    %broadcast_in_dim3A_39 = vector.shape_cast %get3A_18 : vector<128xf32> to vector<1x128xf32>
    %add3A_40 = vector.broadcast %broadcast_in_dim3A_39 : vector<1x128xf32> to vector<1280x128xf32>
    %add3A_41 = arith.addf %mul3A_38, %add3A_40 : vector<1280x128xf32>
    %max3A_42 = arith.constant 0.000000e+00 : f32
    %max3A_43 = vector.broadcast %max3A_42 : f32 to vector<1280x128xf32>
    %max3A_44 = arith.maximumf %add3A_41, %max3A_43 : vector<1280x128xf32>
    %get3A_45 = arith.constant 0 : index
    %get3A_46 = arith.constant 0 : index
    %get3A_47 = vector.load %arg4[%get3A_45, %get3A_46] : memref<1280x128xf32, #tpu.memory_space<vmem>>, vector<1280x128xf32>
    %get3A_48 = arith.constant 0 : index
    %get3A_49 = arith.constant 0 : index
    %get3A_50 = vector.load %arg5[%get3A_48, %get3A_49] : memref<128x128xf32, #tpu.memory_space<vmem>>, vector<128x128xf32>
    %dot_general3A = arith.constant dense<0.000000e+00> : vector<1280x128xf32>
    %dot_general3A_51 = tpu.matmul %get3A_47, %get3A_50, %dot_general3A {dimension_numbers = #tpu.dot_dimension_numbers<[1], [0], [0], [1], [0, 0, 1, 1], [], []>, transpose_lhs_hint = false} : vector<1280x128xf32>, vector<128x128xf32>, vector<1280x128xf32> -> vector<1280x128xf32>
    %get3A_52 = arith.constant 0 : index
    %get3A_53 = vector.load %arg6[%get3A_52] : memref<128xf32, #tpu.memory_space<vmem>>, vector<128xf32>
    %broadcast_in_dim3A_54 = vector.shape_cast %get3A_53 : vector<128xf32> to vector<1x128xf32>
    %add3A_55 = vector.broadcast %broadcast_in_dim3A_54 : vector<1x128xf32> to vector<1280x128xf32>
    %add3A_56 = arith.addf %dot_general3A_51, %add3A_55 : vector<1280x128xf32>
    %get3A_57 = arith.constant 0 : index
    %get3A_58 = arith.constant 0 : index
    %get3A_59 = vector.load %arg7[%get3A_57, %get3A_58] : memref<128x128xf32, #tpu.memory_space<vmem>>, vector<128x128xf32>
    %dot_general3A_60 = arith.constant dense<0.000000e+00> : vector<1280x128xf32>
    %dot_general3A_61 = tpu.matmul %add3A_56, %get3A_59, %dot_general3A_60 {dimension_numbers = #tpu.dot_dimension_numbers<[1], [0], [0], [1], [0, 0, 1, 1], [], []>, transpose_lhs_hint = false} : vector<1280x128xf32>, vector<128x128xf32>, vector<1280x128xf32> -> vector<1280x128xf32>
    %get3A_62 = arith.constant 0 : index
    %get3A_63 = vector.load %arg8[%get3A_62] : memref<128xf32, #tpu.memory_space<vmem>>, vector<128xf32>
    %broadcast_in_dim3A_64 = vector.shape_cast %get3A_63 : vector<128xf32> to vector<1x128xf32>
    %add3A_65 = vector.broadcast %broadcast_in_dim3A_64 : vector<1x128xf32> to vector<1280x128xf32>
    %add3A_66 = arith.addf %dot_general3A_61, %add3A_65 : vector<1280x128xf32>
    %logistic3A = arith.negf %add3A_66 : vector<1280x128xf32>
    %logistic3A_67 = math.exp %logistic3A : vector<1280x128xf32>
    %logistic3A_68 = arith.constant 1.000000e+00 : f32
    %logistic3A_69 = vector.broadcast %logistic3A_68 : f32 to vector<1280x128xf32>
    %logistic3A_70 = arith.addf %logistic3A_69, %logistic3A_67 : vector<1280x128xf32>
    %logistic3A_71 = arith.divf %logistic3A_69, %logistic3A_70 : vector<1280x128xf32>
    %mul3A_72 = arith.mulf %logistic3A_71, %add3A_56 : vector<1280x128xf32>
    %sub3A_73 = arith.constant 1.000000e+00 : f32
    %sub3A_74 = vector.broadcast %sub3A_73 : f32 to vector<1280x128xf32>
    %sub3A_75 = arith.subf %sub3A_74, %logistic3A_71 : vector<1280x128xf32>
    %mul3A_76 = arith.mulf %sub3A_75, %max3A_44 : vector<1280x128xf32>
    %add3A_77 = arith.addf %mul3A_72, %mul3A_76 : vector<1280x128xf32>
    %get3A_78 = arith.constant 0 : index
    %get3A_79 = arith.constant 0 : index
    %get3A_80 = arith.constant 0 : index
    %get3A_81 = vector.load %arg3[%get3A_78, %get3A_79, %get3A_80] : memref<2x1280x128xf32, #tpu.memory_space<vmem>>, vector<1x1280x128xf32>
    %get3A_82 = vector.shape_cast %get3A_81 : vector<1x1280x128xf32> to vector<1280x128xf32>
    %get3A_83 = arith.constant 1 : index
    %get3A_84 = arith.constant 0 : index
    %get3A_85 = arith.constant 0 : index
    %get3A_86 = vector.load %arg3[%get3A_83, %get3A_84, %get3A_85] : memref<2x1280x128xf32, #tpu.memory_space<vmem>>, vector<1x1280x128xf32>
    %get3A_87 = vector.shape_cast %get3A_86 : vector<1x1280x128xf32> to vector<1280x128xf32>
    %add3A_88 = arith.addf %get3A_82, %get3A_87 : vector<1280x128xf32>
    %div3A_89 = vector.broadcast %max3A_3 : vector<1280x1xf32> to vector<1280x128xf32>
    %div3A_90 = arith.divf %add3A_88, %div3A_89 : vector<1280x128xf32>
    %concatenate3A = tpu.concatenate %add3A_77, %div3A_90 in 1 : vector<1280x128xf32>, vector<1280x128xf32> -> vector<1280x256xf32>
    %get3A_91 = arith.constant 0 : index
    %get3A_92 = arith.constant 0 : index
    %get3A_93 = vector.load %arg11[%get3A_91, %get3A_92] : memref<256x128xf32, #tpu.memory_space<vmem>>, vector<256x128xf32>
    %dot_general3A_94 = arith.constant dense<0.000000e+00> : vector<1280x128xf32>
    %dot_general3A_95 = tpu.matmul %concatenate3A, %get3A_93, %dot_general3A_94 {dimension_numbers = #tpu.dot_dimension_numbers<[1], [0], [0], [1], [0, 0, 1, 1], [], []>, transpose_lhs_hint = false} : vector<1280x256xf32>, vector<256x128xf32>, vector<1280x128xf32> -> vector<1280x128xf32>
    %get3A_96 = arith.constant 0 : index
    %get3A_97 = vector.load %arg12[%get3A_96] : memref<128xf32, #tpu.memory_space<vmem>>, vector<128xf32>
    %broadcast_in_dim3A_98 = vector.shape_cast %get3A_97 : vector<128xf32> to vector<1x128xf32>
    %add3A_99 = vector.broadcast %broadcast_in_dim3A_98 : vector<1x128xf32> to vector<1280x128xf32>
    %add3A_100 = arith.addf %dot_general3A_95, %add3A_99 : vector<1280x128xf32>
    %gt3A = arith.constant 0.000000e+00 : f32
    %gt3A_101 = vector.broadcast %gt3A : f32 to vector<1280x128xf32>
    %gt3A_102 = arith.cmpf ogt, %add3A_100, %gt3A_101 : vector<1280x128xf32>
    %min3A = arith.constant 0.000000e+00 : f32
    %min3A_103 = vector.broadcast %min3A : f32 to vector<1280x128xf32>
    %min3A_104 = arith.minimumf %add3A_100, %min3A_103 : vector<1280x128xf32>
    %exp3A = math.exp %min3A_104 : vector<1280x128xf32>
    %sub3A_105 = arith.constant 1.000000e+00 : f32
    %sub3A_106 = vector.broadcast %sub3A_105 : f32 to vector<1280x128xf32>
    %sub3A_107 = arith.subf %exp3A, %sub3A_106 : vector<1280x128xf32>
    %select_n3A = arith.select %gt3A_102, %add3A_100, %sub3A_107 : vector<1280x128xi1>, vector<1280x128xf32>
    %get3A_108 = arith.constant 0 : index
    %get3A_109 = arith.constant 0 : index
    %get3A_110 = vector.load %arg13[%get3A_108, %get3A_109] : memref<128x64xf32, #tpu.memory_space<vmem>>, vector<128x64xf32>
    %dot_general3A_111 = arith.constant dense<0.000000e+00> : vector<1280x64xf32>
    %dot_general3A_112 = tpu.matmul %select_n3A, %get3A_110, %dot_general3A_111 {dimension_numbers = #tpu.dot_dimension_numbers<[1], [0], [0], [1], [0, 0, 1, 1], [], []>, transpose_lhs_hint = false} : vector<1280x128xf32>, vector<128x64xf32>, vector<1280x64xf32> -> vector<1280x64xf32>
    %get3A_113 = arith.constant 0 : index
    %get3A_114 = vector.load %arg14[%get3A_113] : memref<64xf32, #tpu.memory_space<vmem>>, vector<64xf32>
    %broadcast_in_dim3A_115 = vector.shape_cast %get3A_114 : vector<64xf32> to vector<1x64xf32>
    %add3A_116 = vector.broadcast %broadcast_in_dim3A_115 : vector<1x64xf32> to vector<1280x64xf32>
    %add3A_117 = arith.addf %dot_general3A_112, %add3A_116 : vector<1280x64xf32>
    %gt3A_118 = arith.constant 0.000000e+00 : f32
    %gt3A_119 = vector.broadcast %gt3A_118 : f32 to vector<1280x64xf32>
    %gt3A_120 = arith.cmpf ogt, %add3A_117, %gt3A_119 : vector<1280x64xf32>
    %min3A_121 = arith.constant 0.000000e+00 : f32
    %min3A_122 = vector.broadcast %min3A_121 : f32 to vector<1280x64xf32>
    %min3A_123 = arith.minimumf %add3A_117, %min3A_122 : vector<1280x64xf32>
    %exp3A_124 = math.exp %min3A_123 : vector<1280x64xf32>
    %sub3A_125 = arith.constant 1.000000e+00 : f32
    %sub3A_126 = vector.broadcast %sub3A_125 : f32 to vector<1280x64xf32>
    %sub3A_127 = arith.subf %exp3A_124, %sub3A_126 : vector<1280x64xf32>
    %select_n3A_128 = arith.select %gt3A_120, %add3A_117, %sub3A_127 : vector<1280x64xi1>, vector<1280x64xf32>
    %get3A_129 = arith.constant 0 : index
    %get3A_130 = arith.constant 0 : index
    %get3A_131 = vector.load %arg15[%get3A_129, %get3A_130] : memref<64x1xf32, #tpu.memory_space<vmem>>, vector<64x1xf32>
    %dot_general3A_132 = arith.constant dense<0.000000e+00> : vector<1280x1xf32>
    %dot_general3A_133 = tpu.matmul %select_n3A_128, %get3A_131, %dot_general3A_132 {dimension_numbers = #tpu.dot_dimension_numbers<[1], [0], [0], [1], [0, 0, 1, 1], [], []>, transpose_lhs_hint = false} : vector<1280x64xf32>, vector<64x1xf32>, vector<1280x1xf32> -> vector<1280x1xf32>
    %get3A_134 = arith.constant 0 : index
    %get3A_135 = vector.load %arg16[%get3A_134] : memref<1xf32, #tpu.memory_space<vmem>>, vector<1xf32>
    %broadcast_in_dim3A_136 = vector.shape_cast %get3A_135 : vector<1xf32> to vector<1x1xf32>
    %add3A_137 = vector.broadcast %broadcast_in_dim3A_136 : vector<1x1xf32> to vector<1280x1xf32>
    %add3A_138 = arith.addf %dot_general3A_133, %add3A_137 : vector<1280x1xf32>
    %swap3A = arith.constant 0 : index
    %swap3A_139 = arith.constant 0 : index
    %swap3A_140 = vector.load %arg18[%swap3A, %swap3A_139] : memref<1280x1xf32, #tpu.memory_space<vmem>>, vector<1280x1xf32>
    tpu.vector_store %arg18[%swap3A, %swap3A_139], %add3A_138 {strides = array<i32>} : memref<1280x1xf32, #tpu.memory_space<vmem>>, vector<1280x1xf32>,
    %swap3A_141 = arith.constant 0 : index
    %swap3A_142 = arith.constant 0 : index
    %swap3A_143 = vector.load %arg17[%swap3A_141, %swap3A_142] : memref<1280x256xf32, #tpu.memory_space<vmem>>, vector<1280x256xf32>
    tpu.vector_store %arg17[%swap3A_141, %swap3A_142], %concatenate3A {strides = array<i32>} : memref<1280x256xf32, #tpu.memory_space<vmem>>, vector<1280x256xf32>,
    return
  }
  func.func @transform_0(%arg0: i32) -> (i32, i32, i32) {
    %c0_i32 = arith.constant 0 : i32
    %c0_i32_0 = arith.constant 0 : i32
    %c0_i32_1 = arith.constant 0 : i32
    return %c0_i32, %arg0, %c0_i32_0 : i32, i32, i32
  }
  func.func @transform_1(%arg0: i32) -> (i32, i32) {
    %c0_i32 = arith.constant 0 : i32
    %c0_i32_0 = arith.constant 0 : i32
    return %arg0, %c0_i32 : i32, i32
  }
  func.func @transform_2(%arg0: i32) -> (i32, i32, i32) {
    %c0_i32 = arith.constant 0 : i32
    %c0_i32_0 = arith.constant 0 : i32
    %c0_i32_1 = arith.constant 0 : i32
    return %c0_i32, %arg0, %c0_i32_0 : i32, i32, i32
  }
  func.func @transform_3(%arg0: i32) -> (i32, i32) {
    %c0_i32 = arith.constant 0 : i32
    %c0_i32_0 = arith.constant 0 : i32
    return %arg0, %c0_i32 : i32, i32
  }
  func.func @transform_4(%arg0: i32) -> (i32, i32) {
    %c0_i32 = arith.constant 0 : i32
    %c0_i32_0 = arith.constant 0 : i32
    %c0_i32_1 = arith.constant 0 : i32
    return %c0_i32, %c0_i32_0 : i32, i32
  }
  func.func @transform_5(%arg0: i32) -> i32 {
    %c0_i32 = arith.constant 0 : i32
    %c0_i32_0 = arith.constant 0 : i32
    return %c0_i32 : i32
  }
  func.func @transform_6(%arg0: i32) -> (i32, i32) {
    %c0_i32 = arith.constant 0 : i32
    %c0_i32_0 = arith.constant 0 : i32
    %c0_i32_1 = arith.constant 0 : i32
    return %c0_i32, %c0_i32_0 : i32, i32
  }
  func.func @transform_7(%arg0: i32) -> i32 {
    %c0_i32 = arith.constant 0 : i32
    %c0_i32_0 = arith.constant 0 : i32
    return %c0_i32 : i32
  }
  func.func @transform_8(%arg0: i32) -> i32 {
    %c0_i32 = arith.constant 0 : i32
    %c0_i32_0 = arith.constant 0 : i32
    return %c0_i32 : i32
  }
  func.func @transform_9(%arg0: i32) -> i32 {
    %c0_i32 = arith.constant 0 : i32
    %c0_i32_0 = arith.constant 0 : i32
    return %c0_i32 : i32
  }
  func.func @transform_10(%arg0: i32) -> (i32, i32) {
    %c0_i32 = arith.constant 0 : i32
    %c0_i32_0 = arith.constant 0 : i32
    %c0_i32_1 = arith.constant 0 : i32
    return %c0_i32, %c0_i32_0 : i32, i32
  }
  func.func @transform_11(%arg0: i32) -> i32 {
    %c0_i32 = arith.constant 0 : i32
    %c0_i32_0 = arith.constant 0 : i32
    return %c0_i32 : i32
  }
  func.func @transform_12(%arg0: i32) -> (i32, i32) {
    %c0_i32 = arith.constant 0 : i32
    %c0_i32_0 = arith.constant 0 : i32
    %c0_i32_1 = arith.constant 0 : i32
    return %c0_i32, %c0_i32_0 : i32, i32
  }
  func.func @transform_13(%arg0: i32) -> i32 {
    %c0_i32 = arith.constant 0 : i32
    %c0_i32_0 = arith.constant 0 : i32
    return %c0_i32 : i32
  }
  func.func @transform_14(%arg0: i32) -> (i32, i32) {
    %c0_i32 = arith.constant 0 : i32
    %c0_i32_0 = arith.constant 0 : i32
    %c0_i32_1 = arith.constant 0 : i32
    return %c0_i32, %c0_i32_0 : i32, i32
  }
  func.func @transform_15(%arg0: i32) -> i32 {
    %c0_i32 = arith.constant 0 : i32
    %c0_i32_0 = arith.constant 0 : i32
    return %c0_i32 : i32
  }
  func.func @transform_16(%arg0: i32) -> (i32, i32) {
    %c0_i32 = arith.constant 0 : i32
    %c0_i32_0 = arith.constant 0 : i32
    return %arg0, %c0_i32 : i32, i32
  }
  func.func @transform_17(%arg0: i32) -> (i32, i32) {
    %c0_i32 = arith.constant 0 : i32
    %c0_i32_0 = arith.constant 0 : i32
    return %arg0, %c0_i32 : i32, i32
  }
}

</mosaic_0001>

<sc_bundles>
// kernel: kernel.13.cloned.1.call-start
scs
__scs_entry_jumppad:
0x0: {  	(pc) =	sbr.rel $0x88, $3  }
0x1: {  	(tag) =	ssettag $0x0;
	lr =	simm.s32 $0x1  }
0x2: {  	[smem:$0x3F75] =	sst lr;
	_ =	strace $0xD0000000  }
0x3: {  	_ = 	snop  }
0x4: {  	_ = 	snop  }
0x5: {  	_ = 	snop  }
0x6: {  	_ = 	snop  }
0x7: {  	_ = 	snop  }
__scs_overlays_trampoline_lowered:
0x8: {  	[smem:$0x3F84] =	sst s0  }
0x9: {  	[smem:$0x3F85] =	sst s1  }
0xa: {  	[smem:$0x3F86] =	sst s2  }
0xb: {  	[smem:$0x3F87] =	sst s3  }
0xc: {  	[smem:$0x3F88] =	sst s4  }
0xd: {  	[smem:$0x3F89] =	sst s5  }
0xe: {  	[smem:$0x3F8A] =	sst s6  }
0xf: {  	[smem:$0x3F8B] =	sst s7  }
0x10: {  	[smem:$0x3F8C] =	sst s8  }
0x11: {  	[smem:$0x3F8D] =	sst s9;
	s0 =	simm.s32 @!p0 $0x0  }
0x12: {  	s1 =	sld [smem:$0x3F73];
	s0 =	simm.s32 @p0 $0x1  }
0x13: {  	[smem:$0x3F8E] =	sst s0;
	s0 =	simm.s32 @!p1 $0x0  }
0x14: {  	s2 =	sld [smem:$0x3F72];
	s0 =	simm.s32 @p1 $0x1  }
0x15: {  	[smem:$0x3F8F] =	sst s0;
	s0 =	simm.s32 @!p2 $0x0  }
0x16: {  	s3 =	sld [smem:$0x3FDB];
	s0 =	simm.s32 @p2 $0x1  }
0x17: {  	s4 =	simm.s32 $0x1BF5;
	[smem:$0x3F91] =	sst s0  }
0x18: {  	s0 =	sld [smem:$0x3F74];
	_ =	swait.ge [sflag:s4], $0x0  }
0x19: {  	s7 =	sld [smem:$0x3F75]  }
0x1a: {  	s8 =	sadd.s32 $0xFFFFE003, lr  }
0x1b: {  	s9 =	sadd.s32 $0xFFFFFEF7, lr;
	s5 =	simm.s32 $0xFFFFFFFF;
	p2 =	slt.u32 s8, $0xFFFFF086  }
0x1c: {  	p1 =	slt.u32 s9, $0xF7A;
	s5 =	simm.s32 @!p2 $0x0  }
0x1d: {  	s5 =	simm.s32 @p1 $0x1;
	p0 =	seq.s32 s7, s2  }
0x1e: {  	s7 =	smul.u32 @!p0 $0xF7A, s2;
	p2 =	seq.s32 @!p0 s5, $0x0  }
0x1f: {  	s9 =	smul.u32 $0xF7A, s1;
	s8 =	simm.s32 @!p0 $0x1BF5;
	p2 =	por !p2, p0  }
0x20: {  	[sflag:s8] =	ssyncset.s32 @!p0 $0xFFFFF086;
	s6 =	sadd.s32 @!p0 s3, s7;
	s7 =	simm.s32 @!p0 $0x108  }
0x21: {  	s3 =	sadd.s32 s3, s9;
	s6 =	sadd.s32 @!p0 $0x88, s6;
	s7 =	simm.s32 @p2 $0x1082  }
0x22: {  	[simem:s7], [sflag:s8] =	dma.local @!p0 [hbm:s6], $0xF7A  }
0x23: {  	s9 =	sor.u32 $0xD0000000, s2;
	s6 =	simm.s32 $0x108;
	_ =	swait.ge @!p0 [sflag:s8], $0x0  }
0x24: {  	s3 =	sadd.s32 $0x88, s3;
	s6 =	simm.s32 @!p1 $0x1082;
	[sflag:s4] =	ssyncset.s32 $0xFFFFF086  }
0x25: {  	[simem:s6], [sflag:s4] =	dma.local [hbm:s3], $0xF7A  }
0x26: {  	[smem:$0x3F75] =	sst s1;
	(tag) =	ssettag s2;
	_ =	strace s9  }
0x27: {  	s1 =	sld [smem:$0x3F85]  }
0x28: {  	s2 =	sld [smem:$0x3F86]  }
0x29: {  	s4 =	sld [smem:$0x3F88]  }
0x2a: {  	p0 =	seq.s32 s5, $0x0;
	s5 =	sld [smem:$0x3F89]  }
0x2b: {  	s6 =	sld [smem:$0x3F8A]  }
0x2c: {  	s7 =	sld [smem:$0x3F8B]  }
0x2d: {  	s3 =	simm.s32 $0x108;
	s8 =	sld [smem:$0x3F8C]  }
0x2e: {  	s3 =	simm.s32 @!p0 $0x1082;
	s9 =	sld [smem:$0x3F8D]  }
0x2f: {  	lr =	sadd.s32 s0, s3;
	s0 =	sld [smem:$0x3F84]  }
0x30: {  	s3 =	sld [smem:$0x3F87]  }
0x31: {  	[smem:$0x3F90] =	sst s10  }
0x32: {  	s10 =	sld [smem:$0x3F8E];
	_ =	sdelay $0x3  }
0x33: {  	p0 =	seq.s32 s10, $0x1;
	s10 =	sld [smem:$0x3F90];
	_ =	sdelay $0x3  }
0x34: {  	[smem:$0x3F90] =	sst s10  }
0x35: {  	s10 =	sld [smem:$0x3F8F];
	_ =	sdelay $0x3  }
0x36: {  	p1 =	seq.s32 s10, $0x1;
	s10 =	sld [smem:$0x3F90];
	_ =	sdelay $0x3  }
0x37: {  	[smem:$0x3F90] =	sst s10  }
0x38: {  	s10 =	sld [smem:$0x3F91]  }
0x39: {  	_ = 	snop;
	(pc) =	sbr.ind lr, $3  }
0x3a: {  	_ = 	snop  }
0x3b: {  	_ = 	snop  }
0x3c: {  	p2 =	seq.s32 s10, $0x1;
	s10 =	sld [smem:$0x3F90]  }
0x3d: {  	_ =	shalt  }
0x3e: {  	_ =	shalt  }
0x3f: {  	_ =	shalt  }
0x40: {  	_ =	shalt  }
0x41: {  	_ =	shalt  }
0x42: {  	_ =	shalt  }
0x43: {  	_ =	shalt  }
0x44: {  	_ =	shalt  }
0x45: {  	_ =	shalt  }
0x46: {  	_ =	shalt  }
0x47: {  	_ =	shalt  }
0x48: {  	_ =	shalt  }
0x49: {  	_ =	shalt  }
0x4a: {  	_ =	shalt  }
0x4b: {  	_ =	shalt  }
0x4c: {  	_ =	shalt  }
0x4d: {  	_ =	shalt  }
0x4e: {  	_ =	shalt  }
0x4f: {  	_ =	shalt  }
0x50: {  	_ =	shalt  }
0x51: {  	_ =	shalt  }
0x52: {  	_ =	shalt  }
0x53: {  	_ =	shalt  }
0x54: {  	_ =	shalt  }
0x55: {  	_ =	shalt  }
0x56: {  	_ =	shalt  }
0x57: {  	_ =	shalt  }
0x58: {  	_ =	shalt  }
0x59: {  	_ =	shalt  }
0x5a: {  	_ =	shalt  }
0x5b: {  	_ =	shalt  }
0x5c: {  	_ =	shalt  }
0x5d: {  	_ =	shalt  }
0x5e: {  	_ =	shalt  }
0x5f: {  	_ =	shalt  }
0x60: {  	_ =	shalt  }
0x61: {  	_ =	shalt  }
0x62: {  	_ =	shalt  }
0x63: {  	_ =	shalt  }
0x64: {  	_ =	shalt  }
0x65: {  	_ =	shalt  }
0x66: {  	_ =	shalt  }
0x67: {  	_ =	shalt  }
0x68: {  	_ =	shalt  }
0x69: {  	_ =	shalt  }
0x6a: {  	_ =	shalt  }
0x6b: {  	_ =	shalt  }
0x6c: {  	_ =	shalt  }
0x6d: {  	_ =	shalt  }
0x6e: {  	_ =	shalt  }
0x6f: {  	_ =	shalt  }
0x70: {  	_ =	shalt  }
0x71: {  	_ =	shalt  }
0x72: {  	_ =	shalt  }
0x73: {  	_ =	shalt  }
0x74: {  	_ =	shalt  }
0x75: {  	_ =	shalt  }
0x76: {  	_ =	shalt  }
0x77: {  	_ =	shalt  }
0x78: {  	_ =	shalt  }
0x79: {  	_ =	shalt  }
0x7a: {  	_ =	shalt  }
0x7b: {  	_ =	shalt  }
0x7c: {  	_ =	shalt  }
0x7d: {  	_ =	shalt  }
0x7e: {  	_ =	shalt  }
0x7f: {  	_ =	shalt  }
0x80: {  	_ =	shalt  }
0x81: {  	_ =	shalt  }
0x82: {  	_ =	shalt  }
0x83: {  	_ =	shalt  }
0x84: {  	_ =	shalt  }
0x85: {  	_ =	shalt  }
0x86: {  	_ =	shalt  }
0x87: {  	_ =	shalt  }
.Lfunc_end0:
.L_simem_size_0:
called_computation_lowered:
.L_overlay_start_0:
0x88: {  	s2 =	sld [smem:$0x3FD9]  }
0x89: {  	s3 =	sld [smem:$0x3FFE];
	_ =	sdelay $0x1  }
0x8a: {  	s1 =	srdreg.scid  }
0x8b: {  	s0 =	sand.u32 $0x1, s1  }
0x8c: {  	s17 =	sshll.u32 s0, $0xA;
	s2 =	sadd.s32 s3, s2  }
0x8d: {  	s2 =	sadd.s32 s2, s17  }
0x8e: {  	[smem:$0x3F9C] =	sst s2  }
0x8f: {  	_ = 	snop  }
0x90: {  	(tm) =	ssettm $0x1  }
0x91: {  	s18 =	sld [smem:$0x3FFB];
	_ =	sdelay $0x3  }
0x92: {  	_ =	strace s18  }
0x93: {  	s2 =	sld [smem:$0x3FFC];
	_ =	sdelay $0x3  }
0x94: {  	_ =	strace s2  }
0x95: {  	s2 =	sld [smem:$0x3FFD];
	_ =	sdelay $0x3  }
0x96: {  	_ =	strace s2  }
0x97: {  	_ =	strace $0x8FFFFFFF  }
0x98: {  	s19 =	sld [smem:$0x3FDB];
	_ =	sdelay $0x1  }
0x99: {  	s20 =	simm.s32 $_scs_section_size  }
0x9a: {  	s4 =	simm.s32 $_size__tile_overlayer_lowered;
	s5 =	simm.s32 $_tile_overlayer_lowered  }
0x9b: {  	s6 =	simm.s32 $0x1BFF;
	s21 =	sshll.u32 s5, $0x1;
	s3 =	sadd.s32 s20, s19  }
0x9c: {  	s22 =	simm.s32 $0x0;
	s4 =	sshll.u32 s4, $0x1;
	s5 =	sadd.s32 s21, s3  }
0x9d: {  	[timem:s22], [sflag:s6] =	dma.local [hbm:s5], s4  }
0x9e: {  	_ =	swait.ge [sflag:s6], s4  }
0x9f: {  	s4 =	ssub.s32 $0x0, s4;
	[sflag:s6] =	ssyncset.done $0x0  }
0xa0: {  	[sflag:s6] =	ssyncadd.s32 s4;
	_ =	sdelay $0x1  }
0xa1: {  	s23 =	simm.s32 $0x1B8B  }
0xa2: {  	_ =	swait.ge [sflag:s23], $0x1  }
0xa3: {  	[sflag:s23] =	ssyncset.done $0x0  }
0xa4: {  	[sflag:s23] =	ssyncadd.s32 $0xFFFFFFFF  }
0xa5: {  	s4 =	sld [smem:$0x0]  }
0xa6: {  	s5 =	sand.u32 $0xFFFFFFFE, s1  }
0xa7: {  	p0 =	sne.s32 s1, s5  }
0xa8: {  	s5 =	sshll.u32 @p0 s5, $0xE  }
0xa9: {  	s5 =	sadd.s32 @p0 $0x11B8D, s5;
	s6 =	sshll.u32 @p0 s4, $0x11  }
0xaa: {  	s5 =	sor.u32 @p0 s6, s5  }
0xab: {  	[sflag:s5] =	ssyncadd.remote.s32 @p0 $0x1;
	_ =	sdelay $0x1  }
0xac: {  	s5 =	simm.s32 @p0 $0x1B8D  }
0xad: {  	_ =	swait.eq @p0 [sflag:s5], $0x1  }
0xae: {  	[sflag:s5] =	ssyncadd.s32 @p0 $0xFFFFFFFF  }
0xaf: {  	s6 =	sshll.u32 @!p0 s1, $0xE  }
0xb0: {  	s6 =	sor.u32 @!p0 $0x4000, s6;
	s5 =	simm.s32 @!p0 $0x1B8D  }
0xb1: {  	s4 =	sshll.u32 @!p0 s4, $0x11;
	s6 =	sadd.s32 @!p0 $0x11B8D, s6;
	_ =	swait.eq @!p0 [sflag:s5], $0x1  }
0xb2: {  	s4 =	sor.u32 @!p0 s4, s6;
	[sflag:s5] =	ssyncadd.s32 @!p0 $0xFFFFFFFF  }
0xb3: {  	s25 =	simm.s32 $0x1B8E;
	s24 =	sld [smem:$0x3FFE];
	[sflag:s4] =	ssyncadd.remote.s32 @!p0 $0x1  }
0xb4: {  	s26 =	simm.s32 $execute0_lowered;
	[smem:$0x3FD2] =	sst s25  }
0xb5: {  	s5 =	sshll.u32 s26, $0x1;
	_ =	strace $0x8000004F;
	[dreg:$0x1] =	wrdreg $0xFFFFFFFF  }
0xb6: {  	s28 =	simm.s32 $_size_execute0_lowered;
	s3 =	sadd.s32 s3, s5;
	[dreg:$0x0] =	wrdreg $0x0  }
0xb7: {  	s5 =	sshll.u32 s28, $0x1;
	[dreg:$0x2] =	wrdreg s3  }
0xb8: {  	[dreg:$0x3] =	wrdreg s5  }
0xb9: {  	[dreg:$0x4] =	wrdreg $0xC0  }
0xba: {  	_ =	task [dreg:s22], $0x5FFFF  }
0xbb: {  	[dreg:$0x1] =	wrdreg $0xFFFFFFFF  }
0xbc: {  	[dreg:$0x0] =	wrdreg $0x60  }
0xbd: {  	[dreg:$0x2] =	wrdreg s24  }
0xbe: {  	[dreg:$0x3] =	wrdreg $0xA8000  }
0xbf: {  	[dreg:$0x4] =	wrdreg $0x9  }
0xc0: {  	_ =	task.clear_ibuf [dreg:s22], $0x5FFFF;
	_ =	strace $0x9000004F  }
0xc1: {  	s29 =	simm.s32 $0x9;
	_ =	strace $0x80000051  }
0xc2: {  	_ =	swait.ge [sflag:s29], $0x1  }
0xc3: {  	[sflag:s29] =	ssyncadd.s32 $0xFFFFFFFF  }
0xc4: {  	_ =	strace $0x90000051  }
0xc5: {  	_ =	sfence  }
0xc6: {  	s30 =	sld [smem:$0x0];
	_ =	sdelay $0x2  }
0xc7: {  	s31 =	sshll.u32 s1, $0xD;
	s1 =	sshrl.u32 s1, $0x2  }
0xc8: {  	s4 =	sand.u32 $0x4000, s31;
	s1 =	sadd.s32 s1, s30  }
0xc9: {  	s0 =	sor.u32 s4, s0;
	s1 =	sshll.u32 s1, $0x11  }
0xca: {  	s0 =	sor.u32 s1, s0  }
0xcb: {  	s0 =	sadd.s32 $0x8F2B, s0  }
0xcc: {  	[sflag:s0] =	ssyncadd.remote.s32 $0x1  }
0xcd: {  	_ =	sfence.sel $0xFFFF  }
0xce: {  	[dreg:$0x0] =	wrdreg $0xFFFFFFFF;
	(pc) =	sbr.abs _section_cstart, $3  }
0xcf: {  	[dreg:$0x1] =	wrdreg $0xFFFFFFFF  }
0xd0: {  	_ =	task.clear_ibuf [dreg:s22], $0x2FFFF;
	_ =	strace $0x9FFFFFFF  }
0xd1: {  	(tm) =	ssettm $0x7FFFFFFF  }
tec
execute0_lowered:
.L_overlay_start_1:
0x0: {  	(tag) =	ssettag $0x1  }
0x1: {  	s4 =	rddreg [dreg:$0x0];
	s1 =	stileid.u32  }
0x2: {  	s0 =	srdreg.scid;
	s25 =	smul.u32 $0x14000, s1  }
0x3: {  	s2 =	rddreg [dreg:$0x1];
	s3 =	simm.s32 $0x0;
	s26 =	smul.u32 $0x50000, s1  }
0x4: {  	s17 =	simm.s32 $0x3;
	s5 =	sand.u32 $0x1, s0;
	s11 =	smul.u32 $0xA0, s1  }
0x5: {  	s0 =	rddreg [dreg:$0x2];
	s6 =	sshll.u32 s1, $0x1;
	s7 =	smul.u32 $0x140000, s5  }
0x6: {  	[smem:$0x7FF] =	sst s3;
	s8 =	sor.u32 s5, s6;
	s15 =	smul.u32 $0x50, s5  }
0x7: {  	s12 =	sadd.s32 $0xC78A00, s4;
	s28 =	ssub.s32 $0x2, s5;
	s9 =	smul.u32 $0x500, s8  }
0x8: {  	_ =	strace $0x80000050;
	s29 =	smul.u32 $0x50, s8;
	s30 =	sshrl.u32 s28, $0x1  }
0x9: {  	s31 =	smul.u32 $0x28000, s8;
	s6 =	sadd.s32 s25, s7;
	s7 =	sshrl.u32 s26, $0x2  }
0xa: {  	s16 =	ssub.s32 s28, s30;
	s11 =	sadd.s32 s15, s11;
	s10 =	sadd.s32 s9, s4  }
0xb: {  	s6 =	sshrl.u32 s6, $0x3;
	s14 =	ssub.s32 $0x9C4, s29;
	s15 =	sshll.u32 s11, $0xB  }
0xc: {  	s11 =	sadd.s32 s12, s31;
	s13 =	sadd.s32 s6, s4;
	s4 =	sadd.s32 s7, s2  }
0xd: {  	s5 =	smin.u32 s14, $0x50;
	s10 =	sadd.s32 $0x7A00, s10;
	s15 =	sadd.s32 s15, s12  }
0xe: {  	s6 =	sadd.s32 $0x4000, s4;
	s7 =	sadd.s32 $0x8000, s4;
	s8 =	sadd.s32 $0xC000, s4  }
0xf: {  	s9 =	sadd.s32 $0x10000, s4;
	s12 =	sadd.s32 $0x575A00, s13;
	s13 =	smax.u32 s16, $0x1  }
0x10: {  	v0 =	vimm.f32 $0.0e+00;
	s14 =	sadd.s32 $0x800, s15;
	s15 =	sadd.s32 $0x1000, s15;
	s16 =	simm.s32 $0x2800  }
.LBB2_1:
0x11: {  	s18 =	simm.s32 $0x0;
	s19 =	simm.s32 $0x200  }
.LBB2_2:
0x12: {  	p0 =	sne.s32 s19, $0xFE00;
	[tilespmem:s18+$0x2870] =	vst v0  }
0x13: {  	[tilespmem:s18+$0x2800] =	vst v0  }
0x14: {  	[tilespmem:s18+$0x2810] =	vst v0  }
.Ltmp0:
0x15: {  	[tilespmem:s18+$0x2820] =	vst v0;
	(pc) =	sbr.rel @p0 .LBB2_2-.Ltmp0, $4  }
0x16: {  	[tilespmem:s18+$0x2830] =	vst v0  }
0x17: {  	[tilespmem:s18+$0x2840] =	vst v0  }
0x18: {  	[tilespmem:s18+$0x2850] =	vst v0  }
0x19: {  	[tilespmem:s18+$0x2860] =	vst v0;
	s18 =	sshra.s32 s19, $0x2;
	s19 =	sadd.s32 $0x200, s19  }
0x1a: {  	[tilespmem:s18+$0x2870] =	vst v0  }
0x1b: {  	[tilespmem:s18+$0x2800] =	vst v0  }
0x1c: {  	[tilespmem:s18+$0x2810] =	vst v0  }
0x1d: {  	[tilespmem:s18+$0x2820] =	vst v0  }
0x1e: {  	[tilespmem:s18+$0x2830] =	vst v0  }
0x1f: {  	[tilespmem:s18+$0x2840] =	vst v0  }
0x20: {  	[tilespmem:s18+$0x2850] =	vst v0  }
0x21: {  	[tilespmem:s18+$0x2860] =	vst v0  }
0x22: {  	[spmem:s4] =	stream.linear.scatter [tilespmem:s16], [sflag:$0x3], $0x4000, $0x38;
	[tilespmem:$0x1E800] =	vst v63  }
0x23: {  	_ =	swait.ge [sflag:s17], $0x4000  }
0x24: {  	[sflag:s17] =	ssyncset.done $0x0  }
0x25: {  	[sflag:s17] =	ssyncadd.s32 $0xFFFFC000  }
0x26: {  	[spmem:s6] =	stream.linear.scatter [tilespmem:s16], [sflag:$0x3], $0x4000, $0x38;
	[tilespmem:$0x1E800] =	vst v63  }
0x27: {  	_ =	swait.ge [sflag:s17], $0x4000  }
0x28: {  	[sflag:s17] =	ssyncset.done $0x0  }
0x29: {  	[sflag:s17] =	ssyncadd.s32 $0xFFFFC000  }
0x2a: {  	[spmem:s7] =	stream.linear.scatter [tilespmem:s16], [sflag:$0x3], $0x4000, $0x38;
	[tilespmem:$0x1E800] =	vst v63  }
0x2b: {  	_ =	swait.ge [sflag:s17], $0x4000  }
0x2c: {  	[sflag:s17] =	ssyncset.done $0x0  }
0x2d: {  	[sflag:s17] =	ssyncadd.s32 $0xFFFFC000  }
0x2e: {  	[spmem:s8] =	stream.linear.scatter [tilespmem:s16], [sflag:$0x3], $0x4000, $0x38;
	[tilespmem:$0x1E800] =	vst v63  }
0x2f: {  	_ =	swait.ge [sflag:s17], $0x4000  }
0x30: {  	[sflag:s17] =	ssyncset.done $0x0  }
0x31: {  	[sflag:s17] =	ssyncadd.s32 $0xFFFFC000  }
0x32: {  	[spmem:s9] =	stream.linear.scatter [tilespmem:s16], [sflag:$0x3], $0x4000, $0x38;
	[tilespmem:$0x1E800] =	vst v63  }
0x33: {  	_ =	swait.ge [sflag:s17], $0x4000  }
0x34: {  	[sflag:s17] =	ssyncset.done $0x0  }
0x35: {  	s18 =	simm.s32 $0x0;
	[sflag:s17] =	ssyncadd.s32 $0xFFFFC000  }
0x36: {  	[tilespmem:s18], [sflag:$0x3] =	stream.linear.gather [hbm4b:s10+s18], $0x2800, $0x38;
	[tilespmem:$0x1E800] =	vst v63  }
0x37: {  	_ =	swait.ge [sflag:s17], $0x2800  }
0x38: {  	[sflag:s17] =	ssyncset.done $0x0  }
0x39: {  	p1 =	sle.u32 s5, $0x0;
	[sflag:s17] =	ssyncadd.s32 $0xFFFFD800  }
0x3a: {  	s19 =	simm.s32 @!p1 $0x1;
	[bflag:$0x0] =	sbarrier.arrive $0xFFFF  }
0x3b: {  	[tilespmem:s16], [sflag:$0x1] =	stream.linear.gather [hbm4b:s11+s18], $0x4000, $0x38;
	[tilespmem:$0x1E800] =	vst v63  }
0x3c: {  	p0 =	sle.u32 @!p1 s5, $0x1;
	_ =	swait.ge @!p1 [sflag:s19], $0x4000  }
0x3d: {  	p0 =	por p0, p1;
	[sflag:s19] =	ssyncset.done @!p1 $0x0  }
0x3e: {  	s20 =	simm.s32 @!p0 $0x6800;
	[sflag:s19] =	ssyncadd.s32 @!p1 $0xFFFFC000;
	s19 =	simm.s32 @!p0 $0x0  }
0x3f: {  	[tilespmem:s20], [sflag:$0x2] =	stream.linear.gather @!p0 [hbm4b:s14+s19], $0x4000, $0x38;
	[tilespmem:$0x1E800] =	vst v63  }
0x40: {  	s21 =	simm.s32 @!p1 $0x4;
	s19 =	simm.s32 @!p1 $0x80;
	s20 =	simm.s32 @!p1 $0x2800  }
0x41: {  	[spmem:s2] =	stream.indirect.scatter.add.f32 @!p1 [tilespmem:s20], [sflag:$0x4], $0x80, s18, s19, $0xb8;
	[tilespmem:$0x1E800] =	vst v63  }
0x42: {  	_ =	swait.ge @!p1 [sflag:s21], $0x4000  }
0x43: {  	p0 =	sle.u32 s5, $0x1;
	[sflag:s21] =	ssyncset.done @!p1 $0x0  }
0x44: {  	s19 =	simm.s32 @!p0 $0x2;
	[sflag:s21] =	ssyncadd.s32 @!p1 $0xFFFFC000  }
0x45: {  	s22 =	simm.s32 $0x4;
	p1 =	sle.u32 @!p0 s5, $0x2;
	_ =	swait.ge @!p0 [sflag:s19], $0x4000  }
0x46: {  	s23 =	simm.s32 @!p0 $0x3;
	p1 =	por p1, p0;
	[sflag:s19] =	ssyncset.done @!p0 $0x0  }
0x47: {  	s20 =	simm.s32 @!p1 $0x2800;
	[sflag:s19] =	ssyncadd.s32 @!p0 $0xFFFFC000;
	s19 =	simm.s32 @!p1 $0x0  }
0x48: {  	[tilespmem:s20], [sflag:$0x1] =	stream.linear.gather @!p1 [hbm4b:s15+s19], $0x4000, $0x38;
	[tilespmem:$0x1E800] =	vst v63  }
0x49: {  	s21 =	simm.s32 @!p0 $0x6800;
	s19 =	simm.s32 @!p0 $0x80;
	s20 =	simm.s32 @!p0 $0x80  }
0x4a: {  	[spmem:s2] =	stream.indirect.scatter.add.f32 @!p0 [tilespmem:s21], [sflag:$0x3], $0x80, s19, s20, $0xb8;
	[tilespmem:$0x1E800] =	vst v63  }
0x4b: {  	s18 =	simm.s32 $0x2;
	s19 =	sadd.s32 $0x1000, s15;
	_ =	swait.ge @!p0 [sflag:s23], $0x4000  }
0x4c: {  	s20 =	simm.s32 $0x100;
	s21 =	sadd.s32 $0x1000, s14;
	[sflag:s23] =	ssyncset.done @!p0 $0x0  }
.LBB2_4:
0x4d: {  	p2 =	sge.u32 s18, s5  }
0x4e: {  	[sflag:s23] =	ssyncadd.s32 @!p0 $0xFFFFC000;
	s23 =	smov.u32 s22;
	s22 =	sadd.s32 $0x2, s22  }
0x4f: {  	p1 =	sne.s32 s22, $0x50;
	s24 =	simm.s32 @!p2 $0x1;
	s25 =	sadd.s32 @!p2 $0x1, s18  }
0x50: {  	_ =	swait.ge @!p2 [sflag:s24], $0x4000;
	p0 =	sge.u32 @!p2 s25, s5  }
0x51: {  	[sflag:s24] =	ssyncset.done @!p2 $0x0;
	p0 =	por p0, p2  }
0x52: {  	[sflag:s24] =	ssyncadd.s32 @!p2 $0xFFFFC000;
	s24 =	simm.s32 @!p0 $0x0;
	s25 =	simm.s32 @!p0 $0x6800  }
0x53: {  	[tilespmem:s25], [sflag:$0x2] =	stream.linear.gather @!p0 [hbm4b:s21+s24], $0x4000, $0x38;
	[tilespmem:$0x1E800] =	vst v63  }
0x54: {  	s26 =	simm.s32 @!p2 $0x4;
	s24 =	simm.s32 @!p2 $0x80;
	s25 =	simm.s32 @!p2 $0x2800  }
0x55: {  	[spmem:s2] =	stream.indirect.scatter.add.f32 @!p2 [tilespmem:s25], [sflag:$0x4], $0x80, s20, s24, $0xb8;
	[tilespmem:$0x1E800] =	vst v63  }
0x56: {  	s24 =	sadd.s32 $0x1, s18;
	_ =	swait.ge @!p2 [sflag:s26], $0x4000  }
0x57: {  	p0 =	sge.u32 s24, s5;
	[sflag:s26] =	ssyncset.done @!p2 $0x0  }
0x58: {  	s24 =	simm.s32 @!p0 $0x2;
	s18 =	sadd.s32 @!p0 $0x2, s18;
	[sflag:s26] =	ssyncadd.s32 @!p2 $0xFFFFC000  }
0x59: {  	p2 =	sge.u32 @!p0 s18, s5;
	s18 =	smov.u32 s23;
	_ =	swait.ge @!p0 [sflag:s24], $0x4000  }
0x5a: {  	s23 =	simm.s32 @!p0 $0x3;
	p2 =	por p2, p0;
	[sflag:s24] =	ssyncset.done @!p0 $0x0  }
0x5b: {  	s25 =	simm.s32 @!p2 $0x2800;
	[sflag:s24] =	ssyncadd.s32 @!p0 $0xFFFFC000;
	s24 =	simm.s32 @!p2 $0x0  }
0x5c: {  	[tilespmem:s25], [sflag:$0x1] =	stream.linear.gather @!p2 [hbm4b:s19+s24], $0x4000, $0x38;
	[tilespmem:$0x1E800] =	vst v63  }
.Ltmp1:
0x5d: {  	_ = 	snop;
	(pc) =	sbr.rel @p1 .LBB2_4-.Ltmp1, $4  }
0x5e: {  	s26 =	simm.s32 @!p0 $0x6800;
	s24 =	sadd.s32 @!p0 $0x80, s20;
	s25 =	simm.s32 @!p0 $0x80  }
0x5f: {  	[spmem:s2] =	stream.indirect.scatter.add.f32 @!p0 [tilespmem:s26], [sflag:$0x3], $0x80, s24, s25, $0xb8;
	[tilespmem:$0x1E800] =	vst v63  }
0x60: {  	s19 =	sadd.s32 $0x1000, s19;
	_ =	swait.ge @!p0 [sflag:s23], $0x4000  }
0x61: {  	s21 =	sadd.s32 $0x1000, s21;
	s20 =	sadd.s32 $0x100, s20;
	[sflag:s23] =	ssyncset.done @!p0 $0x0  }
0x62: {  	p1 =	sge.u32 s18, s5  }
0x63: {  	[sflag:s23] =	ssyncadd.s32 @!p0 $0xFFFFC000;
	s22 =	simm.s32 @!p1 $0x1;
	s23 =	sadd.s32 @!p1 $0x1, s18  }
0x64: {  	_ =	swait.ge @!p1 [sflag:s22], $0x4000;
	p0 =	sge.u32 @!p1 s23, s5  }
0x65: {  	[sflag:s22] =	ssyncset.done @!p1 $0x0;
	p0 =	por p0, p1  }
0x66: {  	[sflag:s22] =	ssyncadd.s32 @!p1 $0xFFFFC000;
	s22 =	simm.s32 @!p0 $0x0;
	s23 =	simm.s32 @!p0 $0x6800  }
0x67: {  	[tilespmem:s23], [sflag:$0x2] =	stream.linear.gather @!p0 [hbm4b:s21+s22], $0x4000, $0x38;
	[tilespmem:$0x1E800] =	vst v63  }
0x68: {  	s21 =	simm.s32 @!p1 $0x80;
	s22 =	simm.s32 @!p1 $0x2800;
	s23 =	simm.s32 @!p1 $0x4  }
0x69: {  	[spmem:s2] =	stream.indirect.scatter.add.f32 @!p1 [tilespmem:s22], [sflag:$0x4], $0x80, s20, s21, $0xb8;
	[tilespmem:$0x1E800] =	vst v63  }
0x6a: {  	s29 =	sadd.s32 $0x1, s18;
	_ =	swait.ge @!p1 [sflag:s23], $0x4000  }
0x6b: {  	p0 =	sge.u32 s29, s5;
	[sflag:s23] =	ssyncset.done @!p1 $0x0  }
0x6c: {  	s18 =	sadd.s32 @!p0 $0x2, s18;
	s21 =	simm.s32 @!p0 $0x2;
	[sflag:s23] =	ssyncadd.s32 @!p1 $0xFFFFC000  }
0x6d: {  	p1 =	sge.u32 @!p0 s18, s5;
	_ =	swait.ge @!p0 [sflag:s21], $0x4000  }
0x6e: {  	s18 =	simm.s32 @!p0 $0x3;
	p1 =	por p1, p0;
	[sflag:s21] =	ssyncset.done @!p0 $0x0  }
0x6f: {  	s22 =	simm.s32 @!p1 $0x2800;
	[sflag:s21] =	ssyncadd.s32 @!p0 $0xFFFFC000;
	s21 =	simm.s32 @!p1 $0x0  }
0x70: {  	[tilespmem:s22], [sflag:$0x1] =	stream.linear.gather @!p1 [hbm4b:s19+s21], $0x4000, $0x38;
	[tilespmem:$0x1E800] =	vst v63  }
0x71: {  	s19 =	sadd.s32 @!p0 $0x80, s20;
	s20 =	simm.s32 @!p0 $0x80;
	s21 =	simm.s32 @!p0 $0x6800  }
0x72: {  	[spmem:s2] =	stream.indirect.scatter.add.f32 @!p0 [tilespmem:s21], [sflag:$0x3], $0x80, s19, s20, $0xb8;
	[tilespmem:$0x1E800] =	vst v63  }
0x73: {  	_ =	swait.ge @!p0 [sflag:s18], $0x4000  }
0x74: {  	s30 =	sshll.u32 s1, $0x6;
	s3 =	sadd.s32 $0x1, s3;
	[sflag:s18] =	ssyncset.done @!p0 $0x0  }
0x75: {  	s31 =	sshrl.u32 s4, $0x3;
	[sflag:s18] =	ssyncadd.s32 @!p0 $0xFFFFC000;
	p0 =	sne.s32 s3, s13  }
.Ltmp2:
0x76: {  	s18 =	sor.u32 $0x1C03, s30;
	[bflag:$0x0] =	sbarrier.arrive $0xFFFF;
	(pc) =	sbr.rel @p0 .LBB2_1-.Ltmp2, $4  }
0x77: {  	[hbm:s12], [sflag:s18] =	dma.local [spmem:s31], $0x2800  }
0x78: {  	_ =	swait.ge [sflag:s17], $0x2800  }
0x79: {  	[sflag:s17] =	ssyncset.done $0x0  }
0x7a: {  	[sflag:s17] =	ssyncadd.s32 $0xFFFFD800  }
0x7b: {  	_ =	sfence.sel $0x180000  }
0x7c: {  	[bflag:$0x0] =	sbarrier.arrive $0xFFFF  }
0x7d: {  	p0 =	sne.s32 s1, $0x0;
	_ =	strace $0x90000050  }
0x7e: {  	s0 =	sadd.s32 @!p0 $0x100000, s0;
	[bflag:$0x2] =	sbarrier.arrive $0xFFFF  }
0x7f: {  	[sflag:s0] =	ssyncadd.tile.s32 @!p0 $0x1;
	_ =	shalt  }
.Lfunc_end2:
_tile_overlayer_lowered:
.L_overlay_start_2:
0x80: {  	(tag) =	ssettag $0x2  }
0x81: {  	s0 =	rddreg [dreg:$0x0];
	s2 =	stileid.u32  }
0x82: {  	s1 =	rddreg [dreg:$0x1];
	p0 =	sne.s32 s2, $0x0  }
0x83: {  	s3 =	rddreg [dreg:$0x2];
	[bflag:$0x3] =	sbarrier.arrive $0xFFFF;
	s2 =	simm.s32 @!p0 $0x1C03  }
0x84: {  	[timem:s3], [sflag:s2] =	dma.local @!p0 [hbm:s0], s1  }
0x85: {  	s0 =	simm.s32 @!p0 $0x3  }
0x86: {  	_ =	swait.ge @!p0 [sflag:s0], s1  }
0x87: {  	s1 =	ssub.s32 @!p0 $0x0, s1;
	[sflag:s0] =	ssyncset.done @!p0 $0x0  }
0x88: {  	[sflag:s0] =	ssyncadd.s32 @!p0 s1  }
0x89: {  	[bflag:$0x3] =	sbarrier.arrive $0xFFFF  }
0x8a: {  	_ =	shalt  }

// kernel: kernel.16.cloned.1.call-start
scs
__scs_entry_jumppad:
0x0: {  	(pc) =	sbr.rel $0x88, $3  }
0x1: {  	(tag) =	ssettag $0x0;
	lr =	simm.s32 $0x1  }
0x2: {  	[smem:$0x3F75] =	sst lr;
	_ =	strace $0xD0000000  }
0x3: {  	_ = 	snop  }
0x4: {  	_ = 	snop  }
0x5: {  	_ = 	snop  }
0x6: {  	_ = 	snop  }
0x7: {  	_ = 	snop  }
__scs_overlays_trampoline_lowered:
0x8: {  	[smem:$0x3F84] =	sst s0  }
0x9: {  	[smem:$0x3F85] =	sst s1  }
0xa: {  	[smem:$0x3F86] =	sst s2  }
0xb: {  	[smem:$0x3F87] =	sst s3  }
0xc: {  	[smem:$0x3F88] =	sst s4  }
0xd: {  	[smem:$0x3F89] =	sst s5  }
0xe: {  	[smem:$0x3F8A] =	sst s6  }
0xf: {  	[smem:$0x3F8B] =	sst s7  }
0x10: {  	[smem:$0x3F8C] =	sst s8  }
0x11: {  	[smem:$0x3F8D] =	sst s9;
	s0 =	simm.s32 @!p0 $0x0  }
0x12: {  	s1 =	sld [smem:$0x3F73];
	s0 =	simm.s32 @p0 $0x1  }
0x13: {  	[smem:$0x3F8E] =	sst s0;
	s0 =	simm.s32 @!p1 $0x0  }
0x14: {  	s2 =	sld [smem:$0x3F72];
	s0 =	simm.s32 @p1 $0x1  }
0x15: {  	[smem:$0x3F8F] =	sst s0;
	s0 =	simm.s32 @!p2 $0x0  }
0x16: {  	s3 =	sld [smem:$0x3FDB];
	s0 =	simm.s32 @p2 $0x1  }
0x17: {  	s4 =	simm.s32 $0x1BF5;
	[smem:$0x3F91] =	sst s0  }
0x18: {  	s0 =	sld [smem:$0x3F74];
	_ =	swait.ge [sflag:s4], $0x0  }
0x19: {  	s7 =	sld [smem:$0x3F75]  }
0x1a: {  	s8 =	sadd.s32 $0xFFFFE003, lr  }
0x1b: {  	s9 =	sadd.s32 $0xFFFFFEF7, lr;
	s5 =	simm.s32 $0xFFFFFFFF;
	p2 =	slt.u32 s8, $0xFFFFF086  }
0x1c: {  	p1 =	slt.u32 s9, $0xF7A;
	s5 =	simm.s32 @!p2 $0x0  }
0x1d: {  	s5 =	simm.s32 @p1 $0x1;
	p0 =	seq.s32 s7, s2  }
0x1e: {  	s7 =	smul.u32 @!p0 $0xF7A, s2;
	p2 =	seq.s32 @!p0 s5, $0x0  }
0x1f: {  	s9 =	smul.u32 $0xF7A, s1;
	s8 =	simm.s32 @!p0 $0x1BF5;
	p2 =	por !p2, p0  }
0x20: {  	[sflag:s8] =	ssyncset.s32 @!p0 $0xFFFFF086;
	s6 =	sadd.s32 @!p0 s3, s7;
	s7 =	simm.s32 @!p0 $0x108  }
0x21: {  	s3 =	sadd.s32 s3, s9;
	s6 =	sadd.s32 @!p0 $0x88, s6;
	s7 =	simm.s32 @p2 $0x1082  }
0x22: {  	[simem:s7], [sflag:s8] =	dma.local @!p0 [hbm:s6], $0xF7A  }
0x23: {  	s9 =	sor.u32 $0xD0000000, s2;
	s6 =	simm.s32 $0x108;
	_ =	swait.ge @!p0 [sflag:s8], $0x0  }
0x24: {  	s3 =	sadd.s32 $0x88, s3;
	s6 =	simm.s32 @!p1 $0x1082;
	[sflag:s4] =	ssyncset.s32 $0xFFFFF086  }
0x25: {  	[simem:s6], [sflag:s4] =	dma.local [hbm:s3], $0xF7A  }
0x26: {  	[smem:$0x3F75] =	sst s1;
	(tag) =	ssettag s2;
	_ =	strace s9  }
0x27: {  	s1 =	sld [smem:$0x3F85]  }
0x28: {  	s2 =	sld [smem:$0x3F86]  }
0x29: {  	s4 =	sld [smem:$0x3F88]  }
0x2a: {  	p0 =	seq.s32 s5, $0x0;
	s5 =	sld [smem:$0x3F89]  }
0x2b: {  	s6 =	sld [smem:$0x3F8A]  }
0x2c: {  	s7 =	sld [smem:$0x3F8B]  }
0x2d: {  	s3 =	simm.s32 $0x108;
	s8 =	sld [smem:$0x3F8C]  }
0x2e: {  	s3 =	simm.s32 @!p0 $0x1082;
	s9 =	sld [smem:$0x3F8D]  }
0x2f: {  	lr =	sadd.s32 s0, s3;
	s0 =	sld [smem:$0x3F84]  }
0x30: {  	s3 =	sld [smem:$0x3F87]  }
0x31: {  	[smem:$0x3F90] =	sst s10  }
0x32: {  	s10 =	sld [smem:$0x3F8E];
	_ =	sdelay $0x3  }
0x33: {  	p0 =	seq.s32 s10, $0x1;
	s10 =	sld [smem:$0x3F90];
	_ =	sdelay $0x3  }
0x34: {  	[smem:$0x3F90] =	sst s10  }
0x35: {  	s10 =	sld [smem:$0x3F8F];
	_ =	sdelay $0x3  }
0x36: {  	p1 =	seq.s32 s10, $0x1;
	s10 =	sld [smem:$0x3F90];
	_ =	sdelay $0x3  }
0x37: {  	[smem:$0x3F90] =	sst s10  }
0x38: {  	s10 =	sld [smem:$0x3F91]  }
0x39: {  	_ = 	snop;
	(pc) =	sbr.ind lr, $3  }
0x3a: {  	_ = 	snop  }
0x3b: {  	_ = 	snop  }
0x3c: {  	p2 =	seq.s32 s10, $0x1;
	s10 =	sld [smem:$0x3F90]  }
0x3d: {  	_ =	shalt  }
0x3e: {  	_ =	shalt  }
0x3f: {  	_ =	shalt  }
0x40: {  	_ =	shalt  }
0x41: {  	_ =	shalt  }
0x42: {  	_ =	shalt  }
0x43: {  	_ =	shalt  }
0x44: {  	_ =	shalt  }
0x45: {  	_ =	shalt  }
0x46: {  	_ =	shalt  }
0x47: {  	_ =	shalt  }
0x48: {  	_ =	shalt  }
0x49: {  	_ =	shalt  }
0x4a: {  	_ =	shalt  }
0x4b: {  	_ =	shalt  }
0x4c: {  	_ =	shalt  }
0x4d: {  	_ =	shalt  }
0x4e: {  	_ =	shalt  }
0x4f: {  	_ =	shalt  }
0x50: {  	_ =	shalt  }
0x51: {  	_ =	shalt  }
0x52: {  	_ =	shalt  }
0x53: {  	_ =	shalt  }
0x54: {  	_ =	shalt  }
0x55: {  	_ =	shalt  }
0x56: {  	_ =	shalt  }
0x57: {  	_ =	shalt  }
0x58: {  	_ =	shalt  }
0x59: {  	_ =	shalt  }
0x5a: {  	_ =	shalt  }
0x5b: {  	_ =	shalt  }
0x5c: {  	_ =	shalt  }
0x5d: {  	_ =	shalt  }
0x5e: {  	_ =	shalt  }
0x5f: {  	_ =	shalt  }
0x60: {  	_ =	shalt  }
0x61: {  	_ =	shalt  }
0x62: {  	_ =	shalt  }
0x63: {  	_ =	shalt  }
0x64: {  	_ =	shalt  }
0x65: {  	_ =	shalt  }
0x66: {  	_ =	shalt  }
0x67: {  	_ =	shalt  }
0x68: {  	_ =	shalt  }
0x69: {  	_ =	shalt  }
0x6a: {  	_ =	shalt  }
0x6b: {  	_ =	shalt  }
0x6c: {  	_ =	shalt  }
0x6d: {  	_ =	shalt  }
0x6e: {  	_ =	shalt  }
0x6f: {  	_ =	shalt  }
0x70: {  	_ =	shalt  }
0x71: {  	_ =	shalt  }
0x72: {  	_ =	shalt  }
0x73: {  	_ =	shalt  }
0x74: {  	_ =	shalt  }
0x75: {  	_ =	shalt  }
0x76: {  	_ =	shalt  }
0x77: {  	_ =	shalt  }
0x78: {  	_ =	shalt  }
0x79: {  	_ =	shalt  }
0x7a: {  	_ =	shalt  }
0x7b: {  	_ =	shalt  }
0x7c: {  	_ =	shalt  }
0x7d: {  	_ =	shalt  }
0x7e: {  	_ =	shalt  }
0x7f: {  	_ =	shalt  }
0x80: {  	_ =	shalt  }
0x81: {  	_ =	shalt  }
0x82: {  	_ =	shalt  }
0x83: {  	_ =	shalt  }
0x84: {  	_ =	shalt  }
0x85: {  	_ =	shalt  }
0x86: {  	_ =	shalt  }
0x87: {  	_ =	shalt  }
.Lfunc_end0:
.L_simem_size_0:
called_computation.1_lowered:
.L_overlay_start_0:
0x88: {  	s2 =	sld [smem:$0x3FD9]  }
0x89: {  	s3 =	sld [smem:$0x3FFE];
	_ =	sdelay $0x1  }
0x8a: {  	s1 =	srdreg.scid  }
0x8b: {  	s0 =	sand.u32 $0x1, s1  }
0x8c: {  	s14 =	sshll.u32 s0, $0xA;
	s2 =	sadd.s32 s3, s2  }
0x8d: {  	s2 =	sadd.s32 s2, s14  }
0x8e: {  	[smem:$0x3F9C] =	sst s2  }
0x8f: {  	_ = 	snop  }
0x90: {  	s2 =	sld [smem:$0x3FD0];
	_ =	sdelay $0x2  }
0x91: {  	s15 =	simm.s32 $0xB;
	s4 =	simm.s32 $0x10  }
0x92: {  	[smem:s4], [sflag:s15] =	dma.local [hbm:s2], $0x1  }
0x93: {  	_ =	swait.eq [sflag:s15], $0x1  }
0x94: {  	[sflag:s15] =	ssyncset.done $0x0  }
0x95: {  	[sflag:s15] =	ssyncadd.s32 $0xFFFFFFFF  }
0x96: {  	s16 =	sld [smem:$0x10];
	(tm) =	ssettm $0x1  }
0x97: {  	s17 =	sld [smem:$0x3FFB];
	_ =	sdelay $0x3  }
0x98: {  	_ =	strace s17  }
0x99: {  	s3 =	sld [smem:$0x3FFC];
	_ =	sdelay $0x3  }
0x9a: {  	_ =	strace s3  }
0x9b: {  	s3 =	sld [smem:$0x3FFD];
	_ =	sdelay $0x3  }
0x9c: {  	_ =	strace s3  }
0x9d: {  	_ =	strace $0x8FFFFFFF  }
0x9e: {  	s18 =	sld [smem:$0x3FDB];
	_ =	sdelay $0x1  }
0x9f: {  	s19 =	simm.s32 $_scs_section_size  }
0xa0: {  	s5 =	simm.s32 $_size__tile_overlayer_lowered;
	s6 =	simm.s32 $_tile_overlayer_lowered  }
0xa1: {  	s22 =	simm.s32 $0x1BFF;
	s21 =	sshll.u32 s6, $0x1;
	s3 =	sadd.s32 s19, s18  }
0xa2: {  	s7 =	simm.s32 $0x0;
	s20 =	sshll.u32 s5, $0x1;
	s5 =	sadd.s32 s21, s3  }
0xa3: {  	[timem:s7], [sflag:s22] =	dma.local [hbm:s5], s20  }
0xa4: {  	_ =	swait.ge [sflag:s22], s20  }
0xa5: {  	s4 =	ssub.s32 $0x0, s20;
	[sflag:s22] =	ssyncset.done $0x0  }
0xa6: {  	[sflag:s22] =	ssyncadd.s32 s4;
	_ =	sdelay $0x1  }
0xa7: {  	s23 =	simm.s32 $0x1B8B  }
0xa8: {  	_ =	swait.ge [sflag:s23], $0x1  }
0xa9: {  	[sflag:s23] =	ssyncset.done $0x0  }
0xaa: {  	s25 =	simm.s32 $0x1B8E;
	s24 =	sld [smem:$0x3FFE];
	[sflag:s23] =	ssyncadd.s32 $0xFFFFFFFF  }
0xab: {  	s26 =	simm.s32 $execute0_lowered;
	[smem:$0x3FD2] =	sst s25  }
0xac: {  	s5 =	sshll.u32 s26, $0x1;
	_ =	strace $0x80000046;
	[dreg:$0x1] =	wrdreg $0xFFFFFFFF  }
0xad: {  	s28 =	simm.s32 $_size_execute0_lowered;
	s3 =	sadd.s32 s3, s5;
	[dreg:$0x0] =	wrdreg $0x0  }
0xae: {  	s5 =	sshll.u32 s28, $0x1;
	[dreg:$0x2] =	wrdreg s3  }
0xaf: {  	[dreg:$0x3] =	wrdreg s5  }
0xb0: {  	[dreg:$0x4] =	wrdreg $0xC0  }
0xb1: {  	_ =	task [dreg:s7], $0x5FFFF  }
0xb2: {  	[dreg:$0x1] =	wrdreg $0xFFFFFFFF  }
0xb3: {  	[dreg:$0x0] =	wrdreg $0x60  }
0xb4: {  	[dreg:$0x2] =	wrdreg s16  }
0xb5: {  	[dreg:$0x3] =	wrdreg s24  }
0xb6: {  	[dreg:$0x4] =	wrdreg $0x9  }
0xb7: {  	_ =	task.clear_ibuf [dreg:s7], $0x5FFFF;
	_ =	strace $0x90000046  }
0xb8: {  	s29 =	simm.s32 $0x9;
	_ =	strace $0x80000048  }
0xb9: {  	_ =	swait.ge [sflag:s29], $0x1  }
0xba: {  	[sflag:s29] =	ssyncadd.s32 $0xFFFFFFFF  }
0xbb: {  	_ =	strace $0x90000048  }
0xbc: {  	_ =	sfence  }
0xbd: {  	s30 =	sld [smem:$0x0];
	_ =	sdelay $0x2  }
0xbe: {  	s31 =	sshll.u32 s1, $0xD;
	s1 =	sshrl.u32 s1, $0x2  }
0xbf: {  	s3 =	sand.u32 $0x4000, s31;
	s1 =	sadd.s32 s1, s30  }
0xc0: {  	s0 =	sor.u32 s3, s0;
	s1 =	sshll.u32 s1, $0x11  }
0xc1: {  	s0 =	sor.u32 s1, s0  }
0xc2: {  	s0 =	sadd.s32 $0x8F2B, s0  }
0xc3: {  	[sflag:s0] =	ssyncadd.remote.s32 $0x1  }
0xc4: {  	_ =	sfence.sel $0xFFFF  }
0xc5: {  	[dreg:$0x0] =	wrdreg $0xFFFFFFFF;
	(pc) =	sbr.abs _section_cstart, $3  }
0xc6: {  	[dreg:$0x1] =	wrdreg $0xFFFFFFFF  }
0xc7: {  	_ =	task.clear_ibuf [dreg:s7], $0x2FFFF;
	_ =	strace $0x9FFFFFFF  }
0xc8: {  	(tm) =	ssettm $0x7FFFFFFF  }
0xc9: {  	_ =	shalt  }
tec
execute0_lowered:
.L_overlay_start_1:
0x0: {  	(tag) =	ssettag $0x1  }
0x1: {  	s1 =	srdreg.scid  }
0x2: {  	s0 =	stileid.u32;
	s2 =	rddreg [dreg:$0x0]  }
0x3: {  	s6 =	rddreg [dreg:$0x1];
	s3 =	simm.s32 $0x0;
	s12 =	simm.s32 $0x80  }
0x4: {  	s13 =	simm.s32 $0x5000;
	s14 =	simm.s32 $0xD000;
	s15 =	simm.s32 $0x1  }
0x5: {  	s16 =	simm.s32 $0x3;
	s5 =	sand.u32 $0x1, s1;
	s29 =	sshll.u32 s0, $0x1  }
0x6: {  	s17 =	simm.s32 $0x2;
	s18 =	simm.s32 $0x4;
	s4 =	sor.u32 s5, s29  }
0x7: {  	s19 =	simm.s32 $0x5;
	s1 =	rddreg [dreg:$0x2];
	s7 =	smul.u32 $0x500, s4  }
0x8: {  	s20 =	simm.s32 $0x9000;
	[smem:$0x7FF] =	sst s3;
	s4 =	smul.u32 $0x50, s4  }
0x9: {  	_ =	strace $0x80000047;
	s8 =	ssub.s32 $0x2, s5;
	s5 =	sadd.s32 $0x43A00, s6  }
.Ltmp0:
0xa: {  	s30 =	sshrl.u32 s8, $0x1;
	s10 =	ssub.s32 $0x9C4, s4;
	(pc) =	sbr.rel .LBB2_1-.Ltmp0, $4  }
0xb: {  	s11 =	ssub.s32 s8, s30;
	s9 =	sadd.s32 s7, s6;
	s6 =	smin.u32 s10, $0x50  }
0xc: {  	s7 =	sadd.s32 $0x7A00, s9;
	s8 =	sadd.s32 $0x11A00, s9;
	s31 =	sadd.s32 $0xFFFFFFFF, s6  }
0xd: {  	s9 =	smax.u32 s11, $0x1;
	s10 =	simm.s32 $0x7;
	s21 =	sand.u32 $0x80000001, s31  }
0xe: {  	s11 =	simm.s32 $0x2800;
	p0 =	sne.s32 s21, $0x1;
	s21 =	simm.s32 $0x0  }
.LBB2_12:
0xf: {  	s21 =	sadd.s32 $0x1, s21  }
0x10: {  	p1 =	sne.s32 s21, s9  }
.Ltmp1:
0x11: {  	_ = 	snop;
	(pc) =	sbr.rel @!p1 .LBB2_13-.Ltmp1, $4  }
0x12: {  	s22 =	simm.s32 @!p0 $0x6  }
0x13: {  	_ =	swait.ge @!p0 [sflag:s22], $0x4000  }
0x14: {  	[sflag:s22] =	ssyncset.done @!p0 $0x0  }
0x15: {  	[sflag:s22] =	ssyncadd.s32 @!p0 $0xFFFFC000  }
.LBB2_1:
0x16: {  	[tilespmem:s3], [sflag:$0x7] =	stream.linear.gather [hbm4b:s7+s3], $0x2800, $0x38;
	[tilespmem:$0x15000] =	vst v63  }
0x17: {  	_ =	swait.ge [sflag:s10], $0x2800  }
0x18: {  	[sflag:s10] =	ssyncset.done $0x0  }
0x19: {  	[sflag:s10] =	ssyncadd.s32 $0xFFFFD800  }
0x1a: {  	[tilespmem:s11], [sflag:$0x7] =	stream.linear.gather [hbm4b:s8+s3], $0x2800, $0x38;
	[tilespmem:$0x15000] =	vst v63  }
0x1b: {  	_ =	swait.ge [sflag:s10], $0x2800  }
.Ltmp2:
0x1c: {  	[sflag:s10] =	ssyncset.done $0x0;
	(pc) =	sbr.rel .LBB2_2-.Ltmp2, $4  }
0x1d: {  	[sflag:s10] =	ssyncadd.s32 $0xFFFFD800  }
0x1e: {  	[tilespmem:s13], [sflag:$0x1] =	stream.indirect.gather [hbm4b:s2+s12], $0x80, s3, s12, $0xb8;
	[tilespmem:$0x15000] =	vst v63  }
0x1f: {  	s22 =	simm.s32 $0x0  }
0x20: {  	[tilespmem:s14], [sflag:$0x3] =	stream.indirect.gather [hbm4b:s2+s12], $0x80, s11, s12, $0xb8;
	[tilespmem:$0x15000] =	vst v63  }
.LBB2_10:
0x21: {  	v7 =	vld [tilespmem:s24+$0x9030];
	_ =	sdelay $0x1  }
0x22: {  	v2 =	vadd.f32 v5, v2  }
0x23: {  	v4 =	vadd.f32 v6, v4  }
0x24: {  	v1 =	vadd.f32 v1, v3;
	s23 =	sadd.s32 s4, s23;
	[tilespmem:s24+$0x9000] =	vst v2  }
0x25: {  	s23 =	sshll.u32 s23, $0xB;
	[tilespmem:s24+$0x9010] =	vst v4;
	v0 =	vadd.f32 v0, v7  }
0x26: {  	[tilespmem:s24+$0x9020] =	vst v1;
	s23 =	sand.u32 $0x1FFFF800, s23  }
0x27: {  	s23 =	sadd.s32 s5, s23;
	[tilespmem:s24+$0x9030] =	vst v0  }
0x28: {  	[hbm4b:s23+s3] =	stream.linear.scatter [tilespmem:s20], [sflag:$0x6], $0x4000, $0x38;
	[tilespmem:$0x15000] =	vst v63  }
.LBB2_11:
0x29: {  	s22 =	sadd.s32 $0x1, s22  }
0x2a: {  	p1 =	sne.s32 s22, $0x28  }
.Ltmp3:
0x2b: {  	_ = 	snop;
	(pc) =	sbr.rel @!p1 .LBB2_12-.Ltmp3, $1  }
0x2c: {  	_ =	sdelay $0x3  }
.LBB2_2:
0x2d: {  	s24 =	sshll.u32 s22, $0x1  }
0x2e: {  	p1 =	slt.u32 s24, s6  }
.Ltmp4:
0x2f: {  	_ = 	snop;
	(pc) =	sbr.rel @!p1 .LBB2_3-.Ltmp4, $1  }
0x30: {  	_ =	sdelay $0x3  }
0x31: {  	_ =	swait.ge [sflag:s15], $0x4000  }
0x32: {  	[sflag:s15] =	ssyncset.done $0x0  }
0x33: {  	[sflag:s15] =	ssyncadd.s32 $0xFFFFC000  }
0x34: {  	_ =	swait.ge [sflag:s16], $0x4000  }
0x35: {  	p1 =	seq.s32 s22, $0x0;
	[sflag:s16] =	ssyncset.done $0x0  }
0x36: {  	s25 =	simm.s32 @!p1 $0x6;
	[sflag:s16] =	ssyncadd.s32 $0xFFFFC000  }
0x37: {  	_ =	swait.ge @!p1 [sflag:s25], $0x4000  }
0x38: {  	s23 =	sor.u32 $0x1, s24;
	[sflag:s25] =	ssyncset.done @!p1 $0x0  }
0x39: {  	[sflag:s25] =	ssyncadd.s32 @!p1 $0xFFFFC000;
	p1 =	sge.u32 s23, s6  }
0x3a: {  	s25 =	sshll.u32 @!p1 s23, $0x7;
	s26 =	simm.s32 @!p1 $0x80;
	s28 =	simm.s32 @!p1 $0x9000  }
0x3b: {  	[tilespmem:s28], [sflag:$0x2] =	stream.indirect.gather @!p1 [hbm4b:s2+s26], $0x80, s25, s26, $0xb8;
	[tilespmem:$0x15000] =	vst v63  }
0x3c: {  	s25 =	sadd.s32 @!p1 $0x2800, s25;
	s28 =	simm.s32 @!p1 $0x11000  }
0x3d: {  	[tilespmem:s28], [sflag:$0x4] =	stream.indirect.gather @!p1 [hbm4b:s2+s26], $0x80, s25, s26, $0xb8;
	[tilespmem:$0x15000] =	vst v63  }
0x3e: {  	s25 =	simm.s32 $0x0  }
0x3f: {  	v5 =	vld [tilespmem:s25+$0xD040]  }
0x40: {  	v6 =	vld [tilespmem:s25+$0xD050]  }
0x41: {  	v1 =	vld [tilespmem:s25+$0xD060]  }
0x42: {  	v0 =	vld [tilespmem:s25+$0xD070]  }
0x43: {  	v2 =	vld [tilespmem:s25+$0x5000]  }
0x44: {  	v4 =	vld [tilespmem:s25+$0x5010]  }
0x45: {  	s26 =	simm.s32 $0x200;
	v3 =	vld [tilespmem:s25+$0x5020]  }
.LBB2_5:
0x46: {  	s28 =	sshra.s32 s26, $0x2;
	p1 =	sne.s32 s26, $0xFE00;
	v7 =	vld [tilespmem:s25+$0x5030];
	v8 =	vmov v1  }
0x47: {  	v9 =	vld [tilespmem:s28+$0xD040];
	v10 =	vmov v0  }
0x48: {  	v11 =	vld [tilespmem:s28+$0xD050];
	v2 =	vadd.f32 v5, v2  }
.Ltmp5:
0x49: {  	v1 =	vld [tilespmem:s28+$0xD060];
	v4 =	vadd.f32 v6, v4;
	(pc) =	sbr.rel @p1 .LBB2_5-.Ltmp5, $4  }
0x4a: {  	v0 =	vld [tilespmem:s28+$0xD070];
	[tilespmem:s25+$0x5000] =	vst v2;
	v3 =	vadd.f32 v8, v3  }
0x4b: {  	v2 =	vld [tilespmem:s28+$0x5000];
	[tilespmem:s25+$0x5010] =	vst v4;
	v7 =	vadd.f32 v10, v7  }
0x4c: {  	v4 =	vld [tilespmem:s28+$0x5010];
	[tilespmem:s25+$0x5020] =	vst v3;
	v5 =	vmov v9  }
0x4d: {  	s26 =	sadd.s32 $0x200, s26;
	v3 =	vld [tilespmem:s28+$0x5020];
	[tilespmem:s25+$0x5030] =	vst v7;
	v6 =	vmov v11;
	s25 =	smov.u32 s28  }
0x4e: {  	v7 =	vld [tilespmem:s25+$0x5030];
	_ =	sdelay $0x1  }
0x4f: {  	v2 =	vadd.f32 v5, v2  }
0x50: {  	v4 =	vadd.f32 v6, v4  }
.Ltmp6:
0x51: {  	[tilespmem:s25+$0x5000] =	vst v2;
	v1 =	vadd.f32 v1, v3;
	(pc) =	sbr.rel .LBB2_7-.Ltmp6, $4  }
0x52: {  	s26 =	sadd.s32 s4, s24;
	[tilespmem:s25+$0x5010] =	vst v4;
	v0 =	vadd.f32 v0, v7  }
0x53: {  	s26 =	sshll.u32 s26, $0xB;
	[tilespmem:s25+$0x5020] =	vst v1  }
0x54: {  	s31 =	sadd.s32 s5, s26;
	[tilespmem:s25+$0x5030] =	vst v0  }
0x55: {  	[hbm4b:s31+s3] =	stream.linear.scatter [tilespmem:s13], [sflag:$0x5], $0x4000, $0x38;
	[tilespmem:$0x15000] =	vst v63  }
.LBB2_3:
0x56: {  	s23 =	sor.u32 $0x1, s24  }
.LBB2_7:
0x57: {  	p1 =	sge.u32 s23, s6  }
.Ltmp7:
0x58: {  	_ = 	snop;
	(pc) =	sbr.rel @p1 .LBB2_11-.Ltmp7, $1  }
0x59: {  	_ =	sdelay $0x3  }
0x5a: {  	_ =	swait.ge [sflag:s17], $0x4000  }
0x5b: {  	[sflag:s17] =	ssyncset.done $0x0  }
0x5c: {  	[sflag:s17] =	ssyncadd.s32 $0xFFFFC000  }
0x5d: {  	_ =	swait.ge [sflag:s18], $0x4000  }
0x5e: {  	[sflag:s18] =	ssyncset.done $0x0  }
0x5f: {  	s24 =	sadd.s32 $0x2, s24;
	[sflag:s18] =	ssyncadd.s32 $0xFFFFC000  }
0x60: {  	p1 =	sge.u32 s24, s6;
	_ =	swait.ge [sflag:s19], $0x4000  }
0x61: {  	s24 =	sshll.u32 @!p1 s24, $0x7;
	[sflag:s19] =	ssyncset.done $0x0  }
0x62: {  	s25 =	simm.s32 @!p1 $0x80;
	s26 =	simm.s32 @!p1 $0x5000;
	[sflag:s19] =	ssyncadd.s32 $0xFFFFC000  }
0x63: {  	[tilespmem:s26], [sflag:$0x1] =	stream.indirect.gather @!p1 [hbm4b:s2+s25], $0x80, s24, s25, $0xb8;
	[tilespmem:$0x15000] =	vst v63  }
0x64: {  	s24 =	sadd.s32 @!p1 $0x2800, s24;
	s26 =	simm.s32 @!p1 $0xD000  }
0x65: {  	[tilespmem:s26], [sflag:$0x3] =	stream.indirect.gather @!p1 [hbm4b:s2+s25], $0x80, s24, s25, $0xb8;
	[tilespmem:$0x15000] =	vst v63  }
0x66: {  	s24 =	simm.s32 $0x0  }
0x67: {  	v5 =	vld [tilespmem:s24+$0x11040]  }
0x68: {  	v6 =	vld [tilespmem:s24+$0x11050]  }
0x69: {  	v1 =	vld [tilespmem:s24+$0x11060]  }
0x6a: {  	v0 =	vld [tilespmem:s24+$0x11070]  }
0x6b: {  	v2 =	vld [tilespmem:s24+$0x9000]  }
0x6c: {  	v4 =	vld [tilespmem:s24+$0x9010]  }
0x6d: {  	s25 =	simm.s32 $0x200;
	v3 =	vld [tilespmem:s24+$0x9020]  }
.LBB2_9:
0x6e: {  	s26 =	sshra.s32 s25, $0x2;
	p1 =	sne.s32 s25, $0xFE00;
	v7 =	vld [tilespmem:s24+$0x9030];
	v8 =	vmov v1  }
0x6f: {  	v10 =	vmov v0;
	v9 =	vld [tilespmem:s26+$0x11040]  }
0x70: {  	v2 =	vadd.f32 v5, v2;
	v11 =	vld [tilespmem:s26+$0x11050]  }
.Ltmp8:
0x71: {  	v4 =	vadd.f32 v6, v4;
	v1 =	vld [tilespmem:s26+$0x11060];
	(pc) =	sbr.rel @p1 .LBB2_9-.Ltmp8, $4  }
0x72: {  	v3 =	vadd.f32 v8, v3;
	v0 =	vld [tilespmem:s26+$0x11070];
	[tilespmem:s24+$0x9000] =	vst v2  }
0x73: {  	v2 =	vld [tilespmem:s26+$0x9000];
	[tilespmem:s24+$0x9010] =	vst v4;
	v7 =	vadd.f32 v10, v7  }
0x74: {  	v4 =	vld [tilespmem:s26+$0x9010];
	[tilespmem:s24+$0x9020] =	vst v3;
	v5 =	vmov v9  }
0x75: {  	s25 =	sadd.s32 $0x200, s25;
	v3 =	vld [tilespmem:s26+$0x9020];
	[tilespmem:s24+$0x9030] =	vst v7;
	v6 =	vmov v11;
	s24 =	smov.u32 s26  }
.Ltmp9:
0x76: {  	_ = 	snop;
	(pc) =	sbr.rel .LBB2_10-.Ltmp9, $1  }
0x77: {  	_ =	sdelay $0x3  }
.LBB2_13:
0x78: {  	_ =	sfence.sel $0x180000  }
0x79: {  	[bflag:$0x0] =	sbarrier.arrive $0xFFFF  }
0x7a: {  	p0 =	sne.s32 s0, $0x0;
	_ =	strace $0x90000047  }
0x7b: {  	s0 =	sadd.s32 @!p0 $0x100000, s1;
	[bflag:$0x2] =	sbarrier.arrive $0xFFFF  }
0x7c: {  	[sflag:s0] =	ssyncadd.tile.s32 @!p0 $0x1;
	_ =	shalt  }
.Lfunc_end2:
_tile_overlayer_lowered:
.L_overlay_start_2:
0x7d: {  	(tag) =	ssettag $0x2  }
0x7e: {  	s0 =	rddreg [dreg:$0x0];
	s2 =	stileid.u32  }
0x7f: {  	s1 =	rddreg [dreg:$0x1];
	p0 =	sne.s32 s2, $0x0  }
0x80: {  	s3 =	rddreg [dreg:$0x2];
	[bflag:$0x3] =	sbarrier.arrive $0xFFFF;
	s2 =	simm.s32 @!p0 $0x1C07  }
0x81: {  	[timem:s3], [sflag:s2] =	dma.local @!p0 [hbm:s0], s1  }
0x82: {  	s0 =	simm.s32 @!p0 $0x7  }
0x83: {  	_ =	swait.ge @!p0 [sflag:s0], s1  }
0x84: {  	s1 =	ssub.s32 @!p0 $0x0, s1;
	[sflag:s0] =	ssyncset.done @!p0 $0x0  }
0x85: {  	[sflag:s0] =	ssyncadd.s32 @!p0 s1  }
0x86: {  	[bflag:$0x3] =	sbarrier.arrive $0xFFFF  }
0x87: {  	_ =	shalt  }

// kernel: kernel.19.cloned.1.call-start
scs
__scs_entry_jumppad:
0x0: {  	(pc) =	sbr.rel $0x88, $3  }
0x1: {  	(tag) =	ssettag $0x0;
	lr =	simm.s32 $0x1  }
0x2: {  	[smem:$0x3F75] =	sst lr;
	_ =	strace $0xD0000000  }
0x3: {  	_ = 	snop  }
0x4: {  	_ = 	snop  }
0x5: {  	_ = 	snop  }
0x6: {  	_ = 	snop  }
0x7: {  	_ = 	snop  }
__scs_overlays_trampoline_lowered:
0x8: {  	[smem:$0x3F84] =	sst s0  }
0x9: {  	[smem:$0x3F85] =	sst s1  }
0xa: {  	[smem:$0x3F86] =	sst s2  }
0xb: {  	[smem:$0x3F87] =	sst s3  }
0xc: {  	[smem:$0x3F88] =	sst s4  }
0xd: {  	[smem:$0x3F89] =	sst s5  }
0xe: {  	[smem:$0x3F8A] =	sst s6  }
0xf: {  	[smem:$0x3F8B] =	sst s7  }
0x10: {  	[smem:$0x3F8C] =	sst s8  }
0x11: {  	[smem:$0x3F8D] =	sst s9;
	s0 =	simm.s32 @!p0 $0x0  }
0x12: {  	s1 =	sld [smem:$0x3F73];
	s0 =	simm.s32 @p0 $0x1  }
0x13: {  	[smem:$0x3F8E] =	sst s0;
	s0 =	simm.s32 @!p1 $0x0  }
0x14: {  	s2 =	sld [smem:$0x3F72];
	s0 =	simm.s32 @p1 $0x1  }
0x15: {  	[smem:$0x3F8F] =	sst s0;
	s0 =	simm.s32 @!p2 $0x0  }
0x16: {  	s3 =	sld [smem:$0x3FDB];
	s0 =	simm.s32 @p2 $0x1  }
0x17: {  	s4 =	simm.s32 $0x1BF5;
	[smem:$0x3F91] =	sst s0  }
0x18: {  	s0 =	sld [smem:$0x3F74];
	_ =	swait.ge [sflag:s4], $0x0  }
0x19: {  	s7 =	sld [smem:$0x3F75]  }
0x1a: {  	s8 =	sadd.s32 $0xFFFFE003, lr  }
0x1b: {  	s9 =	sadd.s32 $0xFFFFFEF7, lr;
	s5 =	simm.s32 $0xFFFFFFFF;
	p2 =	slt.u32 s8, $0xFFFFF086  }
0x1c: {  	p1 =	slt.u32 s9, $0xF7A;
	s5 =	simm.s32 @!p2 $0x0  }
0x1d: {  	s5 =	simm.s32 @p1 $0x1;
	p0 =	seq.s32 s7, s2  }
0x1e: {  	s7 =	smul.u32 @!p0 $0xF7A, s2;
	p2 =	seq.s32 @!p0 s5, $0x0  }
0x1f: {  	s9 =	smul.u32 $0xF7A, s1;
	s8 =	simm.s32 @!p0 $0x1BF5;
	p2 =	por !p2, p0  }
0x20: {  	[sflag:s8] =	ssyncset.s32 @!p0 $0xFFFFF086;
	s6 =	sadd.s32 @!p0 s3, s7;
	s7 =	simm.s32 @!p0 $0x108  }
0x21: {  	s3 =	sadd.s32 s3, s9;
	s6 =	sadd.s32 @!p0 $0x88, s6;
	s7 =	simm.s32 @p2 $0x1082  }
0x22: {  	[simem:s7], [sflag:s8] =	dma.local @!p0 [hbm:s6], $0xF7A  }
0x23: {  	s9 =	sor.u32 $0xD0000000, s2;
	s6 =	simm.s32 $0x108;
	_ =	swait.ge @!p0 [sflag:s8], $0x0  }
0x24: {  	s3 =	sadd.s32 $0x88, s3;
	s6 =	simm.s32 @!p1 $0x1082;
	[sflag:s4] =	ssyncset.s32 $0xFFFFF086  }
0x25: {  	[simem:s6], [sflag:s4] =	dma.local [hbm:s3], $0xF7A  }
0x26: {  	[smem:$0x3F75] =	sst s1;
	(tag) =	ssettag s2;
	_ =	strace s9  }
0x27: {  	s1 =	sld [smem:$0x3F85]  }
0x28: {  	s2 =	sld [smem:$0x3F86]  }
0x29: {  	s4 =	sld [smem:$0x3F88]  }
0x2a: {  	p0 =	seq.s32 s5, $0x0;
	s5 =	sld [smem:$0x3F89]  }
0x2b: {  	s6 =	sld [smem:$0x3F8A]  }
0x2c: {  	s7 =	sld [smem:$0x3F8B]  }
0x2d: {  	s3 =	simm.s32 $0x108;
	s8 =	sld [smem:$0x3F8C]  }
0x2e: {  	s3 =	simm.s32 @!p0 $0x1082;
	s9 =	sld [smem:$0x3F8D]  }
0x2f: {  	lr =	sadd.s32 s0, s3;
	s0 =	sld [smem:$0x3F84]  }
0x30: {  	s3 =	sld [smem:$0x3F87]  }
0x31: {  	[smem:$0x3F90] =	sst s10  }
0x32: {  	s10 =	sld [smem:$0x3F8E];
	_ =	sdelay $0x3  }
0x33: {  	p0 =	seq.s32 s10, $0x1;
	s10 =	sld [smem:$0x3F90];
	_ =	sdelay $0x3  }
0x34: {  	[smem:$0x3F90] =	sst s10  }
0x35: {  	s10 =	sld [smem:$0x3F8F];
	_ =	sdelay $0x3  }
0x36: {  	p1 =	seq.s32 s10, $0x1;
	s10 =	sld [smem:$0x3F90];
	_ =	sdelay $0x3  }
0x37: {  	[smem:$0x3F90] =	sst s10  }
0x38: {  	s10 =	sld [smem:$0x3F91]  }
0x39: {  	_ = 	snop;
	(pc) =	sbr.ind lr, $3  }
0x3a: {  	_ = 	snop  }
0x3b: {  	_ = 	snop  }
0x3c: {  	p2 =	seq.s32 s10, $0x1;
	s10 =	sld [smem:$0x3F90]  }
0x3d: {  	_ =	shalt  }
0x3e: {  	_ =	shalt  }
0x3f: {  	_ =	shalt  }
0x40: {  	_ =	shalt  }
0x41: {  	_ =	shalt  }
0x42: {  	_ =	shalt  }
0x43: {  	_ =	shalt  }
0x44: {  	_ =	shalt  }
0x45: {  	_ =	shalt  }
0x46: {  	_ =	shalt  }
0x47: {  	_ =	shalt  }
0x48: {  	_ =	shalt  }
0x49: {  	_ =	shalt  }
0x4a: {  	_ =	shalt  }
0x4b: {  	_ =	shalt  }
0x4c: {  	_ =	shalt  }
0x4d: {  	_ =	shalt  }
0x4e: {  	_ =	shalt  }
0x4f: {  	_ =	shalt  }
0x50: {  	_ =	shalt  }
0x51: {  	_ =	shalt  }
0x52: {  	_ =	shalt  }
0x53: {  	_ =	shalt  }
0x54: {  	_ =	shalt  }
0x55: {  	_ =	shalt  }
0x56: {  	_ =	shalt  }
0x57: {  	_ =	shalt  }
0x58: {  	_ =	shalt  }
0x59: {  	_ =	shalt  }
0x5a: {  	_ =	shalt  }
0x5b: {  	_ =	shalt  }
0x5c: {  	_ =	shalt  }
0x5d: {  	_ =	shalt  }
0x5e: {  	_ =	shalt  }
0x5f: {  	_ =	shalt  }
0x60: {  	_ =	shalt  }
0x61: {  	_ =	shalt  }
0x62: {  	_ =	shalt  }
0x63: {  	_ =	shalt  }
0x64: {  	_ =	shalt  }
0x65: {  	_ =	shalt  }
0x66: {  	_ =	shalt  }
0x67: {  	_ =	shalt  }
0x68: {  	_ =	shalt  }
0x69: {  	_ =	shalt  }
0x6a: {  	_ =	shalt  }
0x6b: {  	_ =	shalt  }
0x6c: {  	_ =	shalt  }
0x6d: {  	_ =	shalt  }
0x6e: {  	_ =	shalt  }
0x6f: {  	_ =	shalt  }
0x70: {  	_ =	shalt  }
0x71: {  	_ =	shalt  }
0x72: {  	_ =	shalt  }
0x73: {  	_ =	shalt  }
0x74: {  	_ =	shalt  }
0x75: {  	_ =	shalt  }
0x76: {  	_ =	shalt  }
0x77: {  	_ =	shalt  }
0x78: {  	_ =	shalt  }
0x79: {  	_ =	shalt  }
0x7a: {  	_ =	shalt  }
0x7b: {  	_ =	shalt  }
0x7c: {  	_ =	shalt  }
0x7d: {  	_ =	shalt  }
0x7e: {  	_ =	shalt  }
0x7f: {  	_ =	shalt  }
0x80: {  	_ =	shalt  }
0x81: {  	_ =	shalt  }
0x82: {  	_ =	shalt  }
0x83: {  	_ =	shalt  }
0x84: {  	_ =	shalt  }
0x85: {  	_ =	shalt  }
0x86: {  	_ =	shalt  }
0x87: {  	_ =	shalt  }
.Lfunc_end0:
.L_simem_size_0:
called_computation.2_lowered:
.L_overlay_start_0:
0x88: {  	s2 =	sld [smem:$0x3FD9]  }
0x89: {  	s3 =	sld [smem:$0x3FFE];
	_ =	sdelay $0x1  }
0x8a: {  	s1 =	srdreg.scid  }
0x8b: {  	s0 =	sand.u32 $0x1, s1  }
0x8c: {  	s16 =	sshll.u32 s0, $0xA;
	s2 =	sadd.s32 s3, s2  }
0x8d: {  	s2 =	sadd.s32 s2, s16  }
0x8e: {  	[smem:$0x3F9C] =	sst s2  }
0x8f: {  	_ = 	snop  }
0x90: {  	(tm) =	ssettm $0x1  }
0x91: {  	s17 =	sld [smem:$0x3FFB];
	_ =	sdelay $0x3  }
0x92: {  	_ =	strace s17  }
0x93: {  	s2 =	sld [smem:$0x3FFC];
	_ =	sdelay $0x3  }
0x94: {  	_ =	strace s2  }
0x95: {  	s2 =	sld [smem:$0x3FFD];
	_ =	sdelay $0x3  }
0x96: {  	_ =	strace s2  }
0x97: {  	_ =	strace $0x8FFFFFFF  }
0x98: {  	s18 =	sld [smem:$0x3FDB];
	_ =	sdelay $0x1  }
0x99: {  	s19 =	simm.s32 $_scs_section_size  }
0x9a: {  	s4 =	simm.s32 $_size__tile_overlayer_lowered;
	s5 =	simm.s32 $_tile_overlayer_lowered  }
0x9b: {  	s22 =	simm.s32 $0x1BFF;
	s21 =	sshll.u32 s5, $0x1;
	s2 =	sadd.s32 s19, s18  }
0x9c: {  	s6 =	simm.s32 $0x0;
	s20 =	sshll.u32 s4, $0x1;
	s4 =	sadd.s32 s21, s2  }
0x9d: {  	[timem:s6], [sflag:s22] =	dma.local [hbm:s4], s20  }
0x9e: {  	_ =	swait.ge [sflag:s22], s20  }
0x9f: {  	s3 =	ssub.s32 $0x0, s20;
	[sflag:s22] =	ssyncset.done $0x0  }
0xa0: {  	[sflag:s22] =	ssyncadd.s32 s3;
	_ =	sdelay $0x1  }
0xa1: {  	s23 =	simm.s32 $0x1B8B  }
0xa2: {  	_ =	swait.ge [sflag:s23], $0x1  }
0xa3: {  	[sflag:s23] =	ssyncset.done $0x0  }
0xa4: {  	s25 =	simm.s32 $0x1B8E;
	s24 =	sld [smem:$0x3FFE];
	[sflag:s23] =	ssyncadd.s32 $0xFFFFFFFF  }
0xa5: {  	s26 =	simm.s32 $execute0_lowered;
	[smem:$0x3FD2] =	sst s25  }
0xa6: {  	s4 =	sshll.u32 s26, $0x1;
	_ =	strace $0x80000049;
	[dreg:$0x1] =	wrdreg $0xFFFFFFFF  }
0xa7: {  	s28 =	simm.s32 $_size_execute0_lowered;
	s2 =	sadd.s32 s2, s4;
	[dreg:$0x0] =	wrdreg $0x0  }
0xa8: {  	s4 =	sshll.u32 s28, $0x1;
	[dreg:$0x2] =	wrdreg s2  }
0xa9: {  	[dreg:$0x3] =	wrdreg s4  }
0xaa: {  	[dreg:$0x4] =	wrdreg $0xC0  }
0xab: {  	_ =	task [dreg:s6], $0x5FFFF  }
0xac: {  	[dreg:$0x1] =	wrdreg $0xFFFFFFFF  }
0xad: {  	[dreg:$0x0] =	wrdreg $0x60  }
0xae: {  	[dreg:$0x2] =	wrdreg s24  }
0xaf: {  	[dreg:$0x3] =	wrdreg $0xA8000  }
0xb0: {  	[dreg:$0x4] =	wrdreg $0x9  }
0xb1: {  	_ =	task.clear_ibuf [dreg:s6], $0x5FFFF;
	_ =	strace $0x90000049  }
0xb2: {  	s29 =	simm.s32 $0x9;
	_ =	strace $0x8000004B  }
0xb3: {  	_ =	swait.ge [sflag:s29], $0x1  }
0xb4: {  	[sflag:s29] =	ssyncadd.s32 $0xFFFFFFFF  }
0xb5: {  	_ =	strace $0x9000004B  }
0xb6: {  	_ =	sfence  }
0xb7: {  	s30 =	sld [smem:$0x0];
	_ =	sdelay $0x2  }
0xb8: {  	s31 =	sshll.u32 s1, $0xD;
	s1 =	sshrl.u32 s1, $0x2  }
0xb9: {  	s3 =	sand.u32 $0x4000, s31;
	s1 =	sadd.s32 s1, s30  }
0xba: {  	s0 =	sor.u32 s3, s0;
	s1 =	sshll.u32 s1, $0x11  }
0xbb: {  	s0 =	sor.u32 s1, s0  }
0xbc: {  	s0 =	sadd.s32 $0x8F2B, s0  }
0xbd: {  	[sflag:s0] =	ssyncadd.remote.s32 $0x1  }
0xbe: {  	_ =	sfence.sel $0xFFFF  }
0xbf: {  	[dreg:$0x0] =	wrdreg $0xFFFFFFFF;
	(pc) =	sbr.abs _section_cstart, $3  }
0xc0: {  	[dreg:$0x1] =	wrdreg $0xFFFFFFFF  }
0xc1: {  	_ =	task.clear_ibuf [dreg:s6], $0x2FFFF;
	_ =	strace $0x9FFFFFFF  }
0xc2: {  	(tm) =	ssettm $0x7FFFFFFF  }
0xc3: {  	_ =	shalt  }
tec
execute0_lowered:
.L_overlay_start_1:
0x0: {  	(tag) =	ssettag $0x1  }
0x1: {  	s4 =	rddreg [dreg:$0x0];
	s1 =	stileid.u32  }
0x2: {  	s0 =	srdreg.scid;
	s25 =	smul.u32 $0x14000, s1  }
0x3: {  	s2 =	rddreg [dreg:$0x1];
	s3 =	simm.s32 $0x0;
	s26 =	smul.u32 $0x50000, s1  }
0x4: {  	s17 =	simm.s32 $0x3;
	s5 =	sand.u32 $0x1, s0;
	s11 =	smul.u32 $0xA0, s1  }
0x5: {  	s0 =	rddreg [dreg:$0x2];
	s6 =	sshll.u32 s1, $0x1;
	s7 =	smul.u32 $0x140000, s5  }
0x6: {  	[smem:$0x7FF] =	sst s3;
	s8 =	sor.u32 s5, s6;
	s15 =	smul.u32 $0x50, s5  }
0x7: {  	s12 =	sadd.s32 $0x525A00, s4;
	s28 =	ssub.s32 $0x2, s5;
	s9 =	smul.u32 $0x500, s8  }
0x8: {  	_ =	strace $0x8000004A;
	s29 =	smul.u32 $0x50, s8;
	s30 =	sshrl.u32 s28, $0x1  }
0x9: {  	s31 =	smul.u32 $0x28000, s8;
	s6 =	sadd.s32 s25, s7;
	s7 =	sshrl.u32 s26, $0x2  }
0xa: {  	s16 =	ssub.s32 s28, s30;
	s11 =	sadd.s32 s15, s11;
	s10 =	sadd.s32 s9, s4  }
0xb: {  	s6 =	sshrl.u32 s6, $0x3;
	s14 =	ssub.s32 $0x9C4, s29;
	s15 =	sshll.u32 s11, $0xB  }
0xc: {  	s11 =	sadd.s32 s12, s31;
	s13 =	sadd.s32 s6, s4;
	s4 =	sadd.s32 s7, s2  }
0xd: {  	s5 =	smin.u32 s14, $0x50;
	s10 =	sadd.s32 $0x7A00, s10;
	s15 =	sadd.s32 s15, s12  }
0xe: {  	s6 =	sadd.s32 $0x4000, s4;
	s7 =	sadd.s32 $0x8000, s4;
	s8 =	sadd.s32 $0xC000, s4  }
0xf: {  	s9 =	sadd.s32 $0x10000, s4;
	s12 =	sadd.s32 $0x43A00, s13;
	s13 =	smax.u32 s16, $0x1  }
0x10: {  	v0 =	vimm.f32 $0.0e+00;
	s14 =	sadd.s32 $0x800, s15;
	s15 =	sadd.s32 $0x1000, s15;
	s16 =	simm.s32 $0x2800  }
.LBB2_1:
0x11: {  	s18 =	simm.s32 $0x0;
	s19 =	simm.s32 $0x200  }
.LBB2_2:
0x12: {  	p0 =	sne.s32 s19, $0xFE00;
	[tilespmem:s18+$0x2870] =	vst v0  }
0x13: {  	[tilespmem:s18+$0x2800] =	vst v0  }
0x14: {  	[tilespmem:s18+$0x2810] =	vst v0  }
.Ltmp0:
0x15: {  	[tilespmem:s18+$0x2820] =	vst v0;
	(pc) =	sbr.rel @p0 .LBB2_2-.Ltmp0, $4  }
0x16: {  	[tilespmem:s18+$0x2830] =	vst v0  }
0x17: {  	[tilespmem:s18+$0x2840] =	vst v0  }
0x18: {  	[tilespmem:s18+$0x2850] =	vst v0  }
0x19: {  	[tilespmem:s18+$0x2860] =	vst v0;
	s18 =	sshra.s32 s19, $0x2;
	s19 =	sadd.s32 $0x200, s19  }
0x1a: {  	[tilespmem:s18+$0x2870] =	vst v0  }
0x1b: {  	[tilespmem:s18+$0x2800] =	vst v0  }
0x1c: {  	[tilespmem:s18+$0x2810] =	vst v0  }
0x1d: {  	[tilespmem:s18+$0x2820] =	vst v0  }
0x1e: {  	[tilespmem:s18+$0x2830] =	vst v0  }
0x1f: {  	[tilespmem:s18+$0x2840] =	vst v0  }
0x20: {  	[tilespmem:s18+$0x2850] =	vst v0  }
0x21: {  	[tilespmem:s18+$0x2860] =	vst v0  }
0x22: {  	[spmem:s4] =	stream.linear.scatter [tilespmem:s16], [sflag:$0x3], $0x4000, $0x38;
	[tilespmem:$0x1E800] =	vst v63  }
0x23: {  	_ =	swait.ge [sflag:s17], $0x4000  }
0x24: {  	[sflag:s17] =	ssyncset.done $0x0  }
0x25: {  	[sflag:s17] =	ssyncadd.s32 $0xFFFFC000  }
0x26: {  	[spmem:s6] =	stream.linear.scatter [tilespmem:s16], [sflag:$0x3], $0x4000, $0x38;
	[tilespmem:$0x1E800] =	vst v63  }
0x27: {  	_ =	swait.ge [sflag:s17], $0x4000  }
0x28: {  	[sflag:s17] =	ssyncset.done $0x0  }
0x29: {  	[sflag:s17] =	ssyncadd.s32 $0xFFFFC000  }
0x2a: {  	[spmem:s7] =	stream.linear.scatter [tilespmem:s16], [sflag:$0x3], $0x4000, $0x38;
	[tilespmem:$0x1E800] =	vst v63  }
0x2b: {  	_ =	swait.ge [sflag:s17], $0x4000  }
0x2c: {  	[sflag:s17] =	ssyncset.done $0x0  }
0x2d: {  	[sflag:s17] =	ssyncadd.s32 $0xFFFFC000  }
0x2e: {  	[spmem:s8] =	stream.linear.scatter [tilespmem:s16], [sflag:$0x3], $0x4000, $0x38;
	[tilespmem:$0x1E800] =	vst v63  }
0x2f: {  	_ =	swait.ge [sflag:s17], $0x4000  }
0x30: {  	[sflag:s17] =	ssyncset.done $0x0  }
0x31: {  	[sflag:s17] =	ssyncadd.s32 $0xFFFFC000  }
0x32: {  	[spmem:s9] =	stream.linear.scatter [tilespmem:s16], [sflag:$0x3], $0x4000, $0x38;
	[tilespmem:$0x1E800] =	vst v63  }
0x33: {  	_ =	swait.ge [sflag:s17], $0x4000  }
0x34: {  	[sflag:s17] =	ssyncset.done $0x0  }
0x35: {  	s18 =	simm.s32 $0x0;
	[sflag:s17] =	ssyncadd.s32 $0xFFFFC000  }
0x36: {  	[tilespmem:s18], [sflag:$0x3] =	stream.linear.gather [hbm4b:s10+s18], $0x2800, $0x38;
	[tilespmem:$0x1E800] =	vst v63  }
0x37: {  	_ =	swait.ge [sflag:s17], $0x2800  }
0x38: {  	[sflag:s17] =	ssyncset.done $0x0  }
0x39: {  	p1 =	sle.u32 s5, $0x0;
	[sflag:s17] =	ssyncadd.s32 $0xFFFFD800  }
0x3a: {  	s19 =	simm.s32 @!p1 $0x1;
	[bflag:$0x0] =	sbarrier.arrive $0xFFFF  }
0x3b: {  	[tilespmem:s16], [sflag:$0x1] =	stream.linear.gather [hbm4b:s11+s18], $0x4000, $0x38;
	[tilespmem:$0x1E800] =	vst v63  }
0x3c: {  	p0 =	sle.u32 @!p1 s5, $0x1;
	_ =	swait.ge @!p1 [sflag:s19], $0x4000  }
0x3d: {  	p0 =	por p0, p1;
	[sflag:s19] =	ssyncset.done @!p1 $0x0  }
0x3e: {  	s20 =	simm.s32 @!p0 $0x6800;
	[sflag:s19] =	ssyncadd.s32 @!p1 $0xFFFFC000;
	s19 =	simm.s32 @!p0 $0x0  }
0x3f: {  	[tilespmem:s20], [sflag:$0x2] =	stream.linear.gather @!p0 [hbm4b:s14+s19], $0x4000, $0x38;
	[tilespmem:$0x1E800] =	vst v63  }
0x40: {  	s21 =	simm.s32 @!p1 $0x4;
	s19 =	simm.s32 @!p1 $0x80;
	s20 =	simm.s32 @!p1 $0x2800  }
0x41: {  	[spmem:s2] =	stream.indirect.scatter.add.f32 @!p1 [tilespmem:s20], [sflag:$0x4], $0x80, s18, s19, $0xb8;
	[tilespmem:$0x1E800] =	vst v63  }
0x42: {  	_ =	swait.ge @!p1 [sflag:s21], $0x4000  }
0x43: {  	p0 =	sle.u32 s5, $0x1;
	[sflag:s21] =	ssyncset.done @!p1 $0x0  }
0x44: {  	s19 =	simm.s32 @!p0 $0x2;
	[sflag:s21] =	ssyncadd.s32 @!p1 $0xFFFFC000  }
0x45: {  	s22 =	simm.s32 $0x4;
	p1 =	sle.u32 @!p0 s5, $0x2;
	_ =	swait.ge @!p0 [sflag:s19], $0x4000  }
0x46: {  	s23 =	simm.s32 @!p0 $0x3;
	p1 =	por p1, p0;
	[sflag:s19] =	ssyncset.done @!p0 $0x0  }
0x47: {  	s20 =	simm.s32 @!p1 $0x2800;
	[sflag:s19] =	ssyncadd.s32 @!p0 $0xFFFFC000;
	s19 =	simm.s32 @!p1 $0x0  }
0x48: {  	[tilespmem:s20], [sflag:$0x1] =	stream.linear.gather @!p1 [hbm4b:s15+s19], $0x4000, $0x38;
	[tilespmem:$0x1E800] =	vst v63  }
0x49: {  	s21 =	simm.s32 @!p0 $0x6800;
	s19 =	simm.s32 @!p0 $0x80;
	s20 =	simm.s32 @!p0 $0x80  }
0x4a: {  	[spmem:s2] =	stream.indirect.scatter.add.f32 @!p0 [tilespmem:s21], [sflag:$0x3], $0x80, s19, s20, $0xb8;
	[tilespmem:$0x1E800] =	vst v63  }
0x4b: {  	s18 =	simm.s32 $0x2;
	s19 =	sadd.s32 $0x1000, s15;
	_ =	swait.ge @!p0 [sflag:s23], $0x4000  }
0x4c: {  	s20 =	simm.s32 $0x100;
	s21 =	sadd.s32 $0x1000, s14;
	[sflag:s23] =	ssyncset.done @!p0 $0x0  }
.LBB2_4:
0x4d: {  	p2 =	sge.u32 s18, s5  }
0x4e: {  	[sflag:s23] =	ssyncadd.s32 @!p0 $0xFFFFC000;
	s23 =	smov.u32 s22;
	s22 =	sadd.s32 $0x2, s22  }
0x4f: {  	p1 =	sne.s32 s22, $0x50;
	s24 =	simm.s32 @!p2 $0x1;
	s25 =	sadd.s32 @!p2 $0x1, s18  }
0x50: {  	_ =	swait.ge @!p2 [sflag:s24], $0x4000;
	p0 =	sge.u32 @!p2 s25, s5  }
0x51: {  	[sflag:s24] =	ssyncset.done @!p2 $0x0;
	p0 =	por p0, p2  }
0x52: {  	[sflag:s24] =	ssyncadd.s32 @!p2 $0xFFFFC000;
	s24 =	simm.s32 @!p0 $0x0;
	s25 =	simm.s32 @!p0 $0x6800  }
0x53: {  	[tilespmem:s25], [sflag:$0x2] =	stream.linear.gather @!p0 [hbm4b:s21+s24], $0x4000, $0x38;
	[tilespmem:$0x1E800] =	vst v63  }
0x54: {  	s26 =	simm.s32 @!p2 $0x4;
	s24 =	simm.s32 @!p2 $0x80;
	s25 =	simm.s32 @!p2 $0x2800  }
0x55: {  	[spmem:s2] =	stream.indirect.scatter.add.f32 @!p2 [tilespmem:s25], [sflag:$0x4], $0x80, s20, s24, $0xb8;
	[tilespmem:$0x1E800] =	vst v63  }
0x56: {  	s24 =	sadd.s32 $0x1, s18;
	_ =	swait.ge @!p2 [sflag:s26], $0x4000  }
0x57: {  	p0 =	sge.u32 s24, s5;
	[sflag:s26] =	ssyncset.done @!p2 $0x0  }
0x58: {  	s24 =	simm.s32 @!p0 $0x2;
	s18 =	sadd.s32 @!p0 $0x2, s18;
	[sflag:s26] =	ssyncadd.s32 @!p2 $0xFFFFC000  }
0x59: {  	p2 =	sge.u32 @!p0 s18, s5;
	s18 =	smov.u32 s23;
	_ =	swait.ge @!p0 [sflag:s24], $0x4000  }
0x5a: {  	s23 =	simm.s32 @!p0 $0x3;
	p2 =	por p2, p0;
	[sflag:s24] =	ssyncset.done @!p0 $0x0  }
0x5b: {  	s25 =	simm.s32 @!p2 $0x2800;
	[sflag:s24] =	ssyncadd.s32 @!p0 $0xFFFFC000;
	s24 =	simm.s32 @!p2 $0x0  }
0x5c: {  	[tilespmem:s25], [sflag:$0x1] =	stream.linear.gather @!p2 [hbm4b:s19+s24], $0x4000, $0x38;
	[tilespmem:$0x1E800] =	vst v63  }
.Ltmp1:
0x5d: {  	_ = 	snop;
	(pc) =	sbr.rel @p1 .LBB2_4-.Ltmp1, $4  }
0x5e: {  	s26 =	simm.s32 @!p0 $0x6800;
	s24 =	sadd.s32 @!p0 $0x80, s20;
	s25 =	simm.s32 @!p0 $0x80  }
0x5f: {  	[spmem:s2] =	stream.indirect.scatter.add.f32 @!p0 [tilespmem:s26], [sflag:$0x3], $0x80, s24, s25, $0xb8;
	[tilespmem:$0x1E800] =	vst v63  }
0x60: {  	s19 =	sadd.s32 $0x1000, s19;
	_ =	swait.ge @!p0 [sflag:s23], $0x4000  }
0x61: {  	s21 =	sadd.s32 $0x1000, s21;
	s20 =	sadd.s32 $0x100, s20;
	[sflag:s23] =	ssyncset.done @!p0 $0x0  }
0x62: {  	p1 =	sge.u32 s18, s5  }
0x63: {  	[sflag:s23] =	ssyncadd.s32 @!p0 $0xFFFFC000;
	s22 =	simm.s32 @!p1 $0x1;
	s23 =	sadd.s32 @!p1 $0x1, s18  }
0x64: {  	_ =	swait.ge @!p1 [sflag:s22], $0x4000;
	p0 =	sge.u32 @!p1 s23, s5  }
0x65: {  	[sflag:s22] =	ssyncset.done @!p1 $0x0;
	p0 =	por p0, p1  }
0x66: {  	[sflag:s22] =	ssyncadd.s32 @!p1 $0xFFFFC000;
	s22 =	simm.s32 @!p0 $0x0;
	s23 =	simm.s32 @!p0 $0x6800  }
0x67: {  	[tilespmem:s23], [sflag:$0x2] =	stream.linear.gather @!p0 [hbm4b:s21+s22], $0x4000, $0x38;
	[tilespmem:$0x1E800] =	vst v63  }
0x68: {  	s21 =	simm.s32 @!p1 $0x80;
	s22 =	simm.s32 @!p1 $0x2800;
	s23 =	simm.s32 @!p1 $0x4  }
0x69: {  	[spmem:s2] =	stream.indirect.scatter.add.f32 @!p1 [tilespmem:s22], [sflag:$0x4], $0x80, s20, s21, $0xb8;
	[tilespmem:$0x1E800] =	vst v63  }
0x6a: {  	s29 =	sadd.s32 $0x1, s18;
	_ =	swait.ge @!p1 [sflag:s23], $0x4000  }
0x6b: {  	p0 =	sge.u32 s29, s5;
	[sflag:s23] =	ssyncset.done @!p1 $0x0  }
0x6c: {  	s18 =	sadd.s32 @!p0 $0x2, s18;
	s21 =	simm.s32 @!p0 $0x2;
	[sflag:s23] =	ssyncadd.s32 @!p1 $0xFFFFC000  }
0x6d: {  	p1 =	sge.u32 @!p0 s18, s5;
	_ =	swait.ge @!p0 [sflag:s21], $0x4000  }
0x6e: {  	s18 =	simm.s32 @!p0 $0x3;
	p1 =	por p1, p0;
	[sflag:s21] =	ssyncset.done @!p0 $0x0  }
0x6f: {  	s22 =	simm.s32 @!p1 $0x2800;
	[sflag:s21] =	ssyncadd.s32 @!p0 $0xFFFFC000;
	s21 =	simm.s32 @!p1 $0x0  }
0x70: {  	[tilespmem:s22], [sflag:$0x1] =	stream.linear.gather @!p1 [hbm4b:s19+s21], $0x4000, $0x38;
	[tilespmem:$0x1E800] =	vst v63  }
0x71: {  	s19 =	sadd.s32 @!p0 $0x80, s20;
	s20 =	simm.s32 @!p0 $0x80;
	s21 =	simm.s32 @!p0 $0x6800  }
0x72: {  	[spmem:s2] =	stream.indirect.scatter.add.f32 @!p0 [tilespmem:s21], [sflag:$0x3], $0x80, s19, s20, $0xb8;
	[tilespmem:$0x1E800] =	vst v63  }
0x73: {  	_ =	swait.ge @!p0 [sflag:s18], $0x4000  }
0x74: {  	s30 =	sshll.u32 s1, $0x6;
	s3 =	sadd.s32 $0x1, s3;
	[sflag:s18] =	ssyncset.done @!p0 $0x0  }
0x75: {  	s31 =	sshrl.u32 s4, $0x3;
	[sflag:s18] =	ssyncadd.s32 @!p0 $0xFFFFC000;
	p0 =	sne.s32 s3, s13  }
.Ltmp2:
0x76: {  	s18 =	sor.u32 $0x1C03, s30;
	[bflag:$0x0] =	sbarrier.arrive $0xFFFF;
	(pc) =	sbr.rel @p0 .LBB2_1-.Ltmp2, $4  }
0x77: {  	[hbm:s12], [sflag:s18] =	dma.local [spmem:s31], $0x2800  }
0x78: {  	_ =	swait.ge [sflag:s17], $0x2800  }
0x79: {  	[sflag:s17] =	ssyncset.done $0x0  }
0x7a: {  	[sflag:s17] =	ssyncadd.s32 $0xFFFFD800  }
0x7b: {  	_ =	sfence.sel $0x180000  }
0x7c: {  	[bflag:$0x0] =	sbarrier.arrive $0xFFFF  }
0x7d: {  	p0 =	sne.s32 s1, $0x0;
	_ =	strace $0x9000004A  }
0x7e: {  	s0 =	sadd.s32 @!p0 $0x100000, s0;
	[bflag:$0x2] =	sbarrier.arrive $0xFFFF  }
0x7f: {  	[sflag:s0] =	ssyncadd.tile.s32 @!p0 $0x1;
	_ =	shalt  }
.Lfunc_end2:
_tile_overlayer_lowered:
.L_overlay_start_2:
0x80: {  	(tag) =	ssettag $0x2  }
0x81: {  	s0 =	rddreg [dreg:$0x0];
	s2 =	stileid.u32  }
0x82: {  	s1 =	rddreg [dreg:$0x1];
	p0 =	sne.s32 s2, $0x0  }
0x83: {  	s3 =	rddreg [dreg:$0x2];
	[bflag:$0x3] =	sbarrier.arrive $0xFFFF;
	s2 =	simm.s32 @!p0 $0x1C03  }
0x84: {  	[timem:s3], [sflag:s2] =	dma.local @!p0 [hbm:s0], s1  }
0x85: {  	s0 =	simm.s32 @!p0 $0x3  }
0x86: {  	_ =	swait.ge @!p0 [sflag:s0], s1  }
0x87: {  	s1 =	ssub.s32 @!p0 $0x0, s1;
	[sflag:s0] =	ssyncset.done @!p0 $0x0  }
0x88: {  	[sflag:s0] =	ssyncadd.s32 @!p0 s1  }
0x89: {  	[bflag:$0x3] =	sbarrier.arrive $0xFFFF  }
0x8a: {  	_ =	shalt  }

// kernel: kernel.22.cloned.1.call-start
scs
__scs_entry_jumppad:
0x0: {  	(pc) =	sbr.rel $0x88, $3  }
0x1: {  	(tag) =	ssettag $0x0;
	lr =	simm.s32 $0x1  }
0x2: {  	[smem:$0x3F75] =	sst lr;
	_ =	strace $0xD0000000  }
0x3: {  	_ = 	snop  }
0x4: {  	_ = 	snop  }
0x5: {  	_ = 	snop  }
0x6: {  	_ = 	snop  }
0x7: {  	_ = 	snop  }
__scs_overlays_trampoline_lowered:
0x8: {  	[smem:$0x3F84] =	sst s0  }
0x9: {  	[smem:$0x3F85] =	sst s1  }
0xa: {  	[smem:$0x3F86] =	sst s2  }
0xb: {  	[smem:$0x3F87] =	sst s3  }
0xc: {  	[smem:$0x3F88] =	sst s4  }
0xd: {  	[smem:$0x3F89] =	sst s5  }
0xe: {  	[smem:$0x3F8A] =	sst s6  }
0xf: {  	[smem:$0x3F8B] =	sst s7  }
0x10: {  	[smem:$0x3F8C] =	sst s8  }
0x11: {  	[smem:$0x3F8D] =	sst s9;
	s0 =	simm.s32 @!p0 $0x0  }
0x12: {  	s1 =	sld [smem:$0x3F73];
	s0 =	simm.s32 @p0 $0x1  }
0x13: {  	[smem:$0x3F8E] =	sst s0;
	s0 =	simm.s32 @!p1 $0x0  }
0x14: {  	s2 =	sld [smem:$0x3F72];
	s0 =	simm.s32 @p1 $0x1  }
0x15: {  	[smem:$0x3F8F] =	sst s0;
	s0 =	simm.s32 @!p2 $0x0  }
0x16: {  	s3 =	sld [smem:$0x3FDB];
	s0 =	simm.s32 @p2 $0x1  }
0x17: {  	s4 =	simm.s32 $0x1BF5;
	[smem:$0x3F91] =	sst s0  }
0x18: {  	s0 =	sld [smem:$0x3F74];
	_ =	swait.ge [sflag:s4], $0x0  }
0x19: {  	s7 =	sld [smem:$0x3F75]  }
0x1a: {  	s8 =	sadd.s32 $0xFFFFE003, lr  }
0x1b: {  	s9 =	sadd.s32 $0xFFFFFEF7, lr;
	s5 =	simm.s32 $0xFFFFFFFF;
	p2 =	slt.u32 s8, $0xFFFFF086  }
0x1c: {  	p1 =	slt.u32 s9, $0xF7A;
	s5 =	simm.s32 @!p2 $0x0  }
0x1d: {  	s5 =	simm.s32 @p1 $0x1;
	p0 =	seq.s32 s7, s2  }
0x1e: {  	s7 =	smul.u32 @!p0 $0xF7A, s2;
	p2 =	seq.s32 @!p0 s5, $0x0  }
0x1f: {  	s9 =	smul.u32 $0xF7A, s1;
	s8 =	simm.s32 @!p0 $0x1BF5;
	p2 =	por !p2, p0  }
0x20: {  	[sflag:s8] =	ssyncset.s32 @!p0 $0xFFFFF086;
	s6 =	sadd.s32 @!p0 s3, s7;
	s7 =	simm.s32 @!p0 $0x108  }
0x21: {  	s3 =	sadd.s32 s3, s9;
	s6 =	sadd.s32 @!p0 $0x88, s6;
	s7 =	simm.s32 @p2 $0x1082  }
0x22: {  	[simem:s7], [sflag:s8] =	dma.local @!p0 [hbm:s6], $0xF7A  }
0x23: {  	s9 =	sor.u32 $0xD0000000, s2;
	s6 =	simm.s32 $0x108;
	_ =	swait.ge @!p0 [sflag:s8], $0x0  }
0x24: {  	s3 =	sadd.s32 $0x88, s3;
	s6 =	simm.s32 @!p1 $0x1082;
	[sflag:s4] =	ssyncset.s32 $0xFFFFF086  }
0x25: {  	[simem:s6], [sflag:s4] =	dma.local [hbm:s3], $0xF7A  }
0x26: {  	[smem:$0x3F75] =	sst s1;
	(tag) =	ssettag s2;
	_ =	strace s9  }
0x27: {  	s1 =	sld [smem:$0x3F85]  }
0x28: {  	s2 =	sld [smem:$0x3F86]  }
0x29: {  	s4 =	sld [smem:$0x3F88]  }
0x2a: {  	p0 =	seq.s32 s5, $0x0;
	s5 =	sld [smem:$0x3F89]  }
0x2b: {  	s6 =	sld [smem:$0x3F8A]  }
0x2c: {  	s7 =	sld [smem:$0x3F8B]  }
0x2d: {  	s3 =	simm.s32 $0x108;
	s8 =	sld [smem:$0x3F8C]  }
0x2e: {  	s3 =	simm.s32 @!p0 $0x1082;
	s9 =	sld [smem:$0x3F8D]  }
0x2f: {  	lr =	sadd.s32 s0, s3;
	s0 =	sld [smem:$0x3F84]  }
0x30: {  	s3 =	sld [smem:$0x3F87]  }
0x31: {  	[smem:$0x3F90] =	sst s10  }
0x32: {  	s10 =	sld [smem:$0x3F8E];
	_ =	sdelay $0x3  }
0x33: {  	p0 =	seq.s32 s10, $0x1;
	s10 =	sld [smem:$0x3F90];
	_ =	sdelay $0x3  }
0x34: {  	[smem:$0x3F90] =	sst s10  }
0x35: {  	s10 =	sld [smem:$0x3F8F];
	_ =	sdelay $0x3  }
0x36: {  	p1 =	seq.s32 s10, $0x1;
	s10 =	sld [smem:$0x3F90];
	_ =	sdelay $0x3  }
0x37: {  	[smem:$0x3F90] =	sst s10  }
0x38: {  	s10 =	sld [smem:$0x3F91]  }
0x39: {  	_ = 	snop;
	(pc) =	sbr.ind lr, $3  }
0x3a: {  	_ = 	snop  }
0x3b: {  	_ = 	snop  }
0x3c: {  	p2 =	seq.s32 s10, $0x1;
	s10 =	sld [smem:$0x3F90]  }
0x3d: {  	_ =	shalt  }
0x3e: {  	_ =	shalt  }
0x3f: {  	_ =	shalt  }
0x40: {  	_ =	shalt  }
0x41: {  	_ =	shalt  }
0x42: {  	_ =	shalt  }
0x43: {  	_ =	shalt  }
0x44: {  	_ =	shalt  }
0x45: {  	_ =	shalt  }
0x46: {  	_ =	shalt  }
0x47: {  	_ =	shalt  }
0x48: {  	_ =	shalt  }
0x49: {  	_ =	shalt  }
0x4a: {  	_ =	shalt  }
0x4b: {  	_ =	shalt  }
0x4c: {  	_ =	shalt  }
0x4d: {  	_ =	shalt  }
0x4e: {  	_ =	shalt  }
0x4f: {  	_ =	shalt  }
0x50: {  	_ =	shalt  }
0x51: {  	_ =	shalt  }
0x52: {  	_ =	shalt  }
0x53: {  	_ =	shalt  }
0x54: {  	_ =	shalt  }
0x55: {  	_ =	shalt  }
0x56: {  	_ =	shalt  }
0x57: {  	_ =	shalt  }
0x58: {  	_ =	shalt  }
0x59: {  	_ =	shalt  }
0x5a: {  	_ =	shalt  }
0x5b: {  	_ =	shalt  }
0x5c: {  	_ =	shalt  }
0x5d: {  	_ =	shalt  }
0x5e: {  	_ =	shalt  }
0x5f: {  	_ =	shalt  }
0x60: {  	_ =	shalt  }
0x61: {  	_ =	shalt  }
0x62: {  	_ =	shalt  }
0x63: {  	_ =	shalt  }
0x64: {  	_ =	shalt  }
0x65: {  	_ =	shalt  }
0x66: {  	_ =	shalt  }
0x67: {  	_ =	shalt  }
0x68: {  	_ =	shalt  }
0x69: {  	_ =	shalt  }
0x6a: {  	_ =	shalt  }
0x6b: {  	_ =	shalt  }
0x6c: {  	_ =	shalt  }
0x6d: {  	_ =	shalt  }
0x6e: {  	_ =	shalt  }
0x6f: {  	_ =	shalt  }
0x70: {  	_ =	shalt  }
0x71: {  	_ =	shalt  }
0x72: {  	_ =	shalt  }
0x73: {  	_ =	shalt  }
0x74: {  	_ =	shalt  }
0x75: {  	_ =	shalt  }
0x76: {  	_ =	shalt  }
0x77: {  	_ =	shalt  }
0x78: {  	_ =	shalt  }
0x79: {  	_ =	shalt  }
0x7a: {  	_ =	shalt  }
0x7b: {  	_ =	shalt  }
0x7c: {  	_ =	shalt  }
0x7d: {  	_ =	shalt  }
0x7e: {  	_ =	shalt  }
0x7f: {  	_ =	shalt  }
0x80: {  	_ =	shalt  }
0x81: {  	_ =	shalt  }
0x82: {  	_ =	shalt  }
0x83: {  	_ =	shalt  }
0x84: {  	_ =	shalt  }
0x85: {  	_ =	shalt  }
0x86: {  	_ =	shalt  }
0x87: {  	_ =	shalt  }
.Lfunc_end0:
.L_simem_size_0:
called_computation.3_lowered:
.L_overlay_start_0:
0x88: {  	s2 =	sld [smem:$0x3FD9]  }
0x89: {  	s3 =	sld [smem:$0x3FFE];
	_ =	sdelay $0x1  }
0x8a: {  	s1 =	srdreg.scid  }
0x8b: {  	s0 =	sand.u32 $0x1, s1  }
0x8c: {  	s14 =	sshll.u32 s0, $0xA;
	s2 =	sadd.s32 s3, s2  }
0x8d: {  	s2 =	sadd.s32 s2, s14  }
0x8e: {  	[smem:$0x3F9C] =	sst s2  }
0x8f: {  	_ = 	snop  }
0x90: {  	s2 =	sld [smem:$0x3FD0];
	_ =	sdelay $0x2  }
0x91: {  	s15 =	simm.s32 $0xB;
	s4 =	simm.s32 $0x10  }
0x92: {  	[smem:s4], [sflag:s15] =	dma.local [hbm:s2], $0x1  }
0x93: {  	_ =	swait.eq [sflag:s15], $0x1  }
0x94: {  	[sflag:s15] =	ssyncset.done $0x0  }
0x95: {  	[sflag:s15] =	ssyncadd.s32 $0xFFFFFFFF  }
0x96: {  	s16 =	sld [smem:$0x10];
	(tm) =	ssettm $0x1  }
0x97: {  	s17 =	sld [smem:$0x3FFB];
	_ =	sdelay $0x3  }
0x98: {  	_ =	strace s17  }
0x99: {  	s3 =	sld [smem:$0x3FFC];
	_ =	sdelay $0x3  }
0x9a: {  	_ =	strace s3  }
0x9b: {  	s3 =	sld [smem:$0x3FFD];
	_ =	sdelay $0x3  }
0x9c: {  	_ =	strace s3  }
0x9d: {  	_ =	strace $0x8FFFFFFF  }
0x9e: {  	s18 =	sld [smem:$0x3FDB];
	_ =	sdelay $0x1  }
0x9f: {  	s19 =	simm.s32 $_scs_section_size  }
0xa0: {  	s5 =	simm.s32 $_size__tile_overlayer_lowered;
	s6 =	simm.s32 $_tile_overlayer_lowered  }
0xa1: {  	s22 =	simm.s32 $0x1BFF;
	s21 =	sshll.u32 s6, $0x1;
	s3 =	sadd.s32 s19, s18  }
0xa2: {  	s7 =	simm.s32 $0x0;
	s20 =	sshll.u32 s5, $0x1;
	s5 =	sadd.s32 s21, s3  }
0xa3: {  	[timem:s7], [sflag:s22] =	dma.local [hbm:s5], s20  }
0xa4: {  	_ =	swait.ge [sflag:s22], s20  }
0xa5: {  	s4 =	ssub.s32 $0x0, s20;
	[sflag:s22] =	ssyncset.done $0x0  }
0xa6: {  	[sflag:s22] =	ssyncadd.s32 s4;
	_ =	sdelay $0x1  }
0xa7: {  	s23 =	simm.s32 $0x1B8B  }
0xa8: {  	_ =	swait.ge [sflag:s23], $0x1  }
0xa9: {  	[sflag:s23] =	ssyncset.done $0x0  }
0xaa: {  	s25 =	simm.s32 $0x1B8E;
	s24 =	sld [smem:$0x3FFE];
	[sflag:s23] =	ssyncadd.s32 $0xFFFFFFFF  }
0xab: {  	s26 =	simm.s32 $execute0_lowered;
	[smem:$0x3FD2] =	sst s25  }
0xac: {  	s5 =	sshll.u32 s26, $0x1;
	_ =	strace $0x8000004C;
	[dreg:$0x1] =	wrdreg $0xFFFFFFFF  }
0xad: {  	s28 =	simm.s32 $_size_execute0_lowered;
	s3 =	sadd.s32 s3, s5;
	[dreg:$0x0] =	wrdreg $0x0  }
0xae: {  	s5 =	sshll.u32 s28, $0x1;
	[dreg:$0x2] =	wrdreg s3  }
0xaf: {  	[dreg:$0x3] =	wrdreg s5  }
0xb0: {  	[dreg:$0x4] =	wrdreg $0xC0  }
0xb1: {  	_ =	task [dreg:s7], $0x5FFFF  }
0xb2: {  	[dreg:$0x1] =	wrdreg $0xFFFFFFFF  }
0xb3: {  	[dreg:$0x0] =	wrdreg $0x60  }
0xb4: {  	[dreg:$0x2] =	wrdreg s16  }
0xb5: {  	[dreg:$0x3] =	wrdreg s24  }
0xb6: {  	[dreg:$0x4] =	wrdreg $0xA  }
0xb7: {  	_ =	task.clear_ibuf [dreg:s7], $0x5FFFF;
	_ =	strace $0x9000004C  }
0xb8: {  	s29 =	simm.s32 $0xA;
	_ =	strace $0x8000004E  }
0xb9: {  	_ =	swait.ge [sflag:s29], $0x1  }
0xba: {  	[sflag:s29] =	ssyncadd.s32 $0xFFFFFFFF  }
0xbb: {  	_ =	strace $0x9000004E  }
0xbc: {  	_ =	sfence  }
0xbd: {  	s30 =	sld [smem:$0x0];
	_ =	sdelay $0x2  }
0xbe: {  	s31 =	sshll.u32 s1, $0xD;
	s1 =	sshrl.u32 s1, $0x2  }
0xbf: {  	s3 =	sand.u32 $0x4000, s31;
	s1 =	sadd.s32 s1, s30  }
0xc0: {  	s0 =	sor.u32 s3, s0;
	s1 =	sshll.u32 s1, $0x11  }
0xc1: {  	s0 =	sor.u32 s1, s0  }
0xc2: {  	s0 =	sadd.s32 $0x8F2B, s0  }
0xc3: {  	[sflag:s0] =	ssyncadd.remote.s32 $0x1  }
0xc4: {  	_ =	sfence.sel $0xFFFF  }
0xc5: {  	[dreg:$0x0] =	wrdreg $0xFFFFFFFF;
	(pc) =	sbr.abs _section_cstart, $3  }
0xc6: {  	[dreg:$0x1] =	wrdreg $0xFFFFFFFF  }
0xc7: {  	_ =	task.clear_ibuf [dreg:s7], $0x2FFFF;
	_ =	strace $0x9FFFFFFF  }
0xc8: {  	(tm) =	ssettm $0x7FFFFFFF  }
0xc9: {  	_ =	shalt  }
tec
execute0_lowered:
.L_overlay_start_1:
0x0: {  	(tag) =	ssettag $0x1  }
0x1: {  	s1 =	srdreg.scid;
	s2 =	rddreg [dreg:$0x0]  }
0x2: {  	s0 =	stileid.u32;
	s7 =	rddreg [dreg:$0x1]  }
0x3: {  	s3 =	simm.s32 $0x0;
	s13 =	simm.s32 $0x80;
	s14 =	simm.s32 $0x5000  }
0x4: {  	s15 =	simm.s32 $0xD000;
	s16 =	simm.s32 $0x1;
	s17 =	simm.s32 $0x3  }
0x5: {  	s18 =	simm.s32 $0x2;
	s6 =	sand.u32 $0x1, s1;
	s29 =	sshll.u32 s0, $0x1  }
0x6: {  	s19 =	simm.s32 $0x4;
	s20 =	simm.s32 $0x5;
	s4 =	sor.u32 s6, s29  }
0x7: {  	s21 =	simm.s32 $0x9000;
	s1 =	rddreg [dreg:$0x2];
	s8 =	smul.u32 $0x500, s4  }
0x8: {  	[smem:$0x7FF] =	sst s3;
	s5 =	sadd.s32 $0x43A00, s7;
	s4 =	smul.u32 $0x50, s4  }
0x9: {  	_ =	strace $0x8000004D;
	s9 =	ssub.s32 $0x2, s6;
	s6 =	sadd.s32 $0x93A00, s7  }
.Ltmp0:
0xa: {  	s30 =	sshrl.u32 s9, $0x1;
	s11 =	ssub.s32 $0x9C4, s4;
	(pc) =	sbr.rel .LBB2_1-.Ltmp0, $4  }
0xb: {  	s12 =	ssub.s32 s9, s30;
	s10 =	sadd.s32 s8, s7;
	s7 =	smin.u32 s11, $0x50  }
0xc: {  	s8 =	sadd.s32 $0x7A00, s10;
	s9 =	sadd.s32 $0x11A00, s10;
	s31 =	sadd.s32 $0xFFFFFFFF, s7  }
0xd: {  	s10 =	smax.u32 s12, $0x1;
	s11 =	simm.s32 $0x7;
	s22 =	sand.u32 $0x80000001, s31  }
0xe: {  	s12 =	simm.s32 $0x2800;
	p0 =	sne.s32 s22, $0x1;
	s22 =	simm.s32 $0x0  }
.LBB2_12:
0xf: {  	s22 =	sadd.s32 $0x1, s22  }
0x10: {  	p1 =	sne.s32 s22, s10  }
.Ltmp1:
0x11: {  	_ = 	snop;
	(pc) =	sbr.rel @!p1 .LBB2_13-.Ltmp1, $4  }
0x12: {  	s23 =	simm.s32 @!p0 $0x6  }
0x13: {  	_ =	swait.ge @!p0 [sflag:s23], $0x4000  }
0x14: {  	[sflag:s23] =	ssyncset.done @!p0 $0x0  }
0x15: {  	[sflag:s23] =	ssyncadd.s32 @!p0 $0xFFFFC000  }
.LBB2_1:
0x16: {  	[tilespmem:s3], [sflag:$0x7] =	stream.linear.gather [hbm4b:s8+s3], $0x2800, $0x38;
	[tilespmem:$0x15000] =	vst v63  }
0x17: {  	_ =	swait.ge [sflag:s11], $0x2800  }
0x18: {  	[sflag:s11] =	ssyncset.done $0x0  }
0x19: {  	[sflag:s11] =	ssyncadd.s32 $0xFFFFD800  }
0x1a: {  	[tilespmem:s12], [sflag:$0x7] =	stream.linear.gather [hbm4b:s9+s3], $0x2800, $0x38;
	[tilespmem:$0x15000] =	vst v63  }
0x1b: {  	_ =	swait.ge [sflag:s11], $0x2800  }
.Ltmp2:
0x1c: {  	[sflag:s11] =	ssyncset.done $0x0;
	(pc) =	sbr.rel .LBB2_2-.Ltmp2, $4  }
0x1d: {  	[sflag:s11] =	ssyncadd.s32 $0xFFFFD800  }
0x1e: {  	[tilespmem:s14], [sflag:$0x1] =	stream.indirect.gather [hbm4b:s2+s13], $0x80, s3, s13, $0xb8;
	[tilespmem:$0x15000] =	vst v63  }
0x1f: {  	s23 =	simm.s32 $0x0  }
0x20: {  	[tilespmem:s15], [sflag:$0x3] =	stream.indirect.gather [hbm4b:s5+s13], $0x80, s12, s13, $0xb8;
	[tilespmem:$0x15000] =	vst v63  }
.LBB2_10:
0x21: {  	[tilespmem:s25+$0x9000] =	vst v12;
	v5 =	vadd.f32 v5, v10;
	v63 =	vld [tilespmem:s25+$0x9070]  }
0x22: {  	[tilespmem:s25+$0x9010] =	vst v11;
	v4 =	vadd.f32 v4, v9  }
0x23: {  	v3 =	vadd.f32 v3, v8;
	[tilespmem:s25+$0x9020] =	vst v5  }
0x24: {  	v2 =	vadd.f32 v2, v6;
	[tilespmem:s25+$0x9030] =	vst v4  }
0x25: {  	v1 =	vadd.f32 v1, v7;
	s24 =	sadd.s32 s4, s24;
	[tilespmem:s25+$0x9040] =	vst v3  }
0x26: {  	s24 =	sshll.u32 s24, $0xB;
	[tilespmem:s25+$0x9050] =	vst v2;
	v0 =	vadd.f32 v0, v63  }
0x27: {  	[tilespmem:s25+$0x9060] =	vst v1;
	s24 =	sand.u32 $0x1FFFF800, s24  }
0x28: {  	s24 =	sadd.s32 s6, s24;
	[tilespmem:s25+$0x9070] =	vst v0  }
0x29: {  	[hbm4b:s24+s3] =	stream.linear.scatter [tilespmem:s21], [sflag:$0x6], $0x4000, $0x38;
	[tilespmem:$0x15000] =	vst v63  }
.LBB2_11:
0x2a: {  	s23 =	sadd.s32 $0x1, s23  }
0x2b: {  	p1 =	sne.s32 s23, $0x28  }
.Ltmp3:
0x2c: {  	_ = 	snop;
	(pc) =	sbr.rel @!p1 .LBB2_12-.Ltmp3, $1  }
0x2d: {  	_ =	sdelay $0x3  }
.LBB2_2:
0x2e: {  	s25 =	sshll.u32 s23, $0x1  }
0x2f: {  	p1 =	slt.u32 s25, s7  }
.Ltmp4:
0x30: {  	_ = 	snop;
	(pc) =	sbr.rel @!p1 .LBB2_3-.Ltmp4, $1  }
0x31: {  	_ =	sdelay $0x3  }
0x32: {  	_ =	swait.ge [sflag:s16], $0x4000  }
0x33: {  	[sflag:s16] =	ssyncset.done $0x0  }
0x34: {  	[sflag:s16] =	ssyncadd.s32 $0xFFFFC000  }
0x35: {  	_ =	swait.ge [sflag:s17], $0x4000  }
0x36: {  	p1 =	seq.s32 s23, $0x0;
	[sflag:s17] =	ssyncset.done $0x0  }
0x37: {  	s26 =	simm.s32 @!p1 $0x6;
	[sflag:s17] =	ssyncadd.s32 $0xFFFFC000  }
0x38: {  	_ =	swait.ge @!p1 [sflag:s26], $0x4000  }
0x39: {  	s24 =	sor.u32 $0x1, s25;
	[sflag:s26] =	ssyncset.done @!p1 $0x0  }
0x3a: {  	[sflag:s26] =	ssyncadd.s32 @!p1 $0xFFFFC000;
	p1 =	sge.u32 s24, s7  }
0x3b: {  	s26 =	sshll.u32 @!p1 s24, $0x7;
	s28 =	simm.s32 @!p1 $0x80;
	s29 =	simm.s32 @!p1 $0x9000  }
0x3c: {  	[tilespmem:s29], [sflag:$0x2] =	stream.indirect.gather @!p1 [hbm4b:s2+s28], $0x80, s26, s28, $0xb8;
	[tilespmem:$0x15000] =	vst v63  }
0x3d: {  	s26 =	sadd.s32 @!p1 $0x2800, s26;
	s29 =	simm.s32 @!p1 $0x11000  }
0x3e: {  	[tilespmem:s29], [sflag:$0x4] =	stream.indirect.gather @!p1 [hbm4b:s5+s28], $0x80, s26, s28, $0xb8;
	[tilespmem:$0x15000] =	vst v63  }
0x3f: {  	s26 =	simm.s32 $0x0  }
0x40: {  	v7 =	vld [tilespmem:s26+$0xD000]  }
0x41: {  	v11 =	vld [tilespmem:s26+$0xD010]  }
0x42: {  	v5 =	vld [tilespmem:s26+$0xD020]  }
0x43: {  	v4 =	vld [tilespmem:s26+$0xD030]  }
0x44: {  	v3 =	vld [tilespmem:s26+$0xD040]  }
0x45: {  	v2 =	vld [tilespmem:s26+$0xD050]  }
0x46: {  	v1 =	vld [tilespmem:s26+$0xD060]  }
0x47: {  	v0 =	vld [tilespmem:s26+$0xD070]  }
0x48: {  	v12 =	vld [tilespmem:s26+$0x5000]  }
0x49: {  	v13 =	vld [tilespmem:s26+$0x5010]  }
0x4a: {  	v10 =	vld [tilespmem:s26+$0x5020]  }
0x4b: {  	v9 =	vld [tilespmem:s26+$0x5030]  }
0x4c: {  	v8 =	vld [tilespmem:s26+$0x5040]  }
0x4d: {  	v6 =	vld [tilespmem:s26+$0x5050];
	v12 =	vadd.f32 v7, v12  }
0x4e: {  	s28 =	simm.s32 $0x200;
	v11 =	vadd.f32 v11, v13;
	v7 =	vld [tilespmem:s26+$0x5060]  }
.LBB2_5:
0x4f: {  	s29 =	sshra.s32 s28, $0x2;
	p1 =	sne.s32 s28, $0xFE00;
	[tilespmem:s26+$0x5000] =	vst v12;
	v5 =	vadd.f32 v5, v10;
	v10 =	vld [tilespmem:s26+$0x5070]  }
0x50: {  	v12 =	vld [tilespmem:s29+$0xD000];
	[tilespmem:s26+$0x5010] =	vst v11;
	v4 =	vadd.f32 v4, v9  }
0x51: {  	v11 =	vld [tilespmem:s29+$0xD010];
	[tilespmem:s26+$0x5020] =	vst v5;
	v3 =	vadd.f32 v3, v8  }
0x52: {  	v5 =	vld [tilespmem:s29+$0xD020];
	[tilespmem:s26+$0x5030] =	vst v4;
	v2 =	vadd.f32 v2, v6  }
0x53: {  	v4 =	vld [tilespmem:s29+$0xD030];
	[tilespmem:s26+$0x5040] =	vst v3;
	v1 =	vadd.f32 v1, v7  }
0x54: {  	v3 =	vld [tilespmem:s29+$0xD040];
	[tilespmem:s26+$0x5050] =	vst v2;
	v0 =	vadd.f32 v0, v10  }
0x55: {  	v2 =	vld [tilespmem:s29+$0xD050];
	[tilespmem:s26+$0x5060] =	vst v1  }
0x56: {  	v1 =	vld [tilespmem:s29+$0xD060];
	[tilespmem:s26+$0x5070] =	vst v0;
	s26 =	smov.u32 s29  }
0x57: {  	v0 =	vld [tilespmem:s26+$0xD070]  }
0x58: {  	v6 =	vld [tilespmem:s26+$0x5000]  }
0x59: {  	v7 =	vld [tilespmem:s26+$0x5010]  }
.Ltmp5:
0x5a: {  	v10 =	vld [tilespmem:s26+$0x5020];
	(pc) =	sbr.rel @p1 .LBB2_5-.Ltmp5, $4  }
0x5b: {  	v9 =	vld [tilespmem:s26+$0x5030]  }
0x5c: {  	v8 =	vld [tilespmem:s26+$0x5040]  }
0x5d: {  	v12 =	vadd.f32 v12, v6;
	v6 =	vld [tilespmem:s26+$0x5050]  }
0x5e: {  	s28 =	sadd.s32 $0x200, s28;
	v11 =	vadd.f32 v11, v7;
	v7 =	vld [tilespmem:s26+$0x5060]  }
0x5f: {  	[tilespmem:s26+$0x5000] =	vst v12;
	v5 =	vadd.f32 v5, v10;
	v63 =	vld [tilespmem:s26+$0x5070]  }
0x60: {  	[tilespmem:s26+$0x5010] =	vst v11;
	v4 =	vadd.f32 v4, v9  }
0x61: {  	[tilespmem:s26+$0x5020] =	vst v5;
	v3 =	vadd.f32 v3, v8  }
0x62: {  	[tilespmem:s26+$0x5030] =	vst v4;
	v2 =	vadd.f32 v2, v6  }
.Ltmp6:
0x63: {  	[tilespmem:s26+$0x5040] =	vst v3;
	v1 =	vadd.f32 v1, v7;
	(pc) =	sbr.rel .LBB2_7-.Ltmp6, $4  }
0x64: {  	s28 =	sadd.s32 s4, s25;
	[tilespmem:s26+$0x5050] =	vst v2;
	v0 =	vadd.f32 v0, v63  }
0x65: {  	s28 =	sshll.u32 s28, $0xB;
	[tilespmem:s26+$0x5060] =	vst v1  }
0x66: {  	s31 =	sadd.s32 s6, s28;
	[tilespmem:s26+$0x5070] =	vst v0  }
0x67: {  	[hbm4b:s31+s3] =	stream.linear.scatter [tilespmem:s14], [sflag:$0x5], $0x4000, $0x38;
	[tilespmem:$0x15000] =	vst v63  }
.LBB2_3:
0x68: {  	s24 =	sor.u32 $0x1, s25  }
.LBB2_7:
0x69: {  	p1 =	sge.u32 s24, s7  }
.Ltmp7:
0x6a: {  	_ = 	snop;
	(pc) =	sbr.rel @p1 .LBB2_11-.Ltmp7, $1  }
0x6b: {  	_ =	sdelay $0x3  }
0x6c: {  	_ =	swait.ge [sflag:s18], $0x4000  }
0x6d: {  	[sflag:s18] =	ssyncset.done $0x0  }
0x6e: {  	[sflag:s18] =	ssyncadd.s32 $0xFFFFC000  }
0x6f: {  	_ =	swait.ge [sflag:s19], $0x4000  }
0x70: {  	[sflag:s19] =	ssyncset.done $0x0  }
0x71: {  	s25 =	sadd.s32 $0x2, s25;
	[sflag:s19] =	ssyncadd.s32 $0xFFFFC000  }
0x72: {  	p1 =	sge.u32 s25, s7;
	_ =	swait.ge [sflag:s20], $0x4000  }
0x73: {  	s25 =	sshll.u32 @!p1 s25, $0x7;
	[sflag:s20] =	ssyncset.done $0x0  }
0x74: {  	s26 =	simm.s32 @!p1 $0x80;
	s28 =	simm.s32 @!p1 $0x5000;
	[sflag:s20] =	ssyncadd.s32 $0xFFFFC000  }
0x75: {  	[tilespmem:s28], [sflag:$0x1] =	stream.indirect.gather @!p1 [hbm4b:s2+s26], $0x80, s25, s26, $0xb8;
	[tilespmem:$0x15000] =	vst v63  }
0x76: {  	s25 =	sadd.s32 @!p1 $0x2800, s25;
	s28 =	simm.s32 @!p1 $0xD000  }
0x77: {  	[tilespmem:s28], [sflag:$0x3] =	stream.indirect.gather @!p1 [hbm4b:s5+s26], $0x80, s25, s26, $0xb8;
	[tilespmem:$0x15000] =	vst v63  }
0x78: {  	s25 =	simm.s32 $0x0  }
0x79: {  	v7 =	vld [tilespmem:s25+$0x11000]  }
0x7a: {  	v11 =	vld [tilespmem:s25+$0x11010]  }
0x7b: {  	v5 =	vld [tilespmem:s25+$0x11020]  }
0x7c: {  	v4 =	vld [tilespmem:s25+$0x11030]  }
0x7d: {  	v3 =	vld [tilespmem:s25+$0x11040]  }
0x7e: {  	v2 =	vld [tilespmem:s25+$0x11050]  }
0x7f: {  	v1 =	vld [tilespmem:s25+$0x11060]  }
0x80: {  	v0 =	vld [tilespmem:s25+$0x11070]  }
0x81: {  	v12 =	vld [tilespmem:s25+$0x9000]  }
0x82: {  	v13 =	vld [tilespmem:s25+$0x9010]  }
0x83: {  	v10 =	vld [tilespmem:s25+$0x9020]  }
0x84: {  	v9 =	vld [tilespmem:s25+$0x9030]  }
0x85: {  	v8 =	vld [tilespmem:s25+$0x9040]  }
0x86: {  	v6 =	vld [tilespmem:s25+$0x9050];
	v12 =	vadd.f32 v7, v12  }
0x87: {  	s26 =	simm.s32 $0x200;
	v11 =	vadd.f32 v11, v13;
	v7 =	vld [tilespmem:s25+$0x9060]  }
.LBB2_9:
0x88: {  	s28 =	sshra.s32 s26, $0x2;
	p1 =	sne.s32 s26, $0xFE00;
	[tilespmem:s25+$0x9000] =	vst v12;
	v5 =	vadd.f32 v5, v10;
	v10 =	vld [tilespmem:s25+$0x9070]  }
0x89: {  	v4 =	vadd.f32 v4, v9;
	v12 =	vld [tilespmem:s28+$0x11000];
	[tilespmem:s25+$0x9010] =	vst v11  }
0x8a: {  	v3 =	vadd.f32 v3, v8;
	v11 =	vld [tilespmem:s28+$0x11010];
	[tilespmem:s25+$0x9020] =	vst v5  }
0x8b: {  	v2 =	vadd.f32 v2, v6;
	v5 =	vld [tilespmem:s28+$0x11020];
	[tilespmem:s25+$0x9030] =	vst v4  }
0x8c: {  	v1 =	vadd.f32 v1, v7;
	v4 =	vld [tilespmem:s28+$0x11030];
	[tilespmem:s25+$0x9040] =	vst v3  }
0x8d: {  	v3 =	vld [tilespmem:s28+$0x11040];
	[tilespmem:s25+$0x9050] =	vst v2;
	v0 =	vadd.f32 v0, v10  }
0x8e: {  	v2 =	vld [tilespmem:s28+$0x11050];
	[tilespmem:s25+$0x9060] =	vst v1  }
0x8f: {  	v1 =	vld [tilespmem:s28+$0x11060];
	[tilespmem:s25+$0x9070] =	vst v0;
	s25 =	smov.u32 s28  }
0x90: {  	v0 =	vld [tilespmem:s25+$0x11070]  }
0x91: {  	v6 =	vld [tilespmem:s25+$0x9000]  }
0x92: {  	v7 =	vld [tilespmem:s25+$0x9010]  }
.Ltmp8:
0x93: {  	v10 =	vld [tilespmem:s25+$0x9020];
	(pc) =	sbr.rel @p1 .LBB2_9-.Ltmp8, $4  }
0x94: {  	v9 =	vld [tilespmem:s25+$0x9030]  }
0x95: {  	v8 =	vld [tilespmem:s25+$0x9040]  }
0x96: {  	v12 =	vadd.f32 v12, v6;
	v6 =	vld [tilespmem:s25+$0x9050]  }
0x97: {  	s26 =	sadd.s32 $0x200, s26;
	v11 =	vadd.f32 v11, v7;
	v7 =	vld [tilespmem:s25+$0x9060]  }
.Ltmp9:
0x98: {  	_ = 	snop;
	(pc) =	sbr.rel .LBB2_10-.Ltmp9, $1  }
0x99: {  	_ =	sdelay $0x3  }
.LBB2_13:
0x9a: {  	_ =	sfence.sel $0x180000  }
0x9b: {  	[bflag:$0x0] =	sbarrier.arrive $0xFFFF  }
0x9c: {  	p0 =	sne.s32 s0, $0x0;
	_ =	strace $0x9000004D  }
0x9d: {  	s0 =	sadd.s32 @!p0 $0x100000, s1;
	[bflag:$0x2] =	sbarrier.arrive $0xFFFF  }
0x9e: {  	[sflag:s0] =	ssyncadd.tile.s32 @!p0 $0x1;
	_ =	shalt  }
.Lfunc_end2:
_tile_overlayer_lowered:
.L_overlay_start_2:
0x9f: {  	(tag) =	ssettag $0x2  }
0xa0: {  	s0 =	rddreg [dreg:$0x0];
	s2 =	stileid.u32  }
0xa1: {  	s1 =	rddreg [dreg:$0x1];
	p0 =	sne.s32 s2, $0x0  }
0xa2: {  	s3 =	rddreg [dreg:$0x2];
	[bflag:$0x3] =	sbarrier.arrive $0xFFFF;
	s2 =	simm.s32 @!p0 $0x1C07  }
0xa3: {  	[timem:s3], [sflag:s2] =	dma.local @!p0 [hbm:s0], s1  }
0xa4: {  	s0 =	simm.s32 @!p0 $0x7  }
0xa5: {  	_ =	swait.ge @!p0 [sflag:s0], s1  }
0xa6: {  	s1 =	ssub.s32 @!p0 $0x0, s1;
	[sflag:s0] =	ssyncset.done @!p0 $0x0  }
0xa7: {  	[sflag:s0] =	ssyncadd.s32 @!p0 s1  }
0xa8: {  	[bflag:$0x3] =	sbarrier.arrive $0xFFFF  }
0xa9: {  	_ =	shalt  }

// kernel: kernel.25.cloned.1.call-start
scs
__scs_entry_jumppad:
0x0: {  	(pc) =	sbr.rel $0x88, $3  }
0x1: {  	(tag) =	ssettag $0x0;
	lr =	simm.s32 $0x1  }
0x2: {  	[smem:$0x3F75] =	sst lr;
	_ =	strace $0xD0000000  }
0x3: {  	_ = 	snop  }
0x4: {  	_ = 	snop  }
0x5: {  	_ = 	snop  }
0x6: {  	_ = 	snop  }
0x7: {  	_ = 	snop  }
__scs_overlays_trampoline_lowered:
0x8: {  	[smem:$0x3F84] =	sst s0  }
0x9: {  	[smem:$0x3F85] =	sst s1  }
0xa: {  	[smem:$0x3F86] =	sst s2  }
0xb: {  	[smem:$0x3F87] =	sst s3  }
0xc: {  	[smem:$0x3F88] =	sst s4  }
0xd: {  	[smem:$0x3F89] =	sst s5  }
0xe: {  	[smem:$0x3F8A] =	sst s6  }
0xf: {  	[smem:$0x3F8B] =	sst s7  }
0x10: {  	[smem:$0x3F8C] =	sst s8  }
0x11: {  	[smem:$0x3F8D] =	sst s9;
	s0 =	simm.s32 @!p0 $0x0  }
0x12: {  	s1 =	sld [smem:$0x3F73];
	s0 =	simm.s32 @p0 $0x1  }
0x13: {  	[smem:$0x3F8E] =	sst s0;
	s0 =	simm.s32 @!p1 $0x0  }
0x14: {  	s2 =	sld [smem:$0x3F72];
	s0 =	simm.s32 @p1 $0x1  }
0x15: {  	[smem:$0x3F8F] =	sst s0;
	s0 =	simm.s32 @!p2 $0x0  }
0x16: {  	s3 =	sld [smem:$0x3FDB];
	s0 =	simm.s32 @p2 $0x1  }
0x17: {  	s4 =	simm.s32 $0x1BF5;
	[smem:$0x3F91] =	sst s0  }
0x18: {  	s0 =	sld [smem:$0x3F74];
	_ =	swait.ge [sflag:s4], $0x0  }
0x19: {  	s7 =	sld [smem:$0x3F75]  }
0x1a: {  	s8 =	sadd.s32 $0xFFFFE003, lr  }
0x1b: {  	s9 =	sadd.s32 $0xFFFFFEF7, lr;
	s5 =	simm.s32 $0xFFFFFFFF;
	p2 =	slt.u32 s8, $0xFFFFF086  }
0x1c: {  	p1 =	slt.u32 s9, $0xF7A;
	s5 =	simm.s32 @!p2 $0x0  }
0x1d: {  	s5 =	simm.s32 @p1 $0x1;
	p0 =	seq.s32 s7, s2  }
0x1e: {  	s7 =	smul.u32 @!p0 $0xF7A, s2;
	p2 =	seq.s32 @!p0 s5, $0x0  }
0x1f: {  	s9 =	smul.u32 $0xF7A, s1;
	s8 =	simm.s32 @!p0 $0x1BF5;
	p2 =	por !p2, p0  }
0x20: {  	[sflag:s8] =	ssyncset.s32 @!p0 $0xFFFFF086;
	s6 =	sadd.s32 @!p0 s3, s7;
	s7 =	simm.s32 @!p0 $0x108  }
0x21: {  	s3 =	sadd.s32 s3, s9;
	s6 =	sadd.s32 @!p0 $0x88, s6;
	s7 =	simm.s32 @p2 $0x1082  }
0x22: {  	[simem:s7], [sflag:s8] =	dma.local @!p0 [hbm:s6], $0xF7A  }
0x23: {  	s9 =	sor.u32 $0xD0000000, s2;
	s6 =	simm.s32 $0x108;
	_ =	swait.ge @!p0 [sflag:s8], $0x0  }
0x24: {  	s3 =	sadd.s32 $0x88, s3;
	s6 =	simm.s32 @!p1 $0x1082;
	[sflag:s4] =	ssyncset.s32 $0xFFFFF086  }
0x25: {  	[simem:s6], [sflag:s4] =	dma.local [hbm:s3], $0xF7A  }
0x26: {  	[smem:$0x3F75] =	sst s1;
	(tag) =	ssettag s2;
	_ =	strace s9  }
0x27: {  	s1 =	sld [smem:$0x3F85]  }
0x28: {  	s2 =	sld [smem:$0x3F86]  }
0x29: {  	s4 =	sld [smem:$0x3F88]  }
0x2a: {  	p0 =	seq.s32 s5, $0x0;
	s5 =	sld [smem:$0x3F89]  }
0x2b: {  	s6 =	sld [smem:$0x3F8A]  }
0x2c: {  	s7 =	sld [smem:$0x3F8B]  }
0x2d: {  	s3 =	simm.s32 $0x108;
	s8 =	sld [smem:$0x3F8C]  }
0x2e: {  	s3 =	simm.s32 @!p0 $0x1082;
	s9 =	sld [smem:$0x3F8D]  }
0x2f: {  	lr =	sadd.s32 s0, s3;
	s0 =	sld [smem:$0x3F84]  }
0x30: {  	s3 =	sld [smem:$0x3F87]  }
0x31: {  	[smem:$0x3F90] =	sst s10  }
0x32: {  	s10 =	sld [smem:$0x3F8E];
	_ =	sdelay $0x3  }
0x33: {  	p0 =	seq.s32 s10, $0x1;
	s10 =	sld [smem:$0x3F90];
	_ =	sdelay $0x3  }
0x34: {  	[smem:$0x3F90] =	sst s10  }
0x35: {  	s10 =	sld [smem:$0x3F8F];
	_ =	sdelay $0x3  }
0x36: {  	p1 =	seq.s32 s10, $0x1;
	s10 =	sld [smem:$0x3F90];
	_ =	sdelay $0x3  }
0x37: {  	[smem:$0x3F90] =	sst s10  }
0x38: {  	s10 =	sld [smem:$0x3F91]  }
0x39: {  	_ = 	snop;
	(pc) =	sbr.ind lr, $3  }
0x3a: {  	_ = 	snop  }
0x3b: {  	_ = 	snop  }
0x3c: {  	p2 =	seq.s32 s10, $0x1;
	s10 =	sld [smem:$0x3F90]  }
0x3d: {  	_ =	shalt  }
0x3e: {  	_ =	shalt  }
0x3f: {  	_ =	shalt  }
0x40: {  	_ =	shalt  }
0x41: {  	_ =	shalt  }
0x42: {  	_ =	shalt  }
0x43: {  	_ =	shalt  }
0x44: {  	_ =	shalt  }
0x45: {  	_ =	shalt  }
0x46: {  	_ =	shalt  }
0x47: {  	_ =	shalt  }
0x48: {  	_ =	shalt  }
0x49: {  	_ =	shalt  }
0x4a: {  	_ =	shalt  }
0x4b: {  	_ =	shalt  }
0x4c: {  	_ =	shalt  }
0x4d: {  	_ =	shalt  }
0x4e: {  	_ =	shalt  }
0x4f: {  	_ =	shalt  }
0x50: {  	_ =	shalt  }
0x51: {  	_ =	shalt  }
0x52: {  	_ =	shalt  }
0x53: {  	_ =	shalt  }
0x54: {  	_ =	shalt  }
0x55: {  	_ =	shalt  }
0x56: {  	_ =	shalt  }
0x57: {  	_ =	shalt  }
0x58: {  	_ =	shalt  }
0x59: {  	_ =	shalt  }
0x5a: {  	_ =	shalt  }
0x5b: {  	_ =	shalt  }
0x5c: {  	_ =	shalt  }
0x5d: {  	_ =	shalt  }
0x5e: {  	_ =	shalt  }
0x5f: {  	_ =	shalt  }
0x60: {  	_ =	shalt  }
0x61: {  	_ =	shalt  }
0x62: {  	_ =	shalt  }
0x63: {  	_ =	shalt  }
0x64: {  	_ =	shalt  }
0x65: {  	_ =	shalt  }
0x66: {  	_ =	shalt  }
0x67: {  	_ =	shalt  }
0x68: {  	_ =	shalt  }
0x69: {  	_ =	shalt  }
0x6a: {  	_ =	shalt  }
0x6b: {  	_ =	shalt  }
0x6c: {  	_ =	shalt  }
0x6d: {  	_ =	shalt  }
0x6e: {  	_ =	shalt  }
0x6f: {  	_ =	shalt  }
0x70: {  	_ =	shalt  }
0x71: {  	_ =	shalt  }
0x72: {  	_ =	shalt  }
0x73: {  	_ =	shalt  }
0x74: {  	_ =	shalt  }
0x75: {  	_ =	shalt  }
0x76: {  	_ =	shalt  }
0x77: {  	_ =	shalt  }
0x78: {  	_ =	shalt  }
0x79: {  	_ =	shalt  }
0x7a: {  	_ =	shalt  }
0x7b: {  	_ =	shalt  }
0x7c: {  	_ =	shalt  }
0x7d: {  	_ =	shalt  }
0x7e: {  	_ =	shalt  }
0x7f: {  	_ =	shalt  }
0x80: {  	_ =	shalt  }
0x81: {  	_ =	shalt  }
0x82: {  	_ =	shalt  }
0x83: {  	_ =	shalt  }
0x84: {  	_ =	shalt  }
0x85: {  	_ =	shalt  }
0x86: {  	_ =	shalt  }
0x87: {  	_ =	shalt  }
.Lfunc_end0:
.L_simem_size_0:
called_computation.4_lowered:
.L_overlay_start_0:
0x88: {  	s2 =	sld [smem:$0x3FD9]  }
0x89: {  	s3 =	sld [smem:$0x3FFE];
	_ =	sdelay $0x1  }
0x8a: {  	s1 =	srdreg.scid  }
0x8b: {  	s0 =	sand.u32 $0x1, s1  }
0x8c: {  	s17 =	sshll.u32 s0, $0xA;
	s2 =	sadd.s32 s3, s2  }
0x8d: {  	s2 =	sadd.s32 s2, s17  }
0x8e: {  	[smem:$0x3F9C] =	sst s2  }
0x8f: {  	_ = 	snop  }
0x90: {  	(tm) =	ssettm $0x1  }
0x91: {  	s18 =	sld [smem:$0x3FFB];
	_ =	sdelay $0x3  }
0x92: {  	_ =	strace s18  }
0x93: {  	s2 =	sld [smem:$0x3FFC];
	_ =	sdelay $0x3  }
0x94: {  	_ =	strace s2  }
0x95: {  	s2 =	sld [smem:$0x3FFD];
	_ =	sdelay $0x3  }
0x96: {  	_ =	strace s2  }
0x97: {  	_ =	strace $0x8FFFFFFF  }
0x98: {  	s19 =	sld [smem:$0x3FDB];
	_ =	sdelay $0x1  }
0x99: {  	s20 =	simm.s32 $_scs_section_size  }
0x9a: {  	s4 =	simm.s32 $_size__tile_overlayer_lowered;
	s5 =	simm.s32 $_tile_overlayer_lowered  }
0x9b: {  	s6 =	simm.s32 $0x1BFF;
	s21 =	sshll.u32 s5, $0x1;
	s3 =	sadd.s32 s20, s19  }
0x9c: {  	s22 =	simm.s32 $0x0;
	s4 =	sshll.u32 s4, $0x1;
	s5 =	sadd.s32 s21, s3  }
0x9d: {  	[timem:s22], [sflag:s6] =	dma.local [hbm:s5], s4  }
0x9e: {  	_ =	swait.ge [sflag:s6], s4  }
0x9f: {  	s4 =	ssub.s32 $0x0, s4;
	[sflag:s6] =	ssyncset.done $0x0  }
0xa0: {  	[sflag:s6] =	ssyncadd.s32 s4;
	_ =	sdelay $0x1  }
0xa1: {  	s23 =	simm.s32 $0x1B8B  }
0xa2: {  	_ =	swait.ge [sflag:s23], $0x1  }
0xa3: {  	[sflag:s23] =	ssyncset.done $0x0  }
0xa4: {  	[sflag:s23] =	ssyncadd.s32 $0xFFFFFFFF  }
0xa5: {  	s4 =	sld [smem:$0x0]  }
0xa6: {  	s5 =	sand.u32 $0xFFFFFFFE, s1  }
0xa7: {  	p0 =	sne.s32 s1, s5  }
0xa8: {  	s5 =	sshll.u32 @p0 s5, $0xE  }
0xa9: {  	s5 =	sadd.s32 @p0 $0x11B8D, s5;
	s6 =	sshll.u32 @p0 s4, $0x11  }
0xaa: {  	s5 =	sor.u32 @p0 s6, s5  }
0xab: {  	[sflag:s5] =	ssyncadd.remote.s32 @p0 $0x1;
	_ =	sdelay $0x1  }
0xac: {  	s5 =	simm.s32 @p0 $0x1B8D  }
0xad: {  	_ =	swait.eq @p0 [sflag:s5], $0x1  }
0xae: {  	[sflag:s5] =	ssyncadd.s32 @p0 $0xFFFFFFFF  }
0xaf: {  	s6 =	sshll.u32 @!p0 s1, $0xE  }
0xb0: {  	s6 =	sor.u32 @!p0 $0x4000, s6;
	s5 =	simm.s32 @!p0 $0x1B8D  }
0xb1: {  	s4 =	sshll.u32 @!p0 s4, $0x11;
	s6 =	sadd.s32 @!p0 $0x11B8D, s6;
	_ =	swait.eq @!p0 [sflag:s5], $0x1  }
0xb2: {  	s4 =	sor.u32 @!p0 s4, s6;
	[sflag:s5] =	ssyncadd.s32 @!p0 $0xFFFFFFFF  }
0xb3: {  	s25 =	simm.s32 $0x1B8E;
	s24 =	sld [smem:$0x3FFE];
	[sflag:s4] =	ssyncadd.remote.s32 @!p0 $0x1  }
0xb4: {  	s26 =	simm.s32 $execute0_lowered;
	[smem:$0x3FD2] =	sst s25  }
0xb5: {  	s5 =	sshll.u32 s26, $0x1;
	_ =	strace $0x80000052;
	[dreg:$0x1] =	wrdreg $0xFFFFFFFF  }
0xb6: {  	s28 =	simm.s32 $_size_execute0_lowered;
	s3 =	sadd.s32 s3, s5;
	[dreg:$0x0] =	wrdreg $0x0  }
0xb7: {  	s5 =	sshll.u32 s28, $0x1;
	[dreg:$0x2] =	wrdreg s3  }
0xb8: {  	[dreg:$0x3] =	wrdreg s5  }
0xb9: {  	[dreg:$0x4] =	wrdreg $0xC0  }
0xba: {  	_ =	task [dreg:s22], $0x5FFFF  }
0xbb: {  	[dreg:$0x1] =	wrdreg $0xFFFFFFFF  }
0xbc: {  	[dreg:$0x0] =	wrdreg $0x60  }
0xbd: {  	[dreg:$0x2] =	wrdreg s24  }
0xbe: {  	[dreg:$0x3] =	wrdreg $0xA8000  }
0xbf: {  	[dreg:$0x4] =	wrdreg $0xA  }
0xc0: {  	_ =	task.clear_ibuf [dreg:s22], $0x5FFFF;
	_ =	strace $0x90000052  }
0xc1: {  	s29 =	simm.s32 $0xA;
	_ =	strace $0x80000054  }
0xc2: {  	_ =	swait.ge [sflag:s29], $0x1  }
0xc3: {  	[sflag:s29] =	ssyncadd.s32 $0xFFFFFFFF  }
0xc4: {  	_ =	strace $0x90000054  }
0xc5: {  	_ =	sfence  }
0xc6: {  	s30 =	sld [smem:$0x0];
	_ =	sdelay $0x2  }
0xc7: {  	s31 =	sshll.u32 s1, $0xD;
	s1 =	sshrl.u32 s1, $0x2  }
0xc8: {  	s4 =	sand.u32 $0x4000, s31;
	s1 =	sadd.s32 s1, s30  }
0xc9: {  	s0 =	sor.u32 s4, s0;
	s1 =	sshll.u32 s1, $0x11  }
0xca: {  	s0 =	sor.u32 s1, s0  }
0xcb: {  	s0 =	sadd.s32 $0x8F2B, s0  }
0xcc: {  	[sflag:s0] =	ssyncadd.remote.s32 $0x1  }
0xcd: {  	_ =	sfence.sel $0xFFFF  }
0xce: {  	[dreg:$0x0] =	wrdreg $0xFFFFFFFF;
	(pc) =	sbr.abs _section_cstart, $3  }
0xcf: {  	[dreg:$0x1] =	wrdreg $0xFFFFFFFF  }
0xd0: {  	_ =	task.clear_ibuf [dreg:s22], $0x2FFFF;
	_ =	strace $0x9FFFFFFF  }
0xd1: {  	(tm) =	ssettm $0x7FFFFFFF  }
tec
execute0_lowered:
.L_overlay_start_1:
0x0: {  	(tag) =	ssettag $0x1  }
0x1: {  	s4 =	rddreg [dreg:$0x0];
	s1 =	stileid.u32  }
0x2: {  	s0 =	srdreg.scid;
	s25 =	smul.u32 $0x14000, s1  }
0x3: {  	s2 =	rddreg [dreg:$0x1];
	s3 =	simm.s32 $0x0;
	s26 =	smul.u32 $0x50000, s1  }
0x4: {  	s17 =	simm.s32 $0x3;
	s5 =	sand.u32 $0x1, s0;
	s11 =	smul.u32 $0xA0, s1  }
0x5: {  	s0 =	rddreg [dreg:$0x2];
	s6 =	sshll.u32 s1, $0x1;
	s7 =	smul.u32 $0x140000, s5  }
0x6: {  	[smem:$0x7FF] =	sst s3;
	s8 =	sor.u32 s5, s6;
	s15 =	smul.u32 $0x50, s5  }
0x7: {  	s12 =	sadd.s32 $0x115AA00, s4;
	s28 =	ssub.s32 $0x2, s5;
	s9 =	smul.u32 $0x500, s8  }
0x8: {  	_ =	strace $0x80000053;
	s29 =	smul.u32 $0x50, s8;
	s30 =	sshrl.u32 s28, $0x1  }
0x9: {  	s31 =	smul.u32 $0x28000, s8;
	s6 =	sadd.s32 s25, s7;
	s7 =	sshrl.u32 s26, $0x2  }
0xa: {  	s16 =	ssub.s32 s28, s30;
	s11 =	sadd.s32 s15, s11;
	s10 =	sadd.s32 s9, s4  }
0xb: {  	s6 =	sshrl.u32 s6, $0x3;
	s14 =	ssub.s32 $0x9C4, s29;
	s15 =	sshll.u32 s11, $0xB  }
0xc: {  	s11 =	sadd.s32 s12, s31;
	s13 =	sadd.s32 s6, s4;
	s4 =	sadd.s32 s7, s2  }
0xd: {  	s5 =	smin.u32 s14, $0x50;
	s10 =	sadd.s32 $0x7A00, s10;
	s15 =	sadd.s32 s15, s12  }
0xe: {  	s6 =	sadd.s32 $0x4000, s4;
	s7 =	sadd.s32 $0x8000, s4;
	s8 =	sadd.s32 $0xC000, s4  }
0xf: {  	s9 =	sadd.s32 $0x10000, s4;
	s12 =	sadd.s32 $0x93A00, s13;
	s13 =	smax.u32 s16, $0x1  }
0x10: {  	v0 =	vimm.f32 $0.0e+00;
	s14 =	sadd.s32 $0x800, s15;
	s15 =	sadd.s32 $0x1000, s15;
	s16 =	simm.s32 $0x2800  }
.LBB2_1:
0x11: {  	s18 =	simm.s32 $0x0;
	s19 =	simm.s32 $0x200  }
.LBB2_2:
0x12: {  	p0 =	sne.s32 s19, $0xFE00;
	[tilespmem:s18+$0x2870] =	vst v0  }
0x13: {  	[tilespmem:s18+$0x2800] =	vst v0  }
0x14: {  	[tilespmem:s18+$0x2810] =	vst v0  }
.Ltmp0:
0x15: {  	[tilespmem:s18+$0x2820] =	vst v0;
	(pc) =	sbr.rel @p0 .LBB2_2-.Ltmp0, $4  }
0x16: {  	[tilespmem:s18+$0x2830] =	vst v0  }
0x17: {  	[tilespmem:s18+$0x2840] =	vst v0  }
0x18: {  	[tilespmem:s18+$0x2850] =	vst v0  }
0x19: {  	[tilespmem:s18+$0x2860] =	vst v0;
	s18 =	sshra.s32 s19, $0x2;
	s19 =	sadd.s32 $0x200, s19  }
0x1a: {  	[tilespmem:s18+$0x2870] =	vst v0  }
0x1b: {  	[tilespmem:s18+$0x2800] =	vst v0  }
0x1c: {  	[tilespmem:s18+$0x2810] =	vst v0  }
0x1d: {  	[tilespmem:s18+$0x2820] =	vst v0  }
0x1e: {  	[tilespmem:s18+$0x2830] =	vst v0  }
0x1f: {  	[tilespmem:s18+$0x2840] =	vst v0  }
0x20: {  	[tilespmem:s18+$0x2850] =	vst v0  }
0x21: {  	[tilespmem:s18+$0x2860] =	vst v0  }
0x22: {  	[spmem:s4] =	stream.linear.scatter [tilespmem:s16], [sflag:$0x3], $0x4000, $0x38;
	[tilespmem:$0x1E800] =	vst v63  }
0x23: {  	_ =	swait.ge [sflag:s17], $0x4000  }
0x24: {  	[sflag:s17] =	ssyncset.done $0x0  }
0x25: {  	[sflag:s17] =	ssyncadd.s32 $0xFFFFC000  }
0x26: {  	[spmem:s6] =	stream.linear.scatter [tilespmem:s16], [sflag:$0x3], $0x4000, $0x38;
	[tilespmem:$0x1E800] =	vst v63  }
0x27: {  	_ =	swait.ge [sflag:s17], $0x4000  }
0x28: {  	[sflag:s17] =	ssyncset.done $0x0  }
0x29: {  	[sflag:s17] =	ssyncadd.s32 $0xFFFFC000  }
0x2a: {  	[spmem:s7] =	stream.linear.scatter [tilespmem:s16], [sflag:$0x3], $0x4000, $0x38;
	[tilespmem:$0x1E800] =	vst v63  }
0x2b: {  	_ =	swait.ge [sflag:s17], $0x4000  }
0x2c: {  	[sflag:s17] =	ssyncset.done $0x0  }
0x2d: {  	[sflag:s17] =	ssyncadd.s32 $0xFFFFC000  }
0x2e: {  	[spmem:s8] =	stream.linear.scatter [tilespmem:s16], [sflag:$0x3], $0x4000, $0x38;
	[tilespmem:$0x1E800] =	vst v63  }
0x2f: {  	_ =	swait.ge [sflag:s17], $0x4000  }
0x30: {  	[sflag:s17] =	ssyncset.done $0x0  }
0x31: {  	[sflag:s17] =	ssyncadd.s32 $0xFFFFC000  }
0x32: {  	[spmem:s9] =	stream.linear.scatter [tilespmem:s16], [sflag:$0x3], $0x4000, $0x38;
	[tilespmem:$0x1E800] =	vst v63  }
0x33: {  	_ =	swait.ge [sflag:s17], $0x4000  }
0x34: {  	[sflag:s17] =	ssyncset.done $0x0  }
0x35: {  	s18 =	simm.s32 $0x0;
	[sflag:s17] =	ssyncadd.s32 $0xFFFFC000  }
0x36: {  	[tilespmem:s18], [sflag:$0x3] =	stream.linear.gather [hbm4b:s10+s18], $0x2800, $0x38;
	[tilespmem:$0x1E800] =	vst v63  }
0x37: {  	_ =	swait.ge [sflag:s17], $0x2800  }
0x38: {  	[sflag:s17] =	ssyncset.done $0x0  }
0x39: {  	p1 =	sle.u32 s5, $0x0;
	[sflag:s17] =	ssyncadd.s32 $0xFFFFD800  }
0x3a: {  	s19 =	simm.s32 @!p1 $0x1;
	[bflag:$0x0] =	sbarrier.arrive $0xFFFF  }
0x3b: {  	[tilespmem:s16], [sflag:$0x1] =	stream.linear.gather [hbm4b:s11+s18], $0x4000, $0x38;
	[tilespmem:$0x1E800] =	vst v63  }
0x3c: {  	p0 =	sle.u32 @!p1 s5, $0x1;
	_ =	swait.ge @!p1 [sflag:s19], $0x4000  }
0x3d: {  	p0 =	por p0, p1;
	[sflag:s19] =	ssyncset.done @!p1 $0x0  }
0x3e: {  	s20 =	simm.s32 @!p0 $0x6800;
	[sflag:s19] =	ssyncadd.s32 @!p1 $0xFFFFC000;
	s19 =	simm.s32 @!p0 $0x0  }
0x3f: {  	[tilespmem:s20], [sflag:$0x2] =	stream.linear.gather @!p0 [hbm4b:s14+s19], $0x4000, $0x38;
	[tilespmem:$0x1E800] =	vst v63  }
0x40: {  	s21 =	simm.s32 @!p1 $0x4;
	s19 =	simm.s32 @!p1 $0x80;
	s20 =	simm.s32 @!p1 $0x2800  }
0x41: {  	[spmem:s2] =	stream.indirect.scatter.add.f32 @!p1 [tilespmem:s20], [sflag:$0x4], $0x80, s18, s19, $0xb8;
	[tilespmem:$0x1E800] =	vst v63  }
0x42: {  	_ =	swait.ge @!p1 [sflag:s21], $0x4000  }
0x43: {  	p0 =	sle.u32 s5, $0x1;
	[sflag:s21] =	ssyncset.done @!p1 $0x0  }
0x44: {  	s19 =	simm.s32 @!p0 $0x2;
	[sflag:s21] =	ssyncadd.s32 @!p1 $0xFFFFC000  }
0x45: {  	s22 =	simm.s32 $0x4;
	p1 =	sle.u32 @!p0 s5, $0x2;
	_ =	swait.ge @!p0 [sflag:s19], $0x4000  }
0x46: {  	s23 =	simm.s32 @!p0 $0x3;
	p1 =	por p1, p0;
	[sflag:s19] =	ssyncset.done @!p0 $0x0  }
0x47: {  	s20 =	simm.s32 @!p1 $0x2800;
	[sflag:s19] =	ssyncadd.s32 @!p0 $0xFFFFC000;
	s19 =	simm.s32 @!p1 $0x0  }
0x48: {  	[tilespmem:s20], [sflag:$0x1] =	stream.linear.gather @!p1 [hbm4b:s15+s19], $0x4000, $0x38;
	[tilespmem:$0x1E800] =	vst v63  }
0x49: {  	s21 =	simm.s32 @!p0 $0x6800;
	s19 =	simm.s32 @!p0 $0x80;
	s20 =	simm.s32 @!p0 $0x80  }
0x4a: {  	[spmem:s2] =	stream.indirect.scatter.add.f32 @!p0 [tilespmem:s21], [sflag:$0x3], $0x80, s19, s20, $0xb8;
	[tilespmem:$0x1E800] =	vst v63  }
0x4b: {  	s18 =	simm.s32 $0x2;
	s19 =	sadd.s32 $0x1000, s15;
	_ =	swait.ge @!p0 [sflag:s23], $0x4000  }
0x4c: {  	s20 =	simm.s32 $0x100;
	s21 =	sadd.s32 $0x1000, s14;
	[sflag:s23] =	ssyncset.done @!p0 $0x0  }
.LBB2_4:
0x4d: {  	p2 =	sge.u32 s18, s5  }
0x4e: {  	[sflag:s23] =	ssyncadd.s32 @!p0 $0xFFFFC000;
	s23 =	smov.u32 s22;
	s22 =	sadd.s32 $0x2, s22  }
0x4f: {  	p1 =	sne.s32 s22, $0x50;
	s24 =	simm.s32 @!p2 $0x1;
	s25 =	sadd.s32 @!p2 $0x1, s18  }
0x50: {  	_ =	swait.ge @!p2 [sflag:s24], $0x4000;
	p0 =	sge.u32 @!p2 s25, s5  }
0x51: {  	[sflag:s24] =	ssyncset.done @!p2 $0x0;
	p0 =	por p0, p2  }
0x52: {  	[sflag:s24] =	ssyncadd.s32 @!p2 $0xFFFFC000;
	s24 =	simm.s32 @!p0 $0x0;
	s25 =	simm.s32 @!p0 $0x6800  }
0x53: {  	[tilespmem:s25], [sflag:$0x2] =	stream.linear.gather @!p0 [hbm4b:s21+s24], $0x4000, $0x38;
	[tilespmem:$0x1E800] =	vst v63  }
0x54: {  	s26 =	simm.s32 @!p2 $0x4;
	s24 =	simm.s32 @!p2 $0x80;
	s25 =	simm.s32 @!p2 $0x2800  }
0x55: {  	[spmem:s2] =	stream.indirect.scatter.add.f32 @!p2 [tilespmem:s25], [sflag:$0x4], $0x80, s20, s24, $0xb8;
	[tilespmem:$0x1E800] =	vst v63  }
0x56: {  	s24 =	sadd.s32 $0x1, s18;
	_ =	swait.ge @!p2 [sflag:s26], $0x4000  }
0x57: {  	p0 =	sge.u32 s24, s5;
	[sflag:s26] =	ssyncset.done @!p2 $0x0  }
0x58: {  	s24 =	simm.s32 @!p0 $0x2;
	s18 =	sadd.s32 @!p0 $0x2, s18;
	[sflag:s26] =	ssyncadd.s32 @!p2 $0xFFFFC000  }
0x59: {  	p2 =	sge.u32 @!p0 s18, s5;
	s18 =	smov.u32 s23;
	_ =	swait.ge @!p0 [sflag:s24], $0x4000  }
0x5a: {  	s23 =	simm.s32 @!p0 $0x3;
	p2 =	por p2, p0;
	[sflag:s24] =	ssyncset.done @!p0 $0x0  }
0x5b: {  	s25 =	simm.s32 @!p2 $0x2800;
	[sflag:s24] =	ssyncadd.s32 @!p0 $0xFFFFC000;
	s24 =	simm.s32 @!p2 $0x0  }
0x5c: {  	[tilespmem:s25], [sflag:$0x1] =	stream.linear.gather @!p2 [hbm4b:s19+s24], $0x4000, $0x38;
	[tilespmem:$0x1E800] =	vst v63  }
.Ltmp1:
0x5d: {  	_ = 	snop;
	(pc) =	sbr.rel @p1 .LBB2_4-.Ltmp1, $4  }
0x5e: {  	s26 =	simm.s32 @!p0 $0x6800;
	s24 =	sadd.s32 @!p0 $0x80, s20;
	s25 =	simm.s32 @!p0 $0x80  }
0x5f: {  	[spmem:s2] =	stream.indirect.scatter.add.f32 @!p0 [tilespmem:s26], [sflag:$0x3], $0x80, s24, s25, $0xb8;
	[tilespmem:$0x1E800] =	vst v63  }
0x60: {  	s19 =	sadd.s32 $0x1000, s19;
	_ =	swait.ge @!p0 [sflag:s23], $0x4000  }
0x61: {  	s21 =	sadd.s32 $0x1000, s21;
	s20 =	sadd.s32 $0x100, s20;
	[sflag:s23] =	ssyncset.done @!p0 $0x0  }
0x62: {  	p1 =	sge.u32 s18, s5  }
0x63: {  	[sflag:s23] =	ssyncadd.s32 @!p0 $0xFFFFC000;
	s22 =	simm.s32 @!p1 $0x1;
	s23 =	sadd.s32 @!p1 $0x1, s18  }
0x64: {  	_ =	swait.ge @!p1 [sflag:s22], $0x4000;
	p0 =	sge.u32 @!p1 s23, s5  }
0x65: {  	[sflag:s22] =	ssyncset.done @!p1 $0x0;
	p0 =	por p0, p1  }
0x66: {  	[sflag:s22] =	ssyncadd.s32 @!p1 $0xFFFFC000;
	s22 =	simm.s32 @!p0 $0x0;
	s23 =	simm.s32 @!p0 $0x6800  }
0x67: {  	[tilespmem:s23], [sflag:$0x2] =	stream.linear.gather @!p0 [hbm4b:s21+s22], $0x4000, $0x38;
	[tilespmem:$0x1E800] =	vst v63  }
0x68: {  	s21 =	simm.s32 @!p1 $0x80;
	s22 =	simm.s32 @!p1 $0x2800;
	s23 =	simm.s32 @!p1 $0x4  }
0x69: {  	[spmem:s2] =	stream.indirect.scatter.add.f32 @!p1 [tilespmem:s22], [sflag:$0x4], $0x80, s20, s21, $0xb8;
	[tilespmem:$0x1E800] =	vst v63  }
0x6a: {  	s29 =	sadd.s32 $0x1, s18;
	_ =	swait.ge @!p1 [sflag:s23], $0x4000  }
0x6b: {  	p0 =	sge.u32 s29, s5;
	[sflag:s23] =	ssyncset.done @!p1 $0x0  }
0x6c: {  	s18 =	sadd.s32 @!p0 $0x2, s18;
	s21 =	simm.s32 @!p0 $0x2;
	[sflag:s23] =	ssyncadd.s32 @!p1 $0xFFFFC000  }
0x6d: {  	p1 =	sge.u32 @!p0 s18, s5;
	_ =	swait.ge @!p0 [sflag:s21], $0x4000  }
0x6e: {  	s18 =	simm.s32 @!p0 $0x3;
	p1 =	por p1, p0;
	[sflag:s21] =	ssyncset.done @!p0 $0x0  }
0x6f: {  	s22 =	simm.s32 @!p1 $0x2800;
	[sflag:s21] =	ssyncadd.s32 @!p0 $0xFFFFC000;
	s21 =	simm.s32 @!p1 $0x0  }
0x70: {  	[tilespmem:s22], [sflag:$0x1] =	stream.linear.gather @!p1 [hbm4b:s19+s21], $0x4000, $0x38;
	[tilespmem:$0x1E800] =	vst v63  }
0x71: {  	s19 =	sadd.s32 @!p0 $0x80, s20;
	s20 =	simm.s32 @!p0 $0x80;
	s21 =	simm.s32 @!p0 $0x6800  }
0x72: {  	[spmem:s2] =	stream.indirect.scatter.add.f32 @!p0 [tilespmem:s21], [sflag:$0x3], $0x80, s19, s20, $0xb8;
	[tilespmem:$0x1E800] =	vst v63  }
0x73: {  	_ =	swait.ge @!p0 [sflag:s18], $0x4000  }
0x74: {  	s30 =	sshll.u32 s1, $0x6;
	s3 =	sadd.s32 $0x1, s3;
	[sflag:s18] =	ssyncset.done @!p0 $0x0  }
0x75: {  	s31 =	sshrl.u32 s4, $0x3;
	[sflag:s18] =	ssyncadd.s32 @!p0 $0xFFFFC000;
	p0 =	sne.s32 s3, s13  }
.Ltmp2:
0x76: {  	s18 =	sor.u32 $0x1C03, s30;
	[bflag:$0x0] =	sbarrier.arrive $0xFFFF;
	(pc) =	sbr.rel @p0 .LBB2_1-.Ltmp2, $4  }
0x77: {  	[hbm:s12], [sflag:s18] =	dma.local [spmem:s31], $0x2800  }
0x78: {  	_ =	swait.ge [sflag:s17], $0x2800  }
0x79: {  	[sflag:s17] =	ssyncset.done $0x0  }
0x7a: {  	[sflag:s17] =	ssyncadd.s32 $0xFFFFD800  }
0x7b: {  	_ =	sfence.sel $0x180000  }
0x7c: {  	[bflag:$0x0] =	sbarrier.arrive $0xFFFF  }
0x7d: {  	p0 =	sne.s32 s1, $0x0;
	_ =	strace $0x90000053  }
0x7e: {  	s0 =	sadd.s32 @!p0 $0x100000, s0;
	[bflag:$0x2] =	sbarrier.arrive $0xFFFF  }
0x7f: {  	[sflag:s0] =	ssyncadd.tile.s32 @!p0 $0x1;
	_ =	shalt  }
.Lfunc_end2:
_tile_overlayer_lowered:
.L_overlay_start_2:
0x80: {  	(tag) =	ssettag $0x2  }
0x81: {  	s0 =	rddreg [dreg:$0x0];
	s2 =	stileid.u32  }
0x82: {  	s1 =	rddreg [dreg:$0x1];
	p0 =	sne.s32 s2, $0x0  }
0x83: {  	s3 =	rddreg [dreg:$0x2];
	[bflag:$0x3] =	sbarrier.arrive $0xFFFF;
	s2 =	simm.s32 @!p0 $0x1C03  }
0x84: {  	[timem:s3], [sflag:s2] =	dma.local @!p0 [hbm:s0], s1  }
0x85: {  	s0 =	simm.s32 @!p0 $0x3  }
0x86: {  	_ =	swait.ge @!p0 [sflag:s0], s1  }
0x87: {  	s1 =	ssub.s32 @!p0 $0x0, s1;
	[sflag:s0] =	ssyncset.done @!p0 $0x0  }
0x88: {  	[sflag:s0] =	ssyncadd.s32 @!p0 s1  }
0x89: {  	[bflag:$0x3] =	sbarrier.arrive $0xFFFF  }
0x8a: {  	_ =	shalt  }

</sc_bundles>
